<compile_context>
chip_gen: v7x
topology: tpu7x:2x2x1
jax: 0.10.2.dev20260603
libtpu: 0.0.44.dev20260713+nightly
codegen_flags: <defaults>
</compile_context>

<pallas_src>
import jax
import jax.numpy as jnp
from jax import lax
from jax.experimental import pallas as pl
from jax.experimental.pallas import tpu as pltpu
from jax.experimental.pallas import tpu_sc as plsc

N = 10000
E = 320000
D = 128
W144 = 144
CH = 50
NW = 32
EPW = E // NW
NCH = EPW // CH
SGRP = 8
NG = NCH // SGRP
STRIPE = 632
NPAD = 16 * STRIPE

_SC_PARAMS = pltpu.CompilerParams(
    needs_layout_passes=False, use_tc_tiling_on_sc=False)


def _mm_body(x_ref, w_ref, ka2_ref, h_ref, ab_ref):
    hb = jnp.dot(x_ref[...], w_ref[...], preferred_element_type=jnp.float32)
    h_ref[:, 0:D] = hb
    col = lax.broadcasted_iota(jnp.int32, (hb.shape[0], 16), 1)
    h_ref[:, D:W144] = jnp.where(col == 0, 1.0, 0.0)
    ab_ref[...] = jnp.dot(hb, ka2_ref[...], preferred_element_type=jnp.float32)


def _score_body(srcf_hbm, dstf_hbm, asrc_hbm, adst_hbm, s_hbm,
                srcf_v, dstf_v, asrc_v, adst_v, s_v):
    c = lax.axis_index("c")
    s_id = lax.axis_index("s")
    base = (s_id * 2 + c) * EPW

    pltpu.sync_copy(srcf_hbm.at[pl.ds(base, EPW)], srcf_v)
    pltpu.sync_copy(dstf_hbm.at[pl.ds(base, EPW)], dstf_v)
    pltpu.sync_copy(asrc_hbm, asrc_v)
    pltpu.sync_copy(adst_hbm, adst_v)

    def _score(i, _):
        si = srcf_v[pl.ds(i * 16, 16)]
        di = dstf_v[pl.ds(i * 16, 16)]
        raw = plsc.load_gather(asrc_v, [si]) + plsc.load_gather(adst_v, [di])
        lk = jnp.maximum(raw, raw * 0.2)
        s_v[pl.ds(i * 16, 16)] = jnp.exp(jnp.clip(lk, -2.0, 2.0))
        return 0
    lax.fori_loop(0, EPW // 16, _score, 0)

    pltpu.sync_copy(s_v, s_hbm.at[pl.ds(base, EPW)])


def _agg_body(h_hbm, src2_hbm, dst2_hbm, s_hbm, acc0_hbm, acc1_hbm,
              src2_v, dst2_v, sg_v, rows0_v, rows1_v, acc_sh,
              sem_g0, sem_g1, sem_s0, sem_s1, sem_sg):
    c = lax.axis_index("c")
    s_id = lax.axis_index("s")
    w = s_id * 2 + c
    base = w * EPW
    rows = (rows0_v, rows1_v)
    sem_g = (sem_g0, sem_g1)
    sem_s = (sem_s0, sem_s1)
    SB = SGRP * CH

    pltpu.sync_copy(src2_hbm.at[pl.ds(w * NCH, NCH)], src2_v)
    pltpu.sync_copy(dst2_hbm.at[pl.ds(w * NCH, NCH)], dst2_v)

    def _zrow(k, _):
        for i in range(W144 // 16):
            rows0_v[k, pl.ds(i * 16, 16)] = jnp.zeros((16,), jnp.float32)
        return 0
    lax.fori_loop(0, CH, _zrow, 0)
    row0 = s_id * STRIPE
    for off in range(0, STRIPE - 8, 48):
        pltpu.sync_copy(rows0_v.at[pl.ds(0, 48)],
                        acc_sh.at[pl.ds(row0 + off, 48)])
    pltpu.sync_copy(rows0_v.at[pl.ds(0, 8)],
                    acc_sh.at[pl.ds(row0 + STRIPE - 8, 8)])

    plsc.subcore_barrier()

    def _wait_gather(p):
        pltpu.make_async_copy(h_hbm.at[pl.ds(0, CH)], rows[p],
                              sem_g[p]).wait()

    def _wait_scatter(p):
        pltpu.make_async_copy(rows[p], acc_sh.at[pl.ds(0, CH)],
                              sem_s[p]).wait()

    pltpu.sync_copy(s_hbm.at[pl.ds(base, SB)], sg_v.at[pl.ds(0, SB)])
    pltpu.async_copy(h_hbm.at[dst2_v.at[0]], rows0_v, sem_g0)

    def _group(g, _):
        nxt_off = pl.multiple_of(((g + 1) % 2) * SB, 8)

        @pl.when(g < NG - 1)
        def _():
            pltpu.async_copy(
                s_hbm.at[pl.ds(base + (g + 1) * SB, SB)],
                sg_v.at[pl.ds(nxt_off, SB)], sem_sg)

        s_off = (g % 2) * SB
        for jj in range(SGRP):
            j = g * SGRP + jj
            p = jj % 2
            q = 1 - p
            _wait_gather(p)
            if jj == 0:
                @pl.when(g > 0)
                def _():
                    _wait_scatter(q)
                pltpu.async_copy(h_hbm.at[dst2_v.at[j + 1]], rows[q],
                                 sem_g[q])
            elif jj < SGRP - 1:
                _wait_scatter(q)
                pltpu.async_copy(h_hbm.at[dst2_v.at[j + 1]], rows[q],
                                 sem_g[q])
            else:
                @pl.when(g < NG - 1)
                def _():
                    _wait_scatter(q)
                    pltpu.async_copy(h_hbm.at[dst2_v.at[j + 1]], rows[q],
                                     sem_g[q])

            base16 = jnp.full((16,), s_off + jj * CH, jnp.int32)

            def _scale(k2, _):
                k = k2 * 2
                sc0 = plsc.load_gather(sg_v, [base16 + k])
                sc1 = plsc.load_gather(sg_v, [base16 + (k + 1)])
                for i in range(W144 // 16):
                    sl = pl.ds(i * 16, 16)
                    rows[p][k, sl] = rows[p][k, sl] * sc0
                    rows[p][k + 1, sl] = rows[p][k + 1, sl] * sc1
                return 0
            lax.fori_loop(0, CH // 2, _scale, 0)
            pltpu.async_copy(rows[p], acc_sh.at[src2_v.at[j]], sem_s[p],
                             add=True)

        @pl.when(g < NG - 1)
        def _():
            pltpu.make_async_copy(s_hbm.at[pl.ds(0, SB)],
                                  sg_v.at[pl.ds(0, SB)], sem_sg).wait()
        return 0

    lax.fori_loop(0, NG, _group, 0)

    _wait_scatter(0)
    _wait_scatter(1)

    plsc.subcore_barrier()

    @pl.when(c == 0)
    def _():
        pltpu.sync_copy(acc_sh.at[pl.ds(row0, STRIPE)],
                        acc0_hbm.at[pl.ds(row0, STRIPE)])

    @pl.when(c == 1)
    def _():
        pltpu.sync_copy(acc_sh.at[pl.ds(row0, STRIPE)],
                        acc1_hbm.at[pl.ds(row0, STRIPE)])


def _combine_body(a0_ref, a1_ref, out_ref):
    t = a0_ref[...] + a1_ref[...]
    num = t[:, 0:D]
    den = t[:, D:D + 1]
    safe = jnp.where(den > 0.0, den, 1.0)
    out_ref[...] = num / safe


def kernel(node_states, edges, kernel, kernel_attention):
    ka2 = jnp.concatenate(
        [kernel_attention[:D], kernel_attention[D:]], axis=1)

    blk = 2000
    h144, ab = pl.pallas_call(
        _mm_body,
        grid=(N // blk,),
        in_specs=[
            pl.BlockSpec((blk, D), lambda i: (i, 0)),
            pl.BlockSpec((D, D), lambda i: (0, 0)),
            pl.BlockSpec((D, 2), lambda i: (0, 0)),
        ],
        out_specs=[
            pl.BlockSpec((blk, W144), lambda i: (i, 0)),
            pl.BlockSpec((blk, 2), lambda i: (i, 0)),
        ],
        out_shape=[
            jax.ShapeDtypeStruct((N, W144), jnp.float32),
            jax.ShapeDtypeStruct((N, 2), jnp.float32),
        ],
    )(node_states, kernel, ka2)

    src = edges[:, 0]
    dst = edges[:, 1]
    src2 = src.reshape(E // CH, CH)
    dst2 = dst.reshape(E // CH, CH)

    mesh = plsc.VectorSubcoreMesh(core_axis_name="c", subcore_axis_name="s")

    s_all = pl.kernel(
        _score_body,
        out_type=jax.ShapeDtypeStruct((E,), jnp.float32),
        mesh=mesh,
        compiler_params=_SC_PARAMS,
        scratch_types=[
            pltpu.VMEM((EPW,), jnp.int32),
            pltpu.VMEM((EPW,), jnp.int32),
            pltpu.VMEM((N,), jnp.float32),
            pltpu.VMEM((N,), jnp.float32),
            pltpu.VMEM((EPW,), jnp.float32),
        ],
    )(src, dst, ab[:, 0], ab[:, 1])

    acc0, acc1 = pl.kernel(
        _agg_body,
        out_type=[
            jax.ShapeDtypeStruct((NPAD, W144), jnp.float32),
            jax.ShapeDtypeStruct((NPAD, W144), jnp.float32),
        ],
        mesh=mesh,
        compiler_params=_SC_PARAMS,
        scratch_types=[
            pltpu.VMEM((NCH, CH), jnp.int32),
            pltpu.VMEM((NCH, CH), jnp.int32),
            pltpu.VMEM((2 * SGRP * CH,), jnp.float32),
            pltpu.VMEM((CH, W144), jnp.float32),
            pltpu.VMEM((CH, W144), jnp.float32),
            pltpu.VMEM_SHARED((NPAD, W144), jnp.float32),
            pltpu.SemaphoreType.DMA,
            pltpu.SemaphoreType.DMA,
            pltpu.SemaphoreType.DMA,
            pltpu.SemaphoreType.DMA,
            pltpu.SemaphoreType.DMA,
        ],
    )(h144, src2, dst2, s_all)

    out = pl.pallas_call(
        _combine_body,
        grid=(N // blk,),
        in_specs=[
            pl.BlockSpec((blk, W144), lambda i: (i, 0)),
            pl.BlockSpec((blk, W144), lambda i: (i, 0)),
        ],
        out_specs=pl.BlockSpec((blk, D), lambda i: (i, 0)),
        out_shape=jax.ShapeDtypeStruct((N, D), jnp.float32),
    )(acc0, acc1)
    return out

# --- scband reference (transcript-rebuilt; emitter-appended) ---
"""Pipeline reference for scband-graph-attention-7361573945863 (READ-ONLY COPY).

The authoritative reference and input builder live on the scoring server;
editing this copy changes nothing except your own understanding.
"""

import jax, jax.numpy as jnp
import numpy as np

N_NODES = 10000
N_EDGES = 320000
D_FEAT = 128
UNITS = 128


def setup_inputs(seed: int = 0) -> dict:
    key = jax.random.key(seed)
    k1, k2, k3, k4, k5 = jax.random.split(key, 5)
    node_states = jax.random.normal(k1, (N_NODES, D_FEAT), dtype=jnp.float32)
    # edges sorted by source column so the repeat/bincount normalization in the
    # original code is well-defined (Elliptic dataset edges are sorted by txId1)
    src = jnp.sort(jax.random.randint(k2, (N_EDGES,), 0, N_NODES, dtype=jnp.int32))
    dst = jax.random.randint(k3, (N_EDGES,), 0, N_NODES, dtype=jnp.int32)
    edges = jnp.stack([src, dst], axis=1)
    # learned parameters (glorot-uniform-ish scaling)
    kernel = jax.random.normal(k4, (D_FEAT, UNITS), dtype=jnp.float32) * (1.0 / np.sqrt(D_FEAT))
    kernel_attention = jax.random.normal(k5, (2 * UNITS, 1), dtype=jnp.float32) * (1.0 / np.sqrt(2 * UNITS))
    return {
        "node_states": node_states,
        "edges": edges,
        "kernel": kernel,
        "kernel_attention": kernel_attention,
    }


def reference(node_states, edges, kernel, kernel_attention):
    N = node_states.shape[0]
    E = edges.shape[0]
    src = edges[:, 0]
    dst = edges[:, 1]
    # node_states_transformed = node_states @ kernel
    h = jnp.matmul(node_states, kernel)
    # gather both endpoints: tf.gather(h, edges) -> [E, 2, units]
    gathered = jnp.take(h, edges, axis=0)
    expanded = gathered.reshape(E, -1)
    # attention scores (tf.nn.leaky_relu default alpha = 0.2)
    scores = jax.nn.leaky_relu(jnp.matmul(expanded, kernel_attention), negative_slope=0.2)
    scores = jnp.squeeze(scores, -1)
    scores = jnp.exp(jnp.clip(scores, -2.0, 2.0))
    # unsorted_segment_sum over src, then repeat per-segment sums back to edges
    sums = jax.ops.segment_sum(scores, src, num_segments=N)
    counts = jnp.bincount(src, length=N)
    per_edge_sums = jnp.repeat(sums, counts, total_repeat_length=E)
    scores_norm = scores / per_edge_sums
    neigh = jnp.take(h, dst, axis=0)
    out = jax.ops.segment_sum(neigh * scores_norm[:, None], src, num_segments=N)
    return out

if __name__ == "__main__":
    import jax
    _d = setup_inputs()
    print(jax.jit(kernel)(*tuple(_d.values())))

</pallas_src>

<mosaic_0001>
#map = affine_map<(d0, d1) -> (0, 0)>
#map1 = affine_map<(d0, d1) -> (0)>
module attributes {stable_mosaic.version = 14 : i64} {
  func.func @_agg_body(%arg0: i32, %arg1: i32, %arg2: memref<10000x144xf32, #tpu.memory_space<hbm>>, %arg3: memref<6400x50xi32, #tpu.memory_space<hbm>>, %arg4: memref<6400x50xi32, #tpu.memory_space<hbm>>, %arg5: memref<320000xf32, #tpu.memory_space<hbm>>, %arg6: memref<10112x144xf32, #tpu.memory_space<hbm>>, %arg7: memref<10112x144xf32, #tpu.memory_space<hbm>>, %arg8: memref<200x50xi32, #tpu.memory_space<vmem>>, %arg9: memref<200x50xi32, #tpu.memory_space<vmem>>, %arg10: memref<800xf32, #tpu.memory_space<vmem>>, %arg11: memref<50x144xf32, #tpu.memory_space<vmem>>, %arg12: memref<50x144xf32, #tpu.memory_space<vmem>>, %arg13: memref<10112x144xf32, #tpu.memory_space<vmem_shared>>, %arg14: memref<!tpu.dma_semaphore, #tpu.memory_space<semaphore_mem>>, %arg15: memref<!tpu.dma_semaphore, #tpu.memory_space<semaphore_mem>>, %arg16: memref<!tpu.dma_semaphore, #tpu.memory_space<semaphore_mem>>, %arg17: memref<!tpu.dma_semaphore, #tpu.memory_space<semaphore_mem>>, %arg18: memref<!tpu.dma_semaphore, #tpu.memory_space<semaphore_mem>>) attributes {dimension_semantics = [#tpu.dimension_semantics<core_parallel>, #tpu.dimension_semantics<subcore_parallel>], iteration_bounds = array<i64: 2, 16>, scalar_prefetch = 0 : i64, scratch_operands = 11 : i64, tpu.core_type = #tpu.core_type<sc_vector_subcore>, window_params = [{transform_indices = #map}, {transform_indices = #map}, {transform_indices = #map}, {transform_indices = #map1}, {transform_indices = #map}, {transform_indices = #map}]} {
    %mul3A = arith.constant 2 : i32
    %mul3A_0 = arith.muli %arg1, %mul3A : i32
    %add3A = arith.addi %mul3A_0, %arg0 : i32
    %mul3A_1 = arith.constant 10000 : i32
    %mul3A_2 = arith.muli %add3A, %mul3A_1 : i32
    %mul3A_3 = arith.constant 200 : i32
    %mul3A_4 = arith.muli %add3A, %mul3A_3 : i32
    "tpu.region"() ({
      %run_scoped3A = tpu.sem_alloc : memref<!tpu.dma_semaphore, #tpu.memory_space<semaphore_mem>>
      %dma_start3A_76 = arith.constant 0 : i32
      %dma_start3A_77 = tpu.memref_slice %arg3[%mul3A_4, %dma_start3A_76] : memref<6400x50xi32, #tpu.memory_space<hbm>> -> memref<200x50xi32, #tpu.memory_space<hbm>>
      %dma_start3A_78 = arith.constant 0 : i32
      %dma_start3A_79 = tpu.memref_slice %arg3[%mul3A_4, %dma_start3A_78] : memref<6400x50xi32, #tpu.memory_space<hbm>> -> memref<200x50xi32, #tpu.memory_space<hbm>>
      tpu.enqueue_dma source(%dma_start3A_79 : memref<200x50xi32, #tpu.memory_space<hbm>>) target(%arg8 : memref<200x50xi32, #tpu.memory_space<vmem>>) target_semaphore(%run_scoped3A : memref<!tpu.dma_semaphore, #tpu.memory_space<semaphore_mem>>)
      %dma_wait3A_80 = arith.constant 0 : i32
      %dma_wait3A_81 = tpu.memref_slice %arg3[%mul3A_4, %dma_wait3A_80] : memref<6400x50xi32, #tpu.memory_space<hbm>> -> memref<200x50xi32, #tpu.memory_space<hbm>>
      %dma_wait3A_82 = arith.constant 0 : i32
      %dma_wait3A_83 = tpu.memref_slice %arg3[%mul3A_4, %dma_wait3A_82] : memref<6400x50xi32, #tpu.memory_space<hbm>> -> memref<200x50xi32, #tpu.memory_space<hbm>>
      tpu.wait_dma2 semaphore(%run_scoped3A : memref<!tpu.dma_semaphore, #tpu.memory_space<semaphore_mem>>) src(%dma_wait3A_83 : memref<200x50xi32, #tpu.memory_space<hbm>>) dst(%arg8 : memref<200x50xi32, #tpu.memory_space<vmem>>)
      tpu.yield
    }) : () -> ()
    %mul3A_5 = arith.constant 200 : i32
    %mul3A_6 = arith.muli %add3A, %mul3A_5 : i32
    "tpu.region"() ({
      %run_scoped3A = tpu.sem_alloc : memref<!tpu.dma_semaphore, #tpu.memory_space<semaphore_mem>>
      %dma_start3A_76 = arith.constant 0 : i32
      %dma_start3A_77 = tpu.memref_slice %arg4[%mul3A_6, %dma_start3A_76] : memref<6400x50xi32, #tpu.memory_space<hbm>> -> memref<200x50xi32, #tpu.memory_space<hbm>>
      %dma_start3A_78 = arith.constant 0 : i32
      %dma_start3A_79 = tpu.memref_slice %arg4[%mul3A_6, %dma_start3A_78] : memref<6400x50xi32, #tpu.memory_space<hbm>> -> memref<200x50xi32, #tpu.memory_space<hbm>>
      tpu.enqueue_dma source(%dma_start3A_79 : memref<200x50xi32, #tpu.memory_space<hbm>>) target(%arg9 : memref<200x50xi32, #tpu.memory_space<vmem>>) target_semaphore(%run_scoped3A : memref<!tpu.dma_semaphore, #tpu.memory_space<semaphore_mem>>)
      %dma_wait3A_80 = arith.constant 0 : i32
      %dma_wait3A_81 = tpu.memref_slice %arg4[%mul3A_6, %dma_wait3A_80] : memref<6400x50xi32, #tpu.memory_space<hbm>> -> memref<200x50xi32, #tpu.memory_space<hbm>>
      %dma_wait3A_82 = arith.constant 0 : i32
      %dma_wait3A_83 = tpu.memref_slice %arg4[%mul3A_6, %dma_wait3A_82] : memref<6400x50xi32, #tpu.memory_space<hbm>> -> memref<200x50xi32, #tpu.memory_space<hbm>>
      tpu.wait_dma2 semaphore(%run_scoped3A : memref<!tpu.dma_semaphore, #tpu.memory_space<semaphore_mem>>) src(%dma_wait3A_83 : memref<200x50xi32, #tpu.memory_space<hbm>>) dst(%arg9 : memref<200x50xi32, #tpu.memory_space<vmem>>)
      tpu.yield
    }) : () -> ()
    %scan3A = arith.constant 0 : i32
    %scan3A_7 = arith.constant 0 : i32
    %scan3A_8 = arith.constant 50 : i32
    %scan3A_9 = arith.addi %scan3A_7, %scan3A_8 : i32
    %scan3A_10 = arith.constant 1 : i32
    %scan3A_11 = scf.for %scan3A_76 = %scan3A_7 to %scan3A_9 step %scan3A_10 iter_args(%scan3A_77 = %scan3A) -> (i32)  : i32 {
      %broadcast_in_dim3A = arith.constant 0.000000e+00 : f32
      %broadcast_in_dim3A_78 = vector.broadcast %broadcast_in_dim3A : f32 to vector<16xf32>
      %swap3A = arith.index_cast %scan3A_76 : i32 to index
      %swap3A_79 = arith.constant 0 : index
      %swap3A_80 = tpu.vector_load %arg11[%swap3A, %swap3A_79] {strides = array<i32>} : memref<50x144xf32, #tpu.memory_space<vmem>>, vector<16xf32>,
      tpu.vector_store %arg11[%swap3A, %swap3A_79], %broadcast_in_dim3A_78 {strides = array<i32>} : memref<50x144xf32, #tpu.memory_space<vmem>>, vector<16xf32>,
      %broadcast_in_dim3A_81 = arith.constant 0.000000e+00 : f32
      %broadcast_in_dim3A_82 = vector.broadcast %broadcast_in_dim3A_81 : f32 to vector<16xf32>
      %swap3A_83 = arith.index_cast %scan3A_76 : i32 to index
      %swap3A_84 = arith.constant 16 : index
      %swap3A_85 = tpu.vector_load %arg11[%swap3A_83, %swap3A_84] {strides = array<i32>} : memref<50x144xf32, #tpu.memory_space<vmem>>, vector<16xf32>,
      tpu.vector_store %arg11[%swap3A_83, %swap3A_84], %broadcast_in_dim3A_82 {strides = array<i32>} : memref<50x144xf32, #tpu.memory_space<vmem>>, vector<16xf32>,
      %broadcast_in_dim3A_86 = arith.constant 0.000000e+00 : f32
      %broadcast_in_dim3A_87 = vector.broadcast %broadcast_in_dim3A_86 : f32 to vector<16xf32>
      %swap3A_88 = arith.index_cast %scan3A_76 : i32 to index
      %swap3A_89 = arith.constant 32 : index
      %swap3A_90 = tpu.vector_load %arg11[%swap3A_88, %swap3A_89] {strides = array<i32>} : memref<50x144xf32, #tpu.memory_space<vmem>>, vector<16xf32>,
      tpu.vector_store %arg11[%swap3A_88, %swap3A_89], %broadcast_in_dim3A_87 {strides = array<i32>} : memref<50x144xf32, #tpu.memory_space<vmem>>, vector<16xf32>,
      %broadcast_in_dim3A_91 = arith.constant 0.000000e+00 : f32
      %broadcast_in_dim3A_92 = vector.broadcast %broadcast_in_dim3A_91 : f32 to vector<16xf32>
      %swap3A_93 = arith.index_cast %scan3A_76 : i32 to index
      %swap3A_94 = arith.constant 48 : index
      %swap3A_95 = tpu.vector_load %arg11[%swap3A_93, %swap3A_94] {strides = array<i32>} : memref<50x144xf32, #tpu.memory_space<vmem>>, vector<16xf32>,
      tpu.vector_store %arg11[%swap3A_93, %swap3A_94], %broadcast_in_dim3A_92 {strides = array<i32>} : memref<50x144xf32, #tpu.memory_space<vmem>>, vector<16xf32>,
      %broadcast_in_dim3A_96 = arith.constant 0.000000e+00 : f32
      %broadcast_in_dim3A_97 = vector.broadcast %broadcast_in_dim3A_96 : f32 to vector<16xf32>
      %swap3A_98 = arith.index_cast %scan3A_76 : i32 to index
      %swap3A_99 = arith.constant 64 : index
      %swap3A_100 = tpu.vector_load %arg11[%swap3A_98, %swap3A_99] {strides = array<i32>} : memref<50x144xf32, #tpu.memory_space<vmem>>, vector<16xf32>,
      tpu.vector_store %arg11[%swap3A_98, %swap3A_99], %broadcast_in_dim3A_97 {strides = array<i32>} : memref<50x144xf32, #tpu.memory_space<vmem>>, vector<16xf32>,
      %broadcast_in_dim3A_101 = arith.constant 0.000000e+00 : f32
      %broadcast_in_dim3A_102 = vector.broadcast %broadcast_in_dim3A_101 : f32 to vector<16xf32>
      %swap3A_103 = arith.index_cast %scan3A_76 : i32 to index
      %swap3A_104 = arith.constant 80 : index
      %swap3A_105 = tpu.vector_load %arg11[%swap3A_103, %swap3A_104] {strides = array<i32>} : memref<50x144xf32, #tpu.memory_space<vmem>>, vector<16xf32>,
      tpu.vector_store %arg11[%swap3A_103, %swap3A_104], %broadcast_in_dim3A_102 {strides = array<i32>} : memref<50x144xf32, #tpu.memory_space<vmem>>, vector<16xf32>,
      %broadcast_in_dim3A_106 = arith.constant 0.000000e+00 : f32
      %broadcast_in_dim3A_107 = vector.broadcast %broadcast_in_dim3A_106 : f32 to vector<16xf32>
      %swap3A_108 = arith.index_cast %scan3A_76 : i32 to index
      %swap3A_109 = arith.constant 96 : index
      %swap3A_110 = tpu.vector_load %arg11[%swap3A_108, %swap3A_109] {strides = array<i32>} : memref<50x144xf32, #tpu.memory_space<vmem>>, vector<16xf32>,
      tpu.vector_store %arg11[%swap3A_108, %swap3A_109], %broadcast_in_dim3A_107 {strides = array<i32>} : memref<50x144xf32, #tpu.memory_space<vmem>>, vector<16xf32>,
      %broadcast_in_dim3A_111 = arith.constant 0.000000e+00 : f32
      %broadcast_in_dim3A_112 = vector.broadcast %broadcast_in_dim3A_111 : f32 to vector<16xf32>
      %swap3A_113 = arith.index_cast %scan3A_76 : i32 to index
      %swap3A_114 = arith.constant 112 : index
      %swap3A_115 = tpu.vector_load %arg11[%swap3A_113, %swap3A_114] {strides = array<i32>} : memref<50x144xf32, #tpu.memory_space<vmem>>, vector<16xf32>,
      tpu.vector_store %arg11[%swap3A_113, %swap3A_114], %broadcast_in_dim3A_112 {strides = array<i32>} : memref<50x144xf32, #tpu.memory_space<vmem>>, vector<16xf32>,
      %broadcast_in_dim3A_116 = arith.constant 0.000000e+00 : f32
      %broadcast_in_dim3A_117 = vector.broadcast %broadcast_in_dim3A_116 : f32 to vector<16xf32>
      %swap3A_118 = arith.index_cast %scan3A_76 : i32 to index
      %swap3A_119 = arith.constant 128 : index
      %swap3A_120 = tpu.vector_load %arg11[%swap3A_118, %swap3A_119] {strides = array<i32>} : memref<50x144xf32, #tpu.memory_space<vmem>>, vector<16xf32>,
      tpu.vector_store %arg11[%swap3A_118, %swap3A_119], %broadcast_in_dim3A_117 {strides = array<i32>} : memref<50x144xf32, #tpu.memory_space<vmem>>, vector<16xf32>,
      %scan3A_121 = arith.constant 0 : i32
      scf.yield %scan3A_121 : i32
    }
    %scan3A_12 = arith.constant 50 : i32
    %mul3A_13 = arith.constant 632 : i32
    %mul3A_14 = arith.muli %arg1, %mul3A_13 : i32
    %add3A_15 = arith.constant 0 : i32
    %add3A_16 = arith.addi %mul3A_14, %add3A_15 : i32
    "tpu.region"() ({
      %run_scoped3A = tpu.sem_alloc : memref<!tpu.dma_semaphore, #tpu.memory_space<semaphore_mem>>
      %dma_start3A_76 = arith.constant 0 : i32
      %dma_start3A_77 = arith.constant 0 : i32
      %dma_start3A_78 = tpu.memref_slice %arg11[%dma_start3A_76, %dma_start3A_77] : memref<50x144xf32, #tpu.memory_space<vmem>> -> memref<48x144xf32, #tpu.memory_space<vmem>>
      %dma_start3A_79 = arith.constant 0 : i32
      %dma_start3A_80 = tpu.memref_slice %arg13[%add3A_16, %dma_start3A_79] : memref<10112x144xf32, #tpu.memory_space<vmem_shared>> -> memref<48x144xf32, #tpu.memory_space<vmem_shared>>
      %dma_start3A_81 = arith.constant 0 : i32
      %dma_start3A_82 = tpu.memref_slice %arg13[%add3A_16, %dma_start3A_81] : memref<10112x144xf32, #tpu.memory_space<vmem_shared>> -> memref<48x144xf32, #tpu.memory_space<vmem_shared>>
      %dma_start3A_83 = arith.constant 0 : i32
      %dma_start3A_84 = arith.constant 0 : i32
      %dma_start3A_85 = tpu.memref_slice %arg11[%dma_start3A_83, %dma_start3A_84] : memref<50x144xf32, #tpu.memory_space<vmem>> -> memref<48x144xf32, #tpu.memory_space<vmem>>
      tpu.enqueue_dma source(%dma_start3A_85 : memref<48x144xf32, #tpu.memory_space<vmem>>) target(%dma_start3A_82 : memref<48x144xf32, #tpu.memory_space<vmem_shared>>) target_semaphore(%run_scoped3A : memref<!tpu.dma_semaphore, #tpu.memory_space<semaphore_mem>>)
      %dma_wait3A_86 = arith.constant 0 : i32
      %dma_wait3A_87 = arith.constant 0 : i32
      %dma_wait3A_88 = tpu.memref_slice %arg11[%dma_wait3A_86, %dma_wait3A_87] : memref<50x144xf32, #tpu.memory_space<vmem>> -> memref<48x144xf32, #tpu.memory_space<vmem>>
      %dma_wait3A_89 = arith.constant 0 : i32
      %dma_wait3A_90 = tpu.memref_slice %arg13[%add3A_16, %dma_wait3A_89] : memref<10112x144xf32, #tpu.memory_space<vmem_shared>> -> memref<48x144xf32, #tpu.memory_space<vmem_shared>>
      %dma_wait3A_91 = arith.constant 0 : i32
      %dma_wait3A_92 = tpu.memref_slice %arg13[%add3A_16, %dma_wait3A_91] : memref<10112x144xf32, #tpu.memory_space<vmem_shared>> -> memref<48x144xf32, #tpu.memory_space<vmem_shared>>
      %dma_wait3A_93 = arith.constant 0 : i32
      %dma_wait3A_94 = arith.constant 0 : i32
      %dma_wait3A_95 = tpu.memref_slice %arg11[%dma_wait3A_93, %dma_wait3A_94] : memref<50x144xf32, #tpu.memory_space<vmem>> -> memref<48x144xf32, #tpu.memory_space<vmem>>
      tpu.wait_dma2 semaphore(%run_scoped3A : memref<!tpu.dma_semaphore, #tpu.memory_space<semaphore_mem>>) src(%dma_wait3A_95 : memref<48x144xf32, #tpu.memory_space<vmem>>) dst(%dma_wait3A_92 : memref<48x144xf32, #tpu.memory_space<vmem_shared>>)
      tpu.yield
    }) : () -> ()
    %add3A_17 = arith.constant 48 : i32
    %add3A_18 = arith.addi %mul3A_14, %add3A_17 : i32
    "tpu.region"() ({
      %run_scoped3A = tpu.sem_alloc : memref<!tpu.dma_semaphore, #tpu.memory_space<semaphore_mem>>
      %dma_start3A_76 = arith.constant 0 : i32
      %dma_start3A_77 = arith.constant 0 : i32
      %dma_start3A_78 = tpu.memref_slice %arg11[%dma_start3A_76, %dma_start3A_77] : memref<50x144xf32, #tpu.memory_space<vmem>> -> memref<48x144xf32, #tpu.memory_space<vmem>>
      %dma_start3A_79 = arith.constant 0 : i32
      %dma_start3A_80 = tpu.memref_slice %arg13[%add3A_18, %dma_start3A_79] : memref<10112x144xf32, #tpu.memory_space<vmem_shared>> -> memref<48x144xf32, #tpu.memory_space<vmem_shared>>
      %dma_start3A_81 = arith.constant 0 : i32
      %dma_start3A_82 = tpu.memref_slice %arg13[%add3A_18, %dma_start3A_81] : memref<10112x144xf32, #tpu.memory_space<vmem_shared>> -> memref<48x144xf32, #tpu.memory_space<vmem_shared>>
      %dma_start3A_83 = arith.constant 0 : i32
      %dma_start3A_84 = arith.constant 0 : i32
      %dma_start3A_85 = tpu.memref_slice %arg11[%dma_start3A_83, %dma_start3A_84] : memref<50x144xf32, #tpu.memory_space<vmem>> -> memref<48x144xf32, #tpu.memory_space<vmem>>
      tpu.enqueue_dma source(%dma_start3A_85 : memref<48x144xf32, #tpu.memory_space<vmem>>) target(%dma_start3A_82 : memref<48x144xf32, #tpu.memory_space<vmem_shared>>) target_semaphore(%run_scoped3A : memref<!tpu.dma_semaphore, #tpu.memory_space<semaphore_mem>>)
      %dma_wait3A_86 = arith.constant 0 : i32
      %dma_wait3A_87 = arith.constant 0 : i32
      %dma_wait3A_88 = tpu.memref_slice %arg11[%dma_wait3A_86, %dma_wait3A_87] : memref<50x144xf32, #tpu.memory_space<vmem>> -> memref<48x144xf32, #tpu.memory_space<vmem>>
      %dma_wait3A_89 = arith.constant 0 : i32
      %dma_wait3A_90 = tpu.memref_slice %arg13[%add3A_18, %dma_wait3A_89] : memref<10112x144xf32, #tpu.memory_space<vmem_shared>> -> memref<48x144xf32, #tpu.memory_space<vmem_shared>>
      %dma_wait3A_91 = arith.constant 0 : i32
      %dma_wait3A_92 = tpu.memref_slice %arg13[%add3A_18, %dma_wait3A_91] : memref<10112x144xf32, #tpu.memory_space<vmem_shared>> -> memref<48x144xf32, #tpu.memory_space<vmem_shared>>
      %dma_wait3A_93 = arith.constant 0 : i32
      %dma_wait3A_94 = arith.constant 0 : i32
      %dma_wait3A_95 = tpu.memref_slice %arg11[%dma_wait3A_93, %dma_wait3A_94] : memref<50x144xf32, #tpu.memory_space<vmem>> -> memref<48x144xf32, #tpu.memory_space<vmem>>
      tpu.wait_dma2 semaphore(%run_scoped3A : memref<!tpu.dma_semaphore, #tpu.memory_space<semaphore_mem>>) src(%dma_wait3A_95 : memref<48x144xf32, #tpu.memory_space<vmem>>) dst(%dma_wait3A_92 : memref<48x144xf32, #tpu.memory_space<vmem_shared>>)
      tpu.yield
    }) : () -> ()
    %add3A_19 = arith.constant 96 : i32
    %add3A_20 = arith.addi %mul3A_14, %add3A_19 : i32
    "tpu.region"() ({
      %run_scoped3A = tpu.sem_alloc : memref<!tpu.dma_semaphore, #tpu.memory_space<semaphore_mem>>
      %dma_start3A_76 = arith.constant 0 : i32
      %dma_start3A_77 = arith.constant 0 : i32
      %dma_start3A_78 = tpu.memref_slice %arg11[%dma_start3A_76, %dma_start3A_77] : memref<50x144xf32, #tpu.memory_space<vmem>> -> memref<48x144xf32, #tpu.memory_space<vmem>>
      %dma_start3A_79 = arith.constant 0 : i32
      %dma_start3A_80 = tpu.memref_slice %arg13[%add3A_20, %dma_start3A_79] : memref<10112x144xf32, #tpu.memory_space<vmem_shared>> -> memref<48x144xf32, #tpu.memory_space<vmem_shared>>
      %dma_start3A_81 = arith.constant 0 : i32
      %dma_start3A_82 = tpu.memref_slice %arg13[%add3A_20, %dma_start3A_81] : memref<10112x144xf32, #tpu.memory_space<vmem_shared>> -> memref<48x144xf32, #tpu.memory_space<vmem_shared>>
      %dma_start3A_83 = arith.constant 0 : i32
      %dma_start3A_84 = arith.constant 0 : i32
      %dma_start3A_85 = tpu.memref_slice %arg11[%dma_start3A_83, %dma_start3A_84] : memref<50x144xf32, #tpu.memory_space<vmem>> -> memref<48x144xf32, #tpu.memory_space<vmem>>
      tpu.enqueue_dma source(%dma_start3A_85 : memref<48x144xf32, #tpu.memory_space<vmem>>) target(%dma_start3A_82 : memref<48x144xf32, #tpu.memory_space<vmem_shared>>) target_semaphore(%run_scoped3A : memref<!tpu.dma_semaphore, #tpu.memory_space<semaphore_mem>>)
      %dma_wait3A_86 = arith.constant 0 : i32
      %dma_wait3A_87 = arith.constant 0 : i32
      %dma_wait3A_88 = tpu.memref_slice %arg11[%dma_wait3A_86, %dma_wait3A_87] : memref<50x144xf32, #tpu.memory_space<vmem>> -> memref<48x144xf32, #tpu.memory_space<vmem>>
      %dma_wait3A_89 = arith.constant 0 : i32
      %dma_wait3A_90 = tpu.memref_slice %arg13[%add3A_20, %dma_wait3A_89] : memref<10112x144xf32, #tpu.memory_space<vmem_shared>> -> memref<48x144xf32, #tpu.memory_space<vmem_shared>>
      %dma_wait3A_91 = arith.constant 0 : i32
      %dma_wait3A_92 = tpu.memref_slice %arg13[%add3A_20, %dma_wait3A_91] : memref<10112x144xf32, #tpu.memory_space<vmem_shared>> -> memref<48x144xf32, #tpu.memory_space<vmem_shared>>
      %dma_wait3A_93 = arith.constant 0 : i32
      %dma_wait3A_94 = arith.constant 0 : i32
      %dma_wait3A_95 = tpu.memref_slice %arg11[%dma_wait3A_93, %dma_wait3A_94] : memref<50x144xf32, #tpu.memory_space<vmem>> -> memref<48x144xf32, #tpu.memory_space<vmem>>
      tpu.wait_dma2 semaphore(%run_scoped3A : memref<!tpu.dma_semaphore, #tpu.memory_space<semaphore_mem>>) src(%dma_wait3A_95 : memref<48x144xf32, #tpu.memory_space<vmem>>) dst(%dma_wait3A_92 : memref<48x144xf32, #tpu.memory_space<vmem_shared>>)
      tpu.yield
    }) : () -> ()
    %add3A_21 = arith.constant 144 : i32
    %add3A_22 = arith.addi %mul3A_14, %add3A_21 : i32
    "tpu.region"() ({
      %run_scoped3A = tpu.sem_alloc : memref<!tpu.dma_semaphore, #tpu.memory_space<semaphore_mem>>
      %dma_start3A_76 = arith.constant 0 : i32
      %dma_start3A_77 = arith.constant 0 : i32
      %dma_start3A_78 = tpu.memref_slice %arg11[%dma_start3A_76, %dma_start3A_77] : memref<50x144xf32, #tpu.memory_space<vmem>> -> memref<48x144xf32, #tpu.memory_space<vmem>>
      %dma_start3A_79 = arith.constant 0 : i32
      %dma_start3A_80 = tpu.memref_slice %arg13[%add3A_22, %dma_start3A_79] : memref<10112x144xf32, #tpu.memory_space<vmem_shared>> -> memref<48x144xf32, #tpu.memory_space<vmem_shared>>
      %dma_start3A_81 = arith.constant 0 : i32
      %dma_start3A_82 = tpu.memref_slice %arg13[%add3A_22, %dma_start3A_81] : memref<10112x144xf32, #tpu.memory_space<vmem_shared>> -> memref<48x144xf32, #tpu.memory_space<vmem_shared>>
      %dma_start3A_83 = arith.constant 0 : i32
      %dma_start3A_84 = arith.constant 0 : i32
      %dma_start3A_85 = tpu.memref_slice %arg11[%dma_start3A_83, %dma_start3A_84] : memref<50x144xf32, #tpu.memory_space<vmem>> -> memref<48x144xf32, #tpu.memory_space<vmem>>
      tpu.enqueue_dma source(%dma_start3A_85 : memref<48x144xf32, #tpu.memory_space<vmem>>) target(%dma_start3A_82 : memref<48x144xf32, #tpu.memory_space<vmem_shared>>) target_semaphore(%run_scoped3A : memref<!tpu.dma_semaphore, #tpu.memory_space<semaphore_mem>>)
      %dma_wait3A_86 = arith.constant 0 : i32
      %dma_wait3A_87 = arith.constant 0 : i32
      %dma_wait3A_88 = tpu.memref_slice %arg11[%dma_wait3A_86, %dma_wait3A_87] : memref<50x144xf32, #tpu.memory_space<vmem>> -> memref<48x144xf32, #tpu.memory_space<vmem>>
      %dma_wait3A_89 = arith.constant 0 : i32
      %dma_wait3A_90 = tpu.memref_slice %arg13[%add3A_22, %dma_wait3A_89] : memref<10112x144xf32, #tpu.memory_space<vmem_shared>> -> memref<48x144xf32, #tpu.memory_space<vmem_shared>>
      %dma_wait3A_91 = arith.constant 0 : i32
      %dma_wait3A_92 = tpu.memref_slice %arg13[%add3A_22, %dma_wait3A_91] : memref<10112x144xf32, #tpu.memory_space<vmem_shared>> -> memref<48x144xf32, #tpu.memory_space<vmem_shared>>
      %dma_wait3A_93 = arith.constant 0 : i32
      %dma_wait3A_94 = arith.constant 0 : i32
      %dma_wait3A_95 = tpu.memref_slice %arg11[%dma_wait3A_93, %dma_wait3A_94] : memref<50x144xf32, #tpu.memory_space<vmem>> -> memref<48x144xf32, #tpu.memory_space<vmem>>
      tpu.wait_dma2 semaphore(%run_scoped3A : memref<!tpu.dma_semaphore, #tpu.memory_space<semaphore_mem>>) src(%dma_wait3A_95 : memref<48x144xf32, #tpu.memory_space<vmem>>) dst(%dma_wait3A_92 : memref<48x144xf32, #tpu.memory_space<vmem_shared>>)
      tpu.yield
    }) : () -> ()
    %add3A_23 = arith.constant 192 : i32
    %add3A_24 = arith.addi %mul3A_14, %add3A_23 : i32
    "tpu.region"() ({
      %run_scoped3A = tpu.sem_alloc : memref<!tpu.dma_semaphore, #tpu.memory_space<semaphore_mem>>
      %dma_start3A_76 = arith.constant 0 : i32
      %dma_start3A_77 = arith.constant 0 : i32
      %dma_start3A_78 = tpu.memref_slice %arg11[%dma_start3A_76, %dma_start3A_77] : memref<50x144xf32, #tpu.memory_space<vmem>> -> memref<48x144xf32, #tpu.memory_space<vmem>>
      %dma_start3A_79 = arith.constant 0 : i32
      %dma_start3A_80 = tpu.memref_slice %arg13[%add3A_24, %dma_start3A_79] : memref<10112x144xf32, #tpu.memory_space<vmem_shared>> -> memref<48x144xf32, #tpu.memory_space<vmem_shared>>
      %dma_start3A_81 = arith.constant 0 : i32
      %dma_start3A_82 = tpu.memref_slice %arg13[%add3A_24, %dma_start3A_81] : memref<10112x144xf32, #tpu.memory_space<vmem_shared>> -> memref<48x144xf32, #tpu.memory_space<vmem_shared>>
      %dma_start3A_83 = arith.constant 0 : i32
      %dma_start3A_84 = arith.constant 0 : i32
      %dma_start3A_85 = tpu.memref_slice %arg11[%dma_start3A_83, %dma_start3A_84] : memref<50x144xf32, #tpu.memory_space<vmem>> -> memref<48x144xf32, #tpu.memory_space<vmem>>
      tpu.enqueue_dma source(%dma_start3A_85 : memref<48x144xf32, #tpu.memory_space<vmem>>) target(%dma_start3A_82 : memref<48x144xf32, #tpu.memory_space<vmem_shared>>) target_semaphore(%run_scoped3A : memref<!tpu.dma_semaphore, #tpu.memory_space<semaphore_mem>>)
      %dma_wait3A_86 = arith.constant 0 : i32
      %dma_wait3A_87 = arith.constant 0 : i32
      %dma_wait3A_88 = tpu.memref_slice %arg11[%dma_wait3A_86, %dma_wait3A_87] : memref<50x144xf32, #tpu.memory_space<vmem>> -> memref<48x144xf32, #tpu.memory_space<vmem>>
      %dma_wait3A_89 = arith.constant 0 : i32
      %dma_wait3A_90 = tpu.memref_slice %arg13[%add3A_24, %dma_wait3A_89] : memref<10112x144xf32, #tpu.memory_space<vmem_shared>> -> memref<48x144xf32, #tpu.memory_space<vmem_shared>>
      %dma_wait3A_91 = arith.constant 0 : i32
      %dma_wait3A_92 = tpu.memref_slice %arg13[%add3A_24, %dma_wait3A_91] : memref<10112x144xf32, #tpu.memory_space<vmem_shared>> -> memref<48x144xf32, #tpu.memory_space<vmem_shared>>
      %dma_wait3A_93 = arith.constant 0 : i32
      %dma_wait3A_94 = arith.constant 0 : i32
      %dma_wait3A_95 = tpu.memref_slice %arg11[%dma_wait3A_93, %dma_wait3A_94] : memref<50x144xf32, #tpu.memory_space<vmem>> -> memref<48x144xf32, #tpu.memory_space<vmem>>
      tpu.wait_dma2 semaphore(%run_scoped3A : memref<!tpu.dma_semaphore, #tpu.memory_space<semaphore_mem>>) src(%dma_wait3A_95 : memref<48x144xf32, #tpu.memory_space<vmem>>) dst(%dma_wait3A_92 : memref<48x144xf32, #tpu.memory_space<vmem_shared>>)
      tpu.yield
    }) : () -> ()
    %add3A_25 = arith.constant 240 : i32
    %add3A_26 = arith.addi %mul3A_14, %add3A_25 : i32
    "tpu.region"() ({
      %run_scoped3A = tpu.sem_alloc : memref<!tpu.dma_semaphore, #tpu.memory_space<semaphore_mem>>
      %dma_start3A_76 = arith.constant 0 : i32
      %dma_start3A_77 = arith.constant 0 : i32
      %dma_start3A_78 = tpu.memref_slice %arg11[%dma_start3A_76, %dma_start3A_77] : memref<50x144xf32, #tpu.memory_space<vmem>> -> memref<48x144xf32, #tpu.memory_space<vmem>>
      %dma_start3A_79 = arith.constant 0 : i32
      %dma_start3A_80 = tpu.memref_slice %arg13[%add3A_26, %dma_start3A_79] : memref<10112x144xf32, #tpu.memory_space<vmem_shared>> -> memref<48x144xf32, #tpu.memory_space<vmem_shared>>
      %dma_start3A_81 = arith.constant 0 : i32
      %dma_start3A_82 = tpu.memref_slice %arg13[%add3A_26, %dma_start3A_81] : memref<10112x144xf32, #tpu.memory_space<vmem_shared>> -> memref<48x144xf32, #tpu.memory_space<vmem_shared>>
      %dma_start3A_83 = arith.constant 0 : i32
      %dma_start3A_84 = arith.constant 0 : i32
      %dma_start3A_85 = tpu.memref_slice %arg11[%dma_start3A_83, %dma_start3A_84] : memref<50x144xf32, #tpu.memory_space<vmem>> -> memref<48x144xf32, #tpu.memory_space<vmem>>
      tpu.enqueue_dma source(%dma_start3A_85 : memref<48x144xf32, #tpu.memory_space<vmem>>) target(%dma_start3A_82 : memref<48x144xf32, #tpu.memory_space<vmem_shared>>) target_semaphore(%run_scoped3A : memref<!tpu.dma_semaphore, #tpu.memory_space<semaphore_mem>>)
      %dma_wait3A_86 = arith.constant 0 : i32
      %dma_wait3A_87 = arith.constant 0 : i32
      %dma_wait3A_88 = tpu.memref_slice %arg11[%dma_wait3A_86, %dma_wait3A_87] : memref<50x144xf32, #tpu.memory_space<vmem>> -> memref<48x144xf32, #tpu.memory_space<vmem>>
      %dma_wait3A_89 = arith.constant 0 : i32
      %dma_wait3A_90 = tpu.memref_slice %arg13[%add3A_26, %dma_wait3A_89] : memref<10112x144xf32, #tpu.memory_space<vmem_shared>> -> memref<48x144xf32, #tpu.memory_space<vmem_shared>>
      %dma_wait3A_91 = arith.constant 0 : i32
      %dma_wait3A_92 = tpu.memref_slice %arg13[%add3A_26, %dma_wait3A_91] : memref<10112x144xf32, #tpu.memory_space<vmem_shared>> -> memref<48x144xf32, #tpu.memory_space<vmem_shared>>
      %dma_wait3A_93 = arith.constant 0 : i32
      %dma_wait3A_94 = arith.constant 0 : i32
      %dma_wait3A_95 = tpu.memref_slice %arg11[%dma_wait3A_93, %dma_wait3A_94] : memref<50x144xf32, #tpu.memory_space<vmem>> -> memref<48x144xf32, #tpu.memory_space<vmem>>
      tpu.wait_dma2 semaphore(%run_scoped3A : memref<!tpu.dma_semaphore, #tpu.memory_space<semaphore_mem>>) src(%dma_wait3A_95 : memref<48x144xf32, #tpu.memory_space<vmem>>) dst(%dma_wait3A_92 : memref<48x144xf32, #tpu.memory_space<vmem_shared>>)
      tpu.yield
    }) : () -> ()
    %add3A_27 = arith.constant 288 : i32
    %add3A_28 = arith.addi %mul3A_14, %add3A_27 : i32
    "tpu.region"() ({
      %run_scoped3A = tpu.sem_alloc : memref<!tpu.dma_semaphore, #tpu.memory_space<semaphore_mem>>
      %dma_start3A_76 = arith.constant 0 : i32
      %dma_start3A_77 = arith.constant 0 : i32
      %dma_start3A_78 = tpu.memref_slice %arg11[%dma_start3A_76, %dma_start3A_77] : memref<50x144xf32, #tpu.memory_space<vmem>> -> memref<48x144xf32, #tpu.memory_space<vmem>>
      %dma_start3A_79 = arith.constant 0 : i32
      %dma_start3A_80 = tpu.memref_slice %arg13[%add3A_28, %dma_start3A_79] : memref<10112x144xf32, #tpu.memory_space<vmem_shared>> -> memref<48x144xf32, #tpu.memory_space<vmem_shared>>
      %dma_start3A_81 = arith.constant 0 : i32
      %dma_start3A_82 = tpu.memref_slice %arg13[%add3A_28, %dma_start3A_81] : memref<10112x144xf32, #tpu.memory_space<vmem_shared>> -> memref<48x144xf32, #tpu.memory_space<vmem_shared>>
      %dma_start3A_83 = arith.constant 0 : i32
      %dma_start3A_84 = arith.constant 0 : i32
      %dma_start3A_85 = tpu.memref_slice %arg11[%dma_start3A_83, %dma_start3A_84] : memref<50x144xf32, #tpu.memory_space<vmem>> -> memref<48x144xf32, #tpu.memory_space<vmem>>
      tpu.enqueue_dma source(%dma_start3A_85 : memref<48x144xf32, #tpu.memory_space<vmem>>) target(%dma_start3A_82 : memref<48x144xf32, #tpu.memory_space<vmem_shared>>) target_semaphore(%run_scoped3A : memref<!tpu.dma_semaphore, #tpu.memory_space<semaphore_mem>>)
      %dma_wait3A_86 = arith.constant 0 : i32
      %dma_wait3A_87 = arith.constant 0 : i32
      %dma_wait3A_88 = tpu.memref_slice %arg11[%dma_wait3A_86, %dma_wait3A_87] : memref<50x144xf32, #tpu.memory_space<vmem>> -> memref<48x144xf32, #tpu.memory_space<vmem>>
      %dma_wait3A_89 = arith.constant 0 : i32
      %dma_wait3A_90 = tpu.memref_slice %arg13[%add3A_28, %dma_wait3A_89] : memref<10112x144xf32, #tpu.memory_space<vmem_shared>> -> memref<48x144xf32, #tpu.memory_space<vmem_shared>>
      %dma_wait3A_91 = arith.constant 0 : i32
      %dma_wait3A_92 = tpu.memref_slice %arg13[%add3A_28, %dma_wait3A_91] : memref<10112x144xf32, #tpu.memory_space<vmem_shared>> -> memref<48x144xf32, #tpu.memory_space<vmem_shared>>
      %dma_wait3A_93 = arith.constant 0 : i32
      %dma_wait3A_94 = arith.constant 0 : i32
      %dma_wait3A_95 = tpu.memref_slice %arg11[%dma_wait3A_93, %dma_wait3A_94] : memref<50x144xf32, #tpu.memory_space<vmem>> -> memref<48x144xf32, #tpu.memory_space<vmem>>
      tpu.wait_dma2 semaphore(%run_scoped3A : memref<!tpu.dma_semaphore, #tpu.memory_space<semaphore_mem>>) src(%dma_wait3A_95 : memref<48x144xf32, #tpu.memory_space<vmem>>) dst(%dma_wait3A_92 : memref<48x144xf32, #tpu.memory_space<vmem_shared>>)
      tpu.yield
    }) : () -> ()
    %add3A_29 = arith.constant 336 : i32
    %add3A_30 = arith.addi %mul3A_14, %add3A_29 : i32
    "tpu.region"() ({
      %run_scoped3A = tpu.sem_alloc : memref<!tpu.dma_semaphore, #tpu.memory_space<semaphore_mem>>
      %dma_start3A_76 = arith.constant 0 : i32
      %dma_start3A_77 = arith.constant 0 : i32
      %dma_start3A_78 = tpu.memref_slice %arg11[%dma_start3A_76, %dma_start3A_77] : memref<50x144xf32, #tpu.memory_space<vmem>> -> memref<48x144xf32, #tpu.memory_space<vmem>>
      %dma_start3A_79 = arith.constant 0 : i32
      %dma_start3A_80 = tpu.memref_slice %arg13[%add3A_30, %dma_start3A_79] : memref<10112x144xf32, #tpu.memory_space<vmem_shared>> -> memref<48x144xf32, #tpu.memory_space<vmem_shared>>
      %dma_start3A_81 = arith.constant 0 : i32
      %dma_start3A_82 = tpu.memref_slice %arg13[%add3A_30, %dma_start3A_81] : memref<10112x144xf32, #tpu.memory_space<vmem_shared>> -> memref<48x144xf32, #tpu.memory_space<vmem_shared>>
      %dma_start3A_83 = arith.constant 0 : i32
      %dma_start3A_84 = arith.constant 0 : i32
      %dma_start3A_85 = tpu.memref_slice %arg11[%dma_start3A_83, %dma_start3A_84] : memref<50x144xf32, #tpu.memory_space<vmem>> -> memref<48x144xf32, #tpu.memory_space<vmem>>
      tpu.enqueue_dma source(%dma_start3A_85 : memref<48x144xf32, #tpu.memory_space<vmem>>) target(%dma_start3A_82 : memref<48x144xf32, #tpu.memory_space<vmem_shared>>) target_semaphore(%run_scoped3A : memref<!tpu.dma_semaphore, #tpu.memory_space<semaphore_mem>>)
      %dma_wait3A_86 = arith.constant 0 : i32
      %dma_wait3A_87 = arith.constant 0 : i32
      %dma_wait3A_88 = tpu.memref_slice %arg11[%dma_wait3A_86, %dma_wait3A_87] : memref<50x144xf32, #tpu.memory_space<vmem>> -> memref<48x144xf32, #tpu.memory_space<vmem>>
      %dma_wait3A_89 = arith.constant 0 : i32
      %dma_wait3A_90 = tpu.memref_slice %arg13[%add3A_30, %dma_wait3A_89] : memref<10112x144xf32, #tpu.memory_space<vmem_shared>> -> memref<48x144xf32, #tpu.memory_space<vmem_shared>>
      %dma_wait3A_91 = arith.constant 0 : i32
      %dma_wait3A_92 = tpu.memref_slice %arg13[%add3A_30, %dma_wait3A_91] : memref<10112x144xf32, #tpu.memory_space<vmem_shared>> -> memref<48x144xf32, #tpu.memory_space<vmem_shared>>
      %dma_wait3A_93 = arith.constant 0 : i32
      %dma_wait3A_94 = arith.constant 0 : i32
      %dma_wait3A_95 = tpu.memref_slice %arg11[%dma_wait3A_93, %dma_wait3A_94] : memref<50x144xf32, #tpu.memory_space<vmem>> -> memref<48x144xf32, #tpu.memory_space<vmem>>
      tpu.wait_dma2 semaphore(%run_scoped3A : memref<!tpu.dma_semaphore, #tpu.memory_space<semaphore_mem>>) src(%dma_wait3A_95 : memref<48x144xf32, #tpu.memory_space<vmem>>) dst(%dma_wait3A_92 : memref<48x144xf32, #tpu.memory_space<vmem_shared>>)
      tpu.yield
    }) : () -> ()
    %add3A_31 = arith.constant 384 : i32
    %add3A_32 = arith.addi %mul3A_14, %add3A_31 : i32
    "tpu.region"() ({
      %run_scoped3A = tpu.sem_alloc : memref<!tpu.dma_semaphore, #tpu.memory_space<semaphore_mem>>
      %dma_start3A_76 = arith.constant 0 : i32
      %dma_start3A_77 = arith.constant 0 : i32
      %dma_start3A_78 = tpu.memref_slice %arg11[%dma_start3A_76, %dma_start3A_77] : memref<50x144xf32, #tpu.memory_space<vmem>> -> memref<48x144xf32, #tpu.memory_space<vmem>>
      %dma_start3A_79 = arith.constant 0 : i32
      %dma_start3A_80 = tpu.memref_slice %arg13[%add3A_32, %dma_start3A_79] : memref<10112x144xf32, #tpu.memory_space<vmem_shared>> -> memref<48x144xf32, #tpu.memory_space<vmem_shared>>
      %dma_start3A_81 = arith.constant 0 : i32
      %dma_start3A_82 = tpu.memref_slice %arg13[%add3A_32, %dma_start3A_81] : memref<10112x144xf32, #tpu.memory_space<vmem_shared>> -> memref<48x144xf32, #tpu.memory_space<vmem_shared>>
      %dma_start3A_83 = arith.constant 0 : i32
      %dma_start3A_84 = arith.constant 0 : i32
      %dma_start3A_85 = tpu.memref_slice %arg11[%dma_start3A_83, %dma_start3A_84] : memref<50x144xf32, #tpu.memory_space<vmem>> -> memref<48x144xf32, #tpu.memory_space<vmem>>
      tpu.enqueue_dma source(%dma_start3A_85 : memref<48x144xf32, #tpu.memory_space<vmem>>) target(%dma_start3A_82 : memref<48x144xf32, #tpu.memory_space<vmem_shared>>) target_semaphore(%run_scoped3A : memref<!tpu.dma_semaphore, #tpu.memory_space<semaphore_mem>>)
      %dma_wait3A_86 = arith.constant 0 : i32
      %dma_wait3A_87 = arith.constant 0 : i32
      %dma_wait3A_88 = tpu.memref_slice %arg11[%dma_wait3A_86, %dma_wait3A_87] : memref<50x144xf32, #tpu.memory_space<vmem>> -> memref<48x144xf32, #tpu.memory_space<vmem>>
      %dma_wait3A_89 = arith.constant 0 : i32
      %dma_wait3A_90 = tpu.memref_slice %arg13[%add3A_32, %dma_wait3A_89] : memref<10112x144xf32, #tpu.memory_space<vmem_shared>> -> memref<48x144xf32, #tpu.memory_space<vmem_shared>>
      %dma_wait3A_91 = arith.constant 0 : i32
      %dma_wait3A_92 = tpu.memref_slice %arg13[%add3A_32, %dma_wait3A_91] : memref<10112x144xf32, #tpu.memory_space<vmem_shared>> -> memref<48x144xf32, #tpu.memory_space<vmem_shared>>
      %dma_wait3A_93 = arith.constant 0 : i32
      %dma_wait3A_94 = arith.constant 0 : i32
      %dma_wait3A_95 = tpu.memref_slice %arg11[%dma_wait3A_93, %dma_wait3A_94] : memref<50x144xf32, #tpu.memory_space<vmem>> -> memref<48x144xf32, #tpu.memory_space<vmem>>
      tpu.wait_dma2 semaphore(%run_scoped3A : memref<!tpu.dma_semaphore, #tpu.memory_space<semaphore_mem>>) src(%dma_wait3A_95 : memref<48x144xf32, #tpu.memory_space<vmem>>) dst(%dma_wait3A_92 : memref<48x144xf32, #tpu.memory_space<vmem_shared>>)
      tpu.yield
    }) : () -> ()
    %add3A_33 = arith.constant 432 : i32
    %add3A_34 = arith.addi %mul3A_14, %add3A_33 : i32
    "tpu.region"() ({
      %run_scoped3A = tpu.sem_alloc : memref<!tpu.dma_semaphore, #tpu.memory_space<semaphore_mem>>
      %dma_start3A_76 = arith.constant 0 : i32
      %dma_start3A_77 = arith.constant 0 : i32
      %dma_start3A_78 = tpu.memref_slice %arg11[%dma_start3A_76, %dma_start3A_77] : memref<50x144xf32, #tpu.memory_space<vmem>> -> memref<48x144xf32, #tpu.memory_space<vmem>>
      %dma_start3A_79 = arith.constant 0 : i32
      %dma_start3A_80 = tpu.memref_slice %arg13[%add3A_34, %dma_start3A_79] : memref<10112x144xf32, #tpu.memory_space<vmem_shared>> -> memref<48x144xf32, #tpu.memory_space<vmem_shared>>
      %dma_start3A_81 = arith.constant 0 : i32
      %dma_start3A_82 = tpu.memref_slice %arg13[%add3A_34, %dma_start3A_81] : memref<10112x144xf32, #tpu.memory_space<vmem_shared>> -> memref<48x144xf32, #tpu.memory_space<vmem_shared>>
      %dma_start3A_83 = arith.constant 0 : i32
      %dma_start3A_84 = arith.constant 0 : i32
      %dma_start3A_85 = tpu.memref_slice %arg11[%dma_start3A_83, %dma_start3A_84] : memref<50x144xf32, #tpu.memory_space<vmem>> -> memref<48x144xf32, #tpu.memory_space<vmem>>
      tpu.enqueue_dma source(%dma_start3A_85 : memref<48x144xf32, #tpu.memory_space<vmem>>) target(%dma_start3A_82 : memref<48x144xf32, #tpu.memory_space<vmem_shared>>) target_semaphore(%run_scoped3A : memref<!tpu.dma_semaphore, #tpu.memory_space<semaphore_mem>>)
      %dma_wait3A_86 = arith.constant 0 : i32
      %dma_wait3A_87 = arith.constant 0 : i32
      %dma_wait3A_88 = tpu.memref_slice %arg11[%dma_wait3A_86, %dma_wait3A_87] : memref<50x144xf32, #tpu.memory_space<vmem>> -> memref<48x144xf32, #tpu.memory_space<vmem>>
      %dma_wait3A_89 = arith.constant 0 : i32
      %dma_wait3A_90 = tpu.memref_slice %arg13[%add3A_34, %dma_wait3A_89] : memref<10112x144xf32, #tpu.memory_space<vmem_shared>> -> memref<48x144xf32, #tpu.memory_space<vmem_shared>>
      %dma_wait3A_91 = arith.constant 0 : i32
      %dma_wait3A_92 = tpu.memref_slice %arg13[%add3A_34, %dma_wait3A_91] : memref<10112x144xf32, #tpu.memory_space<vmem_shared>> -> memref<48x144xf32, #tpu.memory_space<vmem_shared>>
      %dma_wait3A_93 = arith.constant 0 : i32
      %dma_wait3A_94 = arith.constant 0 : i32
      %dma_wait3A_95 = tpu.memref_slice %arg11[%dma_wait3A_93, %dma_wait3A_94] : memref<50x144xf32, #tpu.memory_space<vmem>> -> memref<48x144xf32, #tpu.memory_space<vmem>>
      tpu.wait_dma2 semaphore(%run_scoped3A : memref<!tpu.dma_semaphore, #tpu.memory_space<semaphore_mem>>) src(%dma_wait3A_95 : memref<48x144xf32, #tpu.memory_space<vmem>>) dst(%dma_wait3A_92 : memref<48x144xf32, #tpu.memory_space<vmem_shared>>)
      tpu.yield
    }) : () -> ()
    %add3A_35 = arith.constant 480 : i32
    %add3A_36 = arith.addi %mul3A_14, %add3A_35 : i32
    "tpu.region"() ({
      %run_scoped3A = tpu.sem_alloc : memref<!tpu.dma_semaphore, #tpu.memory_space<semaphore_mem>>
      %dma_start3A_76 = arith.constant 0 : i32
      %dma_start3A_77 = arith.constant 0 : i32
      %dma_start3A_78 = tpu.memref_slice %arg11[%dma_start3A_76, %dma_start3A_77] : memref<50x144xf32, #tpu.memory_space<vmem>> -> memref<48x144xf32, #tpu.memory_space<vmem>>
      %dma_start3A_79 = arith.constant 0 : i32
      %dma_start3A_80 = tpu.memref_slice %arg13[%add3A_36, %dma_start3A_79] : memref<10112x144xf32, #tpu.memory_space<vmem_shared>> -> memref<48x144xf32, #tpu.memory_space<vmem_shared>>
      %dma_start3A_81 = arith.constant 0 : i32
      %dma_start3A_82 = tpu.memref_slice %arg13[%add3A_36, %dma_start3A_81] : memref<10112x144xf32, #tpu.memory_space<vmem_shared>> -> memref<48x144xf32, #tpu.memory_space<vmem_shared>>
      %dma_start3A_83 = arith.constant 0 : i32
      %dma_start3A_84 = arith.constant 0 : i32
      %dma_start3A_85 = tpu.memref_slice %arg11[%dma_start3A_83, %dma_start3A_84] : memref<50x144xf32, #tpu.memory_space<vmem>> -> memref<48x144xf32, #tpu.memory_space<vmem>>
      tpu.enqueue_dma source(%dma_start3A_85 : memref<48x144xf32, #tpu.memory_space<vmem>>) target(%dma_start3A_82 : memref<48x144xf32, #tpu.memory_space<vmem_shared>>) target_semaphore(%run_scoped3A : memref<!tpu.dma_semaphore, #tpu.memory_space<semaphore_mem>>)
      %dma_wait3A_86 = arith.constant 0 : i32
      %dma_wait3A_87 = arith.constant 0 : i32
      %dma_wait3A_88 = tpu.memref_slice %arg11[%dma_wait3A_86, %dma_wait3A_87] : memref<50x144xf32, #tpu.memory_space<vmem>> -> memref<48x144xf32, #tpu.memory_space<vmem>>
      %dma_wait3A_89 = arith.constant 0 : i32
      %dma_wait3A_90 = tpu.memref_slice %arg13[%add3A_36, %dma_wait3A_89] : memref<10112x144xf32, #tpu.memory_space<vmem_shared>> -> memref<48x144xf32, #tpu.memory_space<vmem_shared>>
      %dma_wait3A_91 = arith.constant 0 : i32
      %dma_wait3A_92 = tpu.memref_slice %arg13[%add3A_36, %dma_wait3A_91] : memref<10112x144xf32, #tpu.memory_space<vmem_shared>> -> memref<48x144xf32, #tpu.memory_space<vmem_shared>>
      %dma_wait3A_93 = arith.constant 0 : i32
      %dma_wait3A_94 = arith.constant 0 : i32
      %dma_wait3A_95 = tpu.memref_slice %arg11[%dma_wait3A_93, %dma_wait3A_94] : memref<50x144xf32, #tpu.memory_space<vmem>> -> memref<48x144xf32, #tpu.memory_space<vmem>>
      tpu.wait_dma2 semaphore(%run_scoped3A : memref<!tpu.dma_semaphore, #tpu.memory_space<semaphore_mem>>) src(%dma_wait3A_95 : memref<48x144xf32, #tpu.memory_space<vmem>>) dst(%dma_wait3A_92 : memref<48x144xf32, #tpu.memory_space<vmem_shared>>)
      tpu.yield
    }) : () -> ()
    %add3A_37 = arith.constant 528 : i32
    %add3A_38 = arith.addi %mul3A_14, %add3A_37 : i32
    "tpu.region"() ({
      %run_scoped3A = tpu.sem_alloc : memref<!tpu.dma_semaphore, #tpu.memory_space<semaphore_mem>>
      %dma_start3A_76 = arith.constant 0 : i32
      %dma_start3A_77 = arith.constant 0 : i32
      %dma_start3A_78 = tpu.memref_slice %arg11[%dma_start3A_76, %dma_start3A_77] : memref<50x144xf32, #tpu.memory_space<vmem>> -> memref<48x144xf32, #tpu.memory_space<vmem>>
      %dma_start3A_79 = arith.constant 0 : i32
      %dma_start3A_80 = tpu.memref_slice %arg13[%add3A_38, %dma_start3A_79] : memref<10112x144xf32, #tpu.memory_space<vmem_shared>> -> memref<48x144xf32, #tpu.memory_space<vmem_shared>>
      %dma_start3A_81 = arith.constant 0 : i32
      %dma_start3A_82 = tpu.memref_slice %arg13[%add3A_38, %dma_start3A_81] : memref<10112x144xf32, #tpu.memory_space<vmem_shared>> -> memref<48x144xf32, #tpu.memory_space<vmem_shared>>
      %dma_start3A_83 = arith.constant 0 : i32
      %dma_start3A_84 = arith.constant 0 : i32
      %dma_start3A_85 = tpu.memref_slice %arg11[%dma_start3A_83, %dma_start3A_84] : memref<50x144xf32, #tpu.memory_space<vmem>> -> memref<48x144xf32, #tpu.memory_space<vmem>>
      tpu.enqueue_dma source(%dma_start3A_85 : memref<48x144xf32, #tpu.memory_space<vmem>>) target(%dma_start3A_82 : memref<48x144xf32, #tpu.memory_space<vmem_shared>>) target_semaphore(%run_scoped3A : memref<!tpu.dma_semaphore, #tpu.memory_space<semaphore_mem>>)
      %dma_wait3A_86 = arith.constant 0 : i32
      %dma_wait3A_87 = arith.constant 0 : i32
      %dma_wait3A_88 = tpu.memref_slice %arg11[%dma_wait3A_86, %dma_wait3A_87] : memref<50x144xf32, #tpu.memory_space<vmem>> -> memref<48x144xf32, #tpu.memory_space<vmem>>
      %dma_wait3A_89 = arith.constant 0 : i32
      %dma_wait3A_90 = tpu.memref_slice %arg13[%add3A_38, %dma_wait3A_89] : memref<10112x144xf32, #tpu.memory_space<vmem_shared>> -> memref<48x144xf32, #tpu.memory_space<vmem_shared>>
      %dma_wait3A_91 = arith.constant 0 : i32
      %dma_wait3A_92 = tpu.memref_slice %arg13[%add3A_38, %dma_wait3A_91] : memref<10112x144xf32, #tpu.memory_space<vmem_shared>> -> memref<48x144xf32, #tpu.memory_space<vmem_shared>>
      %dma_wait3A_93 = arith.constant 0 : i32
      %dma_wait3A_94 = arith.constant 0 : i32
      %dma_wait3A_95 = tpu.memref_slice %arg11[%dma_wait3A_93, %dma_wait3A_94] : memref<50x144xf32, #tpu.memory_space<vmem>> -> memref<48x144xf32, #tpu.memory_space<vmem>>
      tpu.wait_dma2 semaphore(%run_scoped3A : memref<!tpu.dma_semaphore, #tpu.memory_space<semaphore_mem>>) src(%dma_wait3A_95 : memref<48x144xf32, #tpu.memory_space<vmem>>) dst(%dma_wait3A_92 : memref<48x144xf32, #tpu.memory_space<vmem_shared>>)
      tpu.yield
    }) : () -> ()
    %add3A_39 = arith.constant 576 : i32
    %add3A_40 = arith.addi %mul3A_14, %add3A_39 : i32
    "tpu.region"() ({
      %run_scoped3A = tpu.sem_alloc : memref<!tpu.dma_semaphore, #tpu.memory_space<semaphore_mem>>
      %dma_start3A_76 = arith.constant 0 : i32
      %dma_start3A_77 = arith.constant 0 : i32
      %dma_start3A_78 = tpu.memref_slice %arg11[%dma_start3A_76, %dma_start3A_77] : memref<50x144xf32, #tpu.memory_space<vmem>> -> memref<48x144xf32, #tpu.memory_space<vmem>>
      %dma_start3A_79 = arith.constant 0 : i32
      %dma_start3A_80 = tpu.memref_slice %arg13[%add3A_40, %dma_start3A_79] : memref<10112x144xf32, #tpu.memory_space<vmem_shared>> -> memref<48x144xf32, #tpu.memory_space<vmem_shared>>
      %dma_start3A_81 = arith.constant 0 : i32
      %dma_start3A_82 = tpu.memref_slice %arg13[%add3A_40, %dma_start3A_81] : memref<10112x144xf32, #tpu.memory_space<vmem_shared>> -> memref<48x144xf32, #tpu.memory_space<vmem_shared>>
      %dma_start3A_83 = arith.constant 0 : i32
      %dma_start3A_84 = arith.constant 0 : i32
      %dma_start3A_85 = tpu.memref_slice %arg11[%dma_start3A_83, %dma_start3A_84] : memref<50x144xf32, #tpu.memory_space<vmem>> -> memref<48x144xf32, #tpu.memory_space<vmem>>
      tpu.enqueue_dma source(%dma_start3A_85 : memref<48x144xf32, #tpu.memory_space<vmem>>) target(%dma_start3A_82 : memref<48x144xf32, #tpu.memory_space<vmem_shared>>) target_semaphore(%run_scoped3A : memref<!tpu.dma_semaphore, #tpu.memory_space<semaphore_mem>>)
      %dma_wait3A_86 = arith.constant 0 : i32
      %dma_wait3A_87 = arith.constant 0 : i32
      %dma_wait3A_88 = tpu.memref_slice %arg11[%dma_wait3A_86, %dma_wait3A_87] : memref<50x144xf32, #tpu.memory_space<vmem>> -> memref<48x144xf32, #tpu.memory_space<vmem>>
      %dma_wait3A_89 = arith.constant 0 : i32
      %dma_wait3A_90 = tpu.memref_slice %arg13[%add3A_40, %dma_wait3A_89] : memref<10112x144xf32, #tpu.memory_space<vmem_shared>> -> memref<48x144xf32, #tpu.memory_space<vmem_shared>>
      %dma_wait3A_91 = arith.constant 0 : i32
      %dma_wait3A_92 = tpu.memref_slice %arg13[%add3A_40, %dma_wait3A_91] : memref<10112x144xf32, #tpu.memory_space<vmem_shared>> -> memref<48x144xf32, #tpu.memory_space<vmem_shared>>
      %dma_wait3A_93 = arith.constant 0 : i32
      %dma_wait3A_94 = arith.constant 0 : i32
      %dma_wait3A_95 = tpu.memref_slice %arg11[%dma_wait3A_93, %dma_wait3A_94] : memref<50x144xf32, #tpu.memory_space<vmem>> -> memref<48x144xf32, #tpu.memory_space<vmem>>
      tpu.wait_dma2 semaphore(%run_scoped3A : memref<!tpu.dma_semaphore, #tpu.memory_space<semaphore_mem>>) src(%dma_wait3A_95 : memref<48x144xf32, #tpu.memory_space<vmem>>) dst(%dma_wait3A_92 : memref<48x144xf32, #tpu.memory_space<vmem_shared>>)
      tpu.yield
    }) : () -> ()
    %add3A_41 = arith.constant 632 : i32
    %add3A_42 = arith.addi %mul3A_14, %add3A_41 : i32
    %sub3A = arith.constant 8 : i32
    %sub3A_43 = arith.subi %add3A_42, %sub3A : i32
    "tpu.region"() ({
      %run_scoped3A = tpu.sem_alloc : memref<!tpu.dma_semaphore, #tpu.memory_space<semaphore_mem>>
      %dma_start3A_76 = arith.constant 0 : i32
      %dma_start3A_77 = arith.constant 0 : i32
      %dma_start3A_78 = tpu.memref_slice %arg11[%dma_start3A_76, %dma_start3A_77] : memref<50x144xf32, #tpu.memory_space<vmem>> -> memref<8x144xf32, #tpu.memory_space<vmem>>
      %dma_start3A_79 = arith.constant 0 : i32
      %dma_start3A_80 = tpu.memref_slice %arg13[%sub3A_43, %dma_start3A_79] : memref<10112x144xf32, #tpu.memory_space<vmem_shared>> -> memref<8x144xf32, #tpu.memory_space<vmem_shared>>
      %dma_start3A_81 = arith.constant 0 : i32
      %dma_start3A_82 = tpu.memref_slice %arg13[%sub3A_43, %dma_start3A_81] : memref<10112x144xf32, #tpu.memory_space<vmem_shared>> -> memref<8x144xf32, #tpu.memory_space<vmem_shared>>
      %dma_start3A_83 = arith.constant 0 : i32
      %dma_start3A_84 = arith.constant 0 : i32
      %dma_start3A_85 = tpu.memref_slice %arg11[%dma_start3A_83, %dma_start3A_84] : memref<50x144xf32, #tpu.memory_space<vmem>> -> memref<8x144xf32, #tpu.memory_space<vmem>>
      tpu.enqueue_dma source(%dma_start3A_85 : memref<8x144xf32, #tpu.memory_space<vmem>>) target(%dma_start3A_82 : memref<8x144xf32, #tpu.memory_space<vmem_shared>>) target_semaphore(%run_scoped3A : memref<!tpu.dma_semaphore, #tpu.memory_space<semaphore_mem>>)
      %dma_wait3A_86 = arith.constant 0 : i32
      %dma_wait3A_87 = arith.constant 0 : i32
      %dma_wait3A_88 = tpu.memref_slice %arg11[%dma_wait3A_86, %dma_wait3A_87] : memref<50x144xf32, #tpu.memory_space<vmem>> -> memref<8x144xf32, #tpu.memory_space<vmem>>
      %dma_wait3A_89 = arith.constant 0 : i32
      %dma_wait3A_90 = tpu.memref_slice %arg13[%sub3A_43, %dma_wait3A_89] : memref<10112x144xf32, #tpu.memory_space<vmem_shared>> -> memref<8x144xf32, #tpu.memory_space<vmem_shared>>
      %dma_wait3A_91 = arith.constant 0 : i32
      %dma_wait3A_92 = tpu.memref_slice %arg13[%sub3A_43, %dma_wait3A_91] : memref<10112x144xf32, #tpu.memory_space<vmem_shared>> -> memref<8x144xf32, #tpu.memory_space<vmem_shared>>
      %dma_wait3A_93 = arith.constant 0 : i32
      %dma_wait3A_94 = arith.constant 0 : i32
      %dma_wait3A_95 = tpu.memref_slice %arg11[%dma_wait3A_93, %dma_wait3A_94] : memref<50x144xf32, #tpu.memory_space<vmem>> -> memref<8x144xf32, #tpu.memory_space<vmem>>
      tpu.wait_dma2 semaphore(%run_scoped3A : memref<!tpu.dma_semaphore, #tpu.memory_space<semaphore_mem>>) src(%dma_wait3A_95 : memref<8x144xf32, #tpu.memory_space<vmem>>) dst(%dma_wait3A_92 : memref<8x144xf32, #tpu.memory_space<vmem_shared>>)
      tpu.yield
    }) : () -> ()
    %barrier3A = arith.constant 0 : index
    tpu.barrier barrier_id(%barrier3A)
    "tpu.region"() ({
      %run_scoped3A = tpu.sem_alloc : memref<!tpu.dma_semaphore, #tpu.memory_space<semaphore_mem>>
      %dma_start3A_76 = arith.constant 0 : i32
      %dma_start3A_77 = tpu.memref_slice %arg10[%dma_start3A_76] : memref<800xf32, #tpu.memory_space<vmem>> -> memref<400xf32, #tpu.memory_space<vmem>>
      %dma_start3A_78 = tpu.memref_slice %arg5[%mul3A_2] : memref<320000xf32, #tpu.memory_space<hbm>> -> memref<400xf32, #tpu.memory_space<hbm>>
      %dma_start3A_79 = arith.constant 0 : i32
      %dma_start3A_80 = tpu.memref_slice %arg10[%dma_start3A_79] : memref<800xf32, #tpu.memory_space<vmem>> -> memref<400xf32, #tpu.memory_space<vmem>>
      %dma_start3A_81 = tpu.memref_slice %arg5[%mul3A_2] : memref<320000xf32, #tpu.memory_space<hbm>> -> memref<400xf32, #tpu.memory_space<hbm>>
      tpu.enqueue_dma source(%dma_start3A_81 : memref<400xf32, #tpu.memory_space<hbm>>) target(%dma_start3A_80 : memref<400xf32, #tpu.memory_space<vmem>>) target_semaphore(%run_scoped3A : memref<!tpu.dma_semaphore, #tpu.memory_space<semaphore_mem>>)
      %dma_wait3A_82 = arith.constant 0 : i32
      %dma_wait3A_83 = tpu.memref_slice %arg10[%dma_wait3A_82] : memref<800xf32, #tpu.memory_space<vmem>> -> memref<400xf32, #tpu.memory_space<vmem>>
      %dma_wait3A_84 = tpu.memref_slice %arg5[%mul3A_2] : memref<320000xf32, #tpu.memory_space<hbm>> -> memref<400xf32, #tpu.memory_space<hbm>>
      %dma_wait3A_85 = arith.constant 0 : i32
      %dma_wait3A_86 = tpu.memref_slice %arg10[%dma_wait3A_85] : memref<800xf32, #tpu.memory_space<vmem>> -> memref<400xf32, #tpu.memory_space<vmem>>
      %dma_wait3A_87 = tpu.memref_slice %arg5[%mul3A_2] : memref<320000xf32, #tpu.memory_space<hbm>> -> memref<400xf32, #tpu.memory_space<hbm>>
      tpu.wait_dma2 semaphore(%run_scoped3A : memref<!tpu.dma_semaphore, #tpu.memory_space<semaphore_mem>>) src(%dma_wait3A_87 : memref<400xf32, #tpu.memory_space<hbm>>) dst(%dma_wait3A_86 : memref<400xf32, #tpu.memory_space<vmem>>)
      tpu.yield
    }) : () -> ()
    %dma_start3A = arith.constant 0 : i32
    %dma_start3A_44 = arith.constant 0 : i32
    %dma_start3A_45 = tpu.memref_slice %arg9[%dma_start3A, %dma_start3A_44] : memref<200x50xi32, #tpu.memory_space<vmem>> -> memref<1x50xi32, #tpu.memory_space<vmem>>
    %dma_start3A_46 = tpu.memref_squeeze %dma_start3A_45 : memref<1x50xi32, #tpu.memory_space<vmem>> -> memref<50xi32, #tpu.memory_space<vmem>>
    %dma_start3A_47 = arith.constant 0 : i32
    %dma_start3A_48 = arith.constant 0 : i32
    %dma_start3A_49 = tpu.memref_slice %arg2[%dma_start3A_47, %dma_start3A_48] : memref<10000x144xf32, #tpu.memory_space<hbm>> -> memref<10000x144xf32, #tpu.memory_space<hbm>>
    tpu.enqueue_indirect_dma source(%dma_start3A_49 : memref<10000x144xf32, #tpu.memory_space<hbm>>) target(%arg11 : memref<50x144xf32, #tpu.memory_space<vmem>>) offsets(%dma_start3A_46 : memref<50xi32, #tpu.memory_space<vmem>>) semaphore(%arg14 : memref<!tpu.dma_semaphore, #tpu.memory_space<semaphore_mem>>)
    %scan3A_50 = arith.constant 0 : i32
    %scan3A_51 = arith.constant 0 : i32
    %scan3A_52 = arith.constant 25 : i32
    %scan3A_53 = arith.addi %scan3A_51, %scan3A_52 : i32
    %scan3A_54 = arith.constant 1 : i32
    %scan3A_55 = scf.for %scan3A_76 = %scan3A_51 to %scan3A_53 step %scan3A_54 iter_args(%scan3A_77 = %scan3A_50) -> (i32)  : i32 {
      %add3A_78 = arith.constant 1 : i32
      %add3A_79 = arith.addi %scan3A_76, %add3A_78 : i32
      %jit3A = arith.constant 2 : i32
      %eq3A_80 = arith.constant 0 : i32
      %eq3A_81 = arith.cmpi eq, %jit3A, %eq3A_80 : i32
      %jit3A_82 = arith.constant 1 : i32
      %select_n3A = arith.select %eq3A_81, %jit3A_82, %jit3A : i32
      %rem3A = arith.remsi %add3A_79, %select_n3A : i32
      %ne3A = arith.constant 0 : i32
      %ne3A_83 = arith.cmpi ne, %rem3A, %ne3A : i32
      %lt3A = arith.constant 0 : i32
      %lt3A_84 = arith.cmpi slt, %rem3A, %lt3A : i32
      %lt3A_85 = arith.constant 0 : i32
      %lt3A_86 = arith.cmpi slt, %select_n3A, %lt3A_85 : i32
      %ne3A_87 = arith.xori %lt3A_84, %lt3A_86 : i1
      %and3A = arith.andi %ne3A_87, %ne3A_83 : i1
      %add3A_88 = arith.addi %rem3A, %select_n3A : i32
      %select_n3A_89 = arith.select %and3A, %add3A_88, %rem3A : i32
      %mul3A_90 = arith.constant 400 : i32
      %mul3A_91 = arith.muli %select_n3A_89, %mul3A_90 : i32
      %multiple_of3A = tpu.assume_multiple %mul3A_91, 8 : i32
      %lt3A_92 = arith.constant 24 : i32
      %lt3A_93 = arith.cmpi slt, %scan3A_76, %lt3A_92 : i32
      %convert_element_type3A_94 = arith.extui %lt3A_93 : i1 to i32
      %cond3A_95 = arith.constant 0 : i32
      %cond3A_96 = arith.cmpi ne, %convert_element_type3A_94, %cond3A_95 : i32
      scf.if %cond3A_96 {
        %add3A_429 = arith.constant 1 : i32
        %add3A_430 = arith.addi %scan3A_76, %add3A_429 : i32
        %mul3A_431 = arith.constant 400 : i32
        %mul3A_432 = arith.muli %add3A_430, %mul3A_431 : i32
        %add3A_433 = arith.addi %mul3A_2, %mul3A_432 : i32
        %dma_start3A_434 = tpu.memref_slice %arg10[%multiple_of3A] : memref<800xf32, #tpu.memory_space<vmem>> -> memref<400xf32, #tpu.memory_space<vmem>>
        %dma_start3A_435 = tpu.memref_slice %arg5[%add3A_433] : memref<320000xf32, #tpu.memory_space<hbm>> -> memref<400xf32, #tpu.memory_space<hbm>>
        %dma_start3A_436 = tpu.memref_slice %arg10[%multiple_of3A] : memref<800xf32, #tpu.memory_space<vmem>> -> memref<400xf32, #tpu.memory_space<vmem>>
        %dma_start3A_437 = tpu.memref_slice %arg5[%add3A_433] : memref<320000xf32, #tpu.memory_space<hbm>> -> memref<400xf32, #tpu.memory_space<hbm>>
        tpu.enqueue_dma source(%dma_start3A_437 : memref<400xf32, #tpu.memory_space<hbm>>) target(%dma_start3A_436 : memref<400xf32, #tpu.memory_space<vmem>>) target_semaphore(%arg18 : memref<!tpu.dma_semaphore, #tpu.memory_space<semaphore_mem>>)
      } else {
      }
      %jit3A_97 = arith.constant 2 : i32
      %eq3A_98 = arith.constant 0 : i32
      %eq3A_99 = arith.cmpi eq, %jit3A_97, %eq3A_98 : i32
      %jit3A_100 = arith.constant 1 : i32
      %select_n3A_101 = arith.select %eq3A_99, %jit3A_100, %jit3A_97 : i32
      %rem3A_102 = arith.remsi %scan3A_76, %select_n3A_101 : i32
      %ne3A_103 = arith.constant 0 : i32
      %ne3A_104 = arith.cmpi ne, %rem3A_102, %ne3A_103 : i32
      %lt3A_105 = arith.constant 0 : i32
      %lt3A_106 = arith.cmpi slt, %rem3A_102, %lt3A_105 : i32
      %lt3A_107 = arith.constant 0 : i32
      %lt3A_108 = arith.cmpi slt, %select_n3A_101, %lt3A_107 : i32
      %ne3A_109 = arith.xori %lt3A_106, %lt3A_108 : i1
      %and3A_110 = arith.andi %ne3A_109, %ne3A_104 : i1
      %add3A_111 = arith.addi %rem3A_102, %select_n3A_101 : i32
      %select_n3A_112 = arith.select %and3A_110, %add3A_111, %rem3A_102 : i32
      %mul3A_113 = arith.constant 400 : i32
      %mul3A_114 = arith.muli %select_n3A_112, %mul3A_113 : i32
      %mul3A_115 = arith.constant 8 : i32
      %mul3A_116 = arith.muli %scan3A_76, %mul3A_115 : i32
      %add3A_117 = arith.constant 0 : i32
      %add3A_118 = arith.addi %mul3A_116, %add3A_117 : i32
      %dma_wait3A_119 = arith.constant 0 : i32
      %dma_wait3A_120 = arith.constant 0 : i32
      %dma_wait3A_121 = tpu.memref_slice %arg2[%dma_wait3A_119, %dma_wait3A_120] : memref<10000x144xf32, #tpu.memory_space<hbm>> -> memref<50x144xf32, #tpu.memory_space<hbm>>
      %dma_wait3A_122 = arith.constant 0 : i32
      %dma_wait3A_123 = arith.constant 0 : i32
      %dma_wait3A_124 = tpu.memref_slice %arg2[%dma_wait3A_122, %dma_wait3A_123] : memref<10000x144xf32, #tpu.memory_space<hbm>> -> memref<50x144xf32, #tpu.memory_space<hbm>>
      tpu.wait_dma2 semaphore(%arg14 : memref<!tpu.dma_semaphore, #tpu.memory_space<semaphore_mem>>) src(%dma_wait3A_124 : memref<50x144xf32, #tpu.memory_space<hbm>>) dst(%arg11 : memref<50x144xf32, #tpu.memory_space<vmem>>)
      %gt3A = arith.constant 0 : i32
      %gt3A_125 = arith.cmpi sgt, %scan3A_76, %gt3A : i32
      %convert_element_type3A_126 = arith.extui %gt3A_125 : i1 to i32
      %cond3A_127 = arith.constant 0 : i32
      %cond3A_128 = arith.cmpi ne, %convert_element_type3A_126, %cond3A_127 : i32
      scf.if %cond3A_128 {
        %dma_wait3A_429 = arith.constant 0 : i32
        %dma_wait3A_430 = arith.constant 0 : i32
        %dma_wait3A_431 = tpu.memref_slice %arg13[%dma_wait3A_429, %dma_wait3A_430] : memref<10112x144xf32, #tpu.memory_space<vmem_shared>> -> memref<50x144xf32, #tpu.memory_space<vmem_shared>>
        %dma_wait3A_432 = arith.constant 0 : i32
        %dma_wait3A_433 = arith.constant 0 : i32
        %dma_wait3A_434 = tpu.memref_slice %arg13[%dma_wait3A_432, %dma_wait3A_433] : memref<10112x144xf32, #tpu.memory_space<vmem_shared>> -> memref<50x144xf32, #tpu.memory_space<vmem_shared>>
        tpu.wait_dma2 semaphore(%arg17 : memref<!tpu.dma_semaphore, #tpu.memory_space<semaphore_mem>>) src(%arg12 : memref<50x144xf32, #tpu.memory_space<vmem>>) dst(%dma_wait3A_434 : memref<50x144xf32, #tpu.memory_space<vmem_shared>>)
      } else {
      }
      %add3A_129 = arith.constant 1 : i32
      %add3A_130 = arith.addi %add3A_118, %add3A_129 : i32
      %dma_start3A_131 = arith.constant 0 : i32
      %dma_start3A_132 = tpu.memref_slice %arg9[%add3A_130, %dma_start3A_131] : memref<200x50xi32, #tpu.memory_space<vmem>> -> memref<1x50xi32, #tpu.memory_space<vmem>>
      %dma_start3A_133 = tpu.memref_squeeze %dma_start3A_132 : memref<1x50xi32, #tpu.memory_space<vmem>> -> memref<50xi32, #tpu.memory_space<vmem>>
      %dma_start3A_134 = arith.constant 0 : i32
      %dma_start3A_135 = arith.constant 0 : i32
      %dma_start3A_136 = tpu.memref_slice %arg2[%dma_start3A_134, %dma_start3A_135] : memref<10000x144xf32, #tpu.memory_space<hbm>> -> memref<10000x144xf32, #tpu.memory_space<hbm>>
      tpu.enqueue_indirect_dma source(%dma_start3A_136 : memref<10000x144xf32, #tpu.memory_space<hbm>>) target(%arg12 : memref<50x144xf32, #tpu.memory_space<vmem>>) offsets(%dma_start3A_133 : memref<50xi32, #tpu.memory_space<vmem>>) semaphore(%arg15 : memref<!tpu.dma_semaphore, #tpu.memory_space<semaphore_mem>>)
      %add3A_137 = arith.constant 0 : i32
      %add3A_138 = arith.addi %mul3A_114, %add3A_137 : i32
      %broadcast_in_dim3A = vector.broadcast %add3A_138 : i32 to vector<16xi32>
      %scan3A_139 = arith.constant 0 : i32
      %scan3A_140 = arith.constant 0 : i32
      %scan3A_141 = arith.constant 25 : i32
      %scan3A_142 = arith.addi %scan3A_140, %scan3A_141 : i32
      %scan3A_143 = arith.constant 1 : i32
      %scan3A_144 = scf.for %scan3A_429 = %scan3A_140 to %scan3A_142 step %scan3A_143 iter_args(%scan3A_430 = %scan3A_139) -> (i32)  : i32 {
        %mul3A_431 = arith.constant 2 : i32
        %mul3A_432 = arith.muli %scan3A_429, %mul3A_431 : i32
        %add3A_433 = vector.broadcast %mul3A_432 : i32 to vector<16xi32>
        %add3A_434 = arith.addi %broadcast_in_dim3A, %add3A_433 : vector<16xi32>
        %gather3A = tpu.vector_load_idx %arg10[%add3A_434] : memref<800xf32, #tpu.memory_space<vmem>>[vector<16xi32>], vector<16xf32>,
        %add3A_435 = arith.constant 1 : i32
        %add3A_436 = arith.addi %mul3A_432, %add3A_435 : i32
        %add3A_437 = vector.broadcast %add3A_436 : i32 to vector<16xi32>
        %add3A_438 = arith.addi %broadcast_in_dim3A, %add3A_437 : vector<16xi32>
        %gather3A_439 = tpu.vector_load_idx %arg10[%add3A_438] : memref<800xf32, #tpu.memory_space<vmem>>[vector<16xi32>], vector<16xf32>,
        %get3A = arith.index_cast %mul3A_432 : i32 to index
        %get3A_440 = arith.constant 0 : index
        %get3A_441 = tpu.vector_load %arg11[%get3A, %get3A_440] {strides = array<i32>} : memref<50x144xf32, #tpu.memory_space<vmem>>, vector<16xf32>,
        %mul3A_442 = arith.mulf %get3A_441, %gather3A : vector<16xf32>
        %swap3A = arith.index_cast %mul3A_432 : i32 to index
        %swap3A_443 = arith.constant 0 : index
        %swap3A_444 = tpu.vector_load %arg11[%swap3A, %swap3A_443] {strides = array<i32>} : memref<50x144xf32, #tpu.memory_space<vmem>>, vector<16xf32>,
        tpu.vector_store %arg11[%swap3A, %swap3A_443], %mul3A_442 {strides = array<i32>} : memref<50x144xf32, #tpu.memory_space<vmem>>, vector<16xf32>,
        %add3A_445 = arith.constant 1 : i32
        %add3A_446 = arith.addi %mul3A_432, %add3A_445 : i32
        %get3A_447 = arith.index_cast %add3A_446 : i32 to index
        %get3A_448 = arith.constant 0 : index
        %get3A_449 = tpu.vector_load %arg11[%get3A_447, %get3A_448] {strides = array<i32>} : memref<50x144xf32, #tpu.memory_space<vmem>>, vector<16xf32>,
        %mul3A_450 = arith.mulf %get3A_449, %gather3A_439 : vector<16xf32>
        %add3A_451 = arith.constant 1 : i32
        %add3A_452 = arith.addi %mul3A_432, %add3A_451 : i32
        %swap3A_453 = arith.index_cast %add3A_452 : i32 to index
        %swap3A_454 = arith.constant 0 : index
        %swap3A_455 = tpu.vector_load %arg11[%swap3A_453, %swap3A_454] {strides = array<i32>} : memref<50x144xf32, #tpu.memory_space<vmem>>, vector<16xf32>,
        tpu.vector_store %arg11[%swap3A_453, %swap3A_454], %mul3A_450 {strides = array<i32>} : memref<50x144xf32, #tpu.memory_space<vmem>>, vector<16xf32>,
        %get3A_456 = arith.index_cast %mul3A_432 : i32 to index
        %get3A_457 = arith.constant 16 : index
        %get3A_458 = tpu.vector_load %arg11[%get3A_456, %get3A_457] {strides = array<i32>} : memref<50x144xf32, #tpu.memory_space<vmem>>, vector<16xf32>,
        %mul3A_459 = arith.mulf %get3A_458, %gather3A : vector<16xf32>
        %swap3A_460 = arith.index_cast %mul3A_432 : i32 to index
        %swap3A_461 = arith.constant 16 : index
        %swap3A_462 = tpu.vector_load %arg11[%swap3A_460, %swap3A_461] {strides = array<i32>} : memref<50x144xf32, #tpu.memory_space<vmem>>, vector<16xf32>,
        tpu.vector_store %arg11[%swap3A_460, %swap3A_461], %mul3A_459 {strides = array<i32>} : memref<50x144xf32, #tpu.memory_space<vmem>>, vector<16xf32>,
        %add3A_463 = arith.constant 1 : i32
        %add3A_464 = arith.addi %mul3A_432, %add3A_463 : i32
        %get3A_465 = arith.index_cast %add3A_464 : i32 to index
        %get3A_466 = arith.constant 16 : index
        %get3A_467 = tpu.vector_load %arg11[%get3A_465, %get3A_466] {strides = array<i32>} : memref<50x144xf32, #tpu.memory_space<vmem>>, vector<16xf32>,
        %mul3A_468 = arith.mulf %get3A_467, %gather3A_439 : vector<16xf32>
        %add3A_469 = arith.constant 1 : i32
        %add3A_470 = arith.addi %mul3A_432, %add3A_469 : i32
        %swap3A_471 = arith.index_cast %add3A_470 : i32 to index
        %swap3A_472 = arith.constant 16 : index
        %swap3A_473 = tpu.vector_load %arg11[%swap3A_471, %swap3A_472] {strides = array<i32>} : memref<50x144xf32, #tpu.memory_space<vmem>>, vector<16xf32>,
        tpu.vector_store %arg11[%swap3A_471, %swap3A_472], %mul3A_468 {strides = array<i32>} : memref<50x144xf32, #tpu.memory_space<vmem>>, vector<16xf32>,
        %get3A_474 = arith.index_cast %mul3A_432 : i32 to index
        %get3A_475 = arith.constant 32 : index
        %get3A_476 = tpu.vector_load %arg11[%get3A_474, %get3A_475] {strides = array<i32>} : memref<50x144xf32, #tpu.memory_space<vmem>>, vector<16xf32>,
        %mul3A_477 = arith.mulf %get3A_476, %gather3A : vector<16xf32>
        %swap3A_478 = arith.index_cast %mul3A_432 : i32 to index
        %swap3A_479 = arith.constant 32 : index
        %swap3A_480 = tpu.vector_load %arg11[%swap3A_478, %swap3A_479] {strides = array<i32>} : memref<50x144xf32, #tpu.memory_space<vmem>>, vector<16xf32>,
        tpu.vector_store %arg11[%swap3A_478, %swap3A_479], %mul3A_477 {strides = array<i32>} : memref<50x144xf32, #tpu.memory_space<vmem>>, vector<16xf32>,
        %add3A_481 = arith.constant 1 : i32
        %add3A_482 = arith.addi %mul3A_432, %add3A_481 : i32
        %get3A_483 = arith.index_cast %add3A_482 : i32 to index
        %get3A_484 = arith.constant 32 : index
        %get3A_485 = tpu.vector_load %arg11[%get3A_483, %get3A_484] {strides = array<i32>} : memref<50x144xf32, #tpu.memory_space<vmem>>, vector<16xf32>,
        %mul3A_486 = arith.mulf %get3A_485, %gather3A_439 : vector<16xf32>
        %add3A_487 = arith.constant 1 : i32
        %add3A_488 = arith.addi %mul3A_432, %add3A_487 : i32
        %swap3A_489 = arith.index_cast %add3A_488 : i32 to index
        %swap3A_490 = arith.constant 32 : index
        %swap3A_491 = tpu.vector_load %arg11[%swap3A_489, %swap3A_490] {strides = array<i32>} : memref<50x144xf32, #tpu.memory_space<vmem>>, vector<16xf32>,
        tpu.vector_store %arg11[%swap3A_489, %swap3A_490], %mul3A_486 {strides = array<i32>} : memref<50x144xf32, #tpu.memory_space<vmem>>, vector<16xf32>,
        %get3A_492 = arith.index_cast %mul3A_432 : i32 to index
        %get3A_493 = arith.constant 48 : index
        %get3A_494 = tpu.vector_load %arg11[%get3A_492, %get3A_493] {strides = array<i32>} : memref<50x144xf32, #tpu.memory_space<vmem>>, vector<16xf32>,
        %mul3A_495 = arith.mulf %get3A_494, %gather3A : vector<16xf32>
        %swap3A_496 = arith.index_cast %mul3A_432 : i32 to index
        %swap3A_497 = arith.constant 48 : index
        %swap3A_498 = tpu.vector_load %arg11[%swap3A_496, %swap3A_497] {strides = array<i32>} : memref<50x144xf32, #tpu.memory_space<vmem>>, vector<16xf32>,
        tpu.vector_store %arg11[%swap3A_496, %swap3A_497], %mul3A_495 {strides = array<i32>} : memref<50x144xf32, #tpu.memory_space<vmem>>, vector<16xf32>,
        %add3A_499 = arith.constant 1 : i32
        %add3A_500 = arith.addi %mul3A_432, %add3A_499 : i32
        %get3A_501 = arith.index_cast %add3A_500 : i32 to index
        %get3A_502 = arith.constant 48 : index
        %get3A_503 = tpu.vector_load %arg11[%get3A_501, %get3A_502] {strides = array<i32>} : memref<50x144xf32, #tpu.memory_space<vmem>>, vector<16xf32>,
        %mul3A_504 = arith.mulf %get3A_503, %gather3A_439 : vector<16xf32>
        %add3A_505 = arith.constant 1 : i32
        %add3A_506 = arith.addi %mul3A_432, %add3A_505 : i32
        %swap3A_507 = arith.index_cast %add3A_506 : i32 to index
        %swap3A_508 = arith.constant 48 : index
        %swap3A_509 = tpu.vector_load %arg11[%swap3A_507, %swap3A_508] {strides = array<i32>} : memref<50x144xf32, #tpu.memory_space<vmem>>, vector<16xf32>,
        tpu.vector_store %arg11[%swap3A_507, %swap3A_508], %mul3A_504 {strides = array<i32>} : memref<50x144xf32, #tpu.memory_space<vmem>>, vector<16xf32>,
        %get3A_510 = arith.index_cast %mul3A_432 : i32 to index
        %get3A_511 = arith.constant 64 : index
        %get3A_512 = tpu.vector_load %arg11[%get3A_510, %get3A_511] {strides = array<i32>} : memref<50x144xf32, #tpu.memory_space<vmem>>, vector<16xf32>,
        %mul3A_513 = arith.mulf %get3A_512, %gather3A : vector<16xf32>
        %swap3A_514 = arith.index_cast %mul3A_432 : i32 to index
        %swap3A_515 = arith.constant 64 : index
        %swap3A_516 = tpu.vector_load %arg11[%swap3A_514, %swap3A_515] {strides = array<i32>} : memref<50x144xf32, #tpu.memory_space<vmem>>, vector<16xf32>,
        tpu.vector_store %arg11[%swap3A_514, %swap3A_515], %mul3A_513 {strides = array<i32>} : memref<50x144xf32, #tpu.memory_space<vmem>>, vector<16xf32>,
        %add3A_517 = arith.constant 1 : i32
        %add3A_518 = arith.addi %mul3A_432, %add3A_517 : i32
        %get3A_519 = arith.index_cast %add3A_518 : i32 to index
        %get3A_520 = arith.constant 64 : index
        %get3A_521 = tpu.vector_load %arg11[%get3A_519, %get3A_520] {strides = array<i32>} : memref<50x144xf32, #tpu.memory_space<vmem>>, vector<16xf32>,
        %mul3A_522 = arith.mulf %get3A_521, %gather3A_439 : vector<16xf32>
        %add3A_523 = arith.constant 1 : i32
        %add3A_524 = arith.addi %mul3A_432, %add3A_523 : i32
        %swap3A_525 = arith.index_cast %add3A_524 : i32 to index
        %swap3A_526 = arith.constant 64 : index
        %swap3A_527 = tpu.vector_load %arg11[%swap3A_525, %swap3A_526] {strides = array<i32>} : memref<50x144xf32, #tpu.memory_space<vmem>>, vector<16xf32>,
        tpu.vector_store %arg11[%swap3A_525, %swap3A_526], %mul3A_522 {strides = array<i32>} : memref<50x144xf32, #tpu.memory_space<vmem>>, vector<16xf32>,
        %get3A_528 = arith.index_cast %mul3A_432 : i32 to index
        %get3A_529 = arith.constant 80 : index
        %get3A_530 = tpu.vector_load %arg11[%get3A_528, %get3A_529] {strides = array<i32>} : memref<50x144xf32, #tpu.memory_space<vmem>>, vector<16xf32>,
        %mul3A_531 = arith.mulf %get3A_530, %gather3A : vector<16xf32>
        %swap3A_532 = arith.index_cast %mul3A_432 : i32 to index
        %swap3A_533 = arith.constant 80 : index
        %swap3A_534 = tpu.vector_load %arg11[%swap3A_532, %swap3A_533] {strides = array<i32>} : memref<50x144xf32, #tpu.memory_space<vmem>>, vector<16xf32>,
        tpu.vector_store %arg11[%swap3A_532, %swap3A_533], %mul3A_531 {strides = array<i32>} : memref<50x144xf32, #tpu.memory_space<vmem>>, vector<16xf32>,
        %add3A_535 = arith.constant 1 : i32
        %add3A_536 = arith.addi %mul3A_432, %add3A_535 : i32
        %get3A_537 = arith.index_cast %add3A_536 : i32 to index
        %get3A_538 = arith.constant 80 : index
        %get3A_539 = tpu.vector_load %arg11[%get3A_537, %get3A_538] {strides = array<i32>} : memref<50x144xf32, #tpu.memory_space<vmem>>, vector<16xf32>,
        %mul3A_540 = arith.mulf %get3A_539, %gather3A_439 : vector<16xf32>
        %add3A_541 = arith.constant 1 : i32
        %add3A_542 = arith.addi %mul3A_432, %add3A_541 : i32
        %swap3A_543 = arith.index_cast %add3A_542 : i32 to index
        %swap3A_544 = arith.constant 80 : index
        %swap3A_545 = tpu.vector_load %arg11[%swap3A_543, %swap3A_544] {strides = array<i32>} : memref<50x144xf32, #tpu.memory_space<vmem>>, vector<16xf32>,
        tpu.vector_store %arg11[%swap3A_543, %swap3A_544], %mul3A_540 {strides = array<i32>} : memref<50x144xf32, #tpu.memory_space<vmem>>, vector<16xf32>,
        %get3A_546 = arith.index_cast %mul3A_432 : i32 to index
        %get3A_547 = arith.constant 96 : index
        %get3A_548 = tpu.vector_load %arg11[%get3A_546, %get3A_547] {strides = array<i32>} : memref<50x144xf32, #tpu.memory_space<vmem>>, vector<16xf32>,
        %mul3A_549 = arith.mulf %get3A_548, %gather3A : vector<16xf32>
        %swap3A_550 = arith.index_cast %mul3A_432 : i32 to index
        %swap3A_551 = arith.constant 96 : index
        %swap3A_552 = tpu.vector_load %arg11[%swap3A_550, %swap3A_551] {strides = array<i32>} : memref<50x144xf32, #tpu.memory_space<vmem>>, vector<16xf32>,
        tpu.vector_store %arg11[%swap3A_550, %swap3A_551], %mul3A_549 {strides = array<i32>} : memref<50x144xf32, #tpu.memory_space<vmem>>, vector<16xf32>,
        %add3A_553 = arith.constant 1 : i32
        %add3A_554 = arith.addi %mul3A_432, %add3A_553 : i32
        %get3A_555 = arith.index_cast %add3A_554 : i32 to index
        %get3A_556 = arith.constant 96 : index
        %get3A_557 = tpu.vector_load %arg11[%get3A_555, %get3A_556] {strides = array<i32>} : memref<50x144xf32, #tpu.memory_space<vmem>>, vector<16xf32>,
        %mul3A_558 = arith.mulf %get3A_557, %gather3A_439 : vector<16xf32>
        %add3A_559 = arith.constant 1 : i32
        %add3A_560 = arith.addi %mul3A_432, %add3A_559 : i32
        %swap3A_561 = arith.index_cast %add3A_560 : i32 to index
        %swap3A_562 = arith.constant 96 : index
        %swap3A_563 = tpu.vector_load %arg11[%swap3A_561, %swap3A_562] {strides = array<i32>} : memref<50x144xf32, #tpu.memory_space<vmem>>, vector<16xf32>,
        tpu.vector_store %arg11[%swap3A_561, %swap3A_562], %mul3A_558 {strides = array<i32>} : memref<50x144xf32, #tpu.memory_space<vmem>>, vector<16xf32>,
        %get3A_564 = arith.index_cast %mul3A_432 : i32 to index
        %get3A_565 = arith.constant 112 : index
        %get3A_566 = tpu.vector_load %arg11[%get3A_564, %get3A_565] {strides = array<i32>} : memref<50x144xf32, #tpu.memory_space<vmem>>, vector<16xf32>,
        %mul3A_567 = arith.mulf %get3A_566, %gather3A : vector<16xf32>
        %swap3A_568 = arith.index_cast %mul3A_432 : i32 to index
        %swap3A_569 = arith.constant 112 : index
        %swap3A_570 = tpu.vector_load %arg11[%swap3A_568, %swap3A_569] {strides = array<i32>} : memref<50x144xf32, #tpu.memory_space<vmem>>, vector<16xf32>,
        tpu.vector_store %arg11[%swap3A_568, %swap3A_569], %mul3A_567 {strides = array<i32>} : memref<50x144xf32, #tpu.memory_space<vmem>>, vector<16xf32>,
        %add3A_571 = arith.constant 1 : i32
        %add3A_572 = arith.addi %mul3A_432, %add3A_571 : i32
        %get3A_573 = arith.index_cast %add3A_572 : i32 to index
        %get3A_574 = arith.constant 112 : index
        %get3A_575 = tpu.vector_load %arg11[%get3A_573, %get3A_574] {strides = array<i32>} : memref<50x144xf32, #tpu.memory_space<vmem>>, vector<16xf32>,
        %mul3A_576 = arith.mulf %get3A_575, %gather3A_439 : vector<16xf32>
        %add3A_577 = arith.constant 1 : i32
        %add3A_578 = arith.addi %mul3A_432, %add3A_577 : i32
        %swap3A_579 = arith.index_cast %add3A_578 : i32 to index
        %swap3A_580 = arith.constant 112 : index
        %swap3A_581 = tpu.vector_load %arg11[%swap3A_579, %swap3A_580] {strides = array<i32>} : memref<50x144xf32, #tpu.memory_space<vmem>>, vector<16xf32>,
        tpu.vector_store %arg11[%swap3A_579, %swap3A_580], %mul3A_576 {strides = array<i32>} : memref<50x144xf32, #tpu.memory_space<vmem>>, vector<16xf32>,
        %get3A_582 = arith.index_cast %mul3A_432 : i32 to index
        %get3A_583 = arith.constant 128 : index
        %get3A_584 = tpu.vector_load %arg11[%get3A_582, %get3A_583] {strides = array<i32>} : memref<50x144xf32, #tpu.memory_space<vmem>>, vector<16xf32>,
        %mul3A_585 = arith.mulf %get3A_584, %gather3A : vector<16xf32>
        %swap3A_586 = arith.index_cast %mul3A_432 : i32 to index
        %swap3A_587 = arith.constant 128 : index
        %swap3A_588 = tpu.vector_load %arg11[%swap3A_586, %swap3A_587] {strides = array<i32>} : memref<50x144xf32, #tpu.memory_space<vmem>>, vector<16xf32>,
        tpu.vector_store %arg11[%swap3A_586, %swap3A_587], %mul3A_585 {strides = array<i32>} : memref<50x144xf32, #tpu.memory_space<vmem>>, vector<16xf32>,
        %add3A_589 = arith.constant 1 : i32
        %add3A_590 = arith.addi %mul3A_432, %add3A_589 : i32
        %get3A_591 = arith.index_cast %add3A_590 : i32 to index
        %get3A_592 = arith.constant 128 : index
        %get3A_593 = tpu.vector_load %arg11[%get3A_591, %get3A_592] {strides = array<i32>} : memref<50x144xf32, #tpu.memory_space<vmem>>, vector<16xf32>,
        %mul3A_594 = arith.mulf %get3A_593, %gather3A_439 : vector<16xf32>
        %add3A_595 = arith.constant 1 : i32
        %add3A_596 = arith.addi %mul3A_432, %add3A_595 : i32
        %swap3A_597 = arith.index_cast %add3A_596 : i32 to index
        %swap3A_598 = arith.constant 128 : index
        %swap3A_599 = tpu.vector_load %arg11[%swap3A_597, %swap3A_598] {strides = array<i32>} : memref<50x144xf32, #tpu.memory_space<vmem>>, vector<16xf32>,
        tpu.vector_store %arg11[%swap3A_597, %swap3A_598], %mul3A_594 {strides = array<i32>} : memref<50x144xf32, #tpu.memory_space<vmem>>, vector<16xf32>,
        %scan3A_600 = arith.constant 0 : i32
        scf.yield %scan3A_600 : i32
      }
      %scan3A_145 = arith.constant 25 : i32
      %dma_start3A_146 = arith.constant 0 : i32
      %dma_start3A_147 = tpu.memref_slice %arg8[%add3A_118, %dma_start3A_146] : memref<200x50xi32, #tpu.memory_space<vmem>> -> memref<1x50xi32, #tpu.memory_space<vmem>>
      %dma_start3A_148 = tpu.memref_squeeze %dma_start3A_147 : memref<1x50xi32, #tpu.memory_space<vmem>> -> memref<50xi32, #tpu.memory_space<vmem>>
      %dma_start3A_149 = arith.constant 0 : i32
      %dma_start3A_150 = arith.constant 0 : i32
      %dma_start3A_151 = tpu.memref_slice %arg13[%dma_start3A_149, %dma_start3A_150] : memref<10112x144xf32, #tpu.memory_space<vmem_shared>> -> memref<10112x144xf32, #tpu.memory_space<vmem_shared>>
      tpu.enqueue_indirect_dma source(%arg11 : memref<50x144xf32, #tpu.memory_space<vmem>>) target(%dma_start3A_151 : memref<10112x144xf32, #tpu.memory_space<vmem_shared>>) offsets(%dma_start3A_148 : memref<50xi32, #tpu.memory_space<vmem>>) semaphore(%arg16 : memref<!tpu.dma_semaphore, #tpu.memory_space<semaphore_mem>>) {add = true}
      %mul3A_152 = arith.constant 8 : i32
      %mul3A_153 = arith.muli %scan3A_76, %mul3A_152 : i32
      %add3A_154 = arith.constant 1 : i32
      %add3A_155 = arith.addi %mul3A_153, %add3A_154 : i32
      %dma_wait3A_156 = arith.constant 0 : i32
      %dma_wait3A_157 = arith.constant 0 : i32
      %dma_wait3A_158 = tpu.memref_slice %arg2[%dma_wait3A_156, %dma_wait3A_157] : memref<10000x144xf32, #tpu.memory_space<hbm>> -> memref<50x144xf32, #tpu.memory_space<hbm>>
      %dma_wait3A_159 = arith.constant 0 : i32
      %dma_wait3A_160 = arith.constant 0 : i32
      %dma_wait3A_161 = tpu.memref_slice %arg2[%dma_wait3A_159, %dma_wait3A_160] : memref<10000x144xf32, #tpu.memory_space<hbm>> -> memref<50x144xf32, #tpu.memory_space<hbm>>
      tpu.wait_dma2 semaphore(%arg15 : memref<!tpu.dma_semaphore, #tpu.memory_space<semaphore_mem>>) src(%dma_wait3A_161 : memref<50x144xf32, #tpu.memory_space<hbm>>) dst(%arg12 : memref<50x144xf32, #tpu.memory_space<vmem>>)
      %dma_wait3A_162 = arith.constant 0 : i32
      %dma_wait3A_163 = arith.constant 0 : i32
      %dma_wait3A_164 = tpu.memref_slice %arg13[%dma_wait3A_162, %dma_wait3A_163] : memref<10112x144xf32, #tpu.memory_space<vmem_shared>> -> memref<50x144xf32, #tpu.memory_space<vmem_shared>>
      %dma_wait3A_165 = arith.constant 0 : i32
      %dma_wait3A_166 = arith.constant 0 : i32
      %dma_wait3A_167 = tpu.memref_slice %arg13[%dma_wait3A_165, %dma_wait3A_166] : memref<10112x144xf32, #tpu.memory_space<vmem_shared>> -> memref<50x144xf32, #tpu.memory_space<vmem_shared>>
      tpu.wait_dma2 semaphore(%arg16 : memref<!tpu.dma_semaphore, #tpu.memory_space<semaphore_mem>>) src(%arg11 : memref<50x144xf32, #tpu.memory_space<vmem>>) dst(%dma_wait3A_167 : memref<50x144xf32, #tpu.memory_space<vmem_shared>>)
      %add3A_168 = arith.constant 1 : i32
      %add3A_169 = arith.addi %add3A_155, %add3A_168 : i32
      %dma_start3A_170 = arith.constant 0 : i32
      %dma_start3A_171 = tpu.memref_slice %arg9[%add3A_169, %dma_start3A_170] : memref<200x50xi32, #tpu.memory_space<vmem>> -> memref<1x50xi32, #tpu.memory_space<vmem>>
      %dma_start3A_172 = tpu.memref_squeeze %dma_start3A_171 : memref<1x50xi32, #tpu.memory_space<vmem>> -> memref<50xi32, #tpu.memory_space<vmem>>
      %dma_start3A_173 = arith.constant 0 : i32
      %dma_start3A_174 = arith.constant 0 : i32
      %dma_start3A_175 = tpu.memref_slice %arg2[%dma_start3A_173, %dma_start3A_174] : memref<10000x144xf32, #tpu.memory_space<hbm>> -> memref<10000x144xf32, #tpu.memory_space<hbm>>
      tpu.enqueue_indirect_dma source(%dma_start3A_175 : memref<10000x144xf32, #tpu.memory_space<hbm>>) target(%arg11 : memref<50x144xf32, #tpu.memory_space<vmem>>) offsets(%dma_start3A_172 : memref<50xi32, #tpu.memory_space<vmem>>) semaphore(%arg14 : memref<!tpu.dma_semaphore, #tpu.memory_space<semaphore_mem>>)
      %add3A_176 = arith.constant 50 : i32
      %add3A_177 = arith.addi %mul3A_114, %add3A_176 : i32
      %broadcast_in_dim3A_178 = vector.broadcast %add3A_177 : i32 to vector<16xi32>
      %scan3A_179 = arith.constant 0 : i32
      %scan3A_180 = arith.constant 0 : i32
      %scan3A_181 = arith.constant 25 : i32
      %scan3A_182 = arith.addi %scan3A_180, %scan3A_181 : i32
      %scan3A_183 = arith.constant 1 : i32
      %scan3A_184 = scf.for %scan3A_429 = %scan3A_180 to %scan3A_182 step %scan3A_183 iter_args(%scan3A_430 = %scan3A_179) -> (i32)  : i32 {
        %mul3A_431 = arith.constant 2 : i32
        %mul3A_432 = arith.muli %scan3A_429, %mul3A_431 : i32
        %add3A_433 = vector.broadcast %mul3A_432 : i32 to vector<16xi32>
        %add3A_434 = arith.addi %broadcast_in_dim3A_178, %add3A_433 : vector<16xi32>
        %gather3A = tpu.vector_load_idx %arg10[%add3A_434] : memref<800xf32, #tpu.memory_space<vmem>>[vector<16xi32>], vector<16xf32>,
        %add3A_435 = arith.constant 1 : i32
        %add3A_436 = arith.addi %mul3A_432, %add3A_435 : i32
        %add3A_437 = vector.broadcast %add3A_436 : i32 to vector<16xi32>
        %add3A_438 = arith.addi %broadcast_in_dim3A_178, %add3A_437 : vector<16xi32>
        %gather3A_439 = tpu.vector_load_idx %arg10[%add3A_438] : memref<800xf32, #tpu.memory_space<vmem>>[vector<16xi32>], vector<16xf32>,
        %get3A = arith.index_cast %mul3A_432 : i32 to index
        %get3A_440 = arith.constant 0 : index
        %get3A_441 = tpu.vector_load %arg12[%get3A, %get3A_440] {strides = array<i32>} : memref<50x144xf32, #tpu.memory_space<vmem>>, vector<16xf32>,
        %mul3A_442 = arith.mulf %get3A_441, %gather3A : vector<16xf32>
        %swap3A = arith.index_cast %mul3A_432 : i32 to index
        %swap3A_443 = arith.constant 0 : index
        %swap3A_444 = tpu.vector_load %arg12[%swap3A, %swap3A_443] {strides = array<i32>} : memref<50x144xf32, #tpu.memory_space<vmem>>, vector<16xf32>,
        tpu.vector_store %arg12[%swap3A, %swap3A_443], %mul3A_442 {strides = array<i32>} : memref<50x144xf32, #tpu.memory_space<vmem>>, vector<16xf32>,
        %add3A_445 = arith.constant 1 : i32
        %add3A_446 = arith.addi %mul3A_432, %add3A_445 : i32
        %get3A_447 = arith.index_cast %add3A_446 : i32 to index
        %get3A_448 = arith.constant 0 : index
        %get3A_449 = tpu.vector_load %arg12[%get3A_447, %get3A_448] {strides = array<i32>} : memref<50x144xf32, #tpu.memory_space<vmem>>, vector<16xf32>,
        %mul3A_450 = arith.mulf %get3A_449, %gather3A_439 : vector<16xf32>
        %add3A_451 = arith.constant 1 : i32
        %add3A_452 = arith.addi %mul3A_432, %add3A_451 : i32
        %swap3A_453 = arith.index_cast %add3A_452 : i32 to index
        %swap3A_454 = arith.constant 0 : index
        %swap3A_455 = tpu.vector_load %arg12[%swap3A_453, %swap3A_454] {strides = array<i32>} : memref<50x144xf32, #tpu.memory_space<vmem>>, vector<16xf32>,
        tpu.vector_store %arg12[%swap3A_453, %swap3A_454], %mul3A_450 {strides = array<i32>} : memref<50x144xf32, #tpu.memory_space<vmem>>, vector<16xf32>,
        %get3A_456 = arith.index_cast %mul3A_432 : i32 to index
        %get3A_457 = arith.constant 16 : index
        %get3A_458 = tpu.vector_load %arg12[%get3A_456, %get3A_457] {strides = array<i32>} : memref<50x144xf32, #tpu.memory_space<vmem>>, vector<16xf32>,
        %mul3A_459 = arith.mulf %get3A_458, %gather3A : vector<16xf32>
        %swap3A_460 = arith.index_cast %mul3A_432 : i32 to index
        %swap3A_461 = arith.constant 16 : index
        %swap3A_462 = tpu.vector_load %arg12[%swap3A_460, %swap3A_461] {strides = array<i32>} : memref<50x144xf32, #tpu.memory_space<vmem>>, vector<16xf32>,
        tpu.vector_store %arg12[%swap3A_460, %swap3A_461], %mul3A_459 {strides = array<i32>} : memref<50x144xf32, #tpu.memory_space<vmem>>, vector<16xf32>,
        %add3A_463 = arith.constant 1 : i32
        %add3A_464 = arith.addi %mul3A_432, %add3A_463 : i32
        %get3A_465 = arith.index_cast %add3A_464 : i32 to index
        %get3A_466 = arith.constant 16 : index
        %get3A_467 = tpu.vector_load %arg12[%get3A_465, %get3A_466] {strides = array<i32>} : memref<50x144xf32, #tpu.memory_space<vmem>>, vector<16xf32>,
        %mul3A_468 = arith.mulf %get3A_467, %gather3A_439 : vector<16xf32>
        %add3A_469 = arith.constant 1 : i32
        %add3A_470 = arith.addi %mul3A_432, %add3A_469 : i32
        %swap3A_471 = arith.index_cast %add3A_470 : i32 to index
        %swap3A_472 = arith.constant 16 : index
        %swap3A_473 = tpu.vector_load %arg12[%swap3A_471, %swap3A_472] {strides = array<i32>} : memref<50x144xf32, #tpu.memory_space<vmem>>, vector<16xf32>,
        tpu.vector_store %arg12[%swap3A_471, %swap3A_472], %mul3A_468 {strides = array<i32>} : memref<50x144xf32, #tpu.memory_space<vmem>>, vector<16xf32>,
        %get3A_474 = arith.index_cast %mul3A_432 : i32 to index
        %get3A_475 = arith.constant 32 : index
        %get3A_476 = tpu.vector_load %arg12[%get3A_474, %get3A_475] {strides = array<i32>} : memref<50x144xf32, #tpu.memory_space<vmem>>, vector<16xf32>,
        %mul3A_477 = arith.mulf %get3A_476, %gather3A : vector<16xf32>
        %swap3A_478 = arith.index_cast %mul3A_432 : i32 to index
        %swap3A_479 = arith.constant 32 : index
        %swap3A_480 = tpu.vector_load %arg12[%swap3A_478, %swap3A_479] {strides = array<i32>} : memref<50x144xf32, #tpu.memory_space<vmem>>, vector<16xf32>,
        tpu.vector_store %arg12[%swap3A_478, %swap3A_479], %mul3A_477 {strides = array<i32>} : memref<50x144xf32, #tpu.memory_space<vmem>>, vector<16xf32>,
        %add3A_481 = arith.constant 1 : i32
        %add3A_482 = arith.addi %mul3A_432, %add3A_481 : i32
        %get3A_483 = arith.index_cast %add3A_482 : i32 to index
        %get3A_484 = arith.constant 32 : index
        %get3A_485 = tpu.vector_load %arg12[%get3A_483, %get3A_484] {strides = array<i32>} : memref<50x144xf32, #tpu.memory_space<vmem>>, vector<16xf32>,
        %mul3A_486 = arith.mulf %get3A_485, %gather3A_439 : vector<16xf32>
        %add3A_487 = arith.constant 1 : i32
        %add3A_488 = arith.addi %mul3A_432, %add3A_487 : i32
        %swap3A_489 = arith.index_cast %add3A_488 : i32 to index
        %swap3A_490 = arith.constant 32 : index
        %swap3A_491 = tpu.vector_load %arg12[%swap3A_489, %swap3A_490] {strides = array<i32>} : memref<50x144xf32, #tpu.memory_space<vmem>>, vector<16xf32>,
        tpu.vector_store %arg12[%swap3A_489, %swap3A_490], %mul3A_486 {strides = array<i32>} : memref<50x144xf32, #tpu.memory_space<vmem>>, vector<16xf32>,
        %get3A_492 = arith.index_cast %mul3A_432 : i32 to index
        %get3A_493 = arith.constant 48 : index
        %get3A_494 = tpu.vector_load %arg12[%get3A_492, %get3A_493] {strides = array<i32>} : memref<50x144xf32, #tpu.memory_space<vmem>>, vector<16xf32>,
        %mul3A_495 = arith.mulf %get3A_494, %gather3A : vector<16xf32>
        %swap3A_496 = arith.index_cast %mul3A_432 : i32 to index
        %swap3A_497 = arith.constant 48 : index
        %swap3A_498 = tpu.vector_load %arg12[%swap3A_496, %swap3A_497] {strides = array<i32>} : memref<50x144xf32, #tpu.memory_space<vmem>>, vector<16xf32>,
        tpu.vector_store %arg12[%swap3A_496, %swap3A_497], %mul3A_495 {strides = array<i32>} : memref<50x144xf32, #tpu.memory_space<vmem>>, vector<16xf32>,
        %add3A_499 = arith.constant 1 : i32
        %add3A_500 = arith.addi %mul3A_432, %add3A_499 : i32
        %get3A_501 = arith.index_cast %add3A_500 : i32 to index
        %get3A_502 = arith.constant 48 : index
        %get3A_503 = tpu.vector_load %arg12[%get3A_501, %get3A_502] {strides = array<i32>} : memref<50x144xf32, #tpu.memory_space<vmem>>, vector<16xf32>,
        %mul3A_504 = arith.mulf %get3A_503, %gather3A_439 : vector<16xf32>
        %add3A_505 = arith.constant 1 : i32
        %add3A_506 = arith.addi %mul3A_432, %add3A_505 : i32
        %swap3A_507 = arith.index_cast %add3A_506 : i32 to index
        %swap3A_508 = arith.constant 48 : index
        %swap3A_509 = tpu.vector_load %arg12[%swap3A_507, %swap3A_508] {strides = array<i32>} : memref<50x144xf32, #tpu.memory_space<vmem>>, vector<16xf32>,
        tpu.vector_store %arg12[%swap3A_507, %swap3A_508], %mul3A_504 {strides = array<i32>} : memref<50x144xf32, #tpu.memory_space<vmem>>, vector<16xf32>,
        %get3A_510 = arith.index_cast %mul3A_432 : i32 to index
        %get3A_511 = arith.constant 64 : index
        %get3A_512 = tpu.vector_load %arg12[%get3A_510, %get3A_511] {strides = array<i32>} : memref<50x144xf32, #tpu.memory_space<vmem>>, vector<16xf32>,
        %mul3A_513 = arith.mulf %get3A_512, %gather3A : vector<16xf32>
        %swap3A_514 = arith.index_cast %mul3A_432 : i32 to index
        %swap3A_515 = arith.constant 64 : index
        %swap3A_516 = tpu.vector_load %arg12[%swap3A_514, %swap3A_515] {strides = array<i32>} : memref<50x144xf32, #tpu.memory_space<vmem>>, vector<16xf32>,
        tpu.vector_store %arg12[%swap3A_514, %swap3A_515], %mul3A_513 {strides = array<i32>} : memref<50x144xf32, #tpu.memory_space<vmem>>, vector<16xf32>,
        %add3A_517 = arith.constant 1 : i32
        %add3A_518 = arith.addi %mul3A_432, %add3A_517 : i32
        %get3A_519 = arith.index_cast %add3A_518 : i32 to index
        %get3A_520 = arith.constant 64 : index
        %get3A_521 = tpu.vector_load %arg12[%get3A_519, %get3A_520] {strides = array<i32>} : memref<50x144xf32, #tpu.memory_space<vmem>>, vector<16xf32>,
        %mul3A_522 = arith.mulf %get3A_521, %gather3A_439 : vector<16xf32>
        %add3A_523 = arith.constant 1 : i32
        %add3A_524 = arith.addi %mul3A_432, %add3A_523 : i32
        %swap3A_525 = arith.index_cast %add3A_524 : i32 to index
        %swap3A_526 = arith.constant 64 : index
        %swap3A_527 = tpu.vector_load %arg12[%swap3A_525, %swap3A_526] {strides = array<i32>} : memref<50x144xf32, #tpu.memory_space<vmem>>, vector<16xf32>,
        tpu.vector_store %arg12[%swap3A_525, %swap3A_526], %mul3A_522 {strides = array<i32>} : memref<50x144xf32, #tpu.memory_space<vmem>>, vector<16xf32>,
        %get3A_528 = arith.index_cast %mul3A_432 : i32 to index
        %get3A_529 = arith.constant 80 : index
        %get3A_530 = tpu.vector_load %arg12[%get3A_528, %get3A_529] {strides = array<i32>} : memref<50x144xf32, #tpu.memory_space<vmem>>, vector<16xf32>,
        %mul3A_531 = arith.mulf %get3A_530, %gather3A : vector<16xf32>
        %swap3A_532 = arith.index_cast %mul3A_432 : i32 to index
        %swap3A_533 = arith.constant 80 : index
        %swap3A_534 = tpu.vector_load %arg12[%swap3A_532, %swap3A_533] {strides = array<i32>} : memref<50x144xf32, #tpu.memory_space<vmem>>, vector<16xf32>,
        tpu.vector_store %arg12[%swap3A_532, %swap3A_533], %mul3A_531 {strides = array<i32>} : memref<50x144xf32, #tpu.memory_space<vmem>>, vector<16xf32>,
        %add3A_535 = arith.constant 1 : i32
        %add3A_536 = arith.addi %mul3A_432, %add3A_535 : i32
        %get3A_537 = arith.index_cast %add3A_536 : i32 to index
        %get3A_538 = arith.constant 80 : index
        %get3A_539 = tpu.vector_load %arg12[%get3A_537, %get3A_538] {strides = array<i32>} : memref<50x144xf32, #tpu.memory_space<vmem>>, vector<16xf32>,
        %mul3A_540 = arith.mulf %get3A_539, %gather3A_439 : vector<16xf32>
        %add3A_541 = arith.constant 1 : i32
        %add3A_542 = arith.addi %mul3A_432, %add3A_541 : i32
        %swap3A_543 = arith.index_cast %add3A_542 : i32 to index
        %swap3A_544 = arith.constant 80 : index
        %swap3A_545 = tpu.vector_load %arg12[%swap3A_543, %swap3A_544] {strides = array<i32>} : memref<50x144xf32, #tpu.memory_space<vmem>>, vector<16xf32>,
        tpu.vector_store %arg12[%swap3A_543, %swap3A_544], %mul3A_540 {strides = array<i32>} : memref<50x144xf32, #tpu.memory_space<vmem>>, vector<16xf32>,
        %get3A_546 = arith.index_cast %mul3A_432 : i32 to index
        %get3A_547 = arith.constant 96 : index
        %get3A_548 = tpu.vector_load %arg12[%get3A_546, %get3A_547] {strides = array<i32>} : memref<50x144xf32, #tpu.memory_space<vmem>>, vector<16xf32>,
        %mul3A_549 = arith.mulf %get3A_548, %gather3A : vector<16xf32>
        %swap3A_550 = arith.index_cast %mul3A_432 : i32 to index
        %swap3A_551 = arith.constant 96 : index
        %swap3A_552 = tpu.vector_load %arg12[%swap3A_550, %swap3A_551] {strides = array<i32>} : memref<50x144xf32, #tpu.memory_space<vmem>>, vector<16xf32>,
        tpu.vector_store %arg12[%swap3A_550, %swap3A_551], %mul3A_549 {strides = array<i32>} : memref<50x144xf32, #tpu.memory_space<vmem>>, vector<16xf32>,
        %add3A_553 = arith.constant 1 : i32
        %add3A_554 = arith.addi %mul3A_432, %add3A_553 : i32
        %get3A_555 = arith.index_cast %add3A_554 : i32 to index
        %get3A_556 = arith.constant 96 : index
        %get3A_557 = tpu.vector_load %arg12[%get3A_555, %get3A_556] {strides = array<i32>} : memref<50x144xf32, #tpu.memory_space<vmem>>, vector<16xf32>,
        %mul3A_558 = arith.mulf %get3A_557, %gather3A_439 : vector<16xf32>
        %add3A_559 = arith.constant 1 : i32
        %add3A_560 = arith.addi %mul3A_432, %add3A_559 : i32
        %swap3A_561 = arith.index_cast %add3A_560 : i32 to index
        %swap3A_562 = arith.constant 96 : index
        %swap3A_563 = tpu.vector_load %arg12[%swap3A_561, %swap3A_562] {strides = array<i32>} : memref<50x144xf32, #tpu.memory_space<vmem>>, vector<16xf32>,
        tpu.vector_store %arg12[%swap3A_561, %swap3A_562], %mul3A_558 {strides = array<i32>} : memref<50x144xf32, #tpu.memory_space<vmem>>, vector<16xf32>,
        %get3A_564 = arith.index_cast %mul3A_432 : i32 to index
        %get3A_565 = arith.constant 112 : index
        %get3A_566 = tpu.vector_load %arg12[%get3A_564, %get3A_565] {strides = array<i32>} : memref<50x144xf32, #tpu.memory_space<vmem>>, vector<16xf32>,
        %mul3A_567 = arith.mulf %get3A_566, %gather3A : vector<16xf32>
        %swap3A_568 = arith.index_cast %mul3A_432 : i32 to index
        %swap3A_569 = arith.constant 112 : index
        %swap3A_570 = tpu.vector_load %arg12[%swap3A_568, %swap3A_569] {strides = array<i32>} : memref<50x144xf32, #tpu.memory_space<vmem>>, vector<16xf32>,
        tpu.vector_store %arg12[%swap3A_568, %swap3A_569], %mul3A_567 {strides = array<i32>} : memref<50x144xf32, #tpu.memory_space<vmem>>, vector<16xf32>,
        %add3A_571 = arith.constant 1 : i32
        %add3A_572 = arith.addi %mul3A_432, %add3A_571 : i32
        %get3A_573 = arith.index_cast %add3A_572 : i32 to index
        %get3A_574 = arith.constant 112 : index
        %get3A_575 = tpu.vector_load %arg12[%get3A_573, %get3A_574] {strides = array<i32>} : memref<50x144xf32, #tpu.memory_space<vmem>>, vector<16xf32>,
        %mul3A_576 = arith.mulf %get3A_575, %gather3A_439 : vector<16xf32>
        %add3A_577 = arith.constant 1 : i32
        %add3A_578 = arith.addi %mul3A_432, %add3A_577 : i32
        %swap3A_579 = arith.index_cast %add3A_578 : i32 to index
        %swap3A_580 = arith.constant 112 : index
        %swap3A_581 = tpu.vector_load %arg12[%swap3A_579, %swap3A_580] {strides = array<i32>} : memref<50x144xf32, #tpu.memory_space<vmem>>, vector<16xf32>,
        tpu.vector_store %arg12[%swap3A_579, %swap3A_580], %mul3A_576 {strides = array<i32>} : memref<50x144xf32, #tpu.memory_space<vmem>>, vector<16xf32>,
        %get3A_582 = arith.index_cast %mul3A_432 : i32 to index
        %get3A_583 = arith.constant 128 : index
        %get3A_584 = tpu.vector_load %arg12[%get3A_582, %get3A_583] {strides = array<i32>} : memref<50x144xf32, #tpu.memory_space<vmem>>, vector<16xf32>,
        %mul3A_585 = arith.mulf %get3A_584, %gather3A : vector<16xf32>
        %swap3A_586 = arith.index_cast %mul3A_432 : i32 to index
        %swap3A_587 = arith.constant 128 : index
        %swap3A_588 = tpu.vector_load %arg12[%swap3A_586, %swap3A_587] {strides = array<i32>} : memref<50x144xf32, #tpu.memory_space<vmem>>, vector<16xf32>,
        tpu.vector_store %arg12[%swap3A_586, %swap3A_587], %mul3A_585 {strides = array<i32>} : memref<50x144xf32, #tpu.memory_space<vmem>>, vector<16xf32>,
        %add3A_589 = arith.constant 1 : i32
        %add3A_590 = arith.addi %mul3A_432, %add3A_589 : i32
        %get3A_591 = arith.index_cast %add3A_590 : i32 to index
        %get3A_592 = arith.constant 128 : index
        %get3A_593 = tpu.vector_load %arg12[%get3A_591, %get3A_592] {strides = array<i32>} : memref<50x144xf32, #tpu.memory_space<vmem>>, vector<16xf32>,
        %mul3A_594 = arith.mulf %get3A_593, %gather3A_439 : vector<16xf32>
        %add3A_595 = arith.constant 1 : i32
        %add3A_596 = arith.addi %mul3A_432, %add3A_595 : i32
        %swap3A_597 = arith.index_cast %add3A_596 : i32 to index
        %swap3A_598 = arith.constant 128 : index
        %swap3A_599 = tpu.vector_load %arg12[%swap3A_597, %swap3A_598] {strides = array<i32>} : memref<50x144xf32, #tpu.memory_space<vmem>>, vector<16xf32>,
        tpu.vector_store %arg12[%swap3A_597, %swap3A_598], %mul3A_594 {strides = array<i32>} : memref<50x144xf32, #tpu.memory_space<vmem>>, vector<16xf32>,
        %scan3A_600 = arith.constant 0 : i32
        scf.yield %scan3A_600 : i32
      }
      %scan3A_185 = arith.constant 25 : i32
      %dma_start3A_186 = arith.constant 0 : i32
      %dma_start3A_187 = tpu.memref_slice %arg8[%add3A_155, %dma_start3A_186] : memref<200x50xi32, #tpu.memory_space<vmem>> -> memref<1x50xi32, #tpu.memory_space<vmem>>
      %dma_start3A_188 = tpu.memref_squeeze %dma_start3A_187 : memref<1x50xi32, #tpu.memory_space<vmem>> -> memref<50xi32, #tpu.memory_space<vmem>>
      %dma_start3A_189 = arith.constant 0 : i32
      %dma_start3A_190 = arith.constant 0 : i32
      %dma_start3A_191 = tpu.memref_slice %arg13[%dma_start3A_189, %dma_start3A_190] : memref<10112x144xf32, #tpu.memory_space<vmem_shared>> -> memref<10112x144xf32, #tpu.memory_space<vmem_shared>>
      tpu.enqueue_indirect_dma source(%arg12 : memref<50x144xf32, #tpu.memory_space<vmem>>) target(%dma_start3A_191 : memref<10112x144xf32, #tpu.memory_space<vmem_shared>>) offsets(%dma_start3A_188 : memref<50xi32, #tpu.memory_space<vmem>>) semaphore(%arg17 : memref<!tpu.dma_semaphore, #tpu.memory_space<semaphore_mem>>) {add = true}
      %mul3A_192 = arith.constant 8 : i32
      %mul3A_193 = arith.muli %scan3A_76, %mul3A_192 : i32
      %add3A_194 = arith.constant 2 : i32
      %add3A_195 = arith.addi %mul3A_193, %add3A_194 : i32
      %dma_wait3A_196 = arith.constant 0 : i32
      %dma_wait3A_197 = arith.constant 0 : i32
      %dma_wait3A_198 = tpu.memref_slice %arg2[%dma_wait3A_196, %dma_wait3A_197] : memref<10000x144xf32, #tpu.memory_space<hbm>> -> memref<50x144xf32, #tpu.memory_space<hbm>>
      %dma_wait3A_199 = arith.constant 0 : i32
      %dma_wait3A_200 = arith.constant 0 : i32
      %dma_wait3A_201 = tpu.memref_slice %arg2[%dma_wait3A_199, %dma_wait3A_200] : memref<10000x144xf32, #tpu.memory_space<hbm>> -> memref<50x144xf32, #tpu.memory_space<hbm>>
      tpu.wait_dma2 semaphore(%arg14 : memref<!tpu.dma_semaphore, #tpu.memory_space<semaphore_mem>>) src(%dma_wait3A_201 : memref<50x144xf32, #tpu.memory_space<hbm>>) dst(%arg11 : memref<50x144xf32, #tpu.memory_space<vmem>>)
      %dma_wait3A_202 = arith.constant 0 : i32
      %dma_wait3A_203 = arith.constant 0 : i32
      %dma_wait3A_204 = tpu.memref_slice %arg13[%dma_wait3A_202, %dma_wait3A_203] : memref<10112x144xf32, #tpu.memory_space<vmem_shared>> -> memref<50x144xf32, #tpu.memory_space<vmem_shared>>
      %dma_wait3A_205 = arith.constant 0 : i32
      %dma_wait3A_206 = arith.constant 0 : i32
      %dma_wait3A_207 = tpu.memref_slice %arg13[%dma_wait3A_205, %dma_wait3A_206] : memref<10112x144xf32, #tpu.memory_space<vmem_shared>> -> memref<50x144xf32, #tpu.memory_space<vmem_shared>>
      tpu.wait_dma2 semaphore(%arg17 : memref<!tpu.dma_semaphore, #tpu.memory_space<semaphore_mem>>) src(%arg12 : memref<50x144xf32, #tpu.memory_space<vmem>>) dst(%dma_wait3A_207 : memref<50x144xf32, #tpu.memory_space<vmem_shared>>)
      %add3A_208 = arith.constant 1 : i32
      %add3A_209 = arith.addi %add3A_195, %add3A_208 : i32
      %dma_start3A_210 = arith.constant 0 : i32
      %dma_start3A_211 = tpu.memref_slice %arg9[%add3A_209, %dma_start3A_210] : memref<200x50xi32, #tpu.memory_space<vmem>> -> memref<1x50xi32, #tpu.memory_space<vmem>>
      %dma_start3A_212 = tpu.memref_squeeze %dma_start3A_211 : memref<1x50xi32, #tpu.memory_space<vmem>> -> memref<50xi32, #tpu.memory_space<vmem>>
      %dma_start3A_213 = arith.constant 0 : i32
      %dma_start3A_214 = arith.constant 0 : i32
      %dma_start3A_215 = tpu.memref_slice %arg2[%dma_start3A_213, %dma_start3A_214] : memref<10000x144xf32, #tpu.memory_space<hbm>> -> memref<10000x144xf32, #tpu.memory_space<hbm>>
      tpu.enqueue_indirect_dma source(%dma_start3A_215 : memref<10000x144xf32, #tpu.memory_space<hbm>>) target(%arg12 : memref<50x144xf32, #tpu.memory_space<vmem>>) offsets(%dma_start3A_212 : memref<50xi32, #tpu.memory_space<vmem>>) semaphore(%arg15 : memref<!tpu.dma_semaphore, #tpu.memory_space<semaphore_mem>>)
      %add3A_216 = arith.constant 100 : i32
      %add3A_217 = arith.addi %mul3A_114, %add3A_216 : i32
      %broadcast_in_dim3A_218 = vector.broadcast %add3A_217 : i32 to vector<16xi32>
      %scan3A_219 = arith.constant 0 : i32
      %scan3A_220 = arith.constant 0 : i32
      %scan3A_221 = arith.constant 25 : i32
      %scan3A_222 = arith.addi %scan3A_220, %scan3A_221 : i32
      %scan3A_223 = arith.constant 1 : i32
      %scan3A_224 = scf.for %scan3A_429 = %scan3A_220 to %scan3A_222 step %scan3A_223 iter_args(%scan3A_430 = %scan3A_219) -> (i32)  : i32 {
        %mul3A_431 = arith.constant 2 : i32
        %mul3A_432 = arith.muli %scan3A_429, %mul3A_431 : i32
        %add3A_433 = vector.broadcast %mul3A_432 : i32 to vector<16xi32>
        %add3A_434 = arith.addi %broadcast_in_dim3A_218, %add3A_433 : vector<16xi32>
        %gather3A = tpu.vector_load_idx %arg10[%add3A_434] : memref<800xf32, #tpu.memory_space<vmem>>[vector<16xi32>], vector<16xf32>,
        %add3A_435 = arith.constant 1 : i32
        %add3A_436 = arith.addi %mul3A_432, %add3A_435 : i32
        %add3A_437 = vector.broadcast %add3A_436 : i32 to vector<16xi32>
        %add3A_438 = arith.addi %broadcast_in_dim3A_218, %add3A_437 : vector<16xi32>
        %gather3A_439 = tpu.vector_load_idx %arg10[%add3A_438] : memref<800xf32, #tpu.memory_space<vmem>>[vector<16xi32>], vector<16xf32>,
        %get3A = arith.index_cast %mul3A_432 : i32 to index
        %get3A_440 = arith.constant 0 : index
        %get3A_441 = tpu.vector_load %arg11[%get3A, %get3A_440] {strides = array<i32>} : memref<50x144xf32, #tpu.memory_space<vmem>>, vector<16xf32>,
        %mul3A_442 = arith.mulf %get3A_441, %gather3A : vector<16xf32>
        %swap3A = arith.index_cast %mul3A_432 : i32 to index
        %swap3A_443 = arith.constant 0 : index
        %swap3A_444 = tpu.vector_load %arg11[%swap3A, %swap3A_443] {strides = array<i32>} : memref<50x144xf32, #tpu.memory_space<vmem>>, vector<16xf32>,
        tpu.vector_store %arg11[%swap3A, %swap3A_443], %mul3A_442 {strides = array<i32>} : memref<50x144xf32, #tpu.memory_space<vmem>>, vector<16xf32>,
        %add3A_445 = arith.constant 1 : i32
        %add3A_446 = arith.addi %mul3A_432, %add3A_445 : i32
        %get3A_447 = arith.index_cast %add3A_446 : i32 to index
        %get3A_448 = arith.constant 0 : index
        %get3A_449 = tpu.vector_load %arg11[%get3A_447, %get3A_448] {strides = array<i32>} : memref<50x144xf32, #tpu.memory_space<vmem>>, vector<16xf32>,
        %mul3A_450 = arith.mulf %get3A_449, %gather3A_439 : vector<16xf32>
        %add3A_451 = arith.constant 1 : i32
        %add3A_452 = arith.addi %mul3A_432, %add3A_451 : i32
        %swap3A_453 = arith.index_cast %add3A_452 : i32 to index
        %swap3A_454 = arith.constant 0 : index
        %swap3A_455 = tpu.vector_load %arg11[%swap3A_453, %swap3A_454] {strides = array<i32>} : memref<50x144xf32, #tpu.memory_space<vmem>>, vector<16xf32>,
        tpu.vector_store %arg11[%swap3A_453, %swap3A_454], %mul3A_450 {strides = array<i32>} : memref<50x144xf32, #tpu.memory_space<vmem>>, vector<16xf32>,
        %get3A_456 = arith.index_cast %mul3A_432 : i32 to index
        %get3A_457 = arith.constant 16 : index
        %get3A_458 = tpu.vector_load %arg11[%get3A_456, %get3A_457] {strides = array<i32>} : memref<50x144xf32, #tpu.memory_space<vmem>>, vector<16xf32>,
        %mul3A_459 = arith.mulf %get3A_458, %gather3A : vector<16xf32>
        %swap3A_460 = arith.index_cast %mul3A_432 : i32 to index
        %swap3A_461 = arith.constant 16 : index
        %swap3A_462 = tpu.vector_load %arg11[%swap3A_460, %swap3A_461] {strides = array<i32>} : memref<50x144xf32, #tpu.memory_space<vmem>>, vector<16xf32>,
        tpu.vector_store %arg11[%swap3A_460, %swap3A_461], %mul3A_459 {strides = array<i32>} : memref<50x144xf32, #tpu.memory_space<vmem>>, vector<16xf32>,
        %add3A_463 = arith.constant 1 : i32
        %add3A_464 = arith.addi %mul3A_432, %add3A_463 : i32
        %get3A_465 = arith.index_cast %add3A_464 : i32 to index
        %get3A_466 = arith.constant 16 : index
        %get3A_467 = tpu.vector_load %arg11[%get3A_465, %get3A_466] {strides = array<i32>} : memref<50x144xf32, #tpu.memory_space<vmem>>, vector<16xf32>,
        %mul3A_468 = arith.mulf %get3A_467, %gather3A_439 : vector<16xf32>
        %add3A_469 = arith.constant 1 : i32
        %add3A_470 = arith.addi %mul3A_432, %add3A_469 : i32
        %swap3A_471 = arith.index_cast %add3A_470 : i32 to index
        %swap3A_472 = arith.constant 16 : index
        %swap3A_473 = tpu.vector_load %arg11[%swap3A_471, %swap3A_472] {strides = array<i32>} : memref<50x144xf32, #tpu.memory_space<vmem>>, vector<16xf32>,
        tpu.vector_store %arg11[%swap3A_471, %swap3A_472], %mul3A_468 {strides = array<i32>} : memref<50x144xf32, #tpu.memory_space<vmem>>, vector<16xf32>,
        %get3A_474 = arith.index_cast %mul3A_432 : i32 to index
        %get3A_475 = arith.constant 32 : index
        %get3A_476 = tpu.vector_load %arg11[%get3A_474, %get3A_475] {strides = array<i32>} : memref<50x144xf32, #tpu.memory_space<vmem>>, vector<16xf32>,
        %mul3A_477 = arith.mulf %get3A_476, %gather3A : vector<16xf32>
        %swap3A_478 = arith.index_cast %mul3A_432 : i32 to index
        %swap3A_479 = arith.constant 32 : index
        %swap3A_480 = tpu.vector_load %arg11[%swap3A_478, %swap3A_479] {strides = array<i32>} : memref<50x144xf32, #tpu.memory_space<vmem>>, vector<16xf32>,
        tpu.vector_store %arg11[%swap3A_478, %swap3A_479], %mul3A_477 {strides = array<i32>} : memref<50x144xf32, #tpu.memory_space<vmem>>, vector<16xf32>,
        %add3A_481 = arith.constant 1 : i32
        %add3A_482 = arith.addi %mul3A_432, %add3A_481 : i32
        %get3A_483 = arith.index_cast %add3A_482 : i32 to index
        %get3A_484 = arith.constant 32 : index
        %get3A_485 = tpu.vector_load %arg11[%get3A_483, %get3A_484] {strides = array<i32>} : memref<50x144xf32, #tpu.memory_space<vmem>>, vector<16xf32>,
        %mul3A_486 = arith.mulf %get3A_485, %gather3A_439 : vector<16xf32>
        %add3A_487 = arith.constant 1 : i32
        %add3A_488 = arith.addi %mul3A_432, %add3A_487 : i32
        %swap3A_489 = arith.index_cast %add3A_488 : i32 to index
        %swap3A_490 = arith.constant 32 : index
        %swap3A_491 = tpu.vector_load %arg11[%swap3A_489, %swap3A_490] {strides = array<i32>} : memref<50x144xf32, #tpu.memory_space<vmem>>, vector<16xf32>,
        tpu.vector_store %arg11[%swap3A_489, %swap3A_490], %mul3A_486 {strides = array<i32>} : memref<50x144xf32, #tpu.memory_space<vmem>>, vector<16xf32>,
        %get3A_492 = arith.index_cast %mul3A_432 : i32 to index
        %get3A_493 = arith.constant 48 : index
        %get3A_494 = tpu.vector_load %arg11[%get3A_492, %get3A_493] {strides = array<i32>} : memref<50x144xf32, #tpu.memory_space<vmem>>, vector<16xf32>,
        %mul3A_495 = arith.mulf %get3A_494, %gather3A : vector<16xf32>
        %swap3A_496 = arith.index_cast %mul3A_432 : i32 to index
        %swap3A_497 = arith.constant 48 : index
        %swap3A_498 = tpu.vector_load %arg11[%swap3A_496, %swap3A_497] {strides = array<i32>} : memref<50x144xf32, #tpu.memory_space<vmem>>, vector<16xf32>,
        tpu.vector_store %arg11[%swap3A_496, %swap3A_497], %mul3A_495 {strides = array<i32>} : memref<50x144xf32, #tpu.memory_space<vmem>>, vector<16xf32>,
        %add3A_499 = arith.constant 1 : i32
        %add3A_500 = arith.addi %mul3A_432, %add3A_499 : i32
        %get3A_501 = arith.index_cast %add3A_500 : i32 to index
        %get3A_502 = arith.constant 48 : index
        %get3A_503 = tpu.vector_load %arg11[%get3A_501, %get3A_502] {strides = array<i32>} : memref<50x144xf32, #tpu.memory_space<vmem>>, vector<16xf32>,
        %mul3A_504 = arith.mulf %get3A_503, %gather3A_439 : vector<16xf32>
        %add3A_505 = arith.constant 1 : i32
        %add3A_506 = arith.addi %mul3A_432, %add3A_505 : i32
        %swap3A_507 = arith.index_cast %add3A_506 : i32 to index
        %swap3A_508 = arith.constant 48 : index
        %swap3A_509 = tpu.vector_load %arg11[%swap3A_507, %swap3A_508] {strides = array<i32>} : memref<50x144xf32, #tpu.memory_space<vmem>>, vector<16xf32>,
        tpu.vector_store %arg11[%swap3A_507, %swap3A_508], %mul3A_504 {strides = array<i32>} : memref<50x144xf32, #tpu.memory_space<vmem>>, vector<16xf32>,
        %get3A_510 = arith.index_cast %mul3A_432 : i32 to index
        %get3A_511 = arith.constant 64 : index
        %get3A_512 = tpu.vector_load %arg11[%get3A_510, %get3A_511] {strides = array<i32>} : memref<50x144xf32, #tpu.memory_space<vmem>>, vector<16xf32>,
        %mul3A_513 = arith.mulf %get3A_512, %gather3A : vector<16xf32>
        %swap3A_514 = arith.index_cast %mul3A_432 : i32 to index
        %swap3A_515 = arith.constant 64 : index
        %swap3A_516 = tpu.vector_load %arg11[%swap3A_514, %swap3A_515] {strides = array<i32>} : memref<50x144xf32, #tpu.memory_space<vmem>>, vector<16xf32>,
        tpu.vector_store %arg11[%swap3A_514, %swap3A_515], %mul3A_513 {strides = array<i32>} : memref<50x144xf32, #tpu.memory_space<vmem>>, vector<16xf32>,
        %add3A_517 = arith.constant 1 : i32
        %add3A_518 = arith.addi %mul3A_432, %add3A_517 : i32
        %get3A_519 = arith.index_cast %add3A_518 : i32 to index
        %get3A_520 = arith.constant 64 : index
        %get3A_521 = tpu.vector_load %arg11[%get3A_519, %get3A_520] {strides = array<i32>} : memref<50x144xf32, #tpu.memory_space<vmem>>, vector<16xf32>,
        %mul3A_522 = arith.mulf %get3A_521, %gather3A_439 : vector<16xf32>
        %add3A_523 = arith.constant 1 : i32
        %add3A_524 = arith.addi %mul3A_432, %add3A_523 : i32
        %swap3A_525 = arith.index_cast %add3A_524 : i32 to index
        %swap3A_526 = arith.constant 64 : index
        %swap3A_527 = tpu.vector_load %arg11[%swap3A_525, %swap3A_526] {strides = array<i32>} : memref<50x144xf32, #tpu.memory_space<vmem>>, vector<16xf32>,
        tpu.vector_store %arg11[%swap3A_525, %swap3A_526], %mul3A_522 {strides = array<i32>} : memref<50x144xf32, #tpu.memory_space<vmem>>, vector<16xf32>,
        %get3A_528 = arith.index_cast %mul3A_432 : i32 to index
        %get3A_529 = arith.constant 80 : index
        %get3A_530 = tpu.vector_load %arg11[%get3A_528, %get3A_529] {strides = array<i32>} : memref<50x144xf32, #tpu.memory_space<vmem>>, vector<16xf32>,
        %mul3A_531 = arith.mulf %get3A_530, %gather3A : vector<16xf32>
        %swap3A_532 = arith.index_cast %mul3A_432 : i32 to index
        %swap3A_533 = arith.constant 80 : index
        %swap3A_534 = tpu.vector_load %arg11[%swap3A_532, %swap3A_533] {strides = array<i32>} : memref<50x144xf32, #tpu.memory_space<vmem>>, vector<16xf32>,
        tpu.vector_store %arg11[%swap3A_532, %swap3A_533], %mul3A_531 {strides = array<i32>} : memref<50x144xf32, #tpu.memory_space<vmem>>, vector<16xf32>,
        %add3A_535 = arith.constant 1 : i32
        %add3A_536 = arith.addi %mul3A_432, %add3A_535 : i32
        %get3A_537 = arith.index_cast %add3A_536 : i32 to index
        %get3A_538 = arith.constant 80 : index
        %get3A_539 = tpu.vector_load %arg11[%get3A_537, %get3A_538] {strides = array<i32>} : memref<50x144xf32, #tpu.memory_space<vmem>>, vector<16xf32>,
        %mul3A_540 = arith.mulf %get3A_539, %gather3A_439 : vector<16xf32>
        %add3A_541 = arith.constant 1 : i32
        %add3A_542 = arith.addi %mul3A_432, %add3A_541 : i32
        %swap3A_543 = arith.index_cast %add3A_542 : i32 to index
        %swap3A_544 = arith.constant 80 : index
        %swap3A_545 = tpu.vector_load %arg11[%swap3A_543, %swap3A_544] {strides = array<i32>} : memref<50x144xf32, #tpu.memory_space<vmem>>, vector<16xf32>,
        tpu.vector_store %arg11[%swap3A_543, %swap3A_544], %mul3A_540 {strides = array<i32>} : memref<50x144xf32, #tpu.memory_space<vmem>>, vector<16xf32>,
        %get3A_546 = arith.index_cast %mul3A_432 : i32 to index
        %get3A_547 = arith.constant 96 : index
        %get3A_548 = tpu.vector_load %arg11[%get3A_546, %get3A_547] {strides = array<i32>} : memref<50x144xf32, #tpu.memory_space<vmem>>, vector<16xf32>,
        %mul3A_549 = arith.mulf %get3A_548, %gather3A : vector<16xf32>
        %swap3A_550 = arith.index_cast %mul3A_432 : i32 to index
        %swap3A_551 = arith.constant 96 : index
        %swap3A_552 = tpu.vector_load %arg11[%swap3A_550, %swap3A_551] {strides = array<i32>} : memref<50x144xf32, #tpu.memory_space<vmem>>, vector<16xf32>,
        tpu.vector_store %arg11[%swap3A_550, %swap3A_551], %mul3A_549 {strides = array<i32>} : memref<50x144xf32, #tpu.memory_space<vmem>>, vector<16xf32>,
        %add3A_553 = arith.constant 1 : i32
        %add3A_554 = arith.addi %mul3A_432, %add3A_553 : i32
        %get3A_555 = arith.index_cast %add3A_554 : i32 to index
        %get3A_556 = arith.constant 96 : index
        %get3A_557 = tpu.vector_load %arg11[%get3A_555, %get3A_556] {strides = array<i32>} : memref<50x144xf32, #tpu.memory_space<vmem>>, vector<16xf32>,
        %mul3A_558 = arith.mulf %get3A_557, %gather3A_439 : vector<16xf32>
        %add3A_559 = arith.constant 1 : i32
        %add3A_560 = arith.addi %mul3A_432, %add3A_559 : i32
        %swap3A_561 = arith.index_cast %add3A_560 : i32 to index
        %swap3A_562 = arith.constant 96 : index
        %swap3A_563 = tpu.vector_load %arg11[%swap3A_561, %swap3A_562] {strides = array<i32>} : memref<50x144xf32, #tpu.memory_space<vmem>>, vector<16xf32>,
        tpu.vector_store %arg11[%swap3A_561, %swap3A_562], %mul3A_558 {strides = array<i32>} : memref<50x144xf32, #tpu.memory_space<vmem>>, vector<16xf32>,
        %get3A_564 = arith.index_cast %mul3A_432 : i32 to index
        %get3A_565 = arith.constant 112 : index
        %get3A_566 = tpu.vector_load %arg11[%get3A_564, %get3A_565] {strides = array<i32>} : memref<50x144xf32, #tpu.memory_space<vmem>>, vector<16xf32>,
        %mul3A_567 = arith.mulf %get3A_566, %gather3A : vector<16xf32>
        %swap3A_568 = arith.index_cast %mul3A_432 : i32 to index
        %swap3A_569 = arith.constant 112 : index
        %swap3A_570 = tpu.vector_load %arg11[%swap3A_568, %swap3A_569] {strides = array<i32>} : memref<50x144xf32, #tpu.memory_space<vmem>>, vector<16xf32>,
        tpu.vector_store %arg11[%swap3A_568, %swap3A_569], %mul3A_567 {strides = array<i32>} : memref<50x144xf32, #tpu.memory_space<vmem>>, vector<16xf32>,
        %add3A_571 = arith.constant 1 : i32
        %add3A_572 = arith.addi %mul3A_432, %add3A_571 : i32
        %get3A_573 = arith.index_cast %add3A_572 : i32 to index
        %get3A_574 = arith.constant 112 : index
        %get3A_575 = tpu.vector_load %arg11[%get3A_573, %get3A_574] {strides = array<i32>} : memref<50x144xf32, #tpu.memory_space<vmem>>, vector<16xf32>,
        %mul3A_576 = arith.mulf %get3A_575, %gather3A_439 : vector<16xf32>
        %add3A_577 = arith.constant 1 : i32
        %add3A_578 = arith.addi %mul3A_432, %add3A_577 : i32
        %swap3A_579 = arith.index_cast %add3A_578 : i32 to index
        %swap3A_580 = arith.constant 112 : index
        %swap3A_581 = tpu.vector_load %arg11[%swap3A_579, %swap3A_580] {strides = array<i32>} : memref<50x144xf32, #tpu.memory_space<vmem>>, vector<16xf32>,
        tpu.vector_store %arg11[%swap3A_579, %swap3A_580], %mul3A_576 {strides = array<i32>} : memref<50x144xf32, #tpu.memory_space<vmem>>, vector<16xf32>,
        %get3A_582 = arith.index_cast %mul3A_432 : i32 to index
        %get3A_583 = arith.constant 128 : index
        %get3A_584 = tpu.vector_load %arg11[%get3A_582, %get3A_583] {strides = array<i32>} : memref<50x144xf32, #tpu.memory_space<vmem>>, vector<16xf32>,
        %mul3A_585 = arith.mulf %get3A_584, %gather3A : vector<16xf32>
        %swap3A_586 = arith.index_cast %mul3A_432 : i32 to index
        %swap3A_587 = arith.constant 128 : index
        %swap3A_588 = tpu.vector_load %arg11[%swap3A_586, %swap3A_587] {strides = array<i32>} : memref<50x144xf32, #tpu.memory_space<vmem>>, vector<16xf32>,
        tpu.vector_store %arg11[%swap3A_586, %swap3A_587], %mul3A_585 {strides = array<i32>} : memref<50x144xf32, #tpu.memory_space<vmem>>, vector<16xf32>,
        %add3A_589 = arith.constant 1 : i32
        %add3A_590 = arith.addi %mul3A_432, %add3A_589 : i32
        %get3A_591 = arith.index_cast %add3A_590 : i32 to index
        %get3A_592 = arith.constant 128 : index
        %get3A_593 = tpu.vector_load %arg11[%get3A_591, %get3A_592] {strides = array<i32>} : memref<50x144xf32, #tpu.memory_space<vmem>>, vector<16xf32>,
        %mul3A_594 = arith.mulf %get3A_593, %gather3A_439 : vector<16xf32>
        %add3A_595 = arith.constant 1 : i32
        %add3A_596 = arith.addi %mul3A_432, %add3A_595 : i32
        %swap3A_597 = arith.index_cast %add3A_596 : i32 to index
        %swap3A_598 = arith.constant 128 : index
        %swap3A_599 = tpu.vector_load %arg11[%swap3A_597, %swap3A_598] {strides = array<i32>} : memref<50x144xf32, #tpu.memory_space<vmem>>, vector<16xf32>,
        tpu.vector_store %arg11[%swap3A_597, %swap3A_598], %mul3A_594 {strides = array<i32>} : memref<50x144xf32, #tpu.memory_space<vmem>>, vector<16xf32>,
        %scan3A_600 = arith.constant 0 : i32
        scf.yield %scan3A_600 : i32
      }
      %scan3A_225 = arith.constant 25 : i32
      %dma_start3A_226 = arith.constant 0 : i32
      %dma_start3A_227 = tpu.memref_slice %arg8[%add3A_195, %dma_start3A_226] : memref<200x50xi32, #tpu.memory_space<vmem>> -> memref<1x50xi32, #tpu.memory_space<vmem>>
      %dma_start3A_228 = tpu.memref_squeeze %dma_start3A_227 : memref<1x50xi32, #tpu.memory_space<vmem>> -> memref<50xi32, #tpu.memory_space<vmem>>
      %dma_start3A_229 = arith.constant 0 : i32
      %dma_start3A_230 = arith.constant 0 : i32
      %dma_start3A_231 = tpu.memref_slice %arg13[%dma_start3A_229, %dma_start3A_230] : memref<10112x144xf32, #tpu.memory_space<vmem_shared>> -> memref<10112x144xf32, #tpu.memory_space<vmem_shared>>
      tpu.enqueue_indirect_dma source(%arg11 : memref<50x144xf32, #tpu.memory_space<vmem>>) target(%dma_start3A_231 : memref<10112x144xf32, #tpu.memory_space<vmem_shared>>) offsets(%dma_start3A_228 : memref<50xi32, #tpu.memory_space<vmem>>) semaphore(%arg16 : memref<!tpu.dma_semaphore, #tpu.memory_space<semaphore_mem>>) {add = true}
      %mul3A_232 = arith.constant 8 : i32
      %mul3A_233 = arith.muli %scan3A_76, %mul3A_232 : i32
      %add3A_234 = arith.constant 3 : i32
      %add3A_235 = arith.addi %mul3A_233, %add3A_234 : i32
      %dma_wait3A_236 = arith.constant 0 : i32
      %dma_wait3A_237 = arith.constant 0 : i32
      %dma_wait3A_238 = tpu.memref_slice %arg2[%dma_wait3A_236, %dma_wait3A_237] : memref<10000x144xf32, #tpu.memory_space<hbm>> -> memref<50x144xf32, #tpu.memory_space<hbm>>
      %dma_wait3A_239 = arith.constant 0 : i32
      %dma_wait3A_240 = arith.constant 0 : i32
      %dma_wait3A_241 = tpu.memref_slice %arg2[%dma_wait3A_239, %dma_wait3A_240] : memref<10000x144xf32, #tpu.memory_space<hbm>> -> memref<50x144xf32, #tpu.memory_space<hbm>>
      tpu.wait_dma2 semaphore(%arg15 : memref<!tpu.dma_semaphore, #tpu.memory_space<semaphore_mem>>) src(%dma_wait3A_241 : memref<50x144xf32, #tpu.memory_space<hbm>>) dst(%arg12 : memref<50x144xf32, #tpu.memory_space<vmem>>)
      %dma_wait3A_242 = arith.constant 0 : i32
      %dma_wait3A_243 = arith.constant 0 : i32
      %dma_wait3A_244 = tpu.memref_slice %arg13[%dma_wait3A_242, %dma_wait3A_243] : memref<10112x144xf32, #tpu.memory_space<vmem_shared>> -> memref<50x144xf32, #tpu.memory_space<vmem_shared>>
      %dma_wait3A_245 = arith.constant 0 : i32
      %dma_wait3A_246 = arith.constant 0 : i32
      %dma_wait3A_247 = tpu.memref_slice %arg13[%dma_wait3A_245, %dma_wait3A_246] : memref<10112x144xf32, #tpu.memory_space<vmem_shared>> -> memref<50x144xf32, #tpu.memory_space<vmem_shared>>
      tpu.wait_dma2 semaphore(%arg16 : memref<!tpu.dma_semaphore, #tpu.memory_space<semaphore_mem>>) src(%arg11 : memref<50x144xf32, #tpu.memory_space<vmem>>) dst(%dma_wait3A_247 : memref<50x144xf32, #tpu.memory_space<vmem_shared>>)
      %add3A_248 = arith.constant 1 : i32
      %add3A_249 = arith.addi %add3A_235, %add3A_248 : i32
      %dma_start3A_250 = arith.constant 0 : i32
      %dma_start3A_251 = tpu.memref_slice %arg9[%add3A_249, %dma_start3A_250] : memref<200x50xi32, #tpu.memory_space<vmem>> -> memref<1x50xi32, #tpu.memory_space<vmem>>
      %dma_start3A_252 = tpu.memref_squeeze %dma_start3A_251 : memref<1x50xi32, #tpu.memory_space<vmem>> -> memref<50xi32, #tpu.memory_space<vmem>>
      %dma_start3A_253 = arith.constant 0 : i32
      %dma_start3A_254 = arith.constant 0 : i32
      %dma_start3A_255 = tpu.memref_slice %arg2[%dma_start3A_253, %dma_start3A_254] : memref<10000x144xf32, #tpu.memory_space<hbm>> -> memref<10000x144xf32, #tpu.memory_space<hbm>>
      tpu.enqueue_indirect_dma source(%dma_start3A_255 : memref<10000x144xf32, #tpu.memory_space<hbm>>) target(%arg11 : memref<50x144xf32, #tpu.memory_space<vmem>>) offsets(%dma_start3A_252 : memref<50xi32, #tpu.memory_space<vmem>>) semaphore(%arg14 : memref<!tpu.dma_semaphore, #tpu.memory_space<semaphore_mem>>)
      %add3A_256 = arith.constant 150 : i32
      %add3A_257 = arith.addi %mul3A_114, %add3A_256 : i32
      %broadcast_in_dim3A_258 = vector.broadcast %add3A_257 : i32 to vector<16xi32>
      %scan3A_259 = arith.constant 0 : i32
      %scan3A_260 = arith.constant 0 : i32
      %scan3A_261 = arith.constant 25 : i32
      %scan3A_262 = arith.addi %scan3A_260, %scan3A_261 : i32
      %scan3A_263 = arith.constant 1 : i32
      %scan3A_264 = scf.for %scan3A_429 = %scan3A_260 to %scan3A_262 step %scan3A_263 iter_args(%scan3A_430 = %scan3A_259) -> (i32)  : i32 {
        %mul3A_431 = arith.constant 2 : i32
        %mul3A_432 = arith.muli %scan3A_429, %mul3A_431 : i32
        %add3A_433 = vector.broadcast %mul3A_432 : i32 to vector<16xi32>
        %add3A_434 = arith.addi %broadcast_in_dim3A_258, %add3A_433 : vector<16xi32>
        %gather3A = tpu.vector_load_idx %arg10[%add3A_434] : memref<800xf32, #tpu.memory_space<vmem>>[vector<16xi32>], vector<16xf32>,
        %add3A_435 = arith.constant 1 : i32
        %add3A_436 = arith.addi %mul3A_432, %add3A_435 : i32
        %add3A_437 = vector.broadcast %add3A_436 : i32 to vector<16xi32>
        %add3A_438 = arith.addi %broadcast_in_dim3A_258, %add3A_437 : vector<16xi32>
        %gather3A_439 = tpu.vector_load_idx %arg10[%add3A_438] : memref<800xf32, #tpu.memory_space<vmem>>[vector<16xi32>], vector<16xf32>,
        %get3A = arith.index_cast %mul3A_432 : i32 to index
        %get3A_440 = arith.constant 0 : index
        %get3A_441 = tpu.vector_load %arg12[%get3A, %get3A_440] {strides = array<i32>} : memref<50x144xf32, #tpu.memory_space<vmem>>, vector<16xf32>,
        %mul3A_442 = arith.mulf %get3A_441, %gather3A : vector<16xf32>
        %swap3A = arith.index_cast %mul3A_432 : i32 to index
        %swap3A_443 = arith.constant 0 : index
        %swap3A_444 = tpu.vector_load %arg12[%swap3A, %swap3A_443] {strides = array<i32>} : memref<50x144xf32, #tpu.memory_space<vmem>>, vector<16xf32>,
        tpu.vector_store %arg12[%swap3A, %swap3A_443], %mul3A_442 {strides = array<i32>} : memref<50x144xf32, #tpu.memory_space<vmem>>, vector<16xf32>,
        %add3A_445 = arith.constant 1 : i32
        %add3A_446 = arith.addi %mul3A_432, %add3A_445 : i32
        %get3A_447 = arith.index_cast %add3A_446 : i32 to index
        %get3A_448 = arith.constant 0 : index
        %get3A_449 = tpu.vector_load %arg12[%get3A_447, %get3A_448] {strides = array<i32>} : memref<50x144xf32, #tpu.memory_space<vmem>>, vector<16xf32>,
        %mul3A_450 = arith.mulf %get3A_449, %gather3A_439 : vector<16xf32>
        %add3A_451 = arith.constant 1 : i32
        %add3A_452 = arith.addi %mul3A_432, %add3A_451 : i32
        %swap3A_453 = arith.index_cast %add3A_452 : i32 to index
        %swap3A_454 = arith.constant 0 : index
        %swap3A_455 = tpu.vector_load %arg12[%swap3A_453, %swap3A_454] {strides = array<i32>} : memref<50x144xf32, #tpu.memory_space<vmem>>, vector<16xf32>,
        tpu.vector_store %arg12[%swap3A_453, %swap3A_454], %mul3A_450 {strides = array<i32>} : memref<50x144xf32, #tpu.memory_space<vmem>>, vector<16xf32>,
        %get3A_456 = arith.index_cast %mul3A_432 : i32 to index
        %get3A_457 = arith.constant 16 : index
        %get3A_458 = tpu.vector_load %arg12[%get3A_456, %get3A_457] {strides = array<i32>} : memref<50x144xf32, #tpu.memory_space<vmem>>, vector<16xf32>,
        %mul3A_459 = arith.mulf %get3A_458, %gather3A : vector<16xf32>
        %swap3A_460 = arith.index_cast %mul3A_432 : i32 to index
        %swap3A_461 = arith.constant 16 : index
        %swap3A_462 = tpu.vector_load %arg12[%swap3A_460, %swap3A_461] {strides = array<i32>} : memref<50x144xf32, #tpu.memory_space<vmem>>, vector<16xf32>,
        tpu.vector_store %arg12[%swap3A_460, %swap3A_461], %mul3A_459 {strides = array<i32>} : memref<50x144xf32, #tpu.memory_space<vmem>>, vector<16xf32>,
        %add3A_463 = arith.constant 1 : i32
        %add3A_464 = arith.addi %mul3A_432, %add3A_463 : i32
        %get3A_465 = arith.index_cast %add3A_464 : i32 to index
        %get3A_466 = arith.constant 16 : index
        %get3A_467 = tpu.vector_load %arg12[%get3A_465, %get3A_466] {strides = array<i32>} : memref<50x144xf32, #tpu.memory_space<vmem>>, vector<16xf32>,
        %mul3A_468 = arith.mulf %get3A_467, %gather3A_439 : vector<16xf32>
        %add3A_469 = arith.constant 1 : i32
        %add3A_470 = arith.addi %mul3A_432, %add3A_469 : i32
        %swap3A_471 = arith.index_cast %add3A_470 : i32 to index
        %swap3A_472 = arith.constant 16 : index
        %swap3A_473 = tpu.vector_load %arg12[%swap3A_471, %swap3A_472] {strides = array<i32>} : memref<50x144xf32, #tpu.memory_space<vmem>>, vector<16xf32>,
        tpu.vector_store %arg12[%swap3A_471, %swap3A_472], %mul3A_468 {strides = array<i32>} : memref<50x144xf32, #tpu.memory_space<vmem>>, vector<16xf32>,
        %get3A_474 = arith.index_cast %mul3A_432 : i32 to index
        %get3A_475 = arith.constant 32 : index
        %get3A_476 = tpu.vector_load %arg12[%get3A_474, %get3A_475] {strides = array<i32>} : memref<50x144xf32, #tpu.memory_space<vmem>>, vector<16xf32>,
        %mul3A_477 = arith.mulf %get3A_476, %gather3A : vector<16xf32>
        %swap3A_478 = arith.index_cast %mul3A_432 : i32 to index
        %swap3A_479 = arith.constant 32 : index
        %swap3A_480 = tpu.vector_load %arg12[%swap3A_478, %swap3A_479] {strides = array<i32>} : memref<50x144xf32, #tpu.memory_space<vmem>>, vector<16xf32>,
        tpu.vector_store %arg12[%swap3A_478, %swap3A_479], %mul3A_477 {strides = array<i32>} : memref<50x144xf32, #tpu.memory_space<vmem>>, vector<16xf32>,
        %add3A_481 = arith.constant 1 : i32
        %add3A_482 = arith.addi %mul3A_432, %add3A_481 : i32
        %get3A_483 = arith.index_cast %add3A_482 : i32 to index
        %get3A_484 = arith.constant 32 : index
        %get3A_485 = tpu.vector_load %arg12[%get3A_483, %get3A_484] {strides = array<i32>} : memref<50x144xf32, #tpu.memory_space<vmem>>, vector<16xf32>,
        %mul3A_486 = arith.mulf %get3A_485, %gather3A_439 : vector<16xf32>
        %add3A_487 = arith.constant 1 : i32
        %add3A_488 = arith.addi %mul3A_432, %add3A_487 : i32
        %swap3A_489 = arith.index_cast %add3A_488 : i32 to index
        %swap3A_490 = arith.constant 32 : index
        %swap3A_491 = tpu.vector_load %arg12[%swap3A_489, %swap3A_490] {strides = array<i32>} : memref<50x144xf32, #tpu.memory_space<vmem>>, vector<16xf32>,
        tpu.vector_store %arg12[%swap3A_489, %swap3A_490], %mul3A_486 {strides = array<i32>} : memref<50x144xf32, #tpu.memory_space<vmem>>, vector<16xf32>,
        %get3A_492 = arith.index_cast %mul3A_432 : i32 to index
        %get3A_493 = arith.constant 48 : index
        %get3A_494 = tpu.vector_load %arg12[%get3A_492, %get3A_493] {strides = array<i32>} : memref<50x144xf32, #tpu.memory_space<vmem>>, vector<16xf32>,
        %mul3A_495 = arith.mulf %get3A_494, %gather3A : vector<16xf32>
        %swap3A_496 = arith.index_cast %mul3A_432 : i32 to index
        %swap3A_497 = arith.constant 48 : index
        %swap3A_498 = tpu.vector_load %arg12[%swap3A_496, %swap3A_497] {strides = array<i32>} : memref<50x144xf32, #tpu.memory_space<vmem>>, vector<16xf32>,
        tpu.vector_store %arg12[%swap3A_496, %swap3A_497], %mul3A_495 {strides = array<i32>} : memref<50x144xf32, #tpu.memory_space<vmem>>, vector<16xf32>,
        %add3A_499 = arith.constant 1 : i32
        %add3A_500 = arith.addi %mul3A_432, %add3A_499 : i32
        %get3A_501 = arith.index_cast %add3A_500 : i32 to index
        %get3A_502 = arith.constant 48 : index
        %get3A_503 = tpu.vector_load %arg12[%get3A_501, %get3A_502] {strides = array<i32>} : memref<50x144xf32, #tpu.memory_space<vmem>>, vector<16xf32>,
        %mul3A_504 = arith.mulf %get3A_503, %gather3A_439 : vector<16xf32>
        %add3A_505 = arith.constant 1 : i32
        %add3A_506 = arith.addi %mul3A_432, %add3A_505 : i32
        %swap3A_507 = arith.index_cast %add3A_506 : i32 to index
        %swap3A_508 = arith.constant 48 : index
        %swap3A_509 = tpu.vector_load %arg12[%swap3A_507, %swap3A_508] {strides = array<i32>} : memref<50x144xf32, #tpu.memory_space<vmem>>, vector<16xf32>,
        tpu.vector_store %arg12[%swap3A_507, %swap3A_508], %mul3A_504 {strides = array<i32>} : memref<50x144xf32, #tpu.memory_space<vmem>>, vector<16xf32>,
        %get3A_510 = arith.index_cast %mul3A_432 : i32 to index
        %get3A_511 = arith.constant 64 : index
        %get3A_512 = tpu.vector_load %arg12[%get3A_510, %get3A_511] {strides = array<i32>} : memref<50x144xf32, #tpu.memory_space<vmem>>, vector<16xf32>,
        %mul3A_513 = arith.mulf %get3A_512, %gather3A : vector<16xf32>
        %swap3A_514 = arith.index_cast %mul3A_432 : i32 to index
        %swap3A_515 = arith.constant 64 : index
        %swap3A_516 = tpu.vector_load %arg12[%swap3A_514, %swap3A_515] {strides = array<i32>} : memref<50x144xf32, #tpu.memory_space<vmem>>, vector<16xf32>,
        tpu.vector_store %arg12[%swap3A_514, %swap3A_515], %mul3A_513 {strides = array<i32>} : memref<50x144xf32, #tpu.memory_space<vmem>>, vector<16xf32>,
        %add3A_517 = arith.constant 1 : i32
        %add3A_518 = arith.addi %mul3A_432, %add3A_517 : i32
        %get3A_519 = arith.index_cast %add3A_518 : i32 to index
        %get3A_520 = arith.constant 64 : index
        %get3A_521 = tpu.vector_load %arg12[%get3A_519, %get3A_520] {strides = array<i32>} : memref<50x144xf32, #tpu.memory_space<vmem>>, vector<16xf32>,
        %mul3A_522 = arith.mulf %get3A_521, %gather3A_439 : vector<16xf32>
        %add3A_523 = arith.constant 1 : i32
        %add3A_524 = arith.addi %mul3A_432, %add3A_523 : i32
        %swap3A_525 = arith.index_cast %add3A_524 : i32 to index
        %swap3A_526 = arith.constant 64 : index
        %swap3A_527 = tpu.vector_load %arg12[%swap3A_525, %swap3A_526] {strides = array<i32>} : memref<50x144xf32, #tpu.memory_space<vmem>>, vector<16xf32>,
        tpu.vector_store %arg12[%swap3A_525, %swap3A_526], %mul3A_522 {strides = array<i32>} : memref<50x144xf32, #tpu.memory_space<vmem>>, vector<16xf32>,
        %get3A_528 = arith.index_cast %mul3A_432 : i32 to index
        %get3A_529 = arith.constant 80 : index
        %get3A_530 = tpu.vector_load %arg12[%get3A_528, %get3A_529] {strides = array<i32>} : memref<50x144xf32, #tpu.memory_space<vmem>>, vector<16xf32>,
        %mul3A_531 = arith.mulf %get3A_530, %gather3A : vector<16xf32>
        %swap3A_532 = arith.index_cast %mul3A_432 : i32 to index
        %swap3A_533 = arith.constant 80 : index
        %swap3A_534 = tpu.vector_load %arg12[%swap3A_532, %swap3A_533] {strides = array<i32>} : memref<50x144xf32, #tpu.memory_space<vmem>>, vector<16xf32>,
        tpu.vector_store %arg12[%swap3A_532, %swap3A_533], %mul3A_531 {strides = array<i32>} : memref<50x144xf32, #tpu.memory_space<vmem>>, vector<16xf32>,
        %add3A_535 = arith.constant 1 : i32
        %add3A_536 = arith.addi %mul3A_432, %add3A_535 : i32
        %get3A_537 = arith.index_cast %add3A_536 : i32 to index
        %get3A_538 = arith.constant 80 : index
        %get3A_539 = tpu.vector_load %arg12[%get3A_537, %get3A_538] {strides = array<i32>} : memref<50x144xf32, #tpu.memory_space<vmem>>, vector<16xf32>,
        %mul3A_540 = arith.mulf %get3A_539, %gather3A_439 : vector<16xf32>
        %add3A_541 = arith.constant 1 : i32
        %add3A_542 = arith.addi %mul3A_432, %add3A_541 : i32
        %swap3A_543 = arith.index_cast %add3A_542 : i32 to index
        %swap3A_544 = arith.constant 80 : index
        %swap3A_545 = tpu.vector_load %arg12[%swap3A_543, %swap3A_544] {strides = array<i32>} : memref<50x144xf32, #tpu.memory_space<vmem>>, vector<16xf32>,
        tpu.vector_store %arg12[%swap3A_543, %swap3A_544], %mul3A_540 {strides = array<i32>} : memref<50x144xf32, #tpu.memory_space<vmem>>, vector<16xf32>,
        %get3A_546 = arith.index_cast %mul3A_432 : i32 to index
        %get3A_547 = arith.constant 96 : index
        %get3A_548 = tpu.vector_load %arg12[%get3A_546, %get3A_547] {strides = array<i32>} : memref<50x144xf32, #tpu.memory_space<vmem>>, vector<16xf32>,
        %mul3A_549 = arith.mulf %get3A_548, %gather3A : vector<16xf32>
        %swap3A_550 = arith.index_cast %mul3A_432 : i32 to index
        %swap3A_551 = arith.constant 96 : index
        %swap3A_552 = tpu.vector_load %arg12[%swap3A_550, %swap3A_551] {strides = array<i32>} : memref<50x144xf32, #tpu.memory_space<vmem>>, vector<16xf32>,
        tpu.vector_store %arg12[%swap3A_550, %swap3A_551], %mul3A_549 {strides = array<i32>} : memref<50x144xf32, #tpu.memory_space<vmem>>, vector<16xf32>,
        %add3A_553 = arith.constant 1 : i32
        %add3A_554 = arith.addi %mul3A_432, %add3A_553 : i32
        %get3A_555 = arith.index_cast %add3A_554 : i32 to index
        %get3A_556 = arith.constant 96 : index
        %get3A_557 = tpu.vector_load %arg12[%get3A_555, %get3A_556] {strides = array<i32>} : memref<50x144xf32, #tpu.memory_space<vmem>>, vector<16xf32>,
        %mul3A_558 = arith.mulf %get3A_557, %gather3A_439 : vector<16xf32>
        %add3A_559 = arith.constant 1 : i32
        %add3A_560 = arith.addi %mul3A_432, %add3A_559 : i32
        %swap3A_561 = arith.index_cast %add3A_560 : i32 to index
        %swap3A_562 = arith.constant 96 : index
        %swap3A_563 = tpu.vector_load %arg12[%swap3A_561, %swap3A_562] {strides = array<i32>} : memref<50x144xf32, #tpu.memory_space<vmem>>, vector<16xf32>,
        tpu.vector_store %arg12[%swap3A_561, %swap3A_562], %mul3A_558 {strides = array<i32>} : memref<50x144xf32, #tpu.memory_space<vmem>>, vector<16xf32>,
        %get3A_564 = arith.index_cast %mul3A_432 : i32 to index
        %get3A_565 = arith.constant 112 : index
        %get3A_566 = tpu.vector_load %arg12[%get3A_564, %get3A_565] {strides = array<i32>} : memref<50x144xf32, #tpu.memory_space<vmem>>, vector<16xf32>,
        %mul3A_567 = arith.mulf %get3A_566, %gather3A : vector<16xf32>
        %swap3A_568 = arith.index_cast %mul3A_432 : i32 to index
        %swap3A_569 = arith.constant 112 : index
        %swap3A_570 = tpu.vector_load %arg12[%swap3A_568, %swap3A_569] {strides = array<i32>} : memref<50x144xf32, #tpu.memory_space<vmem>>, vector<16xf32>,
        tpu.vector_store %arg12[%swap3A_568, %swap3A_569], %mul3A_567 {strides = array<i32>} : memref<50x144xf32, #tpu.memory_space<vmem>>, vector<16xf32>,
        %add3A_571 = arith.constant 1 : i32
        %add3A_572 = arith.addi %mul3A_432, %add3A_571 : i32
        %get3A_573 = arith.index_cast %add3A_572 : i32 to index
        %get3A_574 = arith.constant 112 : index
        %get3A_575 = tpu.vector_load %arg12[%get3A_573, %get3A_574] {strides = array<i32>} : memref<50x144xf32, #tpu.memory_space<vmem>>, vector<16xf32>,
        %mul3A_576 = arith.mulf %get3A_575, %gather3A_439 : vector<16xf32>
        %add3A_577 = arith.constant 1 : i32
        %add3A_578 = arith.addi %mul3A_432, %add3A_577 : i32
        %swap3A_579 = arith.index_cast %add3A_578 : i32 to index
        %swap3A_580 = arith.constant 112 : index
        %swap3A_581 = tpu.vector_load %arg12[%swap3A_579, %swap3A_580] {strides = array<i32>} : memref<50x144xf32, #tpu.memory_space<vmem>>, vector<16xf32>,
        tpu.vector_store %arg12[%swap3A_579, %swap3A_580], %mul3A_576 {strides = array<i32>} : memref<50x144xf32, #tpu.memory_space<vmem>>, vector<16xf32>,
        %get3A_582 = arith.index_cast %mul3A_432 : i32 to index
        %get3A_583 = arith.constant 128 : index
        %get3A_584 = tpu.vector_load %arg12[%get3A_582, %get3A_583] {strides = array<i32>} : memref<50x144xf32, #tpu.memory_space<vmem>>, vector<16xf32>,
        %mul3A_585 = arith.mulf %get3A_584, %gather3A : vector<16xf32>
        %swap3A_586 = arith.index_cast %mul3A_432 : i32 to index
        %swap3A_587 = arith.constant 128 : index
        %swap3A_588 = tpu.vector_load %arg12[%swap3A_586, %swap3A_587] {strides = array<i32>} : memref<50x144xf32, #tpu.memory_space<vmem>>, vector<16xf32>,
        tpu.vector_store %arg12[%swap3A_586, %swap3A_587], %mul3A_585 {strides = array<i32>} : memref<50x144xf32, #tpu.memory_space<vmem>>, vector<16xf32>,
        %add3A_589 = arith.constant 1 : i32
        %add3A_590 = arith.addi %mul3A_432, %add3A_589 : i32
        %get3A_591 = arith.index_cast %add3A_590 : i32 to index
        %get3A_592 = arith.constant 128 : index
        %get3A_593 = tpu.vector_load %arg12[%get3A_591, %get3A_592] {strides = array<i32>} : memref<50x144xf32, #tpu.memory_space<vmem>>, vector<16xf32>,
        %mul3A_594 = arith.mulf %get3A_593, %gather3A_439 : vector<16xf32>
        %add3A_595 = arith.constant 1 : i32
        %add3A_596 = arith.addi %mul3A_432, %add3A_595 : i32
        %swap3A_597 = arith.index_cast %add3A_596 : i32 to index
        %swap3A_598 = arith.constant 128 : index
        %swap3A_599 = tpu.vector_load %arg12[%swap3A_597, %swap3A_598] {strides = array<i32>} : memref<50x144xf32, #tpu.memory_space<vmem>>, vector<16xf32>,
        tpu.vector_store %arg12[%swap3A_597, %swap3A_598], %mul3A_594 {strides = array<i32>} : memref<50x144xf32, #tpu.memory_space<vmem>>, vector<16xf32>,
        %scan3A_600 = arith.constant 0 : i32
        scf.yield %scan3A_600 : i32
      }
      %scan3A_265 = arith.constant 25 : i32
      %dma_start3A_266 = arith.constant 0 : i32
      %dma_start3A_267 = tpu.memref_slice %arg8[%add3A_235, %dma_start3A_266] : memref<200x50xi32, #tpu.memory_space<vmem>> -> memref<1x50xi32, #tpu.memory_space<vmem>>
      %dma_start3A_268 = tpu.memref_squeeze %dma_start3A_267 : memref<1x50xi32, #tpu.memory_space<vmem>> -> memref<50xi32, #tpu.memory_space<vmem>>
      %dma_start3A_269 = arith.constant 0 : i32
      %dma_start3A_270 = arith.constant 0 : i32
      %dma_start3A_271 = tpu.memref_slice %arg13[%dma_start3A_269, %dma_start3A_270] : memref<10112x144xf32, #tpu.memory_space<vmem_shared>> -> memref<10112x144xf32, #tpu.memory_space<vmem_shared>>
      tpu.enqueue_indirect_dma source(%arg12 : memref<50x144xf32, #tpu.memory_space<vmem>>) target(%dma_start3A_271 : memref<10112x144xf32, #tpu.memory_space<vmem_shared>>) offsets(%dma_start3A_268 : memref<50xi32, #tpu.memory_space<vmem>>) semaphore(%arg17 : memref<!tpu.dma_semaphore, #tpu.memory_space<semaphore_mem>>) {add = true}
      %mul3A_272 = arith.constant 8 : i32
      %mul3A_273 = arith.muli %scan3A_76, %mul3A_272 : i32
      %add3A_274 = arith.constant 4 : i32
      %add3A_275 = arith.addi %mul3A_273, %add3A_274 : i32
      %dma_wait3A_276 = arith.constant 0 : i32
      %dma_wait3A_277 = arith.constant 0 : i32
      %dma_wait3A_278 = tpu.memref_slice %arg2[%dma_wait3A_276, %dma_wait3A_277] : memref<10000x144xf32, #tpu.memory_space<hbm>> -> memref<50x144xf32, #tpu.memory_space<hbm>>
      %dma_wait3A_279 = arith.constant 0 : i32
      %dma_wait3A_280 = arith.constant 0 : i32
      %dma_wait3A_281 = tpu.memref_slice %arg2[%dma_wait3A_279, %dma_wait3A_280] : memref<10000x144xf32, #tpu.memory_space<hbm>> -> memref<50x144xf32, #tpu.memory_space<hbm>>
      tpu.wait_dma2 semaphore(%arg14 : memref<!tpu.dma_semaphore, #tpu.memory_space<semaphore_mem>>) src(%dma_wait3A_281 : memref<50x144xf32, #tpu.memory_space<hbm>>) dst(%arg11 : memref<50x144xf32, #tpu.memory_space<vmem>>)
      %dma_wait3A_282 = arith.constant 0 : i32
      %dma_wait3A_283 = arith.constant 0 : i32
      %dma_wait3A_284 = tpu.memref_slice %arg13[%dma_wait3A_282, %dma_wait3A_283] : memref<10112x144xf32, #tpu.memory_space<vmem_shared>> -> memref<50x144xf32, #tpu.memory_space<vmem_shared>>
      %dma_wait3A_285 = arith.constant 0 : i32
      %dma_wait3A_286 = arith.constant 0 : i32
      %dma_wait3A_287 = tpu.memref_slice %arg13[%dma_wait3A_285, %dma_wait3A_286] : memref<10112x144xf32, #tpu.memory_space<vmem_shared>> -> memref<50x144xf32, #tpu.memory_space<vmem_shared>>
      tpu.wait_dma2 semaphore(%arg17 : memref<!tpu.dma_semaphore, #tpu.memory_space<semaphore_mem>>) src(%arg12 : memref<50x144xf32, #tpu.memory_space<vmem>>) dst(%dma_wait3A_287 : memref<50x144xf32, #tpu.memory_space<vmem_shared>>)
      %add3A_288 = arith.constant 1 : i32
      %add3A_289 = arith.addi %add3A_275, %add3A_288 : i32
      %dma_start3A_290 = arith.constant 0 : i32
      %dma_start3A_291 = tpu.memref_slice %arg9[%add3A_289, %dma_start3A_290] : memref<200x50xi32, #tpu.memory_space<vmem>> -> memref<1x50xi32, #tpu.memory_space<vmem>>
      %dma_start3A_292 = tpu.memref_squeeze %dma_start3A_291 : memref<1x50xi32, #tpu.memory_space<vmem>> -> memref<50xi32, #tpu.memory_space<vmem>>
      %dma_start3A_293 = arith.constant 0 : i32
      %dma_start3A_294 = arith.constant 0 : i32
      %dma_start3A_295 = tpu.memref_slice %arg2[%dma_start3A_293, %dma_start3A_294] : memref<10000x144xf32, #tpu.memory_space<hbm>> -> memref<10000x144xf32, #tpu.memory_space<hbm>>
      tpu.enqueue_indirect_dma source(%dma_start3A_295 : memref<10000x144xf32, #tpu.memory_space<hbm>>) target(%arg12 : memref<50x144xf32, #tpu.memory_space<vmem>>) offsets(%dma_start3A_292 : memref<50xi32, #tpu.memory_space<vmem>>) semaphore(%arg15 : memref<!tpu.dma_semaphore, #tpu.memory_space<semaphore_mem>>)
      %add3A_296 = arith.constant 200 : i32
      %add3A_297 = arith.addi %mul3A_114, %add3A_296 : i32
      %broadcast_in_dim3A_298 = vector.broadcast %add3A_297 : i32 to vector<16xi32>
      %scan3A_299 = arith.constant 0 : i32
      %scan3A_300 = arith.constant 0 : i32
      %scan3A_301 = arith.constant 25 : i32
      %scan3A_302 = arith.addi %scan3A_300, %scan3A_301 : i32
      %scan3A_303 = arith.constant 1 : i32
      %scan3A_304 = scf.for %scan3A_429 = %scan3A_300 to %scan3A_302 step %scan3A_303 iter_args(%scan3A_430 = %scan3A_299) -> (i32)  : i32 {
        %mul3A_431 = arith.constant 2 : i32
        %mul3A_432 = arith.muli %scan3A_429, %mul3A_431 : i32
        %add3A_433 = vector.broadcast %mul3A_432 : i32 to vector<16xi32>
        %add3A_434 = arith.addi %broadcast_in_dim3A_298, %add3A_433 : vector<16xi32>
        %gather3A = tpu.vector_load_idx %arg10[%add3A_434] : memref<800xf32, #tpu.memory_space<vmem>>[vector<16xi32>], vector<16xf32>,
        %add3A_435 = arith.constant 1 : i32
        %add3A_436 = arith.addi %mul3A_432, %add3A_435 : i32
        %add3A_437 = vector.broadcast %add3A_436 : i32 to vector<16xi32>
        %add3A_438 = arith.addi %broadcast_in_dim3A_298, %add3A_437 : vector<16xi32>
        %gather3A_439 = tpu.vector_load_idx %arg10[%add3A_438] : memref<800xf32, #tpu.memory_space<vmem>>[vector<16xi32>], vector<16xf32>,
        %get3A = arith.index_cast %mul3A_432 : i32 to index
        %get3A_440 = arith.constant 0 : index
        %get3A_441 = tpu.vector_load %arg11[%get3A, %get3A_440] {strides = array<i32>} : memref<50x144xf32, #tpu.memory_space<vmem>>, vector<16xf32>,
        %mul3A_442 = arith.mulf %get3A_441, %gather3A : vector<16xf32>
        %swap3A = arith.index_cast %mul3A_432 : i32 to index
        %swap3A_443 = arith.constant 0 : index
        %swap3A_444 = tpu.vector_load %arg11[%swap3A, %swap3A_443] {strides = array<i32>} : memref<50x144xf32, #tpu.memory_space<vmem>>, vector<16xf32>,
        tpu.vector_store %arg11[%swap3A, %swap3A_443], %mul3A_442 {strides = array<i32>} : memref<50x144xf32, #tpu.memory_space<vmem>>, vector<16xf32>,
        %add3A_445 = arith.constant 1 : i32
        %add3A_446 = arith.addi %mul3A_432, %add3A_445 : i32
        %get3A_447 = arith.index_cast %add3A_446 : i32 to index
        %get3A_448 = arith.constant 0 : index
        %get3A_449 = tpu.vector_load %arg11[%get3A_447, %get3A_448] {strides = array<i32>} : memref<50x144xf32, #tpu.memory_space<vmem>>, vector<16xf32>,
        %mul3A_450 = arith.mulf %get3A_449, %gather3A_439 : vector<16xf32>
        %add3A_451 = arith.constant 1 : i32
        %add3A_452 = arith.addi %mul3A_432, %add3A_451 : i32
        %swap3A_453 = arith.index_cast %add3A_452 : i32 to index
        %swap3A_454 = arith.constant 0 : index
        %swap3A_455 = tpu.vector_load %arg11[%swap3A_453, %swap3A_454] {strides = array<i32>} : memref<50x144xf32, #tpu.memory_space<vmem>>, vector<16xf32>,
        tpu.vector_store %arg11[%swap3A_453, %swap3A_454], %mul3A_450 {strides = array<i32>} : memref<50x144xf32, #tpu.memory_space<vmem>>, vector<16xf32>,
        %get3A_456 = arith.index_cast %mul3A_432 : i32 to index
        %get3A_457 = arith.constant 16 : index
        %get3A_458 = tpu.vector_load %arg11[%get3A_456, %get3A_457] {strides = array<i32>} : memref<50x144xf32, #tpu.memory_space<vmem>>, vector<16xf32>,
        %mul3A_459 = arith.mulf %get3A_458, %gather3A : vector<16xf32>
        %swap3A_460 = arith.index_cast %mul3A_432 : i32 to index
        %swap3A_461 = arith.constant 16 : index
        %swap3A_462 = tpu.vector_load %arg11[%swap3A_460, %swap3A_461] {strides = array<i32>} : memref<50x144xf32, #tpu.memory_space<vmem>>, vector<16xf32>,
        tpu.vector_store %arg11[%swap3A_460, %swap3A_461], %mul3A_459 {strides = array<i32>} : memref<50x144xf32, #tpu.memory_space<vmem>>, vector<16xf32>,
        %add3A_463 = arith.constant 1 : i32
        %add3A_464 = arith.addi %mul3A_432, %add3A_463 : i32
        %get3A_465 = arith.index_cast %add3A_464 : i32 to index
        %get3A_466 = arith.constant 16 : index
        %get3A_467 = tpu.vector_load %arg11[%get3A_465, %get3A_466] {strides = array<i32>} : memref<50x144xf32, #tpu.memory_space<vmem>>, vector<16xf32>,
        %mul3A_468 = arith.mulf %get3A_467, %gather3A_439 : vector<16xf32>
        %add3A_469 = arith.constant 1 : i32
        %add3A_470 = arith.addi %mul3A_432, %add3A_469 : i32
        %swap3A_471 = arith.index_cast %add3A_470 : i32 to index
        %swap3A_472 = arith.constant 16 : index
        %swap3A_473 = tpu.vector_load %arg11[%swap3A_471, %swap3A_472] {strides = array<i32>} : memref<50x144xf32, #tpu.memory_space<vmem>>, vector<16xf32>,
        tpu.vector_store %arg11[%swap3A_471, %swap3A_472], %mul3A_468 {strides = array<i32>} : memref<50x144xf32, #tpu.memory_space<vmem>>, vector<16xf32>,
        %get3A_474 = arith.index_cast %mul3A_432 : i32 to index
        %get3A_475 = arith.constant 32 : index
        %get3A_476 = tpu.vector_load %arg11[%get3A_474, %get3A_475] {strides = array<i32>} : memref<50x144xf32, #tpu.memory_space<vmem>>, vector<16xf32>,
        %mul3A_477 = arith.mulf %get3A_476, %gather3A : vector<16xf32>
        %swap3A_478 = arith.index_cast %mul3A_432 : i32 to index
        %swap3A_479 = arith.constant 32 : index
        %swap3A_480 = tpu.vector_load %arg11[%swap3A_478, %swap3A_479] {strides = array<i32>} : memref<50x144xf32, #tpu.memory_space<vmem>>, vector<16xf32>,
        tpu.vector_store %arg11[%swap3A_478, %swap3A_479], %mul3A_477 {strides = array<i32>} : memref<50x144xf32, #tpu.memory_space<vmem>>, vector<16xf32>,
        %add3A_481 = arith.constant 1 : i32
        %add3A_482 = arith.addi %mul3A_432, %add3A_481 : i32
        %get3A_483 = arith.index_cast %add3A_482 : i32 to index
        %get3A_484 = arith.constant 32 : index
        %get3A_485 = tpu.vector_load %arg11[%get3A_483, %get3A_484] {strides = array<i32>} : memref<50x144xf32, #tpu.memory_space<vmem>>, vector<16xf32>,
        %mul3A_486 = arith.mulf %get3A_485, %gather3A_439 : vector<16xf32>
        %add3A_487 = arith.constant 1 : i32
        %add3A_488 = arith.addi %mul3A_432, %add3A_487 : i32
        %swap3A_489 = arith.index_cast %add3A_488 : i32 to index
        %swap3A_490 = arith.constant 32 : index
        %swap3A_491 = tpu.vector_load %arg11[%swap3A_489, %swap3A_490] {strides = array<i32>} : memref<50x144xf32, #tpu.memory_space<vmem>>, vector<16xf32>,
        tpu.vector_store %arg11[%swap3A_489, %swap3A_490], %mul3A_486 {strides = array<i32>} : memref<50x144xf32, #tpu.memory_space<vmem>>, vector<16xf32>,
        %get3A_492 = arith.index_cast %mul3A_432 : i32 to index
        %get3A_493 = arith.constant 48 : index
        %get3A_494 = tpu.vector_load %arg11[%get3A_492, %get3A_493] {strides = array<i32>} : memref<50x144xf32, #tpu.memory_space<vmem>>, vector<16xf32>,
        %mul3A_495 = arith.mulf %get3A_494, %gather3A : vector<16xf32>
        %swap3A_496 = arith.index_cast %mul3A_432 : i32 to index
        %swap3A_497 = arith.constant 48 : index
        %swap3A_498 = tpu.vector_load %arg11[%swap3A_496, %swap3A_497] {strides = array<i32>} : memref<50x144xf32, #tpu.memory_space<vmem>>, vector<16xf32>,
        tpu.vector_store %arg11[%swap3A_496, %swap3A_497], %mul3A_495 {strides = array<i32>} : memref<50x144xf32, #tpu.memory_space<vmem>>, vector<16xf32>,
        %add3A_499 = arith.constant 1 : i32
        %add3A_500 = arith.addi %mul3A_432, %add3A_499 : i32
        %get3A_501 = arith.index_cast %add3A_500 : i32 to index
        %get3A_502 = arith.constant 48 : index
        %get3A_503 = tpu.vector_load %arg11[%get3A_501, %get3A_502] {strides = array<i32>} : memref<50x144xf32, #tpu.memory_space<vmem>>, vector<16xf32>,
        %mul3A_504 = arith.mulf %get3A_503, %gather3A_439 : vector<16xf32>
        %add3A_505 = arith.constant 1 : i32
        %add3A_506 = arith.addi %mul3A_432, %add3A_505 : i32
        %swap3A_507 = arith.index_cast %add3A_506 : i32 to index
        %swap3A_508 = arith.constant 48 : index
        %swap3A_509 = tpu.vector_load %arg11[%swap3A_507, %swap3A_508] {strides = array<i32>} : memref<50x144xf32, #tpu.memory_space<vmem>>, vector<16xf32>,
        tpu.vector_store %arg11[%swap3A_507, %swap3A_508], %mul3A_504 {strides = array<i32>} : memref<50x144xf32, #tpu.memory_space<vmem>>, vector<16xf32>,
        %get3A_510 = arith.index_cast %mul3A_432 : i32 to index
        %get3A_511 = arith.constant 64 : index
        %get3A_512 = tpu.vector_load %arg11[%get3A_510, %get3A_511] {strides = array<i32>} : memref<50x144xf32, #tpu.memory_space<vmem>>, vector<16xf32>,
        %mul3A_513 = arith.mulf %get3A_512, %gather3A : vector<16xf32>
        %swap3A_514 = arith.index_cast %mul3A_432 : i32 to index
        %swap3A_515 = arith.constant 64 : index
        %swap3A_516 = tpu.vector_load %arg11[%swap3A_514, %swap3A_515] {strides = array<i32>} : memref<50x144xf32, #tpu.memory_space<vmem>>, vector<16xf32>,
        tpu.vector_store %arg11[%swap3A_514, %swap3A_515], %mul3A_513 {strides = array<i32>} : memref<50x144xf32, #tpu.memory_space<vmem>>, vector<16xf32>,
        %add3A_517 = arith.constant 1 : i32
        %add3A_518 = arith.addi %mul3A_432, %add3A_517 : i32
        %get3A_519 = arith.index_cast %add3A_518 : i32 to index
        %get3A_520 = arith.constant 64 : index
        %get3A_521 = tpu.vector_load %arg11[%get3A_519, %get3A_520] {strides = array<i32>} : memref<50x144xf32, #tpu.memory_space<vmem>>, vector<16xf32>,
        %mul3A_522 = arith.mulf %get3A_521, %gather3A_439 : vector<16xf32>
        %add3A_523 = arith.constant 1 : i32
        %add3A_524 = arith.addi %mul3A_432, %add3A_523 : i32
        %swap3A_525 = arith.index_cast %add3A_524 : i32 to index
        %swap3A_526 = arith.constant 64 : index
        %swap3A_527 = tpu.vector_load %arg11[%swap3A_525, %swap3A_526] {strides = array<i32>} : memref<50x144xf32, #tpu.memory_space<vmem>>, vector<16xf32>,
        tpu.vector_store %arg11[%swap3A_525, %swap3A_526], %mul3A_522 {strides = array<i32>} : memref<50x144xf32, #tpu.memory_space<vmem>>, vector<16xf32>,
        %get3A_528 = arith.index_cast %mul3A_432 : i32 to index
        %get3A_529 = arith.constant 80 : index
        %get3A_530 = tpu.vector_load %arg11[%get3A_528, %get3A_529] {strides = array<i32>} : memref<50x144xf32, #tpu.memory_space<vmem>>, vector<16xf32>,
        %mul3A_531 = arith.mulf %get3A_530, %gather3A : vector<16xf32>
        %swap3A_532 = arith.index_cast %mul3A_432 : i32 to index
        %swap3A_533 = arith.constant 80 : index
        %swap3A_534 = tpu.vector_load %arg11[%swap3A_532, %swap3A_533] {strides = array<i32>} : memref<50x144xf32, #tpu.memory_space<vmem>>, vector<16xf32>,
        tpu.vector_store %arg11[%swap3A_532, %swap3A_533], %mul3A_531 {strides = array<i32>} : memref<50x144xf32, #tpu.memory_space<vmem>>, vector<16xf32>,
        %add3A_535 = arith.constant 1 : i32
        %add3A_536 = arith.addi %mul3A_432, %add3A_535 : i32
        %get3A_537 = arith.index_cast %add3A_536 : i32 to index
        %get3A_538 = arith.constant 80 : index
        %get3A_539 = tpu.vector_load %arg11[%get3A_537, %get3A_538] {strides = array<i32>} : memref<50x144xf32, #tpu.memory_space<vmem>>, vector<16xf32>,
        %mul3A_540 = arith.mulf %get3A_539, %gather3A_439 : vector<16xf32>
        %add3A_541 = arith.constant 1 : i32
        %add3A_542 = arith.addi %mul3A_432, %add3A_541 : i32
        %swap3A_543 = arith.index_cast %add3A_542 : i32 to index
        %swap3A_544 = arith.constant 80 : index
        %swap3A_545 = tpu.vector_load %arg11[%swap3A_543, %swap3A_544] {strides = array<i32>} : memref<50x144xf32, #tpu.memory_space<vmem>>, vector<16xf32>,
        tpu.vector_store %arg11[%swap3A_543, %swap3A_544], %mul3A_540 {strides = array<i32>} : memref<50x144xf32, #tpu.memory_space<vmem>>, vector<16xf32>,
        %get3A_546 = arith.index_cast %mul3A_432 : i32 to index
        %get3A_547 = arith.constant 96 : index
        %get3A_548 = tpu.vector_load %arg11[%get3A_546, %get3A_547] {strides = array<i32>} : memref<50x144xf32, #tpu.memory_space<vmem>>, vector<16xf32>,
        %mul3A_549 = arith.mulf %get3A_548, %gather3A : vector<16xf32>
        %swap3A_550 = arith.index_cast %mul3A_432 : i32 to index
        %swap3A_551 = arith.constant 96 : index
        %swap3A_552 = tpu.vector_load %arg11[%swap3A_550, %swap3A_551] {strides = array<i32>} : memref<50x144xf32, #tpu.memory_space<vmem>>, vector<16xf32>,
        tpu.vector_store %arg11[%swap3A_550, %swap3A_551], %mul3A_549 {strides = array<i32>} : memref<50x144xf32, #tpu.memory_space<vmem>>, vector<16xf32>,
        %add3A_553 = arith.constant 1 : i32
        %add3A_554 = arith.addi %mul3A_432, %add3A_553 : i32
        %get3A_555 = arith.index_cast %add3A_554 : i32 to index
        %get3A_556 = arith.constant 96 : index
        %get3A_557 = tpu.vector_load %arg11[%get3A_555, %get3A_556] {strides = array<i32>} : memref<50x144xf32, #tpu.memory_space<vmem>>, vector<16xf32>,
        %mul3A_558 = arith.mulf %get3A_557, %gather3A_439 : vector<16xf32>
        %add3A_559 = arith.constant 1 : i32
        %add3A_560 = arith.addi %mul3A_432, %add3A_559 : i32
        %swap3A_561 = arith.index_cast %add3A_560 : i32 to index
        %swap3A_562 = arith.constant 96 : index
        %swap3A_563 = tpu.vector_load %arg11[%swap3A_561, %swap3A_562] {strides = array<i32>} : memref<50x144xf32, #tpu.memory_space<vmem>>, vector<16xf32>,
        tpu.vector_store %arg11[%swap3A_561, %swap3A_562], %mul3A_558 {strides = array<i32>} : memref<50x144xf32, #tpu.memory_space<vmem>>, vector<16xf32>,
        %get3A_564 = arith.index_cast %mul3A_432 : i32 to index
        %get3A_565 = arith.constant 112 : index
        %get3A_566 = tpu.vector_load %arg11[%get3A_564, %get3A_565] {strides = array<i32>} : memref<50x144xf32, #tpu.memory_space<vmem>>, vector<16xf32>,
        %mul3A_567 = arith.mulf %get3A_566, %gather3A : vector<16xf32>
        %swap3A_568 = arith.index_cast %mul3A_432 : i32 to index
        %swap3A_569 = arith.constant 112 : index
        %swap3A_570 = tpu.vector_load %arg11[%swap3A_568, %swap3A_569] {strides = array<i32>} : memref<50x144xf32, #tpu.memory_space<vmem>>, vector<16xf32>,
        tpu.vector_store %arg11[%swap3A_568, %swap3A_569], %mul3A_567 {strides = array<i32>} : memref<50x144xf32, #tpu.memory_space<vmem>>, vector<16xf32>,
        %add3A_571 = arith.constant 1 : i32
        %add3A_572 = arith.addi %mul3A_432, %add3A_571 : i32
        %get3A_573 = arith.index_cast %add3A_572 : i32 to index
        %get3A_574 = arith.constant 112 : index
        %get3A_575 = tpu.vector_load %arg11[%get3A_573, %get3A_574] {strides = array<i32>} : memref<50x144xf32, #tpu.memory_space<vmem>>, vector<16xf32>,
        %mul3A_576 = arith.mulf %get3A_575, %gather3A_439 : vector<16xf32>
        %add3A_577 = arith.constant 1 : i32
        %add3A_578 = arith.addi %mul3A_432, %add3A_577 : i32
        %swap3A_579 = arith.index_cast %add3A_578 : i32 to index
        %swap3A_580 = arith.constant 112 : index
        %swap3A_581 = tpu.vector_load %arg11[%swap3A_579, %swap3A_580] {strides = array<i32>} : memref<50x144xf32, #tpu.memory_space<vmem>>, vector<16xf32>,
        tpu.vector_store %arg11[%swap3A_579, %swap3A_580], %mul3A_576 {strides = array<i32>} : memref<50x144xf32, #tpu.memory_space<vmem>>, vector<16xf32>,
        %get3A_582 = arith.index_cast %mul3A_432 : i32 to index
        %get3A_583 = arith.constant 128 : index
        %get3A_584 = tpu.vector_load %arg11[%get3A_582, %get3A_583] {strides = array<i32>} : memref<50x144xf32, #tpu.memory_space<vmem>>, vector<16xf32>,
        %mul3A_585 = arith.mulf %get3A_584, %gather3A : vector<16xf32>
        %swap3A_586 = arith.index_cast %mul3A_432 : i32 to index
        %swap3A_587 = arith.constant 128 : index
        %swap3A_588 = tpu.vector_load %arg11[%swap3A_586, %swap3A_587] {strides = array<i32>} : memref<50x144xf32, #tpu.memory_space<vmem>>, vector<16xf32>,
        tpu.vector_store %arg11[%swap3A_586, %swap3A_587], %mul3A_585 {strides = array<i32>} : memref<50x144xf32, #tpu.memory_space<vmem>>, vector<16xf32>,
        %add3A_589 = arith.constant 1 : i32
        %add3A_590 = arith.addi %mul3A_432, %add3A_589 : i32
        %get3A_591 = arith.index_cast %add3A_590 : i32 to index
        %get3A_592 = arith.constant 128 : index
        %get3A_593 = tpu.vector_load %arg11[%get3A_591, %get3A_592] {strides = array<i32>} : memref<50x144xf32, #tpu.memory_space<vmem>>, vector<16xf32>,
        %mul3A_594 = arith.mulf %get3A_593, %gather3A_439 : vector<16xf32>
        %add3A_595 = arith.constant 1 : i32
        %add3A_596 = arith.addi %mul3A_432, %add3A_595 : i32
        %swap3A_597 = arith.index_cast %add3A_596 : i32 to index
        %swap3A_598 = arith.constant 128 : index
        %swap3A_599 = tpu.vector_load %arg11[%swap3A_597, %swap3A_598] {strides = array<i32>} : memref<50x144xf32, #tpu.memory_space<vmem>>, vector<16xf32>,
        tpu.vector_store %arg11[%swap3A_597, %swap3A_598], %mul3A_594 {strides = array<i32>} : memref<50x144xf32, #tpu.memory_space<vmem>>, vector<16xf32>,
        %scan3A_600 = arith.constant 0 : i32
        scf.yield %scan3A_600 : i32
      }
      %scan3A_305 = arith.constant 25 : i32
      %dma_start3A_306 = arith.constant 0 : i32
      %dma_start3A_307 = tpu.memref_slice %arg8[%add3A_275, %dma_start3A_306] : memref<200x50xi32, #tpu.memory_space<vmem>> -> memref<1x50xi32, #tpu.memory_space<vmem>>
      %dma_start3A_308 = tpu.memref_squeeze %dma_start3A_307 : memref<1x50xi32, #tpu.memory_space<vmem>> -> memref<50xi32, #tpu.memory_space<vmem>>
      %dma_start3A_309 = arith.constant 0 : i32
      %dma_start3A_310 = arith.constant 0 : i32
      %dma_start3A_311 = tpu.memref_slice %arg13[%dma_start3A_309, %dma_start3A_310] : memref<10112x144xf32, #tpu.memory_space<vmem_shared>> -> memref<10112x144xf32, #tpu.memory_space<vmem_shared>>
      tpu.enqueue_indirect_dma source(%arg11 : memref<50x144xf32, #tpu.memory_space<vmem>>) target(%dma_start3A_311 : memref<10112x144xf32, #tpu.memory_space<vmem_shared>>) offsets(%dma_start3A_308 : memref<50xi32, #tpu.memory_space<vmem>>) semaphore(%arg16 : memref<!tpu.dma_semaphore, #tpu.memory_space<semaphore_mem>>) {add = true}
      %mul3A_312 = arith.constant 8 : i32
      %mul3A_313 = arith.muli %scan3A_76, %mul3A_312 : i32
      %add3A_314 = arith.constant 5 : i32
      %add3A_315 = arith.addi %mul3A_313, %add3A_314 : i32
      %dma_wait3A_316 = arith.constant 0 : i32
      %dma_wait3A_317 = arith.constant 0 : i32
      %dma_wait3A_318 = tpu.memref_slice %arg2[%dma_wait3A_316, %dma_wait3A_317] : memref<10000x144xf32, #tpu.memory_space<hbm>> -> memref<50x144xf32, #tpu.memory_space<hbm>>
      %dma_wait3A_319 = arith.constant 0 : i32
      %dma_wait3A_320 = arith.constant 0 : i32
      %dma_wait3A_321 = tpu.memref_slice %arg2[%dma_wait3A_319, %dma_wait3A_320] : memref<10000x144xf32, #tpu.memory_space<hbm>> -> memref<50x144xf32, #tpu.memory_space<hbm>>
      tpu.wait_dma2 semaphore(%arg15 : memref<!tpu.dma_semaphore, #tpu.memory_space<semaphore_mem>>) src(%dma_wait3A_321 : memref<50x144xf32, #tpu.memory_space<hbm>>) dst(%arg12 : memref<50x144xf32, #tpu.memory_space<vmem>>)
      %dma_wait3A_322 = arith.constant 0 : i32
      %dma_wait3A_323 = arith.constant 0 : i32
      %dma_wait3A_324 = tpu.memref_slice %arg13[%dma_wait3A_322, %dma_wait3A_323] : memref<10112x144xf32, #tpu.memory_space<vmem_shared>> -> memref<50x144xf32, #tpu.memory_space<vmem_shared>>
      %dma_wait3A_325 = arith.constant 0 : i32
      %dma_wait3A_326 = arith.constant 0 : i32
      %dma_wait3A_327 = tpu.memref_slice %arg13[%dma_wait3A_325, %dma_wait3A_326] : memref<10112x144xf32, #tpu.memory_space<vmem_shared>> -> memref<50x144xf32, #tpu.memory_space<vmem_shared>>
      tpu.wait_dma2 semaphore(%arg16 : memref<!tpu.dma_semaphore, #tpu.memory_space<semaphore_mem>>) src(%arg11 : memref<50x144xf32, #tpu.memory_space<vmem>>) dst(%dma_wait3A_327 : memref<50x144xf32, #tpu.memory_space<vmem_shared>>)
      %add3A_328 = arith.constant 1 : i32
      %add3A_329 = arith.addi %add3A_315, %add3A_328 : i32
      %dma_start3A_330 = arith.constant 0 : i32
      %dma_start3A_331 = tpu.memref_slice %arg9[%add3A_329, %dma_start3A_330] : memref<200x50xi32, #tpu.memory_space<vmem>> -> memref<1x50xi32, #tpu.memory_space<vmem>>
      %dma_start3A_332 = tpu.memref_squeeze %dma_start3A_331 : memref<1x50xi32, #tpu.memory_space<vmem>> -> memref<50xi32, #tpu.memory_space<vmem>>
      %dma_start3A_333 = arith.constant 0 : i32
      %dma_start3A_334 = arith.constant 0 : i32
      %dma_start3A_335 = tpu.memref_slice %arg2[%dma_start3A_333, %dma_start3A_334] : memref<10000x144xf32, #tpu.memory_space<hbm>> -> memref<10000x144xf32, #tpu.memory_space<hbm>>
      tpu.enqueue_indirect_dma source(%dma_start3A_335 : memref<10000x144xf32, #tpu.memory_space<hbm>>) target(%arg11 : memref<50x144xf32, #tpu.memory_space<vmem>>) offsets(%dma_start3A_332 : memref<50xi32, #tpu.memory_space<vmem>>) semaphore(%arg14 : memref<!tpu.dma_semaphore, #tpu.memory_space<semaphore_mem>>)
      %add3A_336 = arith.constant 250 : i32
      %add3A_337 = arith.addi %mul3A_114, %add3A_336 : i32
      %broadcast_in_dim3A_338 = vector.broadcast %add3A_337 : i32 to vector<16xi32>
      %scan3A_339 = arith.constant 0 : i32
      %scan3A_340 = arith.constant 0 : i32
      %scan3A_341 = arith.constant 25 : i32
      %scan3A_342 = arith.addi %scan3A_340, %scan3A_341 : i32
      %scan3A_343 = arith.constant 1 : i32
      %scan3A_344 = scf.for %scan3A_429 = %scan3A_340 to %scan3A_342 step %scan3A_343 iter_args(%scan3A_430 = %scan3A_339) -> (i32)  : i32 {
        %mul3A_431 = arith.constant 2 : i32
        %mul3A_432 = arith.muli %scan3A_429, %mul3A_431 : i32
        %add3A_433 = vector.broadcast %mul3A_432 : i32 to vector<16xi32>
        %add3A_434 = arith.addi %broadcast_in_dim3A_338, %add3A_433 : vector<16xi32>
        %gather3A = tpu.vector_load_idx %arg10[%add3A_434] : memref<800xf32, #tpu.memory_space<vmem>>[vector<16xi32>], vector<16xf32>,
        %add3A_435 = arith.constant 1 : i32
        %add3A_436 = arith.addi %mul3A_432, %add3A_435 : i32
        %add3A_437 = vector.broadcast %add3A_436 : i32 to vector<16xi32>
        %add3A_438 = arith.addi %broadcast_in_dim3A_338, %add3A_437 : vector<16xi32>
        %gather3A_439 = tpu.vector_load_idx %arg10[%add3A_438] : memref<800xf32, #tpu.memory_space<vmem>>[vector<16xi32>], vector<16xf32>,
        %get3A = arith.index_cast %mul3A_432 : i32 to index
        %get3A_440 = arith.constant 0 : index
        %get3A_441 = tpu.vector_load %arg12[%get3A, %get3A_440] {strides = array<i32>} : memref<50x144xf32, #tpu.memory_space<vmem>>, vector<16xf32>,
        %mul3A_442 = arith.mulf %get3A_441, %gather3A : vector<16xf32>
        %swap3A = arith.index_cast %mul3A_432 : i32 to index
        %swap3A_443 = arith.constant 0 : index
        %swap3A_444 = tpu.vector_load %arg12[%swap3A, %swap3A_443] {strides = array<i32>} : memref<50x144xf32, #tpu.memory_space<vmem>>, vector<16xf32>,
        tpu.vector_store %arg12[%swap3A, %swap3A_443], %mul3A_442 {strides = array<i32>} : memref<50x144xf32, #tpu.memory_space<vmem>>, vector<16xf32>,
        %add3A_445 = arith.constant 1 : i32
        %add3A_446 = arith.addi %mul3A_432, %add3A_445 : i32
        %get3A_447 = arith.index_cast %add3A_446 : i32 to index
        %get3A_448 = arith.constant 0 : index
        %get3A_449 = tpu.vector_load %arg12[%get3A_447, %get3A_448] {strides = array<i32>} : memref<50x144xf32, #tpu.memory_space<vmem>>, vector<16xf32>,
        %mul3A_450 = arith.mulf %get3A_449, %gather3A_439 : vector<16xf32>
        %add3A_451 = arith.constant 1 : i32
        %add3A_452 = arith.addi %mul3A_432, %add3A_451 : i32
        %swap3A_453 = arith.index_cast %add3A_452 : i32 to index
        %swap3A_454 = arith.constant 0 : index
        %swap3A_455 = tpu.vector_load %arg12[%swap3A_453, %swap3A_454] {strides = array<i32>} : memref<50x144xf32, #tpu.memory_space<vmem>>, vector<16xf32>,
        tpu.vector_store %arg12[%swap3A_453, %swap3A_454], %mul3A_450 {strides = array<i32>} : memref<50x144xf32, #tpu.memory_space<vmem>>, vector<16xf32>,
        %get3A_456 = arith.index_cast %mul3A_432 : i32 to index
        %get3A_457 = arith.constant 16 : index
        %get3A_458 = tpu.vector_load %arg12[%get3A_456, %get3A_457] {strides = array<i32>} : memref<50x144xf32, #tpu.memory_space<vmem>>, vector<16xf32>,
        %mul3A_459 = arith.mulf %get3A_458, %gather3A : vector<16xf32>
        %swap3A_460 = arith.index_cast %mul3A_432 : i32 to index
        %swap3A_461 = arith.constant 16 : index
        %swap3A_462 = tpu.vector_load %arg12[%swap3A_460, %swap3A_461] {strides = array<i32>} : memref<50x144xf32, #tpu.memory_space<vmem>>, vector<16xf32>,
        tpu.vector_store %arg12[%swap3A_460, %swap3A_461], %mul3A_459 {strides = array<i32>} : memref<50x144xf32, #tpu.memory_space<vmem>>, vector<16xf32>,
        %add3A_463 = arith.constant 1 : i32
        %add3A_464 = arith.addi %mul3A_432, %add3A_463 : i32
        %get3A_465 = arith.index_cast %add3A_464 : i32 to index
        %get3A_466 = arith.constant 16 : index
        %get3A_467 = tpu.vector_load %arg12[%get3A_465, %get3A_466] {strides = array<i32>} : memref<50x144xf32, #tpu.memory_space<vmem>>, vector<16xf32>,
        %mul3A_468 = arith.mulf %get3A_467, %gather3A_439 : vector<16xf32>
        %add3A_469 = arith.constant 1 : i32
        %add3A_470 = arith.addi %mul3A_432, %add3A_469 : i32
        %swap3A_471 = arith.index_cast %add3A_470 : i32 to index
        %swap3A_472 = arith.constant 16 : index
        %swap3A_473 = tpu.vector_load %arg12[%swap3A_471, %swap3A_472] {strides = array<i32>} : memref<50x144xf32, #tpu.memory_space<vmem>>, vector<16xf32>,
        tpu.vector_store %arg12[%swap3A_471, %swap3A_472], %mul3A_468 {strides = array<i32>} : memref<50x144xf32, #tpu.memory_space<vmem>>, vector<16xf32>,
        %get3A_474 = arith.index_cast %mul3A_432 : i32 to index
        %get3A_475 = arith.constant 32 : index
        %get3A_476 = tpu.vector_load %arg12[%get3A_474, %get3A_475] {strides = array<i32>} : memref<50x144xf32, #tpu.memory_space<vmem>>, vector<16xf32>,
        %mul3A_477 = arith.mulf %get3A_476, %gather3A : vector<16xf32>
        %swap3A_478 = arith.index_cast %mul3A_432 : i32 to index
        %swap3A_479 = arith.constant 32 : index
        %swap3A_480 = tpu.vector_load %arg12[%swap3A_478, %swap3A_479] {strides = array<i32>} : memref<50x144xf32, #tpu.memory_space<vmem>>, vector<16xf32>,
        tpu.vector_store %arg12[%swap3A_478, %swap3A_479], %mul3A_477 {strides = array<i32>} : memref<50x144xf32, #tpu.memory_space<vmem>>, vector<16xf32>,
        %add3A_481 = arith.constant 1 : i32
        %add3A_482 = arith.addi %mul3A_432, %add3A_481 : i32
        %get3A_483 = arith.index_cast %add3A_482 : i32 to index
        %get3A_484 = arith.constant 32 : index
        %get3A_485 = tpu.vector_load %arg12[%get3A_483, %get3A_484] {strides = array<i32>} : memref<50x144xf32, #tpu.memory_space<vmem>>, vector<16xf32>,
        %mul3A_486 = arith.mulf %get3A_485, %gather3A_439 : vector<16xf32>
        %add3A_487 = arith.constant 1 : i32
        %add3A_488 = arith.addi %mul3A_432, %add3A_487 : i32
        %swap3A_489 = arith.index_cast %add3A_488 : i32 to index
        %swap3A_490 = arith.constant 32 : index
        %swap3A_491 = tpu.vector_load %arg12[%swap3A_489, %swap3A_490] {strides = array<i32>} : memref<50x144xf32, #tpu.memory_space<vmem>>, vector<16xf32>,
        tpu.vector_store %arg12[%swap3A_489, %swap3A_490], %mul3A_486 {strides = array<i32>} : memref<50x144xf32, #tpu.memory_space<vmem>>, vector<16xf32>,
        %get3A_492 = arith.index_cast %mul3A_432 : i32 to index
        %get3A_493 = arith.constant 48 : index
        %get3A_494 = tpu.vector_load %arg12[%get3A_492, %get3A_493] {strides = array<i32>} : memref<50x144xf32, #tpu.memory_space<vmem>>, vector<16xf32>,
        %mul3A_495 = arith.mulf %get3A_494, %gather3A : vector<16xf32>
        %swap3A_496 = arith.index_cast %mul3A_432 : i32 to index
        %swap3A_497 = arith.constant 48 : index
        %swap3A_498 = tpu.vector_load %arg12[%swap3A_496, %swap3A_497] {strides = array<i32>} : memref<50x144xf32, #tpu.memory_space<vmem>>, vector<16xf32>,
        tpu.vector_store %arg12[%swap3A_496, %swap3A_497], %mul3A_495 {strides = array<i32>} : memref<50x144xf32, #tpu.memory_space<vmem>>, vector<16xf32>,
        %add3A_499 = arith.constant 1 : i32
        %add3A_500 = arith.addi %mul3A_432, %add3A_499 : i32
        %get3A_501 = arith.index_cast %add3A_500 : i32 to index
        %get3A_502 = arith.constant 48 : index
        %get3A_503 = tpu.vector_load %arg12[%get3A_501, %get3A_502] {strides = array<i32>} : memref<50x144xf32, #tpu.memory_space<vmem>>, vector<16xf32>,
        %mul3A_504 = arith.mulf %get3A_503, %gather3A_439 : vector<16xf32>
        %add3A_505 = arith.constant 1 : i32
        %add3A_506 = arith.addi %mul3A_432, %add3A_505 : i32
        %swap3A_507 = arith.index_cast %add3A_506 : i32 to index
        %swap3A_508 = arith.constant 48 : index
        %swap3A_509 = tpu.vector_load %arg12[%swap3A_507, %swap3A_508] {strides = array<i32>} : memref<50x144xf32, #tpu.memory_space<vmem>>, vector<16xf32>,
        tpu.vector_store %arg12[%swap3A_507, %swap3A_508], %mul3A_504 {strides = array<i32>} : memref<50x144xf32, #tpu.memory_space<vmem>>, vector<16xf32>,
        %get3A_510 = arith.index_cast %mul3A_432 : i32 to index
        %get3A_511 = arith.constant 64 : index
        %get3A_512 = tpu.vector_load %arg12[%get3A_510, %get3A_511] {strides = array<i32>} : memref<50x144xf32, #tpu.memory_space<vmem>>, vector<16xf32>,
        %mul3A_513 = arith.mulf %get3A_512, %gather3A : vector<16xf32>
        %swap3A_514 = arith.index_cast %mul3A_432 : i32 to index
        %swap3A_515 = arith.constant 64 : index
        %swap3A_516 = tpu.vector_load %arg12[%swap3A_514, %swap3A_515] {strides = array<i32>} : memref<50x144xf32, #tpu.memory_space<vmem>>, vector<16xf32>,
        tpu.vector_store %arg12[%swap3A_514, %swap3A_515], %mul3A_513 {strides = array<i32>} : memref<50x144xf32, #tpu.memory_space<vmem>>, vector<16xf32>,
        %add3A_517 = arith.constant 1 : i32
        %add3A_518 = arith.addi %mul3A_432, %add3A_517 : i32
        %get3A_519 = arith.index_cast %add3A_518 : i32 to index
        %get3A_520 = arith.constant 64 : index
        %get3A_521 = tpu.vector_load %arg12[%get3A_519, %get3A_520] {strides = array<i32>} : memref<50x144xf32, #tpu.memory_space<vmem>>, vector<16xf32>,
        %mul3A_522 = arith.mulf %get3A_521, %gather3A_439 : vector<16xf32>
        %add3A_523 = arith.constant 1 : i32
        %add3A_524 = arith.addi %mul3A_432, %add3A_523 : i32
        %swap3A_525 = arith.index_cast %add3A_524 : i32 to index
        %swap3A_526 = arith.constant 64 : index
        %swap3A_527 = tpu.vector_load %arg12[%swap3A_525, %swap3A_526] {strides = array<i32>} : memref<50x144xf32, #tpu.memory_space<vmem>>, vector<16xf32>,
        tpu.vector_store %arg12[%swap3A_525, %swap3A_526], %mul3A_522 {strides = array<i32>} : memref<50x144xf32, #tpu.memory_space<vmem>>, vector<16xf32>,
        %get3A_528 = arith.index_cast %mul3A_432 : i32 to index
        %get3A_529 = arith.constant 80 : index
        %get3A_530 = tpu.vector_load %arg12[%get3A_528, %get3A_529] {strides = array<i32>} : memref<50x144xf32, #tpu.memory_space<vmem>>, vector<16xf32>,
        %mul3A_531 = arith.mulf %get3A_530, %gather3A : vector<16xf32>
        %swap3A_532 = arith.index_cast %mul3A_432 : i32 to index
        %swap3A_533 = arith.constant 80 : index
        %swap3A_534 = tpu.vector_load %arg12[%swap3A_532, %swap3A_533] {strides = array<i32>} : memref<50x144xf32, #tpu.memory_space<vmem>>, vector<16xf32>,
        tpu.vector_store %arg12[%swap3A_532, %swap3A_533], %mul3A_531 {strides = array<i32>} : memref<50x144xf32, #tpu.memory_space<vmem>>, vector<16xf32>,
        %add3A_535 = arith.constant 1 : i32
        %add3A_536 = arith.addi %mul3A_432, %add3A_535 : i32
        %get3A_537 = arith.index_cast %add3A_536 : i32 to index
        %get3A_538 = arith.constant 80 : index
        %get3A_539 = tpu.vector_load %arg12[%get3A_537, %get3A_538] {strides = array<i32>} : memref<50x144xf32, #tpu.memory_space<vmem>>, vector<16xf32>,
        %mul3A_540 = arith.mulf %get3A_539, %gather3A_439 : vector<16xf32>
        %add3A_541 = arith.constant 1 : i32
        %add3A_542 = arith.addi %mul3A_432, %add3A_541 : i32
        %swap3A_543 = arith.index_cast %add3A_542 : i32 to index
        %swap3A_544 = arith.constant 80 : index
        %swap3A_545 = tpu.vector_load %arg12[%swap3A_543, %swap3A_544] {strides = array<i32>} : memref<50x144xf32, #tpu.memory_space<vmem>>, vector<16xf32>,
        tpu.vector_store %arg12[%swap3A_543, %swap3A_544], %mul3A_540 {strides = array<i32>} : memref<50x144xf32, #tpu.memory_space<vmem>>, vector<16xf32>,
        %get3A_546 = arith.index_cast %mul3A_432 : i32 to index
        %get3A_547 = arith.constant 96 : index
        %get3A_548 = tpu.vector_load %arg12[%get3A_546, %get3A_547] {strides = array<i32>} : memref<50x144xf32, #tpu.memory_space<vmem>>, vector<16xf32>,
        %mul3A_549 = arith.mulf %get3A_548, %gather3A : vector<16xf32>
        %swap3A_550 = arith.index_cast %mul3A_432 : i32 to index
        %swap3A_551 = arith.constant 96 : index
        %swap3A_552 = tpu.vector_load %arg12[%swap3A_550, %swap3A_551] {strides = array<i32>} : memref<50x144xf32, #tpu.memory_space<vmem>>, vector<16xf32>,
        tpu.vector_store %arg12[%swap3A_550, %swap3A_551], %mul3A_549 {strides = array<i32>} : memref<50x144xf32, #tpu.memory_space<vmem>>, vector<16xf32>,
        %add3A_553 = arith.constant 1 : i32
        %add3A_554 = arith.addi %mul3A_432, %add3A_553 : i32
        %get3A_555 = arith.index_cast %add3A_554 : i32 to index
        %get3A_556 = arith.constant 96 : index
        %get3A_557 = tpu.vector_load %arg12[%get3A_555, %get3A_556] {strides = array<i32>} : memref<50x144xf32, #tpu.memory_space<vmem>>, vector<16xf32>,
        %mul3A_558 = arith.mulf %get3A_557, %gather3A_439 : vector<16xf32>
        %add3A_559 = arith.constant 1 : i32
        %add3A_560 = arith.addi %mul3A_432, %add3A_559 : i32
        %swap3A_561 = arith.index_cast %add3A_560 : i32 to index
        %swap3A_562 = arith.constant 96 : index
        %swap3A_563 = tpu.vector_load %arg12[%swap3A_561, %swap3A_562] {strides = array<i32>} : memref<50x144xf32, #tpu.memory_space<vmem>>, vector<16xf32>,
        tpu.vector_store %arg12[%swap3A_561, %swap3A_562], %mul3A_558 {strides = array<i32>} : memref<50x144xf32, #tpu.memory_space<vmem>>, vector<16xf32>,
        %get3A_564 = arith.index_cast %mul3A_432 : i32 to index
        %get3A_565 = arith.constant 112 : index
        %get3A_566 = tpu.vector_load %arg12[%get3A_564, %get3A_565] {strides = array<i32>} : memref<50x144xf32, #tpu.memory_space<vmem>>, vector<16xf32>,
        %mul3A_567 = arith.mulf %get3A_566, %gather3A : vector<16xf32>
        %swap3A_568 = arith.index_cast %mul3A_432 : i32 to index
        %swap3A_569 = arith.constant 112 : index
        %swap3A_570 = tpu.vector_load %arg12[%swap3A_568, %swap3A_569] {strides = array<i32>} : memref<50x144xf32, #tpu.memory_space<vmem>>, vector<16xf32>,
        tpu.vector_store %arg12[%swap3A_568, %swap3A_569], %mul3A_567 {strides = array<i32>} : memref<50x144xf32, #tpu.memory_space<vmem>>, vector<16xf32>,
        %add3A_571 = arith.constant 1 : i32
        %add3A_572 = arith.addi %mul3A_432, %add3A_571 : i32
        %get3A_573 = arith.index_cast %add3A_572 : i32 to index
        %get3A_574 = arith.constant 112 : index
        %get3A_575 = tpu.vector_load %arg12[%get3A_573, %get3A_574] {strides = array<i32>} : memref<50x144xf32, #tpu.memory_space<vmem>>, vector<16xf32>,
        %mul3A_576 = arith.mulf %get3A_575, %gather3A_439 : vector<16xf32>
        %add3A_577 = arith.constant 1 : i32
        %add3A_578 = arith.addi %mul3A_432, %add3A_577 : i32
        %swap3A_579 = arith.index_cast %add3A_578 : i32 to index
        %swap3A_580 = arith.constant 112 : index
        %swap3A_581 = tpu.vector_load %arg12[%swap3A_579, %swap3A_580] {strides = array<i32>} : memref<50x144xf32, #tpu.memory_space<vmem>>, vector<16xf32>,
        tpu.vector_store %arg12[%swap3A_579, %swap3A_580], %mul3A_576 {strides = array<i32>} : memref<50x144xf32, #tpu.memory_space<vmem>>, vector<16xf32>,
        %get3A_582 = arith.index_cast %mul3A_432 : i32 to index
        %get3A_583 = arith.constant 128 : index
        %get3A_584 = tpu.vector_load %arg12[%get3A_582, %get3A_583] {strides = array<i32>} : memref<50x144xf32, #tpu.memory_space<vmem>>, vector<16xf32>,
        %mul3A_585 = arith.mulf %get3A_584, %gather3A : vector<16xf32>
        %swap3A_586 = arith.index_cast %mul3A_432 : i32 to index
        %swap3A_587 = arith.constant 128 : index
        %swap3A_588 = tpu.vector_load %arg12[%swap3A_586, %swap3A_587] {strides = array<i32>} : memref<50x144xf32, #tpu.memory_space<vmem>>, vector<16xf32>,
        tpu.vector_store %arg12[%swap3A_586, %swap3A_587], %mul3A_585 {strides = array<i32>} : memref<50x144xf32, #tpu.memory_space<vmem>>, vector<16xf32>,
        %add3A_589 = arith.constant 1 : i32
        %add3A_590 = arith.addi %mul3A_432, %add3A_589 : i32
        %get3A_591 = arith.index_cast %add3A_590 : i32 to index
        %get3A_592 = arith.constant 128 : index
        %get3A_593 = tpu.vector_load %arg12[%get3A_591, %get3A_592] {strides = array<i32>} : memref<50x144xf32, #tpu.memory_space<vmem>>, vector<16xf32>,
        %mul3A_594 = arith.mulf %get3A_593, %gather3A_439 : vector<16xf32>
        %add3A_595 = arith.constant 1 : i32
        %add3A_596 = arith.addi %mul3A_432, %add3A_595 : i32
        %swap3A_597 = arith.index_cast %add3A_596 : i32 to index
        %swap3A_598 = arith.constant 128 : index
        %swap3A_599 = tpu.vector_load %arg12[%swap3A_597, %swap3A_598] {strides = array<i32>} : memref<50x144xf32, #tpu.memory_space<vmem>>, vector<16xf32>,
        tpu.vector_store %arg12[%swap3A_597, %swap3A_598], %mul3A_594 {strides = array<i32>} : memref<50x144xf32, #tpu.memory_space<vmem>>, vector<16xf32>,
        %scan3A_600 = arith.constant 0 : i32
        scf.yield %scan3A_600 : i32
      }
      %scan3A_345 = arith.constant 25 : i32
      %dma_start3A_346 = arith.constant 0 : i32
      %dma_start3A_347 = tpu.memref_slice %arg8[%add3A_315, %dma_start3A_346] : memref<200x50xi32, #tpu.memory_space<vmem>> -> memref<1x50xi32, #tpu.memory_space<vmem>>
      %dma_start3A_348 = tpu.memref_squeeze %dma_start3A_347 : memref<1x50xi32, #tpu.memory_space<vmem>> -> memref<50xi32, #tpu.memory_space<vmem>>
      %dma_start3A_349 = arith.constant 0 : i32
      %dma_start3A_350 = arith.constant 0 : i32
      %dma_start3A_351 = tpu.memref_slice %arg13[%dma_start3A_349, %dma_start3A_350] : memref<10112x144xf32, #tpu.memory_space<vmem_shared>> -> memref<10112x144xf32, #tpu.memory_space<vmem_shared>>
      tpu.enqueue_indirect_dma source(%arg12 : memref<50x144xf32, #tpu.memory_space<vmem>>) target(%dma_start3A_351 : memref<10112x144xf32, #tpu.memory_space<vmem_shared>>) offsets(%dma_start3A_348 : memref<50xi32, #tpu.memory_space<vmem>>) semaphore(%arg17 : memref<!tpu.dma_semaphore, #tpu.memory_space<semaphore_mem>>) {add = true}
      %mul3A_352 = arith.constant 8 : i32
      %mul3A_353 = arith.muli %scan3A_76, %mul3A_352 : i32
      %add3A_354 = arith.constant 6 : i32
      %add3A_355 = arith.addi %mul3A_353, %add3A_354 : i32
      %dma_wait3A_356 = arith.constant 0 : i32
      %dma_wait3A_357 = arith.constant 0 : i32
      %dma_wait3A_358 = tpu.memref_slice %arg2[%dma_wait3A_356, %dma_wait3A_357] : memref<10000x144xf32, #tpu.memory_space<hbm>> -> memref<50x144xf32, #tpu.memory_space<hbm>>
      %dma_wait3A_359 = arith.constant 0 : i32
      %dma_wait3A_360 = arith.constant 0 : i32
      %dma_wait3A_361 = tpu.memref_slice %arg2[%dma_wait3A_359, %dma_wait3A_360] : memref<10000x144xf32, #tpu.memory_space<hbm>> -> memref<50x144xf32, #tpu.memory_space<hbm>>
      tpu.wait_dma2 semaphore(%arg14 : memref<!tpu.dma_semaphore, #tpu.memory_space<semaphore_mem>>) src(%dma_wait3A_361 : memref<50x144xf32, #tpu.memory_space<hbm>>) dst(%arg11 : memref<50x144xf32, #tpu.memory_space<vmem>>)
      %dma_wait3A_362 = arith.constant 0 : i32
      %dma_wait3A_363 = arith.constant 0 : i32
      %dma_wait3A_364 = tpu.memref_slice %arg13[%dma_wait3A_362, %dma_wait3A_363] : memref<10112x144xf32, #tpu.memory_space<vmem_shared>> -> memref<50x144xf32, #tpu.memory_space<vmem_shared>>
      %dma_wait3A_365 = arith.constant 0 : i32
      %dma_wait3A_366 = arith.constant 0 : i32
      %dma_wait3A_367 = tpu.memref_slice %arg13[%dma_wait3A_365, %dma_wait3A_366] : memref<10112x144xf32, #tpu.memory_space<vmem_shared>> -> memref<50x144xf32, #tpu.memory_space<vmem_shared>>
      tpu.wait_dma2 semaphore(%arg17 : memref<!tpu.dma_semaphore, #tpu.memory_space<semaphore_mem>>) src(%arg12 : memref<50x144xf32, #tpu.memory_space<vmem>>) dst(%dma_wait3A_367 : memref<50x144xf32, #tpu.memory_space<vmem_shared>>)
      %add3A_368 = arith.constant 1 : i32
      %add3A_369 = arith.addi %add3A_355, %add3A_368 : i32
      %dma_start3A_370 = arith.constant 0 : i32
      %dma_start3A_371 = tpu.memref_slice %arg9[%add3A_369, %dma_start3A_370] : memref<200x50xi32, #tpu.memory_space<vmem>> -> memref<1x50xi32, #tpu.memory_space<vmem>>
      %dma_start3A_372 = tpu.memref_squeeze %dma_start3A_371 : memref<1x50xi32, #tpu.memory_space<vmem>> -> memref<50xi32, #tpu.memory_space<vmem>>
      %dma_start3A_373 = arith.constant 0 : i32
      %dma_start3A_374 = arith.constant 0 : i32
      %dma_start3A_375 = tpu.memref_slice %arg2[%dma_start3A_373, %dma_start3A_374] : memref<10000x144xf32, #tpu.memory_space<hbm>> -> memref<10000x144xf32, #tpu.memory_space<hbm>>
      tpu.enqueue_indirect_dma source(%dma_start3A_375 : memref<10000x144xf32, #tpu.memory_space<hbm>>) target(%arg12 : memref<50x144xf32, #tpu.memory_space<vmem>>) offsets(%dma_start3A_372 : memref<50xi32, #tpu.memory_space<vmem>>) semaphore(%arg15 : memref<!tpu.dma_semaphore, #tpu.memory_space<semaphore_mem>>)
      %add3A_376 = arith.constant 300 : i32
      %add3A_377 = arith.addi %mul3A_114, %add3A_376 : i32
      %broadcast_in_dim3A_378 = vector.broadcast %add3A_377 : i32 to vector<16xi32>
      %scan3A_379 = arith.constant 0 : i32
      %scan3A_380 = arith.constant 0 : i32
      %scan3A_381 = arith.constant 25 : i32
      %scan3A_382 = arith.addi %scan3A_380, %scan3A_381 : i32
      %scan3A_383 = arith.constant 1 : i32
      %scan3A_384 = scf.for %scan3A_429 = %scan3A_380 to %scan3A_382 step %scan3A_383 iter_args(%scan3A_430 = %scan3A_379) -> (i32)  : i32 {
        %mul3A_431 = arith.constant 2 : i32
        %mul3A_432 = arith.muli %scan3A_429, %mul3A_431 : i32
        %add3A_433 = vector.broadcast %mul3A_432 : i32 to vector<16xi32>
        %add3A_434 = arith.addi %broadcast_in_dim3A_378, %add3A_433 : vector<16xi32>
        %gather3A = tpu.vector_load_idx %arg10[%add3A_434] : memref<800xf32, #tpu.memory_space<vmem>>[vector<16xi32>], vector<16xf32>,
        %add3A_435 = arith.constant 1 : i32
        %add3A_436 = arith.addi %mul3A_432, %add3A_435 : i32
        %add3A_437 = vector.broadcast %add3A_436 : i32 to vector<16xi32>
        %add3A_438 = arith.addi %broadcast_in_dim3A_378, %add3A_437 : vector<16xi32>
        %gather3A_439 = tpu.vector_load_idx %arg10[%add3A_438] : memref<800xf32, #tpu.memory_space<vmem>>[vector<16xi32>], vector<16xf32>,
        %get3A = arith.index_cast %mul3A_432 : i32 to index
        %get3A_440 = arith.constant 0 : index
        %get3A_441 = tpu.vector_load %arg11[%get3A, %get3A_440] {strides = array<i32>} : memref<50x144xf32, #tpu.memory_space<vmem>>, vector<16xf32>,
        %mul3A_442 = arith.mulf %get3A_441, %gather3A : vector<16xf32>
        %swap3A = arith.index_cast %mul3A_432 : i32 to index
        %swap3A_443 = arith.constant 0 : index
        %swap3A_444 = tpu.vector_load %arg11[%swap3A, %swap3A_443] {strides = array<i32>} : memref<50x144xf32, #tpu.memory_space<vmem>>, vector<16xf32>,
        tpu.vector_store %arg11[%swap3A, %swap3A_443], %mul3A_442 {strides = array<i32>} : memref<50x144xf32, #tpu.memory_space<vmem>>, vector<16xf32>,
        %add3A_445 = arith.constant 1 : i32
        %add3A_446 = arith.addi %mul3A_432, %add3A_445 : i32
        %get3A_447 = arith.index_cast %add3A_446 : i32 to index
        %get3A_448 = arith.constant 0 : index
        %get3A_449 = tpu.vector_load %arg11[%get3A_447, %get3A_448] {strides = array<i32>} : memref<50x144xf32, #tpu.memory_space<vmem>>, vector<16xf32>,
        %mul3A_450 = arith.mulf %get3A_449, %gather3A_439 : vector<16xf32>
        %add3A_451 = arith.constant 1 : i32
        %add3A_452 = arith.addi %mul3A_432, %add3A_451 : i32
        %swap3A_453 = arith.index_cast %add3A_452 : i32 to index
        %swap3A_454 = arith.constant 0 : index
        %swap3A_455 = tpu.vector_load %arg11[%swap3A_453, %swap3A_454] {strides = array<i32>} : memref<50x144xf32, #tpu.memory_space<vmem>>, vector<16xf32>,
        tpu.vector_store %arg11[%swap3A_453, %swap3A_454], %mul3A_450 {strides = array<i32>} : memref<50x144xf32, #tpu.memory_space<vmem>>, vector<16xf32>,
        %get3A_456 = arith.index_cast %mul3A_432 : i32 to index
        %get3A_457 = arith.constant 16 : index
        %get3A_458 = tpu.vector_load %arg11[%get3A_456, %get3A_457] {strides = array<i32>} : memref<50x144xf32, #tpu.memory_space<vmem>>, vector<16xf32>,
        %mul3A_459 = arith.mulf %get3A_458, %gather3A : vector<16xf32>
        %swap3A_460 = arith.index_cast %mul3A_432 : i32 to index
        %swap3A_461 = arith.constant 16 : index
        %swap3A_462 = tpu.vector_load %arg11[%swap3A_460, %swap3A_461] {strides = array<i32>} : memref<50x144xf32, #tpu.memory_space<vmem>>, vector<16xf32>,
        tpu.vector_store %arg11[%swap3A_460, %swap3A_461], %mul3A_459 {strides = array<i32>} : memref<50x144xf32, #tpu.memory_space<vmem>>, vector<16xf32>,
        %add3A_463 = arith.constant 1 : i32
        %add3A_464 = arith.addi %mul3A_432, %add3A_463 : i32
        %get3A_465 = arith.index_cast %add3A_464 : i32 to index
        %get3A_466 = arith.constant 16 : index
        %get3A_467 = tpu.vector_load %arg11[%get3A_465, %get3A_466] {strides = array<i32>} : memref<50x144xf32, #tpu.memory_space<vmem>>, vector<16xf32>,
        %mul3A_468 = arith.mulf %get3A_467, %gather3A_439 : vector<16xf32>
        %add3A_469 = arith.constant 1 : i32
        %add3A_470 = arith.addi %mul3A_432, %add3A_469 : i32
        %swap3A_471 = arith.index_cast %add3A_470 : i32 to index
        %swap3A_472 = arith.constant 16 : index
        %swap3A_473 = tpu.vector_load %arg11[%swap3A_471, %swap3A_472] {strides = array<i32>} : memref<50x144xf32, #tpu.memory_space<vmem>>, vector<16xf32>,
        tpu.vector_store %arg11[%swap3A_471, %swap3A_472], %mul3A_468 {strides = array<i32>} : memref<50x144xf32, #tpu.memory_space<vmem>>, vector<16xf32>,
        %get3A_474 = arith.index_cast %mul3A_432 : i32 to index
        %get3A_475 = arith.constant 32 : index
        %get3A_476 = tpu.vector_load %arg11[%get3A_474, %get3A_475] {strides = array<i32>} : memref<50x144xf32, #tpu.memory_space<vmem>>, vector<16xf32>,
        %mul3A_477 = arith.mulf %get3A_476, %gather3A : vector<16xf32>
        %swap3A_478 = arith.index_cast %mul3A_432 : i32 to index
        %swap3A_479 = arith.constant 32 : index
        %swap3A_480 = tpu.vector_load %arg11[%swap3A_478, %swap3A_479] {strides = array<i32>} : memref<50x144xf32, #tpu.memory_space<vmem>>, vector<16xf32>,
        tpu.vector_store %arg11[%swap3A_478, %swap3A_479], %mul3A_477 {strides = array<i32>} : memref<50x144xf32, #tpu.memory_space<vmem>>, vector<16xf32>,
        %add3A_481 = arith.constant 1 : i32
        %add3A_482 = arith.addi %mul3A_432, %add3A_481 : i32
        %get3A_483 = arith.index_cast %add3A_482 : i32 to index
        %get3A_484 = arith.constant 32 : index
        %get3A_485 = tpu.vector_load %arg11[%get3A_483, %get3A_484] {strides = array<i32>} : memref<50x144xf32, #tpu.memory_space<vmem>>, vector<16xf32>,
        %mul3A_486 = arith.mulf %get3A_485, %gather3A_439 : vector<16xf32>
        %add3A_487 = arith.constant 1 : i32
        %add3A_488 = arith.addi %mul3A_432, %add3A_487 : i32
        %swap3A_489 = arith.index_cast %add3A_488 : i32 to index
        %swap3A_490 = arith.constant 32 : index
        %swap3A_491 = tpu.vector_load %arg11[%swap3A_489, %swap3A_490] {strides = array<i32>} : memref<50x144xf32, #tpu.memory_space<vmem>>, vector<16xf32>,
        tpu.vector_store %arg11[%swap3A_489, %swap3A_490], %mul3A_486 {strides = array<i32>} : memref<50x144xf32, #tpu.memory_space<vmem>>, vector<16xf32>,
        %get3A_492 = arith.index_cast %mul3A_432 : i32 to index
        %get3A_493 = arith.constant 48 : index
        %get3A_494 = tpu.vector_load %arg11[%get3A_492, %get3A_493] {strides = array<i32>} : memref<50x144xf32, #tpu.memory_space<vmem>>, vector<16xf32>,
        %mul3A_495 = arith.mulf %get3A_494, %gather3A : vector<16xf32>
        %swap3A_496 = arith.index_cast %mul3A_432 : i32 to index
        %swap3A_497 = arith.constant 48 : index
        %swap3A_498 = tpu.vector_load %arg11[%swap3A_496, %swap3A_497] {strides = array<i32>} : memref<50x144xf32, #tpu.memory_space<vmem>>, vector<16xf32>,
        tpu.vector_store %arg11[%swap3A_496, %swap3A_497], %mul3A_495 {strides = array<i32>} : memref<50x144xf32, #tpu.memory_space<vmem>>, vector<16xf32>,
        %add3A_499 = arith.constant 1 : i32
        %add3A_500 = arith.addi %mul3A_432, %add3A_499 : i32
        %get3A_501 = arith.index_cast %add3A_500 : i32 to index
        %get3A_502 = arith.constant 48 : index
        %get3A_503 = tpu.vector_load %arg11[%get3A_501, %get3A_502] {strides = array<i32>} : memref<50x144xf32, #tpu.memory_space<vmem>>, vector<16xf32>,
        %mul3A_504 = arith.mulf %get3A_503, %gather3A_439 : vector<16xf32>
        %add3A_505 = arith.constant 1 : i32
        %add3A_506 = arith.addi %mul3A_432, %add3A_505 : i32
        %swap3A_507 = arith.index_cast %add3A_506 : i32 to index
        %swap3A_508 = arith.constant 48 : index
        %swap3A_509 = tpu.vector_load %arg11[%swap3A_507, %swap3A_508] {strides = array<i32>} : memref<50x144xf32, #tpu.memory_space<vmem>>, vector<16xf32>,
        tpu.vector_store %arg11[%swap3A_507, %swap3A_508], %mul3A_504 {strides = array<i32>} : memref<50x144xf32, #tpu.memory_space<vmem>>, vector<16xf32>,
        %get3A_510 = arith.index_cast %mul3A_432 : i32 to index
        %get3A_511 = arith.constant 64 : index
        %get3A_512 = tpu.vector_load %arg11[%get3A_510, %get3A_511] {strides = array<i32>} : memref<50x144xf32, #tpu.memory_space<vmem>>, vector<16xf32>,
        %mul3A_513 = arith.mulf %get3A_512, %gather3A : vector<16xf32>
        %swap3A_514 = arith.index_cast %mul3A_432 : i32 to index
        %swap3A_515 = arith.constant 64 : index
        %swap3A_516 = tpu.vector_load %arg11[%swap3A_514, %swap3A_515] {strides = array<i32>} : memref<50x144xf32, #tpu.memory_space<vmem>>, vector<16xf32>,
        tpu.vector_store %arg11[%swap3A_514, %swap3A_515], %mul3A_513 {strides = array<i32>} : memref<50x144xf32, #tpu.memory_space<vmem>>, vector<16xf32>,
        %add3A_517 = arith.constant 1 : i32
        %add3A_518 = arith.addi %mul3A_432, %add3A_517 : i32
        %get3A_519 = arith.index_cast %add3A_518 : i32 to index
        %get3A_520 = arith.constant 64 : index
        %get3A_521 = tpu.vector_load %arg11[%get3A_519, %get3A_520] {strides = array<i32>} : memref<50x144xf32, #tpu.memory_space<vmem>>, vector<16xf32>,
        %mul3A_522 = arith.mulf %get3A_521, %gather3A_439 : vector<16xf32>
        %add3A_523 = arith.constant 1 : i32
        %add3A_524 = arith.addi %mul3A_432, %add3A_523 : i32
        %swap3A_525 = arith.index_cast %add3A_524 : i32 to index
        %swap3A_526 = arith.constant 64 : index
        %swap3A_527 = tpu.vector_load %arg11[%swap3A_525, %swap3A_526] {strides = array<i32>} : memref<50x144xf32, #tpu.memory_space<vmem>>, vector<16xf32>,
        tpu.vector_store %arg11[%swap3A_525, %swap3A_526], %mul3A_522 {strides = array<i32>} : memref<50x144xf32, #tpu.memory_space<vmem>>, vector<16xf32>,
        %get3A_528 = arith.index_cast %mul3A_432 : i32 to index
        %get3A_529 = arith.constant 80 : index
        %get3A_530 = tpu.vector_load %arg11[%get3A_528, %get3A_529] {strides = array<i32>} : memref<50x144xf32, #tpu.memory_space<vmem>>, vector<16xf32>,
        %mul3A_531 = arith.mulf %get3A_530, %gather3A : vector<16xf32>
        %swap3A_532 = arith.index_cast %mul3A_432 : i32 to index
        %swap3A_533 = arith.constant 80 : index
        %swap3A_534 = tpu.vector_load %arg11[%swap3A_532, %swap3A_533] {strides = array<i32>} : memref<50x144xf32, #tpu.memory_space<vmem>>, vector<16xf32>,
        tpu.vector_store %arg11[%swap3A_532, %swap3A_533], %mul3A_531 {strides = array<i32>} : memref<50x144xf32, #tpu.memory_space<vmem>>, vector<16xf32>,
        %add3A_535 = arith.constant 1 : i32
        %add3A_536 = arith.addi %mul3A_432, %add3A_535 : i32
        %get3A_537 = arith.index_cast %add3A_536 : i32 to index
        %get3A_538 = arith.constant 80 : index
        %get3A_539 = tpu.vector_load %arg11[%get3A_537, %get3A_538] {strides = array<i32>} : memref<50x144xf32, #tpu.memory_space<vmem>>, vector<16xf32>,
        %mul3A_540 = arith.mulf %get3A_539, %gather3A_439 : vector<16xf32>
        %add3A_541 = arith.constant 1 : i32
        %add3A_542 = arith.addi %mul3A_432, %add3A_541 : i32
        %swap3A_543 = arith.index_cast %add3A_542 : i32 to index
        %swap3A_544 = arith.constant 80 : index
        %swap3A_545 = tpu.vector_load %arg11[%swap3A_543, %swap3A_544] {strides = array<i32>} : memref<50x144xf32, #tpu.memory_space<vmem>>, vector<16xf32>,
        tpu.vector_store %arg11[%swap3A_543, %swap3A_544], %mul3A_540 {strides = array<i32>} : memref<50x144xf32, #tpu.memory_space<vmem>>, vector<16xf32>,
        %get3A_546 = arith.index_cast %mul3A_432 : i32 to index
        %get3A_547 = arith.constant 96 : index
        %get3A_548 = tpu.vector_load %arg11[%get3A_546, %get3A_547] {strides = array<i32>} : memref<50x144xf32, #tpu.memory_space<vmem>>, vector<16xf32>,
        %mul3A_549 = arith.mulf %get3A_548, %gather3A : vector<16xf32>
        %swap3A_550 = arith.index_cast %mul3A_432 : i32 to index
        %swap3A_551 = arith.constant 96 : index
        %swap3A_552 = tpu.vector_load %arg11[%swap3A_550, %swap3A_551] {strides = array<i32>} : memref<50x144xf32, #tpu.memory_space<vmem>>, vector<16xf32>,
        tpu.vector_store %arg11[%swap3A_550, %swap3A_551], %mul3A_549 {strides = array<i32>} : memref<50x144xf32, #tpu.memory_space<vmem>>, vector<16xf32>,
        %add3A_553 = arith.constant 1 : i32
        %add3A_554 = arith.addi %mul3A_432, %add3A_553 : i32
        %get3A_555 = arith.index_cast %add3A_554 : i32 to index
        %get3A_556 = arith.constant 96 : index
        %get3A_557 = tpu.vector_load %arg11[%get3A_555, %get3A_556] {strides = array<i32>} : memref<50x144xf32, #tpu.memory_space<vmem>>, vector<16xf32>,
        %mul3A_558 = arith.mulf %get3A_557, %gather3A_439 : vector<16xf32>
        %add3A_559 = arith.constant 1 : i32
        %add3A_560 = arith.addi %mul3A_432, %add3A_559 : i32
        %swap3A_561 = arith.index_cast %add3A_560 : i32 to index
        %swap3A_562 = arith.constant 96 : index
        %swap3A_563 = tpu.vector_load %arg11[%swap3A_561, %swap3A_562] {strides = array<i32>} : memref<50x144xf32, #tpu.memory_space<vmem>>, vector<16xf32>,
        tpu.vector_store %arg11[%swap3A_561, %swap3A_562], %mul3A_558 {strides = array<i32>} : memref<50x144xf32, #tpu.memory_space<vmem>>, vector<16xf32>,
        %get3A_564 = arith.index_cast %mul3A_432 : i32 to index
        %get3A_565 = arith.constant 112 : index
        %get3A_566 = tpu.vector_load %arg11[%get3A_564, %get3A_565] {strides = array<i32>} : memref<50x144xf32, #tpu.memory_space<vmem>>, vector<16xf32>,
        %mul3A_567 = arith.mulf %get3A_566, %gather3A : vector<16xf32>
        %swap3A_568 = arith.index_cast %mul3A_432 : i32 to index
        %swap3A_569 = arith.constant 112 : index
        %swap3A_570 = tpu.vector_load %arg11[%swap3A_568, %swap3A_569] {strides = array<i32>} : memref<50x144xf32, #tpu.memory_space<vmem>>, vector<16xf32>,
        tpu.vector_store %arg11[%swap3A_568, %swap3A_569], %mul3A_567 {strides = array<i32>} : memref<50x144xf32, #tpu.memory_space<vmem>>, vector<16xf32>,
        %add3A_571 = arith.constant 1 : i32
        %add3A_572 = arith.addi %mul3A_432, %add3A_571 : i32
        %get3A_573 = arith.index_cast %add3A_572 : i32 to index
        %get3A_574 = arith.constant 112 : index
        %get3A_575 = tpu.vector_load %arg11[%get3A_573, %get3A_574] {strides = array<i32>} : memref<50x144xf32, #tpu.memory_space<vmem>>, vector<16xf32>,
        %mul3A_576 = arith.mulf %get3A_575, %gather3A_439 : vector<16xf32>
        %add3A_577 = arith.constant 1 : i32
        %add3A_578 = arith.addi %mul3A_432, %add3A_577 : i32
        %swap3A_579 = arith.index_cast %add3A_578 : i32 to index
        %swap3A_580 = arith.constant 112 : index
        %swap3A_581 = tpu.vector_load %arg11[%swap3A_579, %swap3A_580] {strides = array<i32>} : memref<50x144xf32, #tpu.memory_space<vmem>>, vector<16xf32>,
        tpu.vector_store %arg11[%swap3A_579, %swap3A_580], %mul3A_576 {strides = array<i32>} : memref<50x144xf32, #tpu.memory_space<vmem>>, vector<16xf32>,
        %get3A_582 = arith.index_cast %mul3A_432 : i32 to index
        %get3A_583 = arith.constant 128 : index
        %get3A_584 = tpu.vector_load %arg11[%get3A_582, %get3A_583] {strides = array<i32>} : memref<50x144xf32, #tpu.memory_space<vmem>>, vector<16xf32>,
        %mul3A_585 = arith.mulf %get3A_584, %gather3A : vector<16xf32>
        %swap3A_586 = arith.index_cast %mul3A_432 : i32 to index
        %swap3A_587 = arith.constant 128 : index
        %swap3A_588 = tpu.vector_load %arg11[%swap3A_586, %swap3A_587] {strides = array<i32>} : memref<50x144xf32, #tpu.memory_space<vmem>>, vector<16xf32>,
        tpu.vector_store %arg11[%swap3A_586, %swap3A_587], %mul3A_585 {strides = array<i32>} : memref<50x144xf32, #tpu.memory_space<vmem>>, vector<16xf32>,
        %add3A_589 = arith.constant 1 : i32
        %add3A_590 = arith.addi %mul3A_432, %add3A_589 : i32
        %get3A_591 = arith.index_cast %add3A_590 : i32 to index
        %get3A_592 = arith.constant 128 : index
        %get3A_593 = tpu.vector_load %arg11[%get3A_591, %get3A_592] {strides = array<i32>} : memref<50x144xf32, #tpu.memory_space<vmem>>, vector<16xf32>,
        %mul3A_594 = arith.mulf %get3A_593, %gather3A_439 : vector<16xf32>
        %add3A_595 = arith.constant 1 : i32
        %add3A_596 = arith.addi %mul3A_432, %add3A_595 : i32
        %swap3A_597 = arith.index_cast %add3A_596 : i32 to index
        %swap3A_598 = arith.constant 128 : index
        %swap3A_599 = tpu.vector_load %arg11[%swap3A_597, %swap3A_598] {strides = array<i32>} : memref<50x144xf32, #tpu.memory_space<vmem>>, vector<16xf32>,
        tpu.vector_store %arg11[%swap3A_597, %swap3A_598], %mul3A_594 {strides = array<i32>} : memref<50x144xf32, #tpu.memory_space<vmem>>, vector<16xf32>,
        %scan3A_600 = arith.constant 0 : i32
        scf.yield %scan3A_600 : i32
      }
      %scan3A_385 = arith.constant 25 : i32
      %dma_start3A_386 = arith.constant 0 : i32
      %dma_start3A_387 = tpu.memref_slice %arg8[%add3A_355, %dma_start3A_386] : memref<200x50xi32, #tpu.memory_space<vmem>> -> memref<1x50xi32, #tpu.memory_space<vmem>>
      %dma_start3A_388 = tpu.memref_squeeze %dma_start3A_387 : memref<1x50xi32, #tpu.memory_space<vmem>> -> memref<50xi32, #tpu.memory_space<vmem>>
      %dma_start3A_389 = arith.constant 0 : i32
      %dma_start3A_390 = arith.constant 0 : i32
      %dma_start3A_391 = tpu.memref_slice %arg13[%dma_start3A_389, %dma_start3A_390] : memref<10112x144xf32, #tpu.memory_space<vmem_shared>> -> memref<10112x144xf32, #tpu.memory_space<vmem_shared>>
      tpu.enqueue_indirect_dma source(%arg11 : memref<50x144xf32, #tpu.memory_space<vmem>>) target(%dma_start3A_391 : memref<10112x144xf32, #tpu.memory_space<vmem_shared>>) offsets(%dma_start3A_388 : memref<50xi32, #tpu.memory_space<vmem>>) semaphore(%arg16 : memref<!tpu.dma_semaphore, #tpu.memory_space<semaphore_mem>>) {add = true}
      %mul3A_392 = arith.constant 8 : i32
      %mul3A_393 = arith.muli %scan3A_76, %mul3A_392 : i32
      %add3A_394 = arith.constant 7 : i32
      %add3A_395 = arith.addi %mul3A_393, %add3A_394 : i32
      %dma_wait3A_396 = arith.constant 0 : i32
      %dma_wait3A_397 = arith.constant 0 : i32
      %dma_wait3A_398 = tpu.memref_slice %arg2[%dma_wait3A_396, %dma_wait3A_397] : memref<10000x144xf32, #tpu.memory_space<hbm>> -> memref<50x144xf32, #tpu.memory_space<hbm>>
      %dma_wait3A_399 = arith.constant 0 : i32
      %dma_wait3A_400 = arith.constant 0 : i32
      %dma_wait3A_401 = tpu.memref_slice %arg2[%dma_wait3A_399, %dma_wait3A_400] : memref<10000x144xf32, #tpu.memory_space<hbm>> -> memref<50x144xf32, #tpu.memory_space<hbm>>
      tpu.wait_dma2 semaphore(%arg15 : memref<!tpu.dma_semaphore, #tpu.memory_space<semaphore_mem>>) src(%dma_wait3A_401 : memref<50x144xf32, #tpu.memory_space<hbm>>) dst(%arg12 : memref<50x144xf32, #tpu.memory_space<vmem>>)
      %lt3A_402 = arith.constant 24 : i32
      %lt3A_403 = arith.cmpi slt, %scan3A_76, %lt3A_402 : i32
      %convert_element_type3A_404 = arith.extui %lt3A_403 : i1 to i32
      %cond3A_405 = arith.constant 0 : i32
      %cond3A_406 = arith.cmpi ne, %convert_element_type3A_404, %cond3A_405 : i32
      scf.if %cond3A_406 {
        %dma_wait3A_429 = arith.constant 0 : i32
        %dma_wait3A_430 = arith.constant 0 : i32
        %dma_wait3A_431 = tpu.memref_slice %arg13[%dma_wait3A_429, %dma_wait3A_430] : memref<10112x144xf32, #tpu.memory_space<vmem_shared>> -> memref<50x144xf32, #tpu.memory_space<vmem_shared>>
        %dma_wait3A_432 = arith.constant 0 : i32
        %dma_wait3A_433 = arith.constant 0 : i32
        %dma_wait3A_434 = tpu.memref_slice %arg13[%dma_wait3A_432, %dma_wait3A_433] : memref<10112x144xf32, #tpu.memory_space<vmem_shared>> -> memref<50x144xf32, #tpu.memory_space<vmem_shared>>
        tpu.wait_dma2 semaphore(%arg16 : memref<!tpu.dma_semaphore, #tpu.memory_space<semaphore_mem>>) src(%arg11 : memref<50x144xf32, #tpu.memory_space<vmem>>) dst(%dma_wait3A_434 : memref<50x144xf32, #tpu.memory_space<vmem_shared>>)
        %add3A_435 = arith.constant 1 : i32
        %add3A_436 = arith.addi %add3A_395, %add3A_435 : i32
        %dma_start3A_437 = arith.constant 0 : i32
        %dma_start3A_438 = tpu.memref_slice %arg9[%add3A_436, %dma_start3A_437] : memref<200x50xi32, #tpu.memory_space<vmem>> -> memref<1x50xi32, #tpu.memory_space<vmem>>
        %dma_start3A_439 = tpu.memref_squeeze %dma_start3A_438 : memref<1x50xi32, #tpu.memory_space<vmem>> -> memref<50xi32, #tpu.memory_space<vmem>>
        %dma_start3A_440 = arith.constant 0 : i32
        %dma_start3A_441 = arith.constant 0 : i32
        %dma_start3A_442 = tpu.memref_slice %arg2[%dma_start3A_440, %dma_start3A_441] : memref<10000x144xf32, #tpu.memory_space<hbm>> -> memref<10000x144xf32, #tpu.memory_space<hbm>>
        tpu.enqueue_indirect_dma source(%dma_start3A_442 : memref<10000x144xf32, #tpu.memory_space<hbm>>) target(%arg11 : memref<50x144xf32, #tpu.memory_space<vmem>>) offsets(%dma_start3A_439 : memref<50xi32, #tpu.memory_space<vmem>>) semaphore(%arg14 : memref<!tpu.dma_semaphore, #tpu.memory_space<semaphore_mem>>)
      } else {
      }
      %add3A_407 = arith.constant 350 : i32
      %add3A_408 = arith.addi %mul3A_114, %add3A_407 : i32
      %broadcast_in_dim3A_409 = vector.broadcast %add3A_408 : i32 to vector<16xi32>
      %scan3A_410 = arith.constant 0 : i32
      %scan3A_411 = arith.constant 0 : i32
      %scan3A_412 = arith.constant 25 : i32
      %scan3A_413 = arith.addi %scan3A_411, %scan3A_412 : i32
      %scan3A_414 = arith.constant 1 : i32
      %scan3A_415 = scf.for %scan3A_429 = %scan3A_411 to %scan3A_413 step %scan3A_414 iter_args(%scan3A_430 = %scan3A_410) -> (i32)  : i32 {
        %mul3A_431 = arith.constant 2 : i32
        %mul3A_432 = arith.muli %scan3A_429, %mul3A_431 : i32
        %add3A_433 = vector.broadcast %mul3A_432 : i32 to vector<16xi32>
        %add3A_434 = arith.addi %broadcast_in_dim3A_409, %add3A_433 : vector<16xi32>
        %gather3A = tpu.vector_load_idx %arg10[%add3A_434] : memref<800xf32, #tpu.memory_space<vmem>>[vector<16xi32>], vector<16xf32>,
        %add3A_435 = arith.constant 1 : i32
        %add3A_436 = arith.addi %mul3A_432, %add3A_435 : i32
        %add3A_437 = vector.broadcast %add3A_436 : i32 to vector<16xi32>
        %add3A_438 = arith.addi %broadcast_in_dim3A_409, %add3A_437 : vector<16xi32>
        %gather3A_439 = tpu.vector_load_idx %arg10[%add3A_438] : memref<800xf32, #tpu.memory_space<vmem>>[vector<16xi32>], vector<16xf32>,
        %get3A = arith.index_cast %mul3A_432 : i32 to index
        %get3A_440 = arith.constant 0 : index
        %get3A_441 = tpu.vector_load %arg12[%get3A, %get3A_440] {strides = array<i32>} : memref<50x144xf32, #tpu.memory_space<vmem>>, vector<16xf32>,
        %mul3A_442 = arith.mulf %get3A_441, %gather3A : vector<16xf32>
        %swap3A = arith.index_cast %mul3A_432 : i32 to index
        %swap3A_443 = arith.constant 0 : index
        %swap3A_444 = tpu.vector_load %arg12[%swap3A, %swap3A_443] {strides = array<i32>} : memref<50x144xf32, #tpu.memory_space<vmem>>, vector<16xf32>,
        tpu.vector_store %arg12[%swap3A, %swap3A_443], %mul3A_442 {strides = array<i32>} : memref<50x144xf32, #tpu.memory_space<vmem>>, vector<16xf32>,
        %add3A_445 = arith.constant 1 : i32
        %add3A_446 = arith.addi %mul3A_432, %add3A_445 : i32
        %get3A_447 = arith.index_cast %add3A_446 : i32 to index
        %get3A_448 = arith.constant 0 : index
        %get3A_449 = tpu.vector_load %arg12[%get3A_447, %get3A_448] {strides = array<i32>} : memref<50x144xf32, #tpu.memory_space<vmem>>, vector<16xf32>,
        %mul3A_450 = arith.mulf %get3A_449, %gather3A_439 : vector<16xf32>
        %add3A_451 = arith.constant 1 : i32
        %add3A_452 = arith.addi %mul3A_432, %add3A_451 : i32
        %swap3A_453 = arith.index_cast %add3A_452 : i32 to index
        %swap3A_454 = arith.constant 0 : index
        %swap3A_455 = tpu.vector_load %arg12[%swap3A_453, %swap3A_454] {strides = array<i32>} : memref<50x144xf32, #tpu.memory_space<vmem>>, vector<16xf32>,
        tpu.vector_store %arg12[%swap3A_453, %swap3A_454], %mul3A_450 {strides = array<i32>} : memref<50x144xf32, #tpu.memory_space<vmem>>, vector<16xf32>,
        %get3A_456 = arith.index_cast %mul3A_432 : i32 to index
        %get3A_457 = arith.constant 16 : index
        %get3A_458 = tpu.vector_load %arg12[%get3A_456, %get3A_457] {strides = array<i32>} : memref<50x144xf32, #tpu.memory_space<vmem>>, vector<16xf32>,
        %mul3A_459 = arith.mulf %get3A_458, %gather3A : vector<16xf32>
        %swap3A_460 = arith.index_cast %mul3A_432 : i32 to index
        %swap3A_461 = arith.constant 16 : index
        %swap3A_462 = tpu.vector_load %arg12[%swap3A_460, %swap3A_461] {strides = array<i32>} : memref<50x144xf32, #tpu.memory_space<vmem>>, vector<16xf32>,
        tpu.vector_store %arg12[%swap3A_460, %swap3A_461], %mul3A_459 {strides = array<i32>} : memref<50x144xf32, #tpu.memory_space<vmem>>, vector<16xf32>,
        %add3A_463 = arith.constant 1 : i32
        %add3A_464 = arith.addi %mul3A_432, %add3A_463 : i32
        %get3A_465 = arith.index_cast %add3A_464 : i32 to index
        %get3A_466 = arith.constant 16 : index
        %get3A_467 = tpu.vector_load %arg12[%get3A_465, %get3A_466] {strides = array<i32>} : memref<50x144xf32, #tpu.memory_space<vmem>>, vector<16xf32>,
        %mul3A_468 = arith.mulf %get3A_467, %gather3A_439 : vector<16xf32>
        %add3A_469 = arith.constant 1 : i32
        %add3A_470 = arith.addi %mul3A_432, %add3A_469 : i32
        %swap3A_471 = arith.index_cast %add3A_470 : i32 to index
        %swap3A_472 = arith.constant 16 : index
        %swap3A_473 = tpu.vector_load %arg12[%swap3A_471, %swap3A_472] {strides = array<i32>} : memref<50x144xf32, #tpu.memory_space<vmem>>, vector<16xf32>,
        tpu.vector_store %arg12[%swap3A_471, %swap3A_472], %mul3A_468 {strides = array<i32>} : memref<50x144xf32, #tpu.memory_space<vmem>>, vector<16xf32>,
        %get3A_474 = arith.index_cast %mul3A_432 : i32 to index
        %get3A_475 = arith.constant 32 : index
        %get3A_476 = tpu.vector_load %arg12[%get3A_474, %get3A_475] {strides = array<i32>} : memref<50x144xf32, #tpu.memory_space<vmem>>, vector<16xf32>,
        %mul3A_477 = arith.mulf %get3A_476, %gather3A : vector<16xf32>
        %swap3A_478 = arith.index_cast %mul3A_432 : i32 to index
        %swap3A_479 = arith.constant 32 : index
        %swap3A_480 = tpu.vector_load %arg12[%swap3A_478, %swap3A_479] {strides = array<i32>} : memref<50x144xf32, #tpu.memory_space<vmem>>, vector<16xf32>,
        tpu.vector_store %arg12[%swap3A_478, %swap3A_479], %mul3A_477 {strides = array<i32>} : memref<50x144xf32, #tpu.memory_space<vmem>>, vector<16xf32>,
        %add3A_481 = arith.constant 1 : i32
        %add3A_482 = arith.addi %mul3A_432, %add3A_481 : i32
        %get3A_483 = arith.index_cast %add3A_482 : i32 to index
        %get3A_484 = arith.constant 32 : index
        %get3A_485 = tpu.vector_load %arg12[%get3A_483, %get3A_484] {strides = array<i32>} : memref<50x144xf32, #tpu.memory_space<vmem>>, vector<16xf32>,
        %mul3A_486 = arith.mulf %get3A_485, %gather3A_439 : vector<16xf32>
        %add3A_487 = arith.constant 1 : i32
        %add3A_488 = arith.addi %mul3A_432, %add3A_487 : i32
        %swap3A_489 = arith.index_cast %add3A_488 : i32 to index
        %swap3A_490 = arith.constant 32 : index
        %swap3A_491 = tpu.vector_load %arg12[%swap3A_489, %swap3A_490] {strides = array<i32>} : memref<50x144xf32, #tpu.memory_space<vmem>>, vector<16xf32>,
        tpu.vector_store %arg12[%swap3A_489, %swap3A_490], %mul3A_486 {strides = array<i32>} : memref<50x144xf32, #tpu.memory_space<vmem>>, vector<16xf32>,
        %get3A_492 = arith.index_cast %mul3A_432 : i32 to index
        %get3A_493 = arith.constant 48 : index
        %get3A_494 = tpu.vector_load %arg12[%get3A_492, %get3A_493] {strides = array<i32>} : memref<50x144xf32, #tpu.memory_space<vmem>>, vector<16xf32>,
        %mul3A_495 = arith.mulf %get3A_494, %gather3A : vector<16xf32>
        %swap3A_496 = arith.index_cast %mul3A_432 : i32 to index
        %swap3A_497 = arith.constant 48 : index
        %swap3A_498 = tpu.vector_load %arg12[%swap3A_496, %swap3A_497] {strides = array<i32>} : memref<50x144xf32, #tpu.memory_space<vmem>>, vector<16xf32>,
        tpu.vector_store %arg12[%swap3A_496, %swap3A_497], %mul3A_495 {strides = array<i32>} : memref<50x144xf32, #tpu.memory_space<vmem>>, vector<16xf32>,
        %add3A_499 = arith.constant 1 : i32
        %add3A_500 = arith.addi %mul3A_432, %add3A_499 : i32
        %get3A_501 = arith.index_cast %add3A_500 : i32 to index
        %get3A_502 = arith.constant 48 : index
        %get3A_503 = tpu.vector_load %arg12[%get3A_501, %get3A_502] {strides = array<i32>} : memref<50x144xf32, #tpu.memory_space<vmem>>, vector<16xf32>,
        %mul3A_504 = arith.mulf %get3A_503, %gather3A_439 : vector<16xf32>
        %add3A_505 = arith.constant 1 : i32
        %add3A_506 = arith.addi %mul3A_432, %add3A_505 : i32
        %swap3A_507 = arith.index_cast %add3A_506 : i32 to index
        %swap3A_508 = arith.constant 48 : index
        %swap3A_509 = tpu.vector_load %arg12[%swap3A_507, %swap3A_508] {strides = array<i32>} : memref<50x144xf32, #tpu.memory_space<vmem>>, vector<16xf32>,
        tpu.vector_store %arg12[%swap3A_507, %swap3A_508], %mul3A_504 {strides = array<i32>} : memref<50x144xf32, #tpu.memory_space<vmem>>, vector<16xf32>,
        %get3A_510 = arith.index_cast %mul3A_432 : i32 to index
        %get3A_511 = arith.constant 64 : index
        %get3A_512 = tpu.vector_load %arg12[%get3A_510, %get3A_511] {strides = array<i32>} : memref<50x144xf32, #tpu.memory_space<vmem>>, vector<16xf32>,
        %mul3A_513 = arith.mulf %get3A_512, %gather3A : vector<16xf32>
        %swap3A_514 = arith.index_cast %mul3A_432 : i32 to index
        %swap3A_515 = arith.constant 64 : index
        %swap3A_516 = tpu.vector_load %arg12[%swap3A_514, %swap3A_515] {strides = array<i32>} : memref<50x144xf32, #tpu.memory_space<vmem>>, vector<16xf32>,
        tpu.vector_store %arg12[%swap3A_514, %swap3A_515], %mul3A_513 {strides = array<i32>} : memref<50x144xf32, #tpu.memory_space<vmem>>, vector<16xf32>,
        %add3A_517 = arith.constant 1 : i32
        %add3A_518 = arith.addi %mul3A_432, %add3A_517 : i32
        %get3A_519 = arith.index_cast %add3A_518 : i32 to index
        %get3A_520 = arith.constant 64 : index
        %get3A_521 = tpu.vector_load %arg12[%get3A_519, %get3A_520] {strides = array<i32>} : memref<50x144xf32, #tpu.memory_space<vmem>>, vector<16xf32>,
        %mul3A_522 = arith.mulf %get3A_521, %gather3A_439 : vector<16xf32>
        %add3A_523 = arith.constant 1 : i32
        %add3A_524 = arith.addi %mul3A_432, %add3A_523 : i32
        %swap3A_525 = arith.index_cast %add3A_524 : i32 to index
        %swap3A_526 = arith.constant 64 : index
        %swap3A_527 = tpu.vector_load %arg12[%swap3A_525, %swap3A_526] {strides = array<i32>} : memref<50x144xf32, #tpu.memory_space<vmem>>, vector<16xf32>,
        tpu.vector_store %arg12[%swap3A_525, %swap3A_526], %mul3A_522 {strides = array<i32>} : memref<50x144xf32, #tpu.memory_space<vmem>>, vector<16xf32>,
        %get3A_528 = arith.index_cast %mul3A_432 : i32 to index
        %get3A_529 = arith.constant 80 : index
        %get3A_530 = tpu.vector_load %arg12[%get3A_528, %get3A_529] {strides = array<i32>} : memref<50x144xf32, #tpu.memory_space<vmem>>, vector<16xf32>,
        %mul3A_531 = arith.mulf %get3A_530, %gather3A : vector<16xf32>
        %swap3A_532 = arith.index_cast %mul3A_432 : i32 to index
        %swap3A_533 = arith.constant 80 : index
        %swap3A_534 = tpu.vector_load %arg12[%swap3A_532, %swap3A_533] {strides = array<i32>} : memref<50x144xf32, #tpu.memory_space<vmem>>, vector<16xf32>,
        tpu.vector_store %arg12[%swap3A_532, %swap3A_533], %mul3A_531 {strides = array<i32>} : memref<50x144xf32, #tpu.memory_space<vmem>>, vector<16xf32>,
        %add3A_535 = arith.constant 1 : i32
        %add3A_536 = arith.addi %mul3A_432, %add3A_535 : i32
        %get3A_537 = arith.index_cast %add3A_536 : i32 to index
        %get3A_538 = arith.constant 80 : index
        %get3A_539 = tpu.vector_load %arg12[%get3A_537, %get3A_538] {strides = array<i32>} : memref<50x144xf32, #tpu.memory_space<vmem>>, vector<16xf32>,
        %mul3A_540 = arith.mulf %get3A_539, %gather3A_439 : vector<16xf32>
        %add3A_541 = arith.constant 1 : i32
        %add3A_542 = arith.addi %mul3A_432, %add3A_541 : i32
        %swap3A_543 = arith.index_cast %add3A_542 : i32 to index
        %swap3A_544 = arith.constant 80 : index
        %swap3A_545 = tpu.vector_load %arg12[%swap3A_543, %swap3A_544] {strides = array<i32>} : memref<50x144xf32, #tpu.memory_space<vmem>>, vector<16xf32>,
        tpu.vector_store %arg12[%swap3A_543, %swap3A_544], %mul3A_540 {strides = array<i32>} : memref<50x144xf32, #tpu.memory_space<vmem>>, vector<16xf32>,
        %get3A_546 = arith.index_cast %mul3A_432 : i32 to index
        %get3A_547 = arith.constant 96 : index
        %get3A_548 = tpu.vector_load %arg12[%get3A_546, %get3A_547] {strides = array<i32>} : memref<50x144xf32, #tpu.memory_space<vmem>>, vector<16xf32>,
        %mul3A_549 = arith.mulf %get3A_548, %gather3A : vector<16xf32>
        %swap3A_550 = arith.index_cast %mul3A_432 : i32 to index
        %swap3A_551 = arith.constant 96 : index
        %swap3A_552 = tpu.vector_load %arg12[%swap3A_550, %swap3A_551] {strides = array<i32>} : memref<50x144xf32, #tpu.memory_space<vmem>>, vector<16xf32>,
        tpu.vector_store %arg12[%swap3A_550, %swap3A_551], %mul3A_549 {strides = array<i32>} : memref<50x144xf32, #tpu.memory_space<vmem>>, vector<16xf32>,
        %add3A_553 = arith.constant 1 : i32
        %add3A_554 = arith.addi %mul3A_432, %add3A_553 : i32
        %get3A_555 = arith.index_cast %add3A_554 : i32 to index
        %get3A_556 = arith.constant 96 : index
        %get3A_557 = tpu.vector_load %arg12[%get3A_555, %get3A_556] {strides = array<i32>} : memref<50x144xf32, #tpu.memory_space<vmem>>, vector<16xf32>,
        %mul3A_558 = arith.mulf %get3A_557, %gather3A_439 : vector<16xf32>
        %add3A_559 = arith.constant 1 : i32
        %add3A_560 = arith.addi %mul3A_432, %add3A_559 : i32
        %swap3A_561 = arith.index_cast %add3A_560 : i32 to index
        %swap3A_562 = arith.constant 96 : index
        %swap3A_563 = tpu.vector_load %arg12[%swap3A_561, %swap3A_562] {strides = array<i32>} : memref<50x144xf32, #tpu.memory_space<vmem>>, vector<16xf32>,
        tpu.vector_store %arg12[%swap3A_561, %swap3A_562], %mul3A_558 {strides = array<i32>} : memref<50x144xf32, #tpu.memory_space<vmem>>, vector<16xf32>,
        %get3A_564 = arith.index_cast %mul3A_432 : i32 to index
        %get3A_565 = arith.constant 112 : index
        %get3A_566 = tpu.vector_load %arg12[%get3A_564, %get3A_565] {strides = array<i32>} : memref<50x144xf32, #tpu.memory_space<vmem>>, vector<16xf32>,
        %mul3A_567 = arith.mulf %get3A_566, %gather3A : vector<16xf32>
        %swap3A_568 = arith.index_cast %mul3A_432 : i32 to index
        %swap3A_569 = arith.constant 112 : index
        %swap3A_570 = tpu.vector_load %arg12[%swap3A_568, %swap3A_569] {strides = array<i32>} : memref<50x144xf32, #tpu.memory_space<vmem>>, vector<16xf32>,
        tpu.vector_store %arg12[%swap3A_568, %swap3A_569], %mul3A_567 {strides = array<i32>} : memref<50x144xf32, #tpu.memory_space<vmem>>, vector<16xf32>,
        %add3A_571 = arith.constant 1 : i32
        %add3A_572 = arith.addi %mul3A_432, %add3A_571 : i32
        %get3A_573 = arith.index_cast %add3A_572 : i32 to index
        %get3A_574 = arith.constant 112 : index
        %get3A_575 = tpu.vector_load %arg12[%get3A_573, %get3A_574] {strides = array<i32>} : memref<50x144xf32, #tpu.memory_space<vmem>>, vector<16xf32>,
        %mul3A_576 = arith.mulf %get3A_575, %gather3A_439 : vector<16xf32>
        %add3A_577 = arith.constant 1 : i32
        %add3A_578 = arith.addi %mul3A_432, %add3A_577 : i32
        %swap3A_579 = arith.index_cast %add3A_578 : i32 to index
        %swap3A_580 = arith.constant 112 : index
        %swap3A_581 = tpu.vector_load %arg12[%swap3A_579, %swap3A_580] {strides = array<i32>} : memref<50x144xf32, #tpu.memory_space<vmem>>, vector<16xf32>,
        tpu.vector_store %arg12[%swap3A_579, %swap3A_580], %mul3A_576 {strides = array<i32>} : memref<50x144xf32, #tpu.memory_space<vmem>>, vector<16xf32>,
        %get3A_582 = arith.index_cast %mul3A_432 : i32 to index
        %get3A_583 = arith.constant 128 : index
        %get3A_584 = tpu.vector_load %arg12[%get3A_582, %get3A_583] {strides = array<i32>} : memref<50x144xf32, #tpu.memory_space<vmem>>, vector<16xf32>,
        %mul3A_585 = arith.mulf %get3A_584, %gather3A : vector<16xf32>
        %swap3A_586 = arith.index_cast %mul3A_432 : i32 to index
        %swap3A_587 = arith.constant 128 : index
        %swap3A_588 = tpu.vector_load %arg12[%swap3A_586, %swap3A_587] {strides = array<i32>} : memref<50x144xf32, #tpu.memory_space<vmem>>, vector<16xf32>,
        tpu.vector_store %arg12[%swap3A_586, %swap3A_587], %mul3A_585 {strides = array<i32>} : memref<50x144xf32, #tpu.memory_space<vmem>>, vector<16xf32>,
        %add3A_589 = arith.constant 1 : i32
        %add3A_590 = arith.addi %mul3A_432, %add3A_589 : i32
        %get3A_591 = arith.index_cast %add3A_590 : i32 to index
        %get3A_592 = arith.constant 128 : index
        %get3A_593 = tpu.vector_load %arg12[%get3A_591, %get3A_592] {strides = array<i32>} : memref<50x144xf32, #tpu.memory_space<vmem>>, vector<16xf32>,
        %mul3A_594 = arith.mulf %get3A_593, %gather3A_439 : vector<16xf32>
        %add3A_595 = arith.constant 1 : i32
        %add3A_596 = arith.addi %mul3A_432, %add3A_595 : i32
        %swap3A_597 = arith.index_cast %add3A_596 : i32 to index
        %swap3A_598 = arith.constant 128 : index
        %swap3A_599 = tpu.vector_load %arg12[%swap3A_597, %swap3A_598] {strides = array<i32>} : memref<50x144xf32, #tpu.memory_space<vmem>>, vector<16xf32>,
        tpu.vector_store %arg12[%swap3A_597, %swap3A_598], %mul3A_594 {strides = array<i32>} : memref<50x144xf32, #tpu.memory_space<vmem>>, vector<16xf32>,
        %scan3A_600 = arith.constant 0 : i32
        scf.yield %scan3A_600 : i32
      }
      %scan3A_416 = arith.constant 25 : i32
      %dma_start3A_417 = arith.constant 0 : i32
      %dma_start3A_418 = tpu.memref_slice %arg8[%add3A_395, %dma_start3A_417] : memref<200x50xi32, #tpu.memory_space<vmem>> -> memref<1x50xi32, #tpu.memory_space<vmem>>
      %dma_start3A_419 = tpu.memref_squeeze %dma_start3A_418 : memref<1x50xi32, #tpu.memory_space<vmem>> -> memref<50xi32, #tpu.memory_space<vmem>>
      %dma_start3A_420 = arith.constant 0 : i32
      %dma_start3A_421 = arith.constant 0 : i32
      %dma_start3A_422 = tpu.memref_slice %arg13[%dma_start3A_420, %dma_start3A_421] : memref<10112x144xf32, #tpu.memory_space<vmem_shared>> -> memref<10112x144xf32, #tpu.memory_space<vmem_shared>>
      tpu.enqueue_indirect_dma source(%arg12 : memref<50x144xf32, #tpu.memory_space<vmem>>) target(%dma_start3A_422 : memref<10112x144xf32, #tpu.memory_space<vmem_shared>>) offsets(%dma_start3A_419 : memref<50xi32, #tpu.memory_space<vmem>>) semaphore(%arg17 : memref<!tpu.dma_semaphore, #tpu.memory_space<semaphore_mem>>) {add = true}
      %lt3A_423 = arith.constant 24 : i32
      %lt3A_424 = arith.cmpi slt, %scan3A_76, %lt3A_423 : i32
      %convert_element_type3A_425 = arith.extui %lt3A_424 : i1 to i32
      %cond3A_426 = arith.constant 0 : i32
      %cond3A_427 = arith.cmpi ne, %convert_element_type3A_425, %cond3A_426 : i32
      scf.if %cond3A_427 {
        %dma_wait3A_429 = arith.constant 0 : i32
        %dma_wait3A_430 = tpu.memref_slice %arg10[%dma_wait3A_429] : memref<800xf32, #tpu.memory_space<vmem>> -> memref<400xf32, #tpu.memory_space<vmem>>
        %dma_wait3A_431 = arith.constant 0 : i32
        %dma_wait3A_432 = tpu.memref_slice %arg5[%dma_wait3A_431] : memref<320000xf32, #tpu.memory_space<hbm>> -> memref<400xf32, #tpu.memory_space<hbm>>
        %dma_wait3A_433 = arith.constant 0 : i32
        %dma_wait3A_434 = tpu.memref_slice %arg10[%dma_wait3A_433] : memref<800xf32, #tpu.memory_space<vmem>> -> memref<400xf32, #tpu.memory_space<vmem>>
        %dma_wait3A_435 = arith.constant 0 : i32
        %dma_wait3A_436 = tpu.memref_slice %arg5[%dma_wait3A_435] : memref<320000xf32, #tpu.memory_space<hbm>> -> memref<400xf32, #tpu.memory_space<hbm>>
        tpu.wait_dma2 semaphore(%arg18 : memref<!tpu.dma_semaphore, #tpu.memory_space<semaphore_mem>>) src(%dma_wait3A_436 : memref<400xf32, #tpu.memory_space<hbm>>) dst(%dma_wait3A_434 : memref<400xf32, #tpu.memory_space<vmem>>)
      } else {
      }
      %scan3A_428 = arith.constant 0 : i32
      scf.yield %scan3A_428 : i32
    }
    %scan3A_56 = arith.constant 25 : i32
    %dma_wait3A = arith.constant 0 : i32
    %dma_wait3A_57 = arith.constant 0 : i32
    %dma_wait3A_58 = tpu.memref_slice %arg13[%dma_wait3A, %dma_wait3A_57] : memref<10112x144xf32, #tpu.memory_space<vmem_shared>> -> memref<50x144xf32, #tpu.memory_space<vmem_shared>>
    %dma_wait3A_59 = arith.constant 0 : i32
    %dma_wait3A_60 = arith.constant 0 : i32
    %dma_wait3A_61 = tpu.memref_slice %arg13[%dma_wait3A_59, %dma_wait3A_60] : memref<10112x144xf32, #tpu.memory_space<vmem_shared>> -> memref<50x144xf32, #tpu.memory_space<vmem_shared>>
    tpu.wait_dma2 semaphore(%arg16 : memref<!tpu.dma_semaphore, #tpu.memory_space<semaphore_mem>>) src(%arg11 : memref<50x144xf32, #tpu.memory_space<vmem>>) dst(%dma_wait3A_61 : memref<50x144xf32, #tpu.memory_space<vmem_shared>>)
    %dma_wait3A_62 = arith.constant 0 : i32
    %dma_wait3A_63 = arith.constant 0 : i32
    %dma_wait3A_64 = tpu.memref_slice %arg13[%dma_wait3A_62, %dma_wait3A_63] : memref<10112x144xf32, #tpu.memory_space<vmem_shared>> -> memref<50x144xf32, #tpu.memory_space<vmem_shared>>
    %dma_wait3A_65 = arith.constant 0 : i32
    %dma_wait3A_66 = arith.constant 0 : i32
    %dma_wait3A_67 = tpu.memref_slice %arg13[%dma_wait3A_65, %dma_wait3A_66] : memref<10112x144xf32, #tpu.memory_space<vmem_shared>> -> memref<50x144xf32, #tpu.memory_space<vmem_shared>>
    tpu.wait_dma2 semaphore(%arg17 : memref<!tpu.dma_semaphore, #tpu.memory_space<semaphore_mem>>) src(%arg12 : memref<50x144xf32, #tpu.memory_space<vmem>>) dst(%dma_wait3A_67 : memref<50x144xf32, #tpu.memory_space<vmem_shared>>)
    %barrier3A_68 = arith.constant 0 : index
    tpu.barrier barrier_id(%barrier3A_68)
    %eq3A = arith.constant 0 : i32
    %eq3A_69 = arith.cmpi eq, %arg0, %eq3A : i32
    %convert_element_type3A = arith.extui %eq3A_69 : i1 to i32
    %cond3A = arith.constant 0 : i32
    %cond3A_70 = arith.cmpi ne, %convert_element_type3A, %cond3A : i32
    scf.if %cond3A_70 {
      "tpu.region"() ({
        %run_scoped3A = tpu.sem_alloc : memref<!tpu.dma_semaphore, #tpu.memory_space<semaphore_mem>>
        %dma_start3A_76 = arith.constant 0 : i32
        %dma_start3A_77 = tpu.memref_slice %arg6[%mul3A_14, %dma_start3A_76] : memref<10112x144xf32, #tpu.memory_space<hbm>> -> memref<632x144xf32, #tpu.memory_space<hbm>>
        %dma_start3A_78 = arith.constant 0 : i32
        %dma_start3A_79 = tpu.memref_slice %arg13[%mul3A_14, %dma_start3A_78] : memref<10112x144xf32, #tpu.memory_space<vmem_shared>> -> memref<632x144xf32, #tpu.memory_space<vmem_shared>>
        tpu.enqueue_dma source(%dma_start3A_79 : memref<632x144xf32, #tpu.memory_space<vmem_shared>>) target(%dma_start3A_77 : memref<632x144xf32, #tpu.memory_space<hbm>>) target_semaphore(%run_scoped3A : memref<!tpu.dma_semaphore, #tpu.memory_space<semaphore_mem>>)
        %dma_wait3A_80 = arith.constant 0 : i32
        %dma_wait3A_81 = tpu.memref_slice %arg6[%mul3A_14, %dma_wait3A_80] : memref<10112x144xf32, #tpu.memory_space<hbm>> -> memref<632x144xf32, #tpu.memory_space<hbm>>
        %dma_wait3A_82 = arith.constant 0 : i32
        %dma_wait3A_83 = tpu.memref_slice %arg13[%mul3A_14, %dma_wait3A_82] : memref<10112x144xf32, #tpu.memory_space<vmem_shared>> -> memref<632x144xf32, #tpu.memory_space<vmem_shared>>
        tpu.wait_dma2 semaphore(%run_scoped3A : memref<!tpu.dma_semaphore, #tpu.memory_space<semaphore_mem>>) src(%dma_wait3A_83 : memref<632x144xf32, #tpu.memory_space<vmem_shared>>) dst(%dma_wait3A_81 : memref<632x144xf32, #tpu.memory_space<hbm>>)
        tpu.yield
      }) : () -> ()
    } else {
    }
    %eq3A_71 = arith.constant 1 : i32
    %eq3A_72 = arith.cmpi eq, %arg0, %eq3A_71 : i32
    %convert_element_type3A_73 = arith.extui %eq3A_72 : i1 to i32
    %cond3A_74 = arith.constant 0 : i32
    %cond3A_75 = arith.cmpi ne, %convert_element_type3A_73, %cond3A_74 : i32
    scf.if %cond3A_75 {
      "tpu.region"() ({
        %run_scoped3A = tpu.sem_alloc : memref<!tpu.dma_semaphore, #tpu.memory_space<semaphore_mem>>
        %dma_start3A_76 = arith.constant 0 : i32
        %dma_start3A_77 = tpu.memref_slice %arg7[%mul3A_14, %dma_start3A_76] : memref<10112x144xf32, #tpu.memory_space<hbm>> -> memref<632x144xf32, #tpu.memory_space<hbm>>
        %dma_start3A_78 = arith.constant 0 : i32
        %dma_start3A_79 = tpu.memref_slice %arg13[%mul3A_14, %dma_start3A_78] : memref<10112x144xf32, #tpu.memory_space<vmem_shared>> -> memref<632x144xf32, #tpu.memory_space<vmem_shared>>
        tpu.enqueue_dma source(%dma_start3A_79 : memref<632x144xf32, #tpu.memory_space<vmem_shared>>) target(%dma_start3A_77 : memref<632x144xf32, #tpu.memory_space<hbm>>) target_semaphore(%run_scoped3A : memref<!tpu.dma_semaphore, #tpu.memory_space<semaphore_mem>>)
        %dma_wait3A_80 = arith.constant 0 : i32
        %dma_wait3A_81 = tpu.memref_slice %arg7[%mul3A_14, %dma_wait3A_80] : memref<10112x144xf32, #tpu.memory_space<hbm>> -> memref<632x144xf32, #tpu.memory_space<hbm>>
        %dma_wait3A_82 = arith.constant 0 : i32
        %dma_wait3A_83 = tpu.memref_slice %arg13[%mul3A_14, %dma_wait3A_82] : memref<10112x144xf32, #tpu.memory_space<vmem_shared>> -> memref<632x144xf32, #tpu.memory_space<vmem_shared>>
        tpu.wait_dma2 semaphore(%run_scoped3A : memref<!tpu.dma_semaphore, #tpu.memory_space<semaphore_mem>>) src(%dma_wait3A_83 : memref<632x144xf32, #tpu.memory_space<vmem_shared>>) dst(%dma_wait3A_81 : memref<632x144xf32, #tpu.memory_space<hbm>>)
        tpu.yield
      }) : () -> ()
    } else {
    }
    return
  }
}

#map = affine_map<(d0, d1) -> (0)>
module attributes {stable_mosaic.version = 14 : i64} {
  func.func @_score_body(%arg0: i32, %arg1: i32, %arg2: memref<320000xi32, #tpu.memory_space<hbm>>, %arg3: memref<320000xi32, #tpu.memory_space<hbm>>, %arg4: memref<10000xf32, #tpu.memory_space<hbm>>, %arg5: memref<10000xf32, #tpu.memory_space<hbm>>, %arg6: memref<320000xf32, #tpu.memory_space<hbm>>, %arg7: memref<10000xi32, #tpu.memory_space<vmem>>, %arg8: memref<10000xi32, #tpu.memory_space<vmem>>, %arg9: memref<10000xf32, #tpu.memory_space<vmem>>, %arg10: memref<10000xf32, #tpu.memory_space<vmem>>, %arg11: memref<10000xf32, #tpu.memory_space<vmem>>) attributes {dimension_semantics = [#tpu.dimension_semantics<core_parallel>, #tpu.dimension_semantics<subcore_parallel>], iteration_bounds = array<i64: 2, 16>, scalar_prefetch = 0 : i64, scratch_operands = 5 : i64, tpu.core_type = #tpu.core_type<sc_vector_subcore>, window_params = [{transform_indices = #map}, {transform_indices = #map}, {transform_indices = #map}, {transform_indices = #map}, {transform_indices = #map}]} {
    %mul3A = arith.constant 2 : i32
    %mul3A_0 = arith.muli %arg1, %mul3A : i32
    %add3A = arith.addi %mul3A_0, %arg0 : i32
    %mul3A_1 = arith.constant 10000 : i32
    %mul3A_2 = arith.muli %add3A, %mul3A_1 : i32
    "tpu.region"() ({
      %run_scoped3A = tpu.sem_alloc : memref<!tpu.dma_semaphore, #tpu.memory_space<semaphore_mem>>
      %dma_start3A = tpu.memref_slice %arg2[%mul3A_2] : memref<320000xi32, #tpu.memory_space<hbm>> -> memref<10000xi32, #tpu.memory_space<hbm>>
      %dma_start3A_9 = tpu.memref_slice %arg2[%mul3A_2] : memref<320000xi32, #tpu.memory_space<hbm>> -> memref<10000xi32, #tpu.memory_space<hbm>>
      tpu.enqueue_dma source(%dma_start3A_9 : memref<10000xi32, #tpu.memory_space<hbm>>) target(%arg7 : memref<10000xi32, #tpu.memory_space<vmem>>) target_semaphore(%run_scoped3A : memref<!tpu.dma_semaphore, #tpu.memory_space<semaphore_mem>>)
      %dma_wait3A = tpu.memref_slice %arg2[%mul3A_2] : memref<320000xi32, #tpu.memory_space<hbm>> -> memref<10000xi32, #tpu.memory_space<hbm>>
      %dma_wait3A_10 = tpu.memref_slice %arg2[%mul3A_2] : memref<320000xi32, #tpu.memory_space<hbm>> -> memref<10000xi32, #tpu.memory_space<hbm>>
      tpu.wait_dma2 semaphore(%run_scoped3A : memref<!tpu.dma_semaphore, #tpu.memory_space<semaphore_mem>>) src(%dma_wait3A_10 : memref<10000xi32, #tpu.memory_space<hbm>>) dst(%arg7 : memref<10000xi32, #tpu.memory_space<vmem>>)
      tpu.yield
    }) : () -> ()
    "tpu.region"() ({
      %run_scoped3A = tpu.sem_alloc : memref<!tpu.dma_semaphore, #tpu.memory_space<semaphore_mem>>
      %dma_start3A = tpu.memref_slice %arg3[%mul3A_2] : memref<320000xi32, #tpu.memory_space<hbm>> -> memref<10000xi32, #tpu.memory_space<hbm>>
      %dma_start3A_9 = tpu.memref_slice %arg3[%mul3A_2] : memref<320000xi32, #tpu.memory_space<hbm>> -> memref<10000xi32, #tpu.memory_space<hbm>>
      tpu.enqueue_dma source(%dma_start3A_9 : memref<10000xi32, #tpu.memory_space<hbm>>) target(%arg8 : memref<10000xi32, #tpu.memory_space<vmem>>) target_semaphore(%run_scoped3A : memref<!tpu.dma_semaphore, #tpu.memory_space<semaphore_mem>>)
      %dma_wait3A = tpu.memref_slice %arg3[%mul3A_2] : memref<320000xi32, #tpu.memory_space<hbm>> -> memref<10000xi32, #tpu.memory_space<hbm>>
      %dma_wait3A_10 = tpu.memref_slice %arg3[%mul3A_2] : memref<320000xi32, #tpu.memory_space<hbm>> -> memref<10000xi32, #tpu.memory_space<hbm>>
      tpu.wait_dma2 semaphore(%run_scoped3A : memref<!tpu.dma_semaphore, #tpu.memory_space<semaphore_mem>>) src(%dma_wait3A_10 : memref<10000xi32, #tpu.memory_space<hbm>>) dst(%arg8 : memref<10000xi32, #tpu.memory_space<vmem>>)
      tpu.yield
    }) : () -> ()
    "tpu.region"() ({
      %run_scoped3A = tpu.sem_alloc : memref<!tpu.dma_semaphore, #tpu.memory_space<semaphore_mem>>
      tpu.enqueue_dma source(%arg4 : memref<10000xf32, #tpu.memory_space<hbm>>) target(%arg9 : memref<10000xf32, #tpu.memory_space<vmem>>) target_semaphore(%run_scoped3A : memref<!tpu.dma_semaphore, #tpu.memory_space<semaphore_mem>>)
      tpu.wait_dma2 semaphore(%run_scoped3A : memref<!tpu.dma_semaphore, #tpu.memory_space<semaphore_mem>>) src(%arg4 : memref<10000xf32, #tpu.memory_space<hbm>>) dst(%arg9 : memref<10000xf32, #tpu.memory_space<vmem>>)
      tpu.yield
    }) : () -> ()
    "tpu.region"() ({
      %run_scoped3A = tpu.sem_alloc : memref<!tpu.dma_semaphore, #tpu.memory_space<semaphore_mem>>
      tpu.enqueue_dma source(%arg5 : memref<10000xf32, #tpu.memory_space<hbm>>) target(%arg10 : memref<10000xf32, #tpu.memory_space<vmem>>) target_semaphore(%run_scoped3A : memref<!tpu.dma_semaphore, #tpu.memory_space<semaphore_mem>>)
      tpu.wait_dma2 semaphore(%run_scoped3A : memref<!tpu.dma_semaphore, #tpu.memory_space<semaphore_mem>>) src(%arg5 : memref<10000xf32, #tpu.memory_space<hbm>>) dst(%arg10 : memref<10000xf32, #tpu.memory_space<vmem>>)
      tpu.yield
    }) : () -> ()
    %scan3A = arith.constant 0 : i32
    %scan3A_3 = arith.constant 0 : i32
    %scan3A_4 = arith.constant 625 : i32
    %scan3A_5 = arith.addi %scan3A_3, %scan3A_4 : i32
    %scan3A_6 = arith.constant 1 : i32
    %scan3A_7 = scf.for %scan3A_9 = %scan3A_3 to %scan3A_5 step %scan3A_6 iter_args(%scan3A_10 = %scan3A) -> (i32)  : i32 {
      %mul3A_11 = arith.constant 16 : i32
      %mul3A_12 = arith.muli %scan3A_9, %mul3A_11 : i32
      %get3A = arith.index_cast %mul3A_12 : i32 to index
      %get3A_13 = tpu.vector_load %arg7[%get3A] {strides = array<i32>} : memref<10000xi32, #tpu.memory_space<vmem>>, vector<16xi32>,
      %mul3A_14 = arith.constant 16 : i32
      %mul3A_15 = arith.muli %scan3A_9, %mul3A_14 : i32
      %get3A_16 = arith.index_cast %mul3A_15 : i32 to index
      %get3A_17 = tpu.vector_load %arg8[%get3A_16] {strides = array<i32>} : memref<10000xi32, #tpu.memory_space<vmem>>, vector<16xi32>,
      %gather3A = tpu.vector_load_idx %arg9[%get3A_13] : memref<10000xf32, #tpu.memory_space<vmem>>[vector<16xi32>], vector<16xf32>,
      %gather3A_18 = tpu.vector_load_idx %arg10[%get3A_17] : memref<10000xf32, #tpu.memory_space<vmem>>[vector<16xi32>], vector<16xf32>,
      %add3A_19 = arith.addf %gather3A, %gather3A_18 : vector<16xf32>
      %mul3A_20 = arith.constant 2.000000e-01 : f32
      %mul3A_21 = vector.broadcast %mul3A_20 : f32 to vector<16xf32>
      %mul3A_22 = arith.mulf %add3A_19, %mul3A_21 : vector<16xf32>
      %max3A = arith.maximumf %add3A_19, %mul3A_22 : vector<16xf32>
      %jit3A = arith.constant -2.000000e+00 : f32
      %jit3A_23 = arith.constant 2.000000e+00 : f32
      %max3A_24 = vector.broadcast %jit3A : f32 to vector<16xf32>
      %max3A_25 = arith.maximumf %max3A_24, %max3A : vector<16xf32>
      %min3A = vector.broadcast %jit3A_23 : f32 to vector<16xf32>
      %min3A_26 = arith.minimumf %min3A, %max3A_25 : vector<16xf32>
      %exp3A = math.exp %min3A_26 : vector<16xf32>
      %mul3A_27 = arith.constant 16 : i32
      %mul3A_28 = arith.muli %scan3A_9, %mul3A_27 : i32
      %swap3A = arith.index_cast %mul3A_28 : i32 to index
      %swap3A_29 = tpu.vector_load %arg11[%swap3A] {strides = array<i32>} : memref<10000xf32, #tpu.memory_space<vmem>>, vector<16xf32>,
      tpu.vector_store %arg11[%swap3A], %exp3A {strides = array<i32>} : memref<10000xf32, #tpu.memory_space<vmem>>, vector<16xf32>,
      %scan3A_30 = arith.constant 0 : i32
      scf.yield %scan3A_30 : i32
    }
    %scan3A_8 = arith.constant 625 : i32
    "tpu.region"() ({
      %run_scoped3A = tpu.sem_alloc : memref<!tpu.dma_semaphore, #tpu.memory_space<semaphore_mem>>
      %dma_start3A = tpu.memref_slice %arg6[%mul3A_2] : memref<320000xf32, #tpu.memory_space<hbm>> -> memref<10000xf32, #tpu.memory_space<hbm>>
      %dma_start3A_9 = tpu.memref_slice %arg6[%mul3A_2] : memref<320000xf32, #tpu.memory_space<hbm>> -> memref<10000xf32, #tpu.memory_space<hbm>>
      tpu.enqueue_dma source(%arg11 : memref<10000xf32, #tpu.memory_space<vmem>>) target(%dma_start3A_9 : memref<10000xf32, #tpu.memory_space<hbm>>) target_semaphore(%run_scoped3A : memref<!tpu.dma_semaphore, #tpu.memory_space<semaphore_mem>>)
      %dma_wait3A = tpu.memref_slice %arg6[%mul3A_2] : memref<320000xf32, #tpu.memory_space<hbm>> -> memref<10000xf32, #tpu.memory_space<hbm>>
      %dma_wait3A_10 = tpu.memref_slice %arg6[%mul3A_2] : memref<320000xf32, #tpu.memory_space<hbm>> -> memref<10000xf32, #tpu.memory_space<hbm>>
      tpu.wait_dma2 semaphore(%run_scoped3A : memref<!tpu.dma_semaphore, #tpu.memory_space<semaphore_mem>>) src(%arg11 : memref<10000xf32, #tpu.memory_space<vmem>>) dst(%dma_wait3A_10 : memref<10000xf32, #tpu.memory_space<hbm>>)
      tpu.yield
    }) : () -> ()
    return
  }
}

module attributes {stable_mosaic.version = 14 : i64} {
  func.func @_mm_body(%arg0: i32, %arg1: memref<2000x128xf32, #tpu.memory_space<vmem>>, %arg2: memref<128x128xf32, #tpu.memory_space<vmem>>, %arg3: memref<128x2xf32, #tpu.memory_space<vmem>>, %arg4: memref<2000x144xf32, #tpu.memory_space<vmem>>, %arg5: memref<2000x2xf32, #tpu.memory_space<vmem>>) attributes {dimension_semantics = [#tpu.dimension_semantics<arbitrary>], iteration_bounds = array<i64: 5>, scalar_prefetch = 0 : i64, scratch_operands = 0 : i64, tpu.core_type = #tpu.core_type<tc>, window_params = [{transform_indices = @transform_0, window_bounds = array<i64: 2000, 128>}, {pipeline_mode = #tpu.pipeline_mode<synchronous>, transform_indices = @transform_1, window_bounds = array<i64: 128, 128>}, {pipeline_mode = #tpu.pipeline_mode<synchronous>, transform_indices = @transform_2, window_bounds = array<i64: 128, 2>}, {transform_indices = @transform_3, window_bounds = array<i64: 2000, 144>}, {transform_indices = @transform_4, window_bounds = array<i64: 2000, 2>}]} {
    %get3A = arith.constant 0 : index
    %get3A_0 = arith.constant 0 : index
    %get3A_1 = vector.load %arg1[%get3A, %get3A_0] : memref<2000x128xf32, #tpu.memory_space<vmem>>, vector<2000x128xf32>
    %get3A_2 = arith.constant 0 : index
    %get3A_3 = arith.constant 0 : index
    %get3A_4 = vector.load %arg2[%get3A_2, %get3A_3] : memref<128x128xf32, #tpu.memory_space<vmem>>, vector<128x128xf32>
    %dot_general3A = arith.constant dense<0.000000e+00> : vector<2000x128xf32>
    %dot_general3A_5 = tpu.matmul %get3A_1, %get3A_4, %dot_general3A {dimension_numbers = #tpu.dot_dimension_numbers<[1], [0], [0], [1], [0, 0, 1, 1], [], []>, transpose_lhs_hint = false} : vector<2000x128xf32>, vector<128x128xf32>, vector<2000x128xf32> -> vector<2000x128xf32>
    %swap3A = arith.constant 0 : index
    %swap3A_6 = arith.constant 0 : index
    %swap3A_7 = vector.load %arg4[%swap3A, %swap3A_6] : memref<2000x144xf32, #tpu.memory_space<vmem>>, vector<2000x128xf32>
    tpu.vector_store %arg4[%swap3A, %swap3A_6], %dot_general3A_5 {strides = array<i32>} : memref<2000x144xf32, #tpu.memory_space<vmem>>, vector<2000x128xf32>,
    %iota3A = tpu.iota {dimensions = array<i32: 1>} : vector<2000x16xi32>
    %eq3A = arith.constant 0 : i32
    %eq3A_8 = vector.broadcast %eq3A : i32 to vector<2000x16xi32>
    %eq3A_9 = arith.cmpi eq, %iota3A, %eq3A_8 : vector<2000x16xi32>
    %jit3A = arith.constant 1.000000e+00 : f32
    %jit3A_10 = arith.constant 0.000000e+00 : f32
    %broadcast_in_dim3A = vector.broadcast %jit3A : f32 to vector<2000x16xf32>
    %broadcast_in_dim3A_11 = vector.broadcast %jit3A_10 : f32 to vector<2000x16xf32>
    %select_n3A = arith.select %eq3A_9, %broadcast_in_dim3A, %broadcast_in_dim3A_11 : vector<2000x16xi1>, vector<2000x16xf32>
    %swap3A_12 = arith.constant 0 : index
    %swap3A_13 = arith.constant 128 : index
    %swap3A_14 = vector.load %arg4[%swap3A_12, %swap3A_13] : memref<2000x144xf32, #tpu.memory_space<vmem>>, vector<2000x16xf32>
    tpu.vector_store %arg4[%swap3A_12, %swap3A_13], %select_n3A {strides = array<i32>} : memref<2000x144xf32, #tpu.memory_space<vmem>>, vector<2000x16xf32>,
    %get3A_15 = arith.constant 0 : index
    %get3A_16 = arith.constant 0 : index
    %get3A_17 = vector.load %arg3[%get3A_15, %get3A_16] : memref<128x2xf32, #tpu.memory_space<vmem>>, vector<128x2xf32>
    %dot_general3A_18 = arith.constant dense<0.000000e+00> : vector<2000x2xf32>
    %dot_general3A_19 = tpu.matmul %dot_general3A_5, %get3A_17, %dot_general3A_18 {dimension_numbers = #tpu.dot_dimension_numbers<[1], [0], [0], [1], [0, 0, 1, 1], [], []>, transpose_lhs_hint = false} : vector<2000x128xf32>, vector<128x2xf32>, vector<2000x2xf32> -> vector<2000x2xf32>
    %swap3A_20 = arith.constant 0 : index
    %swap3A_21 = arith.constant 0 : index
    %swap3A_22 = vector.load %arg5[%swap3A_20, %swap3A_21] : memref<2000x2xf32, #tpu.memory_space<vmem>>, vector<2000x2xf32>
    tpu.vector_store %arg5[%swap3A_20, %swap3A_21], %dot_general3A_19 {strides = array<i32>} : memref<2000x2xf32, #tpu.memory_space<vmem>>, vector<2000x2xf32>,
    return
  }
  func.func @transform_0(%arg0: i32) -> (i32, i32) {
    %c0_i32 = arith.constant 0 : i32
    %c0_i32_0 = arith.constant 0 : i32
    return %arg0, %c0_i32 : i32, i32
  }
  func.func @transform_1(%arg0: i32) -> (i32, i32) {
    %c0_i32 = arith.constant 0 : i32
    %c0_i32_0 = arith.constant 0 : i32
    %c0_i32_1 = arith.constant 0 : i32
    return %c0_i32, %c0_i32_0 : i32, i32
  }
  func.func @transform_2(%arg0: i32) -> (i32, i32) {
    %c0_i32 = arith.constant 0 : i32
    %c0_i32_0 = arith.constant 0 : i32
    %c0_i32_1 = arith.constant 0 : i32
    return %c0_i32, %c0_i32_0 : i32, i32
  }
  func.func @transform_3(%arg0: i32) -> (i32, i32) {
    %c0_i32 = arith.constant 0 : i32
    %c0_i32_0 = arith.constant 0 : i32
    return %arg0, %c0_i32 : i32, i32
  }
  func.func @transform_4(%arg0: i32) -> (i32, i32) {
    %c0_i32 = arith.constant 0 : i32
    %c0_i32_0 = arith.constant 0 : i32
    return %arg0, %c0_i32 : i32, i32
  }
}

module attributes {stable_mosaic.version = 14 : i64} {
  func.func @_combine_body(%arg0: i32, %arg1: memref<2000x144xf32, #tpu.memory_space<vmem>>, %arg2: memref<2000x144xf32, #tpu.memory_space<vmem>>, %arg3: memref<2000x128xf32, #tpu.memory_space<vmem>>) attributes {dimension_semantics = [#tpu.dimension_semantics<arbitrary>], iteration_bounds = array<i64: 5>, scalar_prefetch = 0 : i64, scratch_operands = 0 : i64, tpu.core_type = #tpu.core_type<tc>, window_params = [{transform_indices = @transform_0, window_bounds = array<i64: 2000, 144>}, {transform_indices = @transform_1, window_bounds = array<i64: 2000, 144>}, {transform_indices = @transform_2, window_bounds = array<i64: 2000, 128>}]} {
    %get3A = arith.constant 0 : index
    %get3A_0 = arith.constant 0 : index
    %get3A_1 = vector.load %arg1[%get3A, %get3A_0] : memref<2000x144xf32, #tpu.memory_space<vmem>>, vector<2000x144xf32>
    %get3A_2 = arith.constant 0 : index
    %get3A_3 = arith.constant 0 : index
    %get3A_4 = vector.load %arg2[%get3A_2, %get3A_3] : memref<2000x144xf32, #tpu.memory_space<vmem>>, vector<2000x144xf32>
    %add3A = arith.addf %get3A_1, %get3A_4 : vector<2000x144xf32>
    %slice3A = vector.extract_strided_slice %add3A {offsets = [0, 0], sizes = [2000, 128], strides = [1, 1]} : vector<2000x144xf32> to vector<2000x128xf32>
    %slice3A_5 = vector.extract_strided_slice %add3A {offsets = [0, 128], sizes = [2000, 1], strides = [1, 1]} : vector<2000x144xf32> to vector<2000x1xf32>
    %gt3A = arith.constant 0.000000e+00 : f32
    %gt3A_6 = vector.broadcast %gt3A : f32 to vector<2000x1xf32>
    %gt3A_7 = arith.cmpf ogt, %slice3A_5, %gt3A_6 : vector<2000x1xf32>
    %jit3A = arith.constant 1.000000e+00 : f32
    %broadcast_in_dim3A = vector.broadcast %jit3A : f32 to vector<2000x1xf32>
    %select_n3A = arith.select %gt3A_7, %slice3A_5, %broadcast_in_dim3A : vector<2000x1xi1>, vector<2000x1xf32>
    %div3A = vector.broadcast %select_n3A : vector<2000x1xf32> to vector<2000x128xf32>
    %div3A_8 = arith.divf %slice3A, %div3A : vector<2000x128xf32>
    %swap3A = arith.constant 0 : index
    %swap3A_9 = arith.constant 0 : index
    %swap3A_10 = vector.load %arg3[%swap3A, %swap3A_9] : memref<2000x128xf32, #tpu.memory_space<vmem>>, vector<2000x128xf32>
    tpu.vector_store %arg3[%swap3A, %swap3A_9], %div3A_8 {strides = array<i32>} : memref<2000x128xf32, #tpu.memory_space<vmem>>, vector<2000x128xf32>,
    return
  }
  func.func @transform_0(%arg0: i32) -> (i32, i32) {
    %c0_i32 = arith.constant 0 : i32
    %c0_i32_0 = arith.constant 0 : i32
    return %arg0, %c0_i32 : i32, i32
  }
  func.func @transform_1(%arg0: i32) -> (i32, i32) {
    %c0_i32 = arith.constant 0 : i32
    %c0_i32_0 = arith.constant 0 : i32
    return %arg0, %c0_i32 : i32, i32
  }
  func.func @transform_2(%arg0: i32) -> (i32, i32) {
    %c0_i32 = arith.constant 0 : i32
    %c0_i32_0 = arith.constant 0 : i32
    return %arg0, %c0_i32 : i32, i32
  }
}

</mosaic_0001>

<sc_bundles>
// kernel: kernel.10.cloned.1.call-start
scs
__scs_entry_jumppad:
0x0: {  	(pc) =	sbr.rel $0x88, $3  }
0x1: {  	(tag) =	ssettag $0x0;
	lr =	simm.s32 $0x1  }
0x2: {  	[smem:$0x3F9D] =	sst lr;
	_ =	strace $0xD0000000  }
0x3: {  	_ = 	snop  }
0x4: {  	_ = 	snop  }
0x5: {  	_ = 	snop  }
0x6: {  	_ = 	snop  }
0x7: {  	_ = 	snop  }
__scs_overlays_trampoline_lowered:
0x8: {  	[smem:$0x3FAC] =	sst s0  }
0x9: {  	[smem:$0x3FAD] =	sst s1  }
0xa: {  	[smem:$0x3FAE] =	sst s2  }
0xb: {  	[smem:$0x3FAF] =	sst s3  }
0xc: {  	[smem:$0x3FB0] =	sst s4  }
0xd: {  	[smem:$0x3FB1] =	sst s5  }
0xe: {  	[smem:$0x3FB2] =	sst s6  }
0xf: {  	[smem:$0x3FB3] =	sst s7  }
0x10: {  	[smem:$0x3FB4] =	sst s8  }
0x11: {  	[smem:$0x3FB5] =	sst s9;
	s0 =	simm.s32 @!p0 $0x0  }
0x12: {  	s1 =	sld [smem:$0x3F9B];
	s0 =	simm.s32 @p0 $0x1  }
0x13: {  	[smem:$0x3FB6] =	sst s0;
	s0 =	simm.s32 @!p1 $0x0  }
0x14: {  	s2 =	sld [smem:$0x3F9A];
	s0 =	simm.s32 @p1 $0x1  }
0x15: {  	[smem:$0x3FB7] =	sst s0;
	s0 =	simm.s32 @!p2 $0x0  }
0x16: {  	s3 =	sld [smem:$0x3FDB];
	s0 =	simm.s32 @p2 $0x1  }
0x17: {  	s4 =	simm.s32 $0x1BF5;
	[smem:$0x3FB9] =	sst s0  }
0x18: {  	s0 =	sld [smem:$0x3F9C];
	_ =	swait.ge [sflag:s4], $0x0  }
0x19: {  	s7 =	sld [smem:$0x3F9D]  }
0x1a: {  	s8 =	sadd.s32 $0xFFFFE003, lr  }
0x1b: {  	s9 =	sadd.s32 $0xFFFFFEF7, lr;
	s5 =	simm.s32 $0xFFFFFFFF;
	p2 =	slt.u32 s8, $0xFFFFF086  }
0x1c: {  	p1 =	slt.u32 s9, $0xF7A;
	s5 =	simm.s32 @!p2 $0x0  }
0x1d: {  	s5 =	simm.s32 @p1 $0x1;
	p0 =	seq.s32 s7, s2  }
0x1e: {  	s7 =	smul.u32 @!p0 $0xF7A, s2;
	p2 =	seq.s32 @!p0 s5, $0x0  }
0x1f: {  	s9 =	smul.u32 $0xF7A, s1;
	s8 =	simm.s32 @!p0 $0x1BF5;
	p2 =	por !p2, p0  }
0x20: {  	[sflag:s8] =	ssyncset.s32 @!p0 $0xFFFFF086;
	s6 =	sadd.s32 @!p0 s3, s7;
	s7 =	simm.s32 @!p0 $0x108  }
0x21: {  	s3 =	sadd.s32 s3, s9;
	s6 =	sadd.s32 @!p0 $0x88, s6;
	s7 =	simm.s32 @p2 $0x1082  }
0x22: {  	[simem:s7], [sflag:s8] =	dma.local @!p0 [hbm:s6], $0xF7A  }
0x23: {  	s9 =	sor.u32 $0xD0000000, s2;
	s6 =	simm.s32 $0x108;
	_ =	swait.ge @!p0 [sflag:s8], $0x0  }
0x24: {  	s3 =	sadd.s32 $0x88, s3;
	s6 =	simm.s32 @!p1 $0x1082;
	[sflag:s4] =	ssyncset.s32 $0xFFFFF086  }
0x25: {  	[simem:s6], [sflag:s4] =	dma.local [hbm:s3], $0xF7A  }
0x26: {  	[smem:$0x3F9D] =	sst s1;
	(tag) =	ssettag s2;
	_ =	strace s9  }
0x27: {  	s1 =	sld [smem:$0x3FAD]  }
0x28: {  	s2 =	sld [smem:$0x3FAE]  }
0x29: {  	s4 =	sld [smem:$0x3FB0]  }
0x2a: {  	p0 =	seq.s32 s5, $0x0;
	s5 =	sld [smem:$0x3FB1]  }
0x2b: {  	s6 =	sld [smem:$0x3FB2]  }
0x2c: {  	s7 =	sld [smem:$0x3FB3]  }
0x2d: {  	s3 =	simm.s32 $0x108;
	s8 =	sld [smem:$0x3FB4]  }
0x2e: {  	s3 =	simm.s32 @!p0 $0x1082;
	s9 =	sld [smem:$0x3FB5]  }
0x2f: {  	lr =	sadd.s32 s0, s3;
	s0 =	sld [smem:$0x3FAC]  }
0x30: {  	s3 =	sld [smem:$0x3FAF]  }
0x31: {  	[smem:$0x3FB8] =	sst s10  }
0x32: {  	s10 =	sld [smem:$0x3FB6];
	_ =	sdelay $0x3  }
0x33: {  	p0 =	seq.s32 s10, $0x1;
	s10 =	sld [smem:$0x3FB8];
	_ =	sdelay $0x3  }
0x34: {  	[smem:$0x3FB8] =	sst s10  }
0x35: {  	s10 =	sld [smem:$0x3FB7];
	_ =	sdelay $0x3  }
0x36: {  	p1 =	seq.s32 s10, $0x1;
	s10 =	sld [smem:$0x3FB8];
	_ =	sdelay $0x3  }
0x37: {  	[smem:$0x3FB8] =	sst s10  }
0x38: {  	s10 =	sld [smem:$0x3FB9]  }
0x39: {  	_ = 	snop;
	(pc) =	sbr.ind lr, $3  }
0x3a: {  	_ = 	snop  }
0x3b: {  	_ = 	snop  }
0x3c: {  	p2 =	seq.s32 s10, $0x1;
	s10 =	sld [smem:$0x3FB8]  }
0x3d: {  	_ =	shalt  }
0x3e: {  	_ =	shalt  }
0x3f: {  	_ =	shalt  }
0x40: {  	_ =	shalt  }
0x41: {  	_ =	shalt  }
0x42: {  	_ =	shalt  }
0x43: {  	_ =	shalt  }
0x44: {  	_ =	shalt  }
0x45: {  	_ =	shalt  }
0x46: {  	_ =	shalt  }
0x47: {  	_ =	shalt  }
0x48: {  	_ =	shalt  }
0x49: {  	_ =	shalt  }
0x4a: {  	_ =	shalt  }
0x4b: {  	_ =	shalt  }
0x4c: {  	_ =	shalt  }
0x4d: {  	_ =	shalt  }
0x4e: {  	_ =	shalt  }
0x4f: {  	_ =	shalt  }
0x50: {  	_ =	shalt  }
0x51: {  	_ =	shalt  }
0x52: {  	_ =	shalt  }
0x53: {  	_ =	shalt  }
0x54: {  	_ =	shalt  }
0x55: {  	_ =	shalt  }
0x56: {  	_ =	shalt  }
0x57: {  	_ =	shalt  }
0x58: {  	_ =	shalt  }
0x59: {  	_ =	shalt  }
0x5a: {  	_ =	shalt  }
0x5b: {  	_ =	shalt  }
0x5c: {  	_ =	shalt  }
0x5d: {  	_ =	shalt  }
0x5e: {  	_ =	shalt  }
0x5f: {  	_ =	shalt  }
0x60: {  	_ =	shalt  }
0x61: {  	_ =	shalt  }
0x62: {  	_ =	shalt  }
0x63: {  	_ =	shalt  }
0x64: {  	_ =	shalt  }
0x65: {  	_ =	shalt  }
0x66: {  	_ =	shalt  }
0x67: {  	_ =	shalt  }
0x68: {  	_ =	shalt  }
0x69: {  	_ =	shalt  }
0x6a: {  	_ =	shalt  }
0x6b: {  	_ =	shalt  }
0x6c: {  	_ =	shalt  }
0x6d: {  	_ =	shalt  }
0x6e: {  	_ =	shalt  }
0x6f: {  	_ =	shalt  }
0x70: {  	_ =	shalt  }
0x71: {  	_ =	shalt  }
0x72: {  	_ =	shalt  }
0x73: {  	_ =	shalt  }
0x74: {  	_ =	shalt  }
0x75: {  	_ =	shalt  }
0x76: {  	_ =	shalt  }
0x77: {  	_ =	shalt  }
0x78: {  	_ =	shalt  }
0x79: {  	_ =	shalt  }
0x7a: {  	_ =	shalt  }
0x7b: {  	_ =	shalt  }
0x7c: {  	_ =	shalt  }
0x7d: {  	_ =	shalt  }
0x7e: {  	_ =	shalt  }
0x7f: {  	_ =	shalt  }
0x80: {  	_ =	shalt  }
0x81: {  	_ =	shalt  }
0x82: {  	_ =	shalt  }
0x83: {  	_ =	shalt  }
0x84: {  	_ =	shalt  }
0x85: {  	_ =	shalt  }
0x86: {  	_ =	shalt  }
0x87: {  	_ =	shalt  }
.Lfunc_end0:
.L_simem_size_0:
called_computation.1_lowered:
.L_overlay_start_0:
0x88: {  	s2 =	sld [smem:$0x3FD9]  }
0x89: {  	s3 =	sld [smem:$0x3FFE];
	_ =	sdelay $0x1  }
0x8a: {  	s1 =	srdreg.scid  }
0x8b: {  	s0 =	sand.u32 $0x1, s1  }
0x8c: {  	s17 =	sshll.u32 s0, $0xA;
	s2 =	sadd.s32 s3, s2  }
0x8d: {  	s2 =	sadd.s32 s2, s17  }
0x8e: {  	[smem:$0x3FC4] =	sst s2  }
0x8f: {  	_ = 	snop  }
0x90: {  	s2 =	sld [smem:$0x3FD0];
	(tm) =	ssettm $0x1  }
0x91: {  	s18 =	sld [smem:$0x3FFB];
	_ =	sdelay $0x3  }
0x92: {  	_ =	strace s18  }
0x93: {  	s3 =	sld [smem:$0x3FFC];
	_ =	sdelay $0x3  }
0x94: {  	_ =	strace s3  }
0x95: {  	s3 =	sld [smem:$0x3FFD];
	_ =	sdelay $0x3  }
0x96: {  	_ =	strace s3  }
0x97: {  	_ =	strace $0x8FFFFFFF  }
0x98: {  	s19 =	sld [smem:$0x3FDB];
	_ =	sdelay $0x1  }
0x99: {  	s4 =	simm.s32 $_scs_section_size  }
0x9a: {  	s5 =	simm.s32 $_size__tile_overlayer_lowered;
	s6 =	simm.s32 $_tile_overlayer_lowered  }
0x9b: {  	s22 =	simm.s32 $0x1BFF;
	s21 =	sshll.u32 s6, $0x1;
	s3 =	sadd.s32 s4, s19  }
0x9c: {  	s7 =	simm.s32 $0x0;
	s20 =	sshll.u32 s5, $0x1;
	s5 =	sadd.s32 s21, s3  }
0x9d: {  	[timem:s7], [sflag:s22] =	dma.local [hbm:s5], s20  }
0x9e: {  	_ =	swait.ge [sflag:s22], s20  }
0x9f: {  	s4 =	ssub.s32 $0x0, s20;
	[sflag:s22] =	ssyncset.done $0x0  }
0xa0: {  	[sflag:s22] =	ssyncadd.s32 s4;
	_ =	sdelay $0x1  }
0xa1: {  	s23 =	simm.s32 $0x1B8B  }
0xa2: {  	_ =	swait.ge [sflag:s23], $0x1  }
0xa3: {  	[sflag:s23] =	ssyncset.done $0x0  }
0xa4: {  	s25 =	simm.s32 $0x1B8E;
	s24 =	sld [smem:$0x3FFE];
	[sflag:s23] =	ssyncadd.s32 $0xFFFFFFFF  }
0xa5: {  	s26 =	simm.s32 $execute0_lowered;
	[smem:$0x3FD2] =	sst s25  }
0xa6: {  	s5 =	sshll.u32 s26, $0x1;
	_ =	strace $0x80000049;
	[dreg:$0x1] =	wrdreg $0xFFFFFFFF  }
0xa7: {  	s28 =	simm.s32 $_size_execute0_lowered;
	s3 =	sadd.s32 s3, s5;
	[dreg:$0x0] =	wrdreg $0x0  }
0xa8: {  	s5 =	sshll.u32 s28, $0x1;
	[dreg:$0x2] =	wrdreg s3  }
0xa9: {  	[dreg:$0x3] =	wrdreg s5  }
0xaa: {  	[dreg:$0x4] =	wrdreg $0xC0  }
0xab: {  	_ =	task [dreg:s7], $0x5FFFF  }
0xac: {  	[dreg:$0x1] =	wrdreg $0xFFFFFFFF  }
0xad: {  	[dreg:$0x0] =	wrdreg $0x60  }
0xae: {  	[dreg:$0x2] =	wrdreg s24  }
0xaf: {  	[dreg:$0x3] =	wrdreg s2  }
0xb0: {  	[dreg:$0x4] =	wrdreg $0x92E00  }
0xb1: {  	[dreg:$0x5] =	wrdreg $0x9  }
0xb2: {  	_ =	task.clear_ibuf [dreg:s7], $0x6FFFF;
	_ =	strace $0x90000049  }
0xb3: {  	s29 =	simm.s32 $0x9;
	_ =	strace $0x8000004B  }
0xb4: {  	_ =	swait.ge [sflag:s29], $0x1  }
0xb5: {  	[sflag:s29] =	ssyncadd.s32 $0xFFFFFFFF  }
0xb6: {  	_ =	strace $0x9000004B  }
0xb7: {  	_ =	sfence  }
0xb8: {  	s30 =	sld [smem:$0x0];
	_ =	sdelay $0x2  }
0xb9: {  	s31 =	sshll.u32 s1, $0xD;
	s1 =	sshrl.u32 s1, $0x2  }
0xba: {  	s3 =	sand.u32 $0x4000, s31;
	s1 =	sadd.s32 s1, s30  }
0xbb: {  	s0 =	sor.u32 s3, s0;
	s1 =	sshll.u32 s1, $0x11  }
0xbc: {  	s0 =	sor.u32 s1, s0  }
0xbd: {  	s0 =	sadd.s32 $0x8F2B, s0  }
0xbe: {  	[sflag:s0] =	ssyncadd.remote.s32 $0x1  }
0xbf: {  	_ =	sfence.sel $0xFFFF  }
0xc0: {  	[dreg:$0x0] =	wrdreg $0xFFFFFFFF;
	(pc) =	sbr.abs _section_cstart, $3  }
0xc1: {  	[dreg:$0x1] =	wrdreg $0xFFFFFFFF  }
0xc2: {  	_ =	task.clear_ibuf [dreg:s7], $0x2FFFF;
	_ =	strace $0x9FFFFFFF  }
0xc3: {  	(tm) =	ssettm $0x7FFFFFFF  }
tec
execute0_lowered:
.L_overlay_start_1:
0x0: {  	(tag) =	ssettag $0x1  }
0x1: {  	s0 =	rddreg [dreg:$0x0]  }
0x2: {  	s1 =	rddreg [dreg:$0x1]  }
0x3: {  	s3 =	srdreg.scid;
	s12 =	stileid.u32  }
0x4: {  	s2 =	rddreg [dreg:$0x2];
	s5 =	simm.s32 $0x0;
	s29 =	simm.s32 $0x5AA0  }
0x5: {  	s30 =	simm.s32 $0x5780;
	s31 =	simm.s32 $0x32;
	s28 =	simm.s32 $0x0  }
0x6: {  	s3 =	sand.u32 $0x1, s3;
	s4 =	sshll.u32 s12, $0x1;
	s11 =	smul.u32 $0x58E00, s12  }
0x7: {  	[smem:$0x7FF] =	sst s5;
	s5 =	sadd.s32 $0x15200, s0;
	s26 =	smul.u32 $0x16380, s12  }
0x8: {  	s6 =	sor.u32 s3, s4;
	_ =	strace $0x8000004A;
	s8 =	ssub.s32 $0x2, s3  }
0x9: {  	p0 =	seq.s32 s3, $0x1;
	s3 =	simm.s32 $0x56000;
	s7 =	smul.u32 $0x578, s6  }
0xa: {  	s4 =	sadd.s32 $0x1F000, s0;
	s12 =	sshrl.u32 s11, $0x2;
	s3 =	simm.s32 @!p0 $0x82800  }
0xb: {  	s24 =	sshrl.u32 s26, $0x3;
	s9 =	sadd.s32 s7, s0;
	s1 =	sadd.s32 s1, s7  }
0xc: {  	s0 =	sadd.s32 s3, s0;
	[dreg:$0x4] =	wrdreg s1;
	s13 =	sadd.s32 $0x4B000, s9  }
0xd: {  	s1 =	sadd.s32 s12, s2;
	s0 =	sadd.s32 s0, s24;
	[dreg:$0x5] =	wrdreg s13  }
0xe: {  	s10 =	sshrl.u32 s8, $0x1;
	s14 =	sadd.s32 $0x1B00, s1;
	[dreg:$0x11] =	wrdreg s0  }
0xf: {  	s6 =	smul.u32 $0x2710, s6;
	s15 =	sadd.s32 $0x3600, s1;
	[dreg:$0x6] =	wrdreg s14  }
0x10: {  	s8 =	ssub.s32 s8, s10;
	s16 =	sadd.s32 $0x5100, s1;
	[dreg:$0x7] =	wrdreg s15  }
0x11: {  	s3 =	simm.s32 $0x2;
	s17 =	sadd.s32 $0x6C00, s1;
	[dreg:$0x8] =	wrdreg s16  }
0x12: {  	s7 =	simm.s32 $0x3;
	s18 =	sadd.s32 $0x8700, s1;
	[dreg:$0x9] =	wrdreg s17  }
0x13: {  	s9 =	sadd.s32 s26, s2;
	s19 =	sadd.s32 $0xA200, s1;
	[dreg:$0xa] =	wrdreg s18  }
0x14: {  	s26 =	sshrl.u32 s6, $0x3;
	s20 =	sadd.s32 $0xBD00, s1;
	[dreg:$0xb] =	wrdreg s19  }
0x15: {  	s12 =	simm.s32 $0x2BC0;
	s21 =	sadd.s32 $0xD800, s1;
	[dreg:$0xc] =	wrdreg s20  }
0x16: {  	s22 =	sadd.s32 $0xF300, s1;
	s23 =	sadd.s32 $0x10E00, s1;
	[dreg:$0xd] =	wrdreg s21  }
0x17: {  	s25 =	sadd.s32 $0x12900, s1;
	s24 =	sadd.s32 s5, s26;
	[dreg:$0xe] =	wrdreg s22  }
0x18: {  	s26 =	simm.s32 $0x6;
	s0 =	simm.s32 $0x76C0;
	[dreg:$0xf] =	wrdreg s23  }
0x19: {  	[dreg:$0x10] =	wrdreg s25;
	s22 =	sadd.s32 $0x14400, s1;
	s23 =	sadd.s32 $0x15F00, s1  }
0x1a: {  	v0 =	vimm.f32 $0.0e+00;
	s25 =	smax.u32 s8, $0x1;
	s1 =	simm.s32 $0x1;
	s8 =	simm.s32 $0x4  }
.LBB2_1:
0x1b: {  	s10 =	simm.s32 $0x0;
	s11 =	rddreg [dreg:$0x4]  }
0x1c: {  	[tilespmem:s10], [sflag:$0x6] =	stream.linear.gather [hbm4b:s11+s10], $0x2BC0, $0x38;
	[tilespmem:$0x1F660] =	vst v63  }
0x1d: {  	_ =	swait.ge [sflag:s26], $0x2BC0  }
0x1e: {  	[sflag:s26] =	ssyncset.done $0x0  }
0x1f: {  	s21 =	rddreg [dreg:$0x5];
	[sflag:s26] =	ssyncadd.s32 $0xFFFFD440  }
0x20: {  	[tilespmem:s12], [sflag:$0x6] =	stream.linear.gather [hbm4b:s21+s10], $0x2BC0, $0x38;
	[tilespmem:$0x1F660] =	vst v63  }
0x21: {  	_ =	swait.ge [sflag:s26], $0x2BC0  }
0x22: {  	[sflag:s26] =	ssyncset.done $0x0  }
0x23: {  	s11 =	simm.s32 $0x240;
	s10 =	simm.s32 $0x0;
	[sflag:s26] =	ssyncadd.s32 $0xFFFFD440  }
.LBB2_2:
0x24: {  	p0 =	sne.s32 s11, $0x6E40;
	[tilespmem:s10+$0x5B20] =	vst v0  }
0x25: {  	[tilespmem:s10+$0x5AA0] =	vst v0  }
0x26: {  	[tilespmem:s10+$0x5AB0] =	vst v0  }
0x27: {  	[tilespmem:s10+$0x5AC0] =	vst v0  }
.Ltmp0:
0x28: {  	[tilespmem:s10+$0x5AD0] =	vst v0;
	(pc) =	sbr.rel @p0 .LBB2_2-.Ltmp0, $4  }
0x29: {  	[tilespmem:s10+$0x5AE0] =	vst v0  }
0x2a: {  	[tilespmem:s10+$0x5AF0] =	vst v0  }
0x2b: {  	[tilespmem:s10+$0x5B00] =	vst v0  }
0x2c: {  	[tilespmem:s10+$0x5B10] =	vst v0;
	s10 =	sshra.s32 s11, $0x2;
	s11 =	sadd.s32 $0x240, s11  }
0x2d: {  	[tilespmem:s10+$0x5B20] =	vst v0  }
0x2e: {  	[tilespmem:s10+$0x5AA0] =	vst v0  }
0x2f: {  	[tilespmem:s10+$0x5AB0] =	vst v0  }
0x30: {  	[tilespmem:s10+$0x5AC0] =	vst v0  }
0x31: {  	[tilespmem:s10+$0x5AD0] =	vst v0  }
0x32: {  	[tilespmem:s10+$0x5AE0] =	vst v0  }
0x33: {  	[tilespmem:s10+$0x5AF0] =	vst v0  }
0x34: {  	[tilespmem:s10+$0x5B00] =	vst v0  }
0x35: {  	[tilespmem:s10+$0x5B10] =	vst v0  }
0x36: {  	[spmem:s9] =	stream.linear.scatter [tilespmem:s29], [sflag:$0x6], $0x1B00, $0x38;
	[tilespmem:$0x1F660] =	vst v63  }
0x37: {  	_ =	swait.ge [sflag:s26], $0x1B00  }
0x38: {  	[sflag:s26] =	ssyncset.done $0x0  }
0x39: {  	s21 =	rddreg [dreg:$0x6];
	[sflag:s26] =	ssyncadd.s32 $0xFFFFE500  }
0x3a: {  	[spmem:s21] =	stream.linear.scatter [tilespmem:s29], [sflag:$0x6], $0x1B00, $0x38;
	[tilespmem:$0x1F660] =	vst v63  }
0x3b: {  	_ =	swait.ge [sflag:s26], $0x1B00  }
0x3c: {  	[sflag:s26] =	ssyncset.done $0x0  }
0x3d: {  	s11 =	rddreg [dreg:$0x7];
	[sflag:s26] =	ssyncadd.s32 $0xFFFFE500  }
0x3e: {  	[spmem:s11] =	stream.linear.scatter [tilespmem:s29], [sflag:$0x6], $0x1B00, $0x38;
	[tilespmem:$0x1F660] =	vst v63  }
0x3f: {  	_ =	swait.ge [sflag:s26], $0x1B00  }
0x40: {  	[sflag:s26] =	ssyncset.done $0x0  }
0x41: {  	s13 =	rddreg [dreg:$0x8];
	[sflag:s26] =	ssyncadd.s32 $0xFFFFE500  }
0x42: {  	[spmem:s13] =	stream.linear.scatter [tilespmem:s29], [sflag:$0x6], $0x1B00, $0x38;
	[tilespmem:$0x1F660] =	vst v63  }
0x43: {  	_ =	swait.ge [sflag:s26], $0x1B00  }
0x44: {  	[sflag:s26] =	ssyncset.done $0x0  }
0x45: {  	s14 =	rddreg [dreg:$0x9];
	[sflag:s26] =	ssyncadd.s32 $0xFFFFE500  }
0x46: {  	[spmem:s14] =	stream.linear.scatter [tilespmem:s29], [sflag:$0x6], $0x1B00, $0x38;
	[tilespmem:$0x1F660] =	vst v63  }
0x47: {  	_ =	swait.ge [sflag:s26], $0x1B00  }
0x48: {  	[sflag:s26] =	ssyncset.done $0x0  }
0x49: {  	s15 =	rddreg [dreg:$0xa];
	[sflag:s26] =	ssyncadd.s32 $0xFFFFE500  }
0x4a: {  	[spmem:s15] =	stream.linear.scatter [tilespmem:s29], [sflag:$0x6], $0x1B00, $0x38;
	[tilespmem:$0x1F660] =	vst v63  }
0x4b: {  	_ =	swait.ge [sflag:s26], $0x1B00  }
0x4c: {  	[sflag:s26] =	ssyncset.done $0x0  }
0x4d: {  	s16 =	rddreg [dreg:$0xb];
	[sflag:s26] =	ssyncadd.s32 $0xFFFFE500  }
0x4e: {  	[spmem:s16] =	stream.linear.scatter [tilespmem:s29], [sflag:$0x6], $0x1B00, $0x38;
	[tilespmem:$0x1F660] =	vst v63  }
0x4f: {  	_ =	swait.ge [sflag:s26], $0x1B00  }
0x50: {  	[sflag:s26] =	ssyncset.done $0x0  }
0x51: {  	s17 =	rddreg [dreg:$0xc];
	[sflag:s26] =	ssyncadd.s32 $0xFFFFE500  }
0x52: {  	[spmem:s17] =	stream.linear.scatter [tilespmem:s29], [sflag:$0x6], $0x1B00, $0x38;
	[tilespmem:$0x1F660] =	vst v63  }
0x53: {  	_ =	swait.ge [sflag:s26], $0x1B00  }
0x54: {  	[sflag:s26] =	ssyncset.done $0x0  }
0x55: {  	s18 =	rddreg [dreg:$0xd];
	[sflag:s26] =	ssyncadd.s32 $0xFFFFE500  }
0x56: {  	[spmem:s18] =	stream.linear.scatter [tilespmem:s29], [sflag:$0x6], $0x1B00, $0x38;
	[tilespmem:$0x1F660] =	vst v63  }
0x57: {  	_ =	swait.ge [sflag:s26], $0x1B00  }
0x58: {  	[sflag:s26] =	ssyncset.done $0x0  }
0x59: {  	s19 =	rddreg [dreg:$0xe];
	[sflag:s26] =	ssyncadd.s32 $0xFFFFE500  }
0x5a: {  	[spmem:s19] =	stream.linear.scatter [tilespmem:s29], [sflag:$0x6], $0x1B00, $0x38;
	[tilespmem:$0x1F660] =	vst v63  }
0x5b: {  	_ =	swait.ge [sflag:s26], $0x1B00  }
0x5c: {  	[sflag:s26] =	ssyncset.done $0x0  }
0x5d: {  	s20 =	rddreg [dreg:$0xf];
	[sflag:s26] =	ssyncadd.s32 $0xFFFFE500  }
0x5e: {  	[spmem:s20] =	stream.linear.scatter [tilespmem:s29], [sflag:$0x6], $0x1B00, $0x38;
	[tilespmem:$0x1F660] =	vst v63  }
0x5f: {  	_ =	swait.ge [sflag:s26], $0x1B00  }
0x60: {  	[sflag:s26] =	ssyncset.done $0x0  }
0x61: {  	s21 =	rddreg [dreg:$0x10];
	[sflag:s26] =	ssyncadd.s32 $0xFFFFE500  }
0x62: {  	[spmem:s21] =	stream.linear.scatter [tilespmem:s29], [sflag:$0x6], $0x1B00, $0x38;
	[tilespmem:$0x1F660] =	vst v63  }
0x63: {  	_ =	swait.ge [sflag:s26], $0x1B00  }
0x64: {  	[sflag:s26] =	ssyncset.done $0x0  }
0x65: {  	[sflag:s26] =	ssyncadd.s32 $0xFFFFE500  }
0x66: {  	[spmem:s22] =	stream.linear.scatter [tilespmem:s29], [sflag:$0x6], $0x1B00, $0x38;
	[tilespmem:$0x1F660] =	vst v63  }
0x67: {  	_ =	swait.ge [sflag:s26], $0x1B00  }
0x68: {  	[sflag:s26] =	ssyncset.done $0x0  }
0x69: {  	[sflag:s26] =	ssyncadd.s32 $0xFFFFE500  }
0x6a: {  	[spmem:s23] =	stream.linear.scatter [tilespmem:s29], [sflag:$0x6], $0x480, $0x38;
	[tilespmem:$0x1F660] =	vst v63  }
0x6b: {  	_ =	swait.ge [sflag:s26], $0x480  }
0x6c: {  	[sflag:s26] =	ssyncset.done $0x0  }
0x6d: {  	[sflag:s26] =	ssyncadd.s32 $0xFFFFFB80  }
0x6e: {  	s13 =	simm.s32 $0x0;
	[bflag:$0x0] =	sbarrier.arrive $0xFFFF  }
0x6f: {  	[tilespmem:s30], [sflag:$0x6] =	stream.linear.gather [hbm4b:s24+s13], $0x190, $0x38;
	[tilespmem:$0x1F660] =	vst v63  }
0x70: {  	_ =	swait.ge [sflag:s26], $0x190  }
0x71: {  	[sflag:s26] =	ssyncset.done $0x0  }
0x72: {  	[sflag:s26] =	ssyncadd.s32 $0xFFFFFE70  }
0x73: {  	[tilespmem:s29], [sflag:$0x1] =	stream.indirect.gather [hbm4b:s4+s31], $0x90, s12, s31, $0xb8;
	[tilespmem:$0x1F660] =	vst v63  }
.LBB2_4:
0x74: {  	s10 =	sadd.s32 $0x1, s13;
	p0 =	seq.s32 s13, $0x18  }
0x75: {  	s11 =	smul.u32 @!p0 $0x190, s10  }
0x76: {  	s12 =	sand.u32 @!p0 $0x1, s10  }
0x77: {  	p1 =	seq.s32 @!p0 s12, $0x1;
	s11 =	sadd.s32 @!p0 s6, s11  }
0x78: {  	s12 =	simm.s32 @!p0 $0x5910;
	p1 =	por !p1, p0;
	s11 =	sshrl.u32 @!p0 s11, $0x3  }
0x79: {  	s14 =	simm.s32 @!p0 $0x0;
	s12 =	simm.s32 @p1 $0x5780;
	s11 =	sadd.s32 @!p0 s5, s11  }
0x7a: {  	[tilespmem:s12], [sflag:$0x5] =	stream.linear.gather @!p0 [hbm4b:s11+s14], $0x190, $0x38;
	[tilespmem:$0x1F660] =	vst v63  }
0x7b: {  	_ =	swait.ge [sflag:s1], $0x1C20  }
0x7c: {  	p1 =	seq.s32 s13, $0x0;
	[sflag:s1] =	ssyncset.done $0x0  }
0x7d: {  	s11 =	simm.s32 @!p1 $0x4;
	[sflag:s1] =	ssyncadd.s32 $0xFFFFE3E0  }
0x7e: {  	s12 =	smul.u32 $0x1C0, s13;
	_ =	swait.ge @!p1 [sflag:s11], $0x1C20  }
0x7f: {  	[sflag:s11] =	ssyncset.done @!p1 $0x0  }
0x80: {  	s15 =	simm.s32 $0x5B30;
	s19 =	sadd.s32 $0x2BF8, s12;
	[sflag:s11] =	ssyncadd.s32 @!p1 $0xFFFFE3E0  }
0x81: {  	[tilespmem:s0], [sflag:$0x2] =	stream.indirect.gather [hbm4b:s4+s31], $0x90, s19, s31, $0xb8;
	[tilespmem:$0x1F660] =	vst v63  }
0x82: {  	v7 =	vld [tilespmem:s15+$0xFFFFFFF0]  }
0x83: {  	s20 =	sand.u32 $0x1, s13;
	v6 =	vld [tilespmem:s15+$0x50]  }
0x84: {  	p1 =	seq.s32 s20, $0x1;
	s11 =	simm.s32 $0x190;
	v4 =	vld [tilespmem:s15+$0x80]  }
0x85: {  	s11 =	simm.s32 @!p1 $0x0;
	v8 =	vld [tilespmem:s15+$0x20]  }
0x86: {  	s21 =	sadd.s32 $0x1, s11;
	v1 =	vld [tilespmem:s15+$0x30]  }
0x87: {  	v11 =	vld [tilespmem:s15+$0x70];
	v2 =	vmov s21;
	s14 =	sadd.s32 $0xFFFFFFFF, s21  }
0x88: {  	v9 =	vld [tilespmem:s15+$0x40];
	v3 =	vmov s14  }
0x89: {  	v5 =	vld [tilespmem:s15+$0x10];
	v3 =	vand.u32 $0xFFFFFFFE, v3  }
0x8a: {  	v10 =	vld [tilespmem:s15+$0x0];
	v3 =	vbroadcast v3, $0x0  }
0x8b: {  	v12 =	vld [tilespmem:s15+$0xFFFFFF70]  }
0x8c: {  	v2 =	vld.idx.msk [tilespmem:v2+s30+$0x0], $0xffff  }
0x8d: {  	v13 =	vld [tilespmem:s15+$0x60]  }
0x8e: {  	v15 =	vld [tilespmem:s15+$0xFFFFFFE0]  }
0x8f: {  	v17 =	vld [tilespmem:s15+$0xFFFFFF90]  }
0x90: {  	v3 =	vld.idx.msk [tilespmem:v3+s30+$0x0], $0xffff  }
0x91: {  	v10 =	vmul.f32 v10, v2;
	v18 =	vmul.f32 v5, v2;
	v5 =	vld [tilespmem:s15+$0xFFFFFFD0]  }
0x92: {  	v8 =	vmul.f32 v8, v2;
	v19 =	vmul.f32 v4, v2;
	v4 =	vld [tilespmem:s15+$0xFFFFFFC0]  }
0x93: {  	v9 =	vmul.f32 v9, v2;
	v16 =	vmul.f32 v6, v2;
	v6 =	vld [tilespmem:s15+$0xFFFFFF80];
	[tilespmem:s15+$0x0] =	vst v10  }
0x94: {  	v14 =	vmul.f32 v11, v2;
	[tilespmem:s15+$0x20] =	vst v8;
	v10 =	vmul.f32 v13, v2;
	v8 =	vld [tilespmem:s15+$0xFFFFFFA0]  }
0x95: {  	[tilespmem:s15+$0x10] =	vst v18;
	v13 =	vld [tilespmem:s15+$0xFFFFFFB0];
	v12 =	vmul.f32 v12, v3;
	v11 =	vmul.f32 v7, v3  }
0x96: {  	s16 =	simm.s32 $0x3;
	s17 =	simm.s32 $0x5B30;
	s14 =	sor.u32 $0x38, s12;
	[tilespmem:s15+$0x80] =	vst v19;
	v7 =	vmul.f32 v17, v3;
	v15 =	vmul.f32 v15, v3  }
.LBB2_5:
0x97: {  	p1 =	sne.s32 s16, $0x31  }
0x98: {  	v6 =	vmul.f32 v6, v3;
	[tilespmem:s15+$0x50] =	vst v16;
	v5 =	vmul.f32 v5, v3;
	s17 =	sadd.s32 $0x120, s17;
	s18 =	smov.u32 s16;
	s16 =	sadd.s32 $0x2, s16  }
0x99: {  	v4 =	vmul.f32 v4, v3;
	v8 =	vmul.f32 v8, v3;
	[tilespmem:s15+$0x40] =	vst v9  }
0x9a: {  	v1 =	vmul.f32 v1, v2;
	v2 =	vmul.f32 v13, v3;
	[tilespmem:s15+$0x70] =	vst v14  }
0x9b: {  	[tilespmem:s15+$0x60] =	vst v10  }
0x9c: {  	v17 =	vld [tilespmem:s17+$0xFFFFFFF0];
	[tilespmem:s15+$0xFFFFFF70] =	vst v12  }
0x9d: {  	v10 =	vld [tilespmem:s17+$0x50];
	[tilespmem:s15+$0xFFFFFFF0] =	vst v11  }
0x9e: {  	v9 =	vld [tilespmem:s17+$0x80];
	[tilespmem:s15+$0xFFFFFFE0] =	vst v15  }
0x9f: {  	v11 =	vld [tilespmem:s17+$0x20];
	[tilespmem:s15+$0x30] =	vst v1  }
0xa0: {  	s18 =	sadd.s32 s11, s18;
	v1 =	vld [tilespmem:s17+$0x30];
	[tilespmem:s15+$0xFFFFFF90] =	vst v7  }
0xa1: {  	s19 =	sadd.s32 $0xFFFFFFFF, s18;
	v3 =	vmov s18;
	v7 =	vld [tilespmem:s17+$0x70];
	[tilespmem:s15+$0xFFFFFFC0] =	vst v4  }
0xa2: {  	v4 =	vmov s19;
	v12 =	vld [tilespmem:s17+$0x40];
	[tilespmem:s15+$0xFFFFFFB0] =	vst v2  }
0xa3: {  	v2 =	vand.u32 $0xFFFFFFFE, v4;
	v15 =	vld [tilespmem:s17+$0xFFFFFF70];
	[tilespmem:s15+$0xFFFFFFA0] =	vst v8  }
0xa4: {  	v8 =	vbroadcast v2, $0x0;
	v14 =	vld [tilespmem:s17+$0x60];
	[tilespmem:s15+$0xFFFFFFD0] =	vst v5  }
0xa5: {  	v5 =	vld [tilespmem:s17+$0x10];
	[tilespmem:s15+$0xFFFFFF80] =	vst v6;
	s15 =	smov.u32 s17  }
0xa6: {  	v2 =	vld.idx.msk [tilespmem:v3+s30+$0x0], $0xffff  }
0xa7: {  	v6 =	vld [tilespmem:s17+$0x0]  }
0xa8: {  	v18 =	vld [tilespmem:s17+$0xFFFFFFE0]  }
0xa9: {  	v4 =	vld [tilespmem:s17+$0xFFFFFFC0]  }
0xaa: {  	v3 =	vld.idx.msk [tilespmem:v8+s30+$0x0], $0xffff  }
0xab: {  	v19 =	vld [tilespmem:s17+$0xFFFFFF90]  }
0xac: {  	v20 =	vmul.f32 v5, v2;
	v8 =	vmul.f32 v6, v2;
	v5 =	vld [tilespmem:s17+$0xFFFFFFD0]  }
.Ltmp1:
0xad: {  	v11 =	vmul.f32 v11, v2;
	v21 =	vmul.f32 v9, v2;
	v6 =	vld [tilespmem:s17+$0xFFFFFF80];
	(pc) =	sbr.rel @p1 .LBB2_5-.Ltmp1, $4  }
0xae: {  	v9 =	vmul.f32 v12, v2;
	v16 =	vmul.f32 v10, v2;
	[tilespmem:s17+$0x0] =	vst v8;
	v8 =	vld [tilespmem:s17+$0xFFFFFFA0]  }
0xaf: {  	v10 =	vmul.f32 v14, v2;
	v14 =	vmul.f32 v7, v2;
	[tilespmem:s17+$0x20] =	vst v11;
	v13 =	vld [tilespmem:s17+$0xFFFFFFB0]  }
0xb0: {  	v12 =	vmul.f32 v15, v3;
	v11 =	vmul.f32 v17, v3;
	[tilespmem:s17+$0x10] =	vst v20  }
0xb1: {  	v15 =	vmul.f32 v18, v3;
	v7 =	vmul.f32 v19, v3;
	[tilespmem:s17+$0x80] =	vst v21  }
0xb2: {  	[tilespmem:s15+$0x50] =	vst v16  }
0xb3: {  	[tilespmem:s15+$0x40] =	vst v9  }
0xb4: {  	[tilespmem:s15+$0x70] =	vst v14  }
0xb5: {  	[tilespmem:s15+$0x60] =	vst v10  }
0xb6: {  	[tilespmem:s15+$0xFFFFFF70] =	vst v12  }
0xb7: {  	[tilespmem:s15+$0xFFFFFFF0] =	vst v11  }
0xb8: {  	v1 =	vmul.f32 v1, v2;
	[tilespmem:s15+$0xFFFFFFE0] =	vst v15  }
0xb9: {  	v2 =	vmul.f32 v4, v3;
	[tilespmem:s15+$0xFFFFFF90] =	vst v7  }
0xba: {  	v4 =	vmul.f32 v8, v3;
	[tilespmem:s15+$0x30] =	vst v1  }
0xbb: {  	v1 =	vmul.f32 v13, v3;
	[tilespmem:s15+$0xFFFFFFC0] =	vst v2  }
0xbc: {  	v2 =	vmul.f32 v5, v3;
	[tilespmem:s15+$0xFFFFFFA0] =	vst v4  }
0xbd: {  	s13 =	smul.u32 $0x700, s13;
	[tilespmem:s15+$0xFFFFFFB0] =	vst v1;
	v1 =	vmul.f32 v6, v3  }
0xbe: {  	[tilespmem:s15+$0xFFFFFFD0] =	vst v2  }
0xbf: {  	s19 =	sshra.s32 s13, $0x2;
	[tilespmem:s15+$0xFFFFFF80] =	vst v1  }
0xc0: {  	[spmem:s2] =	stream.indirect.scatter.add.f32 [tilespmem:s29], [sflag:$0x3], $0x90, s19, s31, $0xb8;
	[tilespmem:$0x1F660] =	vst v63  }
0xc1: {  	_ =	swait.ge [sflag:s3], $0x1C20  }
0xc2: {  	[sflag:s3] =	ssyncset.done $0x0  }
0xc3: {  	[sflag:s3] =	ssyncadd.s32 $0xFFFFE3E0  }
0xc4: {  	_ =	swait.ge [sflag:s7], $0x1C20  }
0xc5: {  	[sflag:s7] =	ssyncset.done $0x0  }
0xc6: {  	s20 =	sadd.s32 $0x2C30, s12;
	s16 =	simm.s32 $0x7750;
	[sflag:s7] =	ssyncadd.s32 $0xFFFFE3E0  }
0xc7: {  	[tilespmem:s29], [sflag:$0x1] =	stream.indirect.gather [hbm4b:s4+s31], $0x90, s20, s31, $0xb8;
	[tilespmem:$0x1F660] =	vst v63  }
0xc8: {  	v7 =	vld [tilespmem:s16+$0xFFFFFFF0]  }
0xc9: {  	s17 =	sadd.s32 $0x32, s11;
	v6 =	vld [tilespmem:s16+$0x50]  }
0xca: {  	s21 =	sadd.s32 $0x1, s17;
	v4 =	vld [tilespmem:s16+$0x80]  }
0xcb: {  	v2 =	vmov s21;
	v8 =	vld [tilespmem:s16+$0x20]  }
0xcc: {  	s15 =	sadd.s32 $0xFFFFFFFF, s21;
	v1 =	vld [tilespmem:s16+$0x30]  }
0xcd: {  	v3 =	vmov s15;
	v11 =	vld [tilespmem:s16+$0x70]  }
0xce: {  	v3 =	vand.u32 $0xFFFFFFFE, v3;
	v9 =	vld [tilespmem:s16+$0x40]  }
0xcf: {  	v3 =	vbroadcast v3, $0x0;
	v5 =	vld [tilespmem:s16+$0x10]  }
0xd0: {  	v2 =	vld.idx.msk [tilespmem:v2+s30+$0x0], $0xffff  }
0xd1: {  	v10 =	vld [tilespmem:s16+$0x0]  }
0xd2: {  	v12 =	vld [tilespmem:s16+$0xFFFFFF70]  }
0xd3: {  	v13 =	vld [tilespmem:s16+$0x60]  }
0xd4: {  	v15 =	vld [tilespmem:s16+$0xFFFFFFE0]  }
0xd5: {  	v3 =	vld.idx.msk [tilespmem:v3+s30+$0x0], $0xffff  }
0xd6: {  	v17 =	vld [tilespmem:s16+$0xFFFFFF90]  }
0xd7: {  	v10 =	vmul.f32 v10, v2;
	v18 =	vmul.f32 v5, v2;
	v5 =	vld [tilespmem:s16+$0xFFFFFFD0]  }
0xd8: {  	v8 =	vmul.f32 v8, v2;
	v19 =	vmul.f32 v4, v2;
	v4 =	vld [tilespmem:s16+$0xFFFFFFC0]  }
0xd9: {  	v9 =	vmul.f32 v9, v2;
	v16 =	vmul.f32 v6, v2;
	v6 =	vld [tilespmem:s16+$0xFFFFFF80];
	[tilespmem:s16+$0x0] =	vst v10  }
0xda: {  	v14 =	vmul.f32 v11, v2;
	v12 =	vmul.f32 v12, v3;
	[tilespmem:s16+$0x20] =	vst v8;
	v8 =	vld [tilespmem:s16+$0xFFFFFFA0]  }
0xdb: {  	v11 =	vmul.f32 v7, v3;
	v10 =	vmul.f32 v13, v2;
	[tilespmem:s16+$0x10] =	vst v18;
	v13 =	vld [tilespmem:s16+$0xFFFFFFB0]  }
0xdc: {  	s18 =	simm.s32 $0x3;
	s15 =	sadd.s32 $0x70, s12;
	s19 =	simm.s32 $0x7750;
	v7 =	vmul.f32 v17, v3;
	v15 =	vmul.f32 v15, v3;
	[tilespmem:s16+$0x80] =	vst v19  }
.LBB2_7:
0xdd: {  	p1 =	sne.s32 s18, $0x31  }
0xde: {  	v6 =	vmul.f32 v6, v3;
	[tilespmem:s16+$0x50] =	vst v16;
	v5 =	vmul.f32 v5, v3;
	s19 =	sadd.s32 $0x120, s19;
	s20 =	smov.u32 s18;
	s18 =	sadd.s32 $0x2, s18  }
0xdf: {  	v4 =	vmul.f32 v4, v3;
	v8 =	vmul.f32 v8, v3;
	[tilespmem:s16+$0x40] =	vst v9  }
0xe0: {  	v1 =	vmul.f32 v1, v2;
	v2 =	vmul.f32 v13, v3;
	[tilespmem:s16+$0x70] =	vst v14  }
0xe1: {  	[tilespmem:s16+$0x60] =	vst v10  }
0xe2: {  	v17 =	vld [tilespmem:s19+$0xFFFFFFF0];
	[tilespmem:s16+$0xFFFFFF70] =	vst v12  }
0xe3: {  	v10 =	vld [tilespmem:s19+$0x50];
	[tilespmem:s16+$0xFFFFFFF0] =	vst v11  }
0xe4: {  	v9 =	vld [tilespmem:s19+$0x80];
	[tilespmem:s16+$0xFFFFFFE0] =	vst v15  }
0xe5: {  	v11 =	vld [tilespmem:s19+$0x20];
	[tilespmem:s16+$0x30] =	vst v1  }
0xe6: {  	s20 =	sadd.s32 s17, s20;
	v1 =	vld [tilespmem:s19+$0x30];
	[tilespmem:s16+$0xFFFFFF90] =	vst v7  }
0xe7: {  	s21 =	sadd.s32 $0xFFFFFFFF, s20;
	v3 =	vmov s20;
	v7 =	vld [tilespmem:s19+$0x70];
	[tilespmem:s16+$0xFFFFFFC0] =	vst v4  }
0xe8: {  	v4 =	vmov s21;
	v12 =	vld [tilespmem:s19+$0x40];
	[tilespmem:s16+$0xFFFFFFB0] =	vst v2  }
0xe9: {  	v2 =	vand.u32 $0xFFFFFFFE, v4;
	v15 =	vld [tilespmem:s19+$0xFFFFFF70];
	[tilespmem:s16+$0xFFFFFFA0] =	vst v8  }
0xea: {  	v8 =	vbroadcast v2, $0x0;
	v14 =	vld [tilespmem:s19+$0x60];
	[tilespmem:s16+$0xFFFFFFD0] =	vst v5  }
0xeb: {  	v5 =	vld [tilespmem:s19+$0x10];
	[tilespmem:s16+$0xFFFFFF80] =	vst v6;
	s16 =	smov.u32 s19  }
0xec: {  	v2 =	vld.idx.msk [tilespmem:v3+s30+$0x0], $0xffff  }
0xed: {  	v6 =	vld [tilespmem:s19+$0x0]  }
0xee: {  	v18 =	vld [tilespmem:s19+$0xFFFFFFE0]  }
0xef: {  	v4 =	vld [tilespmem:s19+$0xFFFFFFC0]  }
0xf0: {  	v3 =	vld.idx.msk [tilespmem:v8+s30+$0x0], $0xffff  }
0xf1: {  	v19 =	vld [tilespmem:s19+$0xFFFFFF90]  }
0xf2: {  	v20 =	vmul.f32 v5, v2;
	v8 =	vmul.f32 v6, v2;
	v5 =	vld [tilespmem:s19+$0xFFFFFFD0]  }
.Ltmp2:
0xf3: {  	v11 =	vmul.f32 v11, v2;
	v21 =	vmul.f32 v9, v2;
	v6 =	vld [tilespmem:s19+$0xFFFFFF80];
	(pc) =	sbr.rel @p1 .LBB2_7-.Ltmp2, $4  }
0xf4: {  	v9 =	vmul.f32 v12, v2;
	v16 =	vmul.f32 v10, v2;
	[tilespmem:s19+$0x0] =	vst v8;
	v8 =	vld [tilespmem:s19+$0xFFFFFFA0]  }
0xf5: {  	v10 =	vmul.f32 v14, v2;
	v14 =	vmul.f32 v7, v2;
	[tilespmem:s19+$0x20] =	vst v11;
	v13 =	vld [tilespmem:s19+$0xFFFFFFB0]  }
0xf6: {  	v12 =	vmul.f32 v15, v3;
	v11 =	vmul.f32 v17, v3;
	[tilespmem:s19+$0x10] =	vst v20  }
0xf7: {  	v15 =	vmul.f32 v18, v3;
	v7 =	vmul.f32 v19, v3;
	[tilespmem:s19+$0x80] =	vst v21  }
0xf8: {  	[tilespmem:s16+$0x50] =	vst v16  }
0xf9: {  	[tilespmem:s16+$0x40] =	vst v9  }
0xfa: {  	[tilespmem:s16+$0x70] =	vst v14  }
0xfb: {  	[tilespmem:s16+$0x60] =	vst v10  }
0xfc: {  	[tilespmem:s16+$0xFFFFFF70] =	vst v12  }
0xfd: {  	[tilespmem:s16+$0xFFFFFFF0] =	vst v11  }
0xfe: {  	v1 =	vmul.f32 v1, v2;
	[tilespmem:s16+$0xFFFFFFE0] =	vst v15  }
0xff: {  	v2 =	vmul.f32 v4, v3;
	[tilespmem:s16+$0xFFFFFF90] =	vst v7  }
0x100: {  	v4 =	vmul.f32 v8, v3;
	[tilespmem:s16+$0x30] =	vst v1  }
0x101: {  	v1 =	vmul.f32 v13, v3;
	[tilespmem:s16+$0xFFFFFFC0] =	vst v2  }
0x102: {  	v2 =	vmul.f32 v5, v3;
	[tilespmem:s16+$0xFFFFFFA0] =	vst v4  }
0x103: {  	[tilespmem:s16+$0xFFFFFFB0] =	vst v1;
	v1 =	vmul.f32 v6, v3  }
0x104: {  	[tilespmem:s16+$0xFFFFFFD0] =	vst v2  }
0x105: {  	s19 =	simm.s32 $0x1;
	[tilespmem:s16+$0xFFFFFF80] =	vst v1  }
0x106: {  	[spmem:s2] =	stream.indirect.scatter.add.f32 [tilespmem:s0], [sflag:$0x4], $0x90, s14, s31, $0xb8;
	[tilespmem:$0x1F660] =	vst v63  }
0x107: {  	_ =	swait.ge [sflag:s19], $0x1C20  }
0x108: {  	[sflag:s19] =	ssyncset.done $0x0  }
0x109: {  	[sflag:s19] =	ssyncadd.s32 $0xFFFFE3E0  }
0x10a: {  	_ =	swait.ge [sflag:s8], $0x1C20  }
0x10b: {  	[sflag:s8] =	ssyncset.done $0x0  }
0x10c: {  	s20 =	sadd.s32 $0x2C68, s12;
	s14 =	simm.s32 $0x5B30;
	[sflag:s8] =	ssyncadd.s32 $0xFFFFE3E0  }
0x10d: {  	[tilespmem:s0], [sflag:$0x2] =	stream.indirect.gather [hbm4b:s4+s31], $0x90, s20, s31, $0xb8;
	[tilespmem:$0x1F660] =	vst v63  }
0x10e: {  	v7 =	vld [tilespmem:s14+$0xFFFFFFF0]  }
0x10f: {  	s17 =	sor.u32 $0x64, s11;
	v6 =	vld [tilespmem:s14+$0x50]  }
0x110: {  	s21 =	sadd.s32 $0x1, s17;
	v4 =	vld [tilespmem:s14+$0x80]  }
0x111: {  	v2 =	vmov s21;
	v8 =	vld [tilespmem:s14+$0x20]  }
0x112: {  	s16 =	sadd.s32 $0xFFFFFFFF, s21;
	v1 =	vld [tilespmem:s14+$0x30]  }
0x113: {  	v3 =	vmov s16;
	v11 =	vld [tilespmem:s14+$0x70]  }
0x114: {  	v3 =	vand.u32 $0xFFFFFFFE, v3;
	v9 =	vld [tilespmem:s14+$0x40]  }
0x115: {  	v3 =	vbroadcast v3, $0x0;
	v5 =	vld [tilespmem:s14+$0x10]  }
0x116: {  	v2 =	vld.idx.msk [tilespmem:v2+s30+$0x0], $0xffff  }
0x117: {  	v10 =	vld [tilespmem:s14+$0x0]  }
0x118: {  	v12 =	vld [tilespmem:s14+$0xFFFFFF70]  }
0x119: {  	v13 =	vld [tilespmem:s14+$0x60]  }
0x11a: {  	v15 =	vld [tilespmem:s14+$0xFFFFFFE0]  }
0x11b: {  	v3 =	vld.idx.msk [tilespmem:v3+s30+$0x0], $0xffff  }
0x11c: {  	v17 =	vld [tilespmem:s14+$0xFFFFFF90]  }
0x11d: {  	v10 =	vmul.f32 v10, v2;
	v18 =	vmul.f32 v5, v2;
	v5 =	vld [tilespmem:s14+$0xFFFFFFD0]  }
0x11e: {  	v8 =	vmul.f32 v8, v2;
	v19 =	vmul.f32 v4, v2;
	v4 =	vld [tilespmem:s14+$0xFFFFFFC0]  }
0x11f: {  	v9 =	vmul.f32 v9, v2;
	v16 =	vmul.f32 v6, v2;
	v6 =	vld [tilespmem:s14+$0xFFFFFF80];
	[tilespmem:s14+$0x0] =	vst v10  }
0x120: {  	v14 =	vmul.f32 v11, v2;
	v12 =	vmul.f32 v12, v3;
	[tilespmem:s14+$0x20] =	vst v8;
	v8 =	vld [tilespmem:s14+$0xFFFFFFA0]  }
0x121: {  	v11 =	vmul.f32 v7, v3;
	v10 =	vmul.f32 v13, v2;
	[tilespmem:s14+$0x10] =	vst v18;
	v13 =	vld [tilespmem:s14+$0xFFFFFFB0]  }
0x122: {  	s18 =	simm.s32 $0x3;
	s16 =	sadd.s32 $0xA8, s12;
	s19 =	simm.s32 $0x5B30;
	v7 =	vmul.f32 v17, v3;
	v15 =	vmul.f32 v15, v3;
	[tilespmem:s14+$0x80] =	vst v19  }
.LBB2_9:
0x123: {  	p1 =	sne.s32 s18, $0x31  }
0x124: {  	v6 =	vmul.f32 v6, v3;
	[tilespmem:s14+$0x50] =	vst v16;
	v5 =	vmul.f32 v5, v3;
	s19 =	sadd.s32 $0x120, s19;
	s20 =	smov.u32 s18;
	s18 =	sadd.s32 $0x2, s18  }
0x125: {  	v4 =	vmul.f32 v4, v3;
	v8 =	vmul.f32 v8, v3;
	[tilespmem:s14+$0x40] =	vst v9  }
0x126: {  	v1 =	vmul.f32 v1, v2;
	v2 =	vmul.f32 v13, v3;
	[tilespmem:s14+$0x70] =	vst v14  }
0x127: {  	[tilespmem:s14+$0x60] =	vst v10  }
0x128: {  	v17 =	vld [tilespmem:s19+$0xFFFFFFF0];
	[tilespmem:s14+$0xFFFFFF70] =	vst v12  }
0x129: {  	v10 =	vld [tilespmem:s19+$0x50];
	[tilespmem:s14+$0xFFFFFFF0] =	vst v11  }
0x12a: {  	v9 =	vld [tilespmem:s19+$0x80];
	[tilespmem:s14+$0xFFFFFFE0] =	vst v15  }
0x12b: {  	v11 =	vld [tilespmem:s19+$0x20];
	[tilespmem:s14+$0x30] =	vst v1  }
0x12c: {  	s20 =	sadd.s32 s17, s20;
	v1 =	vld [tilespmem:s19+$0x30];
	[tilespmem:s14+$0xFFFFFF90] =	vst v7  }
0x12d: {  	s21 =	sadd.s32 $0xFFFFFFFF, s20;
	v3 =	vmov s20;
	v7 =	vld [tilespmem:s19+$0x70];
	[tilespmem:s14+$0xFFFFFFC0] =	vst v4  }
0x12e: {  	v4 =	vmov s21;
	v12 =	vld [tilespmem:s19+$0x40];
	[tilespmem:s14+$0xFFFFFFB0] =	vst v2  }
0x12f: {  	v2 =	vand.u32 $0xFFFFFFFE, v4;
	v15 =	vld [tilespmem:s19+$0xFFFFFF70];
	[tilespmem:s14+$0xFFFFFFA0] =	vst v8  }
0x130: {  	v8 =	vbroadcast v2, $0x0;
	v14 =	vld [tilespmem:s19+$0x60];
	[tilespmem:s14+$0xFFFFFFD0] =	vst v5  }
0x131: {  	v5 =	vld [tilespmem:s19+$0x10];
	[tilespmem:s14+$0xFFFFFF80] =	vst v6;
	s14 =	smov.u32 s19  }
0x132: {  	v2 =	vld.idx.msk [tilespmem:v3+s30+$0x0], $0xffff  }
0x133: {  	v6 =	vld [tilespmem:s19+$0x0]  }
0x134: {  	v18 =	vld [tilespmem:s19+$0xFFFFFFE0]  }
0x135: {  	v4 =	vld [tilespmem:s19+$0xFFFFFFC0]  }
0x136: {  	v3 =	vld.idx.msk [tilespmem:v8+s30+$0x0], $0xffff  }
0x137: {  	v19 =	vld [tilespmem:s19+$0xFFFFFF90]  }
0x138: {  	v20 =	vmul.f32 v5, v2;
	v8 =	vmul.f32 v6, v2;
	v5 =	vld [tilespmem:s19+$0xFFFFFFD0]  }
.Ltmp3:
0x139: {  	v11 =	vmul.f32 v11, v2;
	v21 =	vmul.f32 v9, v2;
	v6 =	vld [tilespmem:s19+$0xFFFFFF80];
	(pc) =	sbr.rel @p1 .LBB2_9-.Ltmp3, $4  }
0x13a: {  	v9 =	vmul.f32 v12, v2;
	v16 =	vmul.f32 v10, v2;
	[tilespmem:s19+$0x0] =	vst v8;
	v8 =	vld [tilespmem:s19+$0xFFFFFFA0]  }
0x13b: {  	v10 =	vmul.f32 v14, v2;
	v14 =	vmul.f32 v7, v2;
	[tilespmem:s19+$0x20] =	vst v11;
	v13 =	vld [tilespmem:s19+$0xFFFFFFB0]  }
0x13c: {  	v12 =	vmul.f32 v15, v3;
	v11 =	vmul.f32 v17, v3;
	[tilespmem:s19+$0x10] =	vst v20  }
0x13d: {  	v15 =	vmul.f32 v18, v3;
	v7 =	vmul.f32 v19, v3;
	[tilespmem:s19+$0x80] =	vst v21  }
0x13e: {  	[tilespmem:s14+$0x50] =	vst v16  }
0x13f: {  	[tilespmem:s14+$0x40] =	vst v9  }
0x140: {  	[tilespmem:s14+$0x70] =	vst v14  }
0x141: {  	[tilespmem:s14+$0x60] =	vst v10  }
0x142: {  	[tilespmem:s14+$0xFFFFFF70] =	vst v12  }
0x143: {  	[tilespmem:s14+$0xFFFFFFF0] =	vst v11  }
0x144: {  	v1 =	vmul.f32 v1, v2;
	[tilespmem:s14+$0xFFFFFFE0] =	vst v15  }
0x145: {  	v2 =	vmul.f32 v4, v3;
	[tilespmem:s14+$0xFFFFFF90] =	vst v7  }
0x146: {  	v4 =	vmul.f32 v8, v3;
	[tilespmem:s14+$0x30] =	vst v1  }
0x147: {  	v1 =	vmul.f32 v13, v3;
	[tilespmem:s14+$0xFFFFFFC0] =	vst v2  }
0x148: {  	v2 =	vmul.f32 v5, v3;
	[tilespmem:s14+$0xFFFFFFA0] =	vst v4  }
0x149: {  	[tilespmem:s14+$0xFFFFFFB0] =	vst v1;
	v1 =	vmul.f32 v6, v3  }
0x14a: {  	[tilespmem:s14+$0xFFFFFFD0] =	vst v2  }
0x14b: {  	[tilespmem:s14+$0xFFFFFF80] =	vst v1  }
0x14c: {  	[spmem:s2] =	stream.indirect.scatter.add.f32 [tilespmem:s29], [sflag:$0x3], $0x90, s15, s31, $0xb8;
	[tilespmem:$0x1F660] =	vst v63  }
0x14d: {  	_ =	swait.ge [sflag:s3], $0x1C20  }
0x14e: {  	[sflag:s3] =	ssyncset.done $0x0  }
0x14f: {  	[sflag:s3] =	ssyncadd.s32 $0xFFFFE3E0  }
0x150: {  	_ =	swait.ge [sflag:s7], $0x1C20  }
0x151: {  	[sflag:s7] =	ssyncset.done $0x0  }
0x152: {  	s20 =	sadd.s32 $0x2CA0, s12;
	s15 =	simm.s32 $0x7750;
	[sflag:s7] =	ssyncadd.s32 $0xFFFFE3E0  }
0x153: {  	[tilespmem:s29], [sflag:$0x1] =	stream.indirect.gather [hbm4b:s4+s31], $0x90, s20, s31, $0xb8;
	[tilespmem:$0x1F660] =	vst v63  }
0x154: {  	v7 =	vld [tilespmem:s15+$0xFFFFFFF0]  }
0x155: {  	s17 =	sadd.s32 $0x96, s11;
	v6 =	vld [tilespmem:s15+$0x50]  }
0x156: {  	s21 =	sadd.s32 $0x1, s17;
	v4 =	vld [tilespmem:s15+$0x80]  }
0x157: {  	v2 =	vmov s21;
	v8 =	vld [tilespmem:s15+$0x20]  }
0x158: {  	s14 =	sadd.s32 $0xFFFFFFFF, s21;
	v1 =	vld [tilespmem:s15+$0x30]  }
0x159: {  	v3 =	vmov s14;
	v11 =	vld [tilespmem:s15+$0x70]  }
0x15a: {  	v3 =	vand.u32 $0xFFFFFFFE, v3;
	v9 =	vld [tilespmem:s15+$0x40]  }
0x15b: {  	v3 =	vbroadcast v3, $0x0;
	v5 =	vld [tilespmem:s15+$0x10]  }
0x15c: {  	v2 =	vld.idx.msk [tilespmem:v2+s30+$0x0], $0xffff  }
0x15d: {  	v10 =	vld [tilespmem:s15+$0x0]  }
0x15e: {  	v12 =	vld [tilespmem:s15+$0xFFFFFF70]  }
0x15f: {  	v13 =	vld [tilespmem:s15+$0x60]  }
0x160: {  	v15 =	vld [tilespmem:s15+$0xFFFFFFE0]  }
0x161: {  	v3 =	vld.idx.msk [tilespmem:v3+s30+$0x0], $0xffff  }
0x162: {  	v17 =	vld [tilespmem:s15+$0xFFFFFF90]  }
0x163: {  	v10 =	vmul.f32 v10, v2;
	v18 =	vmul.f32 v5, v2;
	v5 =	vld [tilespmem:s15+$0xFFFFFFD0]  }
0x164: {  	v8 =	vmul.f32 v8, v2;
	v19 =	vmul.f32 v4, v2;
	v4 =	vld [tilespmem:s15+$0xFFFFFFC0]  }
0x165: {  	v9 =	vmul.f32 v9, v2;
	v16 =	vmul.f32 v6, v2;
	v6 =	vld [tilespmem:s15+$0xFFFFFF80];
	[tilespmem:s15+$0x0] =	vst v10  }
0x166: {  	v14 =	vmul.f32 v11, v2;
	v12 =	vmul.f32 v12, v3;
	[tilespmem:s15+$0x20] =	vst v8;
	v8 =	vld [tilespmem:s15+$0xFFFFFFA0]  }
0x167: {  	v11 =	vmul.f32 v7, v3;
	v10 =	vmul.f32 v13, v2;
	[tilespmem:s15+$0x10] =	vst v18;
	v13 =	vld [tilespmem:s15+$0xFFFFFFB0]  }
0x168: {  	s18 =	simm.s32 $0x3;
	s19 =	simm.s32 $0x7750;
	s14 =	sadd.s32 $0xE0, s12;
	v7 =	vmul.f32 v17, v3;
	v15 =	vmul.f32 v15, v3;
	[tilespmem:s15+$0x80] =	vst v19  }
.LBB2_11:
0x169: {  	p1 =	sne.s32 s18, $0x31  }
0x16a: {  	v6 =	vmul.f32 v6, v3;
	[tilespmem:s15+$0x50] =	vst v16;
	v5 =	vmul.f32 v5, v3;
	s19 =	sadd.s32 $0x120, s19;
	s20 =	smov.u32 s18;
	s18 =	sadd.s32 $0x2, s18  }
0x16b: {  	v4 =	vmul.f32 v4, v3;
	v8 =	vmul.f32 v8, v3;
	[tilespmem:s15+$0x40] =	vst v9  }
0x16c: {  	v1 =	vmul.f32 v1, v2;
	v2 =	vmul.f32 v13, v3;
	[tilespmem:s15+$0x70] =	vst v14  }
0x16d: {  	[tilespmem:s15+$0x60] =	vst v10  }
0x16e: {  	v17 =	vld [tilespmem:s19+$0xFFFFFFF0];
	[tilespmem:s15+$0xFFFFFF70] =	vst v12  }
0x16f: {  	v10 =	vld [tilespmem:s19+$0x50];
	[tilespmem:s15+$0xFFFFFFF0] =	vst v11  }
0x170: {  	v9 =	vld [tilespmem:s19+$0x80];
	[tilespmem:s15+$0xFFFFFFE0] =	vst v15  }
0x171: {  	v11 =	vld [tilespmem:s19+$0x20];
	[tilespmem:s15+$0x30] =	vst v1  }
0x172: {  	s20 =	sadd.s32 s17, s20;
	v1 =	vld [tilespmem:s19+$0x30];
	[tilespmem:s15+$0xFFFFFF90] =	vst v7  }
0x173: {  	s21 =	sadd.s32 $0xFFFFFFFF, s20;
	v3 =	vmov s20;
	v7 =	vld [tilespmem:s19+$0x70];
	[tilespmem:s15+$0xFFFFFFC0] =	vst v4  }
0x174: {  	v4 =	vmov s21;
	v12 =	vld [tilespmem:s19+$0x40];
	[tilespmem:s15+$0xFFFFFFB0] =	vst v2  }
0x175: {  	v2 =	vand.u32 $0xFFFFFFFE, v4;
	v15 =	vld [tilespmem:s19+$0xFFFFFF70];
	[tilespmem:s15+$0xFFFFFFA0] =	vst v8  }
0x176: {  	v8 =	vbroadcast v2, $0x0;
	v14 =	vld [tilespmem:s19+$0x60];
	[tilespmem:s15+$0xFFFFFFD0] =	vst v5  }
0x177: {  	v5 =	vld [tilespmem:s19+$0x10];
	[tilespmem:s15+$0xFFFFFF80] =	vst v6;
	s15 =	smov.u32 s19  }
0x178: {  	v2 =	vld.idx.msk [tilespmem:v3+s30+$0x0], $0xffff  }
0x179: {  	v6 =	vld [tilespmem:s19+$0x0]  }
0x17a: {  	v18 =	vld [tilespmem:s19+$0xFFFFFFE0]  }
0x17b: {  	v4 =	vld [tilespmem:s19+$0xFFFFFFC0]  }
0x17c: {  	v3 =	vld.idx.msk [tilespmem:v8+s30+$0x0], $0xffff  }
0x17d: {  	v19 =	vld [tilespmem:s19+$0xFFFFFF90]  }
0x17e: {  	v20 =	vmul.f32 v5, v2;
	v8 =	vmul.f32 v6, v2;
	v5 =	vld [tilespmem:s19+$0xFFFFFFD0]  }
.Ltmp4:
0x17f: {  	v11 =	vmul.f32 v11, v2;
	v21 =	vmul.f32 v9, v2;
	v6 =	vld [tilespmem:s19+$0xFFFFFF80];
	(pc) =	sbr.rel @p1 .LBB2_11-.Ltmp4, $4  }
0x180: {  	v9 =	vmul.f32 v12, v2;
	v16 =	vmul.f32 v10, v2;
	[tilespmem:s19+$0x0] =	vst v8;
	v8 =	vld [tilespmem:s19+$0xFFFFFFA0]  }
0x181: {  	v10 =	vmul.f32 v14, v2;
	v14 =	vmul.f32 v7, v2;
	[tilespmem:s19+$0x20] =	vst v11;
	v13 =	vld [tilespmem:s19+$0xFFFFFFB0]  }
0x182: {  	v12 =	vmul.f32 v15, v3;
	v11 =	vmul.f32 v17, v3;
	[tilespmem:s19+$0x10] =	vst v20  }
0x183: {  	v15 =	vmul.f32 v18, v3;
	v7 =	vmul.f32 v19, v3;
	[tilespmem:s19+$0x80] =	vst v21  }
0x184: {  	[tilespmem:s15+$0x50] =	vst v16  }
0x185: {  	[tilespmem:s15+$0x40] =	vst v9  }
0x186: {  	[tilespmem:s15+$0x70] =	vst v14  }
0x187: {  	[tilespmem:s15+$0x60] =	vst v10  }
0x188: {  	[tilespmem:s15+$0xFFFFFF70] =	vst v12  }
0x189: {  	[tilespmem:s15+$0xFFFFFFF0] =	vst v11  }
0x18a: {  	v1 =	vmul.f32 v1, v2;
	[tilespmem:s15+$0xFFFFFFE0] =	vst v15  }
0x18b: {  	v2 =	vmul.f32 v4, v3;
	[tilespmem:s15+$0xFFFFFF90] =	vst v7  }
0x18c: {  	v4 =	vmul.f32 v8, v3;
	[tilespmem:s15+$0x30] =	vst v1  }
0x18d: {  	v1 =	vmul.f32 v13, v3;
	[tilespmem:s15+$0xFFFFFFC0] =	vst v2  }
0x18e: {  	v2 =	vmul.f32 v5, v3;
	[tilespmem:s15+$0xFFFFFFA0] =	vst v4  }
0x18f: {  	[tilespmem:s15+$0xFFFFFFB0] =	vst v1;
	v1 =	vmul.f32 v6, v3  }
0x190: {  	[tilespmem:s15+$0xFFFFFFD0] =	vst v2  }
0x191: {  	s19 =	simm.s32 $0x1;
	[tilespmem:s15+$0xFFFFFF80] =	vst v1  }
0x192: {  	[spmem:s2] =	stream.indirect.scatter.add.f32 [tilespmem:s0], [sflag:$0x4], $0x90, s16, s31, $0xb8;
	[tilespmem:$0x1F660] =	vst v63  }
0x193: {  	_ =	swait.ge [sflag:s19], $0x1C20  }
0x194: {  	[sflag:s19] =	ssyncset.done $0x0  }
0x195: {  	[sflag:s19] =	ssyncadd.s32 $0xFFFFE3E0  }
0x196: {  	_ =	swait.ge [sflag:s8], $0x1C20  }
0x197: {  	[sflag:s8] =	ssyncset.done $0x0  }
0x198: {  	s20 =	sadd.s32 $0x2CD8, s12;
	s16 =	simm.s32 $0x5B30;
	[sflag:s8] =	ssyncadd.s32 $0xFFFFE3E0  }
0x199: {  	[tilespmem:s0], [sflag:$0x2] =	stream.indirect.gather [hbm4b:s4+s31], $0x90, s20, s31, $0xb8;
	[tilespmem:$0x1F660] =	vst v63  }
0x19a: {  	v7 =	vld [tilespmem:s16+$0xFFFFFFF0]  }
0x19b: {  	s17 =	sadd.s32 $0xC8, s11;
	v6 =	vld [tilespmem:s16+$0x50]  }
0x19c: {  	s21 =	sadd.s32 $0x1, s17;
	v4 =	vld [tilespmem:s16+$0x80]  }
0x19d: {  	v2 =	vmov s21;
	v8 =	vld [tilespmem:s16+$0x20]  }
0x19e: {  	s15 =	sadd.s32 $0xFFFFFFFF, s21;
	v1 =	vld [tilespmem:s16+$0x30]  }
0x19f: {  	v3 =	vmov s15;
	v11 =	vld [tilespmem:s16+$0x70]  }
0x1a0: {  	v3 =	vand.u32 $0xFFFFFFFE, v3;
	v9 =	vld [tilespmem:s16+$0x40]  }
0x1a1: {  	v3 =	vbroadcast v3, $0x0;
	v5 =	vld [tilespmem:s16+$0x10]  }
0x1a2: {  	v2 =	vld.idx.msk [tilespmem:v2+s30+$0x0], $0xffff  }
0x1a3: {  	v10 =	vld [tilespmem:s16+$0x0]  }
0x1a4: {  	v12 =	vld [tilespmem:s16+$0xFFFFFF70]  }
0x1a5: {  	v13 =	vld [tilespmem:s16+$0x60]  }
0x1a6: {  	v15 =	vld [tilespmem:s16+$0xFFFFFFE0]  }
0x1a7: {  	v3 =	vld.idx.msk [tilespmem:v3+s30+$0x0], $0xffff  }
0x1a8: {  	v17 =	vld [tilespmem:s16+$0xFFFFFF90]  }
0x1a9: {  	v10 =	vmul.f32 v10, v2;
	v18 =	vmul.f32 v5, v2;
	v5 =	vld [tilespmem:s16+$0xFFFFFFD0]  }
0x1aa: {  	v8 =	vmul.f32 v8, v2;
	v19 =	vmul.f32 v4, v2;
	v4 =	vld [tilespmem:s16+$0xFFFFFFC0]  }
0x1ab: {  	v9 =	vmul.f32 v9, v2;
	v16 =	vmul.f32 v6, v2;
	v6 =	vld [tilespmem:s16+$0xFFFFFF80];
	[tilespmem:s16+$0x0] =	vst v10  }
0x1ac: {  	v14 =	vmul.f32 v11, v2;
	v12 =	vmul.f32 v12, v3;
	[tilespmem:s16+$0x20] =	vst v8;
	v8 =	vld [tilespmem:s16+$0xFFFFFFA0]  }
0x1ad: {  	v11 =	vmul.f32 v7, v3;
	v10 =	vmul.f32 v13, v2;
	[tilespmem:s16+$0x10] =	vst v18;
	v13 =	vld [tilespmem:s16+$0xFFFFFFB0]  }
0x1ae: {  	s18 =	simm.s32 $0x3;
	s15 =	sadd.s32 $0x118, s12;
	s19 =	simm.s32 $0x5B30;
	v7 =	vmul.f32 v17, v3;
	v15 =	vmul.f32 v15, v3;
	[tilespmem:s16+$0x80] =	vst v19  }
.LBB2_13:
0x1af: {  	p1 =	sne.s32 s18, $0x31  }
0x1b0: {  	v6 =	vmul.f32 v6, v3;
	[tilespmem:s16+$0x50] =	vst v16;
	v5 =	vmul.f32 v5, v3;
	s19 =	sadd.s32 $0x120, s19;
	s20 =	smov.u32 s18;
	s18 =	sadd.s32 $0x2, s18  }
0x1b1: {  	v4 =	vmul.f32 v4, v3;
	v8 =	vmul.f32 v8, v3;
	[tilespmem:s16+$0x40] =	vst v9  }
0x1b2: {  	v1 =	vmul.f32 v1, v2;
	v2 =	vmul.f32 v13, v3;
	[tilespmem:s16+$0x70] =	vst v14  }
0x1b3: {  	[tilespmem:s16+$0x60] =	vst v10  }
0x1b4: {  	v17 =	vld [tilespmem:s19+$0xFFFFFFF0];
	[tilespmem:s16+$0xFFFFFF70] =	vst v12  }
0x1b5: {  	v10 =	vld [tilespmem:s19+$0x50];
	[tilespmem:s16+$0xFFFFFFF0] =	vst v11  }
0x1b6: {  	v9 =	vld [tilespmem:s19+$0x80];
	[tilespmem:s16+$0xFFFFFFE0] =	vst v15  }
0x1b7: {  	v11 =	vld [tilespmem:s19+$0x20];
	[tilespmem:s16+$0x30] =	vst v1  }
0x1b8: {  	s20 =	sadd.s32 s17, s20;
	v1 =	vld [tilespmem:s19+$0x30];
	[tilespmem:s16+$0xFFFFFF90] =	vst v7  }
0x1b9: {  	s21 =	sadd.s32 $0xFFFFFFFF, s20;
	v3 =	vmov s20;
	v7 =	vld [tilespmem:s19+$0x70];
	[tilespmem:s16+$0xFFFFFFC0] =	vst v4  }
0x1ba: {  	v4 =	vmov s21;
	v12 =	vld [tilespmem:s19+$0x40];
	[tilespmem:s16+$0xFFFFFFB0] =	vst v2  }
0x1bb: {  	v2 =	vand.u32 $0xFFFFFFFE, v4;
	v15 =	vld [tilespmem:s19+$0xFFFFFF70];
	[tilespmem:s16+$0xFFFFFFA0] =	vst v8  }
0x1bc: {  	v8 =	vbroadcast v2, $0x0;
	v14 =	vld [tilespmem:s19+$0x60];
	[tilespmem:s16+$0xFFFFFFD0] =	vst v5  }
0x1bd: {  	v5 =	vld [tilespmem:s19+$0x10];
	[tilespmem:s16+$0xFFFFFF80] =	vst v6;
	s16 =	smov.u32 s19  }
0x1be: {  	v2 =	vld.idx.msk [tilespmem:v3+s30+$0x0], $0xffff  }
0x1bf: {  	v6 =	vld [tilespmem:s19+$0x0]  }
0x1c0: {  	v18 =	vld [tilespmem:s19+$0xFFFFFFE0]  }
0x1c1: {  	v4 =	vld [tilespmem:s19+$0xFFFFFFC0]  }
0x1c2: {  	v3 =	vld.idx.msk [tilespmem:v8+s30+$0x0], $0xffff  }
0x1c3: {  	v19 =	vld [tilespmem:s19+$0xFFFFFF90]  }
0x1c4: {  	v20 =	vmul.f32 v5, v2;
	v8 =	vmul.f32 v6, v2;
	v5 =	vld [tilespmem:s19+$0xFFFFFFD0]  }
.Ltmp5:
0x1c5: {  	v11 =	vmul.f32 v11, v2;
	v21 =	vmul.f32 v9, v2;
	v6 =	vld [tilespmem:s19+$0xFFFFFF80];
	(pc) =	sbr.rel @p1 .LBB2_13-.Ltmp5, $4  }
0x1c6: {  	v9 =	vmul.f32 v12, v2;
	v16 =	vmul.f32 v10, v2;
	[tilespmem:s19+$0x0] =	vst v8;
	v8 =	vld [tilespmem:s19+$0xFFFFFFA0]  }
0x1c7: {  	v10 =	vmul.f32 v14, v2;
	v14 =	vmul.f32 v7, v2;
	[tilespmem:s19+$0x20] =	vst v11;
	v13 =	vld [tilespmem:s19+$0xFFFFFFB0]  }
0x1c8: {  	v12 =	vmul.f32 v15, v3;
	v11 =	vmul.f32 v17, v3;
	[tilespmem:s19+$0x10] =	vst v20  }
0x1c9: {  	v15 =	vmul.f32 v18, v3;
	v7 =	vmul.f32 v19, v3;
	[tilespmem:s19+$0x80] =	vst v21  }
0x1ca: {  	[tilespmem:s16+$0x50] =	vst v16  }
0x1cb: {  	[tilespmem:s16+$0x40] =	vst v9  }
0x1cc: {  	[tilespmem:s16+$0x70] =	vst v14  }
0x1cd: {  	[tilespmem:s16+$0x60] =	vst v10  }
0x1ce: {  	[tilespmem:s16+$0xFFFFFF70] =	vst v12  }
0x1cf: {  	[tilespmem:s16+$0xFFFFFFF0] =	vst v11  }
0x1d0: {  	v1 =	vmul.f32 v1, v2;
	[tilespmem:s16+$0xFFFFFFE0] =	vst v15  }
0x1d1: {  	v2 =	vmul.f32 v4, v3;
	[tilespmem:s16+$0xFFFFFF90] =	vst v7  }
0x1d2: {  	v4 =	vmul.f32 v8, v3;
	[tilespmem:s16+$0x30] =	vst v1  }
0x1d3: {  	v1 =	vmul.f32 v13, v3;
	[tilespmem:s16+$0xFFFFFFC0] =	vst v2  }
0x1d4: {  	v2 =	vmul.f32 v5, v3;
	[tilespmem:s16+$0xFFFFFFA0] =	vst v4  }
0x1d5: {  	[tilespmem:s16+$0xFFFFFFB0] =	vst v1;
	v1 =	vmul.f32 v6, v3  }
0x1d6: {  	[tilespmem:s16+$0xFFFFFFD0] =	vst v2  }
0x1d7: {  	[tilespmem:s16+$0xFFFFFF80] =	vst v1  }
0x1d8: {  	[spmem:s2] =	stream.indirect.scatter.add.f32 [tilespmem:s29], [sflag:$0x3], $0x90, s14, s31, $0xb8;
	[tilespmem:$0x1F660] =	vst v63  }
0x1d9: {  	_ =	swait.ge [sflag:s3], $0x1C20  }
0x1da: {  	[sflag:s3] =	ssyncset.done $0x0  }
0x1db: {  	[sflag:s3] =	ssyncadd.s32 $0xFFFFE3E0  }
0x1dc: {  	_ =	swait.ge [sflag:s7], $0x1C20  }
0x1dd: {  	[sflag:s7] =	ssyncset.done $0x0  }
0x1de: {  	s20 =	sadd.s32 $0x2D10, s12;
	s16 =	simm.s32 $0x7750;
	[sflag:s7] =	ssyncadd.s32 $0xFFFFE3E0  }
0x1df: {  	[tilespmem:s29], [sflag:$0x1] =	stream.indirect.gather [hbm4b:s4+s31], $0x90, s20, s31, $0xb8;
	[tilespmem:$0x1F660] =	vst v63  }
0x1e0: {  	v7 =	vld [tilespmem:s16+$0xFFFFFFF0]  }
0x1e1: {  	s17 =	sadd.s32 $0xFA, s11;
	v6 =	vld [tilespmem:s16+$0x50]  }
0x1e2: {  	s21 =	sadd.s32 $0x1, s17;
	v4 =	vld [tilespmem:s16+$0x80]  }
0x1e3: {  	v2 =	vmov s21;
	v8 =	vld [tilespmem:s16+$0x20]  }
0x1e4: {  	s14 =	sadd.s32 $0xFFFFFFFF, s21;
	v1 =	vld [tilespmem:s16+$0x30]  }
0x1e5: {  	v3 =	vmov s14;
	v11 =	vld [tilespmem:s16+$0x70]  }
0x1e6: {  	v3 =	vand.u32 $0xFFFFFFFE, v3;
	v9 =	vld [tilespmem:s16+$0x40]  }
0x1e7: {  	v3 =	vbroadcast v3, $0x0;
	v5 =	vld [tilespmem:s16+$0x10]  }
0x1e8: {  	v2 =	vld.idx.msk [tilespmem:v2+s30+$0x0], $0xffff  }
0x1e9: {  	v10 =	vld [tilespmem:s16+$0x0]  }
0x1ea: {  	v12 =	vld [tilespmem:s16+$0xFFFFFF70]  }
0x1eb: {  	v13 =	vld [tilespmem:s16+$0x60]  }
0x1ec: {  	v15 =	vld [tilespmem:s16+$0xFFFFFFE0]  }
0x1ed: {  	v3 =	vld.idx.msk [tilespmem:v3+s30+$0x0], $0xffff  }
0x1ee: {  	v17 =	vld [tilespmem:s16+$0xFFFFFF90]  }
0x1ef: {  	v10 =	vmul.f32 v10, v2;
	v18 =	vmul.f32 v5, v2;
	v5 =	vld [tilespmem:s16+$0xFFFFFFD0]  }
0x1f0: {  	v8 =	vmul.f32 v8, v2;
	v19 =	vmul.f32 v4, v2;
	v4 =	vld [tilespmem:s16+$0xFFFFFFC0]  }
0x1f1: {  	v9 =	vmul.f32 v9, v2;
	v16 =	vmul.f32 v6, v2;
	v6 =	vld [tilespmem:s16+$0xFFFFFF80];
	[tilespmem:s16+$0x0] =	vst v10  }
0x1f2: {  	v14 =	vmul.f32 v11, v2;
	v12 =	vmul.f32 v12, v3;
	[tilespmem:s16+$0x20] =	vst v8;
	v8 =	vld [tilespmem:s16+$0xFFFFFFA0]  }
0x1f3: {  	v11 =	vmul.f32 v7, v3;
	v10 =	vmul.f32 v13, v2;
	[tilespmem:s16+$0x10] =	vst v18;
	v13 =	vld [tilespmem:s16+$0xFFFFFFB0]  }
0x1f4: {  	s18 =	simm.s32 $0x3;
	s19 =	simm.s32 $0x7750;
	s14 =	sadd.s32 $0x150, s12;
	v7 =	vmul.f32 v17, v3;
	v15 =	vmul.f32 v15, v3;
	[tilespmem:s16+$0x80] =	vst v19  }
.LBB2_15:
0x1f5: {  	p1 =	sne.s32 s18, $0x31  }
0x1f6: {  	v6 =	vmul.f32 v6, v3;
	[tilespmem:s16+$0x50] =	vst v16;
	v5 =	vmul.f32 v5, v3;
	s19 =	sadd.s32 $0x120, s19;
	s20 =	smov.u32 s18;
	s18 =	sadd.s32 $0x2, s18  }
0x1f7: {  	v4 =	vmul.f32 v4, v3;
	v8 =	vmul.f32 v8, v3;
	[tilespmem:s16+$0x40] =	vst v9  }
0x1f8: {  	v1 =	vmul.f32 v1, v2;
	v2 =	vmul.f32 v13, v3;
	[tilespmem:s16+$0x70] =	vst v14  }
0x1f9: {  	[tilespmem:s16+$0x60] =	vst v10  }
0x1fa: {  	v17 =	vld [tilespmem:s19+$0xFFFFFFF0];
	[tilespmem:s16+$0xFFFFFF70] =	vst v12  }
0x1fb: {  	v10 =	vld [tilespmem:s19+$0x50];
	[tilespmem:s16+$0xFFFFFFF0] =	vst v11  }
0x1fc: {  	v9 =	vld [tilespmem:s19+$0x80];
	[tilespmem:s16+$0xFFFFFFE0] =	vst v15  }
0x1fd: {  	v11 =	vld [tilespmem:s19+$0x20];
	[tilespmem:s16+$0x30] =	vst v1  }
0x1fe: {  	s20 =	sadd.s32 s17, s20;
	v1 =	vld [tilespmem:s19+$0x30];
	[tilespmem:s16+$0xFFFFFF90] =	vst v7  }
0x1ff: {  	s21 =	sadd.s32 $0xFFFFFFFF, s20;
	v3 =	vmov s20;
	v7 =	vld [tilespmem:s19+$0x70];
	[tilespmem:s16+$0xFFFFFFC0] =	vst v4  }
0x200: {  	v4 =	vmov s21;
	v12 =	vld [tilespmem:s19+$0x40];
	[tilespmem:s16+$0xFFFFFFB0] =	vst v2  }
0x201: {  	v2 =	vand.u32 $0xFFFFFFFE, v4;
	v15 =	vld [tilespmem:s19+$0xFFFFFF70];
	[tilespmem:s16+$0xFFFFFFA0] =	vst v8  }
0x202: {  	v8 =	vbroadcast v2, $0x0;
	v14 =	vld [tilespmem:s19+$0x60];
	[tilespmem:s16+$0xFFFFFFD0] =	vst v5  }
0x203: {  	v5 =	vld [tilespmem:s19+$0x10];
	[tilespmem:s16+$0xFFFFFF80] =	vst v6;
	s16 =	smov.u32 s19  }
0x204: {  	v2 =	vld.idx.msk [tilespmem:v3+s30+$0x0], $0xffff  }
0x205: {  	v6 =	vld [tilespmem:s19+$0x0]  }
0x206: {  	v18 =	vld [tilespmem:s19+$0xFFFFFFE0]  }
0x207: {  	v4 =	vld [tilespmem:s19+$0xFFFFFFC0]  }
0x208: {  	v3 =	vld.idx.msk [tilespmem:v8+s30+$0x0], $0xffff  }
0x209: {  	v19 =	vld [tilespmem:s19+$0xFFFFFF90]  }
0x20a: {  	v20 =	vmul.f32 v5, v2;
	v8 =	vmul.f32 v6, v2;
	v5 =	vld [tilespmem:s19+$0xFFFFFFD0]  }
.Ltmp6:
0x20b: {  	v11 =	vmul.f32 v11, v2;
	v21 =	vmul.f32 v9, v2;
	v6 =	vld [tilespmem:s19+$0xFFFFFF80];
	(pc) =	sbr.rel @p1 .LBB2_15-.Ltmp6, $4  }
0x20c: {  	v9 =	vmul.f32 v12, v2;
	v16 =	vmul.f32 v10, v2;
	[tilespmem:s19+$0x0] =	vst v8;
	v8 =	vld [tilespmem:s19+$0xFFFFFFA0]  }
0x20d: {  	v10 =	vmul.f32 v14, v2;
	v14 =	vmul.f32 v7, v2;
	[tilespmem:s19+$0x20] =	vst v11;
	v13 =	vld [tilespmem:s19+$0xFFFFFFB0]  }
0x20e: {  	v12 =	vmul.f32 v15, v3;
	v11 =	vmul.f32 v17, v3;
	[tilespmem:s19+$0x10] =	vst v20  }
0x20f: {  	v15 =	vmul.f32 v18, v3;
	v7 =	vmul.f32 v19, v3;
	[tilespmem:s19+$0x80] =	vst v21  }
0x210: {  	[tilespmem:s16+$0x50] =	vst v16  }
0x211: {  	[tilespmem:s16+$0x40] =	vst v9  }
0x212: {  	[tilespmem:s16+$0x70] =	vst v14  }
0x213: {  	[tilespmem:s16+$0x60] =	vst v10  }
0x214: {  	[tilespmem:s16+$0xFFFFFF70] =	vst v12  }
0x215: {  	[tilespmem:s16+$0xFFFFFFF0] =	vst v11  }
0x216: {  	v1 =	vmul.f32 v1, v2;
	[tilespmem:s16+$0xFFFFFFE0] =	vst v15  }
0x217: {  	v2 =	vmul.f32 v4, v3;
	[tilespmem:s16+$0xFFFFFF90] =	vst v7  }
0x218: {  	v4 =	vmul.f32 v8, v3;
	[tilespmem:s16+$0x30] =	vst v1  }
0x219: {  	v1 =	vmul.f32 v13, v3;
	[tilespmem:s16+$0xFFFFFFC0] =	vst v2  }
0x21a: {  	v2 =	vmul.f32 v5, v3;
	[tilespmem:s16+$0xFFFFFFA0] =	vst v4  }
0x21b: {  	[tilespmem:s16+$0xFFFFFFB0] =	vst v1;
	v1 =	vmul.f32 v6, v3  }
0x21c: {  	[tilespmem:s16+$0xFFFFFFD0] =	vst v2  }
0x21d: {  	s20 =	simm.s32 $0x1;
	[tilespmem:s16+$0xFFFFFF80] =	vst v1  }
0x21e: {  	[spmem:s2] =	stream.indirect.scatter.add.f32 [tilespmem:s0], [sflag:$0x4], $0x90, s15, s31, $0xb8;
	[tilespmem:$0x1F660] =	vst v63  }
0x21f: {  	_ =	swait.ge [sflag:s20], $0x1C20  }
0x220: {  	[sflag:s20] =	ssyncset.done $0x0  }
0x221: {  	[sflag:s20] =	ssyncadd.s32 $0xFFFFE3E0  }
0x222: {  	_ =	swait.ge [sflag:s8], $0x1C20  }
0x223: {  	[sflag:s8] =	ssyncset.done $0x0  }
0x224: {  	s21 =	sadd.s32 $0x2D48, s12;
	s15 =	simm.s32 $0x5B30;
	[sflag:s8] =	ssyncadd.s32 $0xFFFFE3E0  }
0x225: {  	[tilespmem:s0], [sflag:$0x2] =	stream.indirect.gather [hbm4b:s4+s31], $0x90, s21, s31, $0xb8;
	[tilespmem:$0x1F660] =	vst v63  }
0x226: {  	v7 =	vld [tilespmem:s15+$0xFFFFFFF0]  }
0x227: {  	s16 =	sadd.s32 $0x12C, s11;
	v6 =	vld [tilespmem:s15+$0x50]  }
0x228: {  	s17 =	sadd.s32 $0x1, s16;
	v4 =	vld [tilespmem:s15+$0x80]  }
0x229: {  	v2 =	vmov s17;
	v8 =	vld [tilespmem:s15+$0x20]  }
0x22a: {  	v1 =	vld [tilespmem:s15+$0x30]  }
0x22b: {  	s17 =	sadd.s32 $0xFFFFFFFF, s17;
	v11 =	vld [tilespmem:s15+$0x70]  }
0x22c: {  	v3 =	vmov s17;
	v9 =	vld [tilespmem:s15+$0x40]  }
0x22d: {  	v3 =	vand.u32 $0xFFFFFFFE, v3;
	v5 =	vld [tilespmem:s15+$0x10]  }
0x22e: {  	v3 =	vbroadcast v3, $0x0;
	v2 =	vld.idx.msk [tilespmem:v2+s30+$0x0], $0xffff  }
0x22f: {  	v10 =	vld [tilespmem:s15+$0x0]  }
0x230: {  	v12 =	vld [tilespmem:s15+$0xFFFFFF70]  }
0x231: {  	v13 =	vld [tilespmem:s15+$0x60]  }
0x232: {  	v15 =	vld [tilespmem:s15+$0xFFFFFFE0]  }
0x233: {  	v17 =	vld [tilespmem:s15+$0xFFFFFF90]  }
0x234: {  	v3 =	vld.idx.msk [tilespmem:v3+s30+$0x0], $0xffff  }
0x235: {  	v10 =	vmul.f32 v10, v2;
	v18 =	vmul.f32 v5, v2;
	v5 =	vld [tilespmem:s15+$0xFFFFFFD0]  }
0x236: {  	v8 =	vmul.f32 v8, v2;
	v19 =	vmul.f32 v4, v2;
	v4 =	vld [tilespmem:s15+$0xFFFFFFC0]  }
0x237: {  	v9 =	vmul.f32 v9, v2;
	v16 =	vmul.f32 v6, v2;
	v6 =	vld [tilespmem:s15+$0xFFFFFF80];
	[tilespmem:s15+$0x0] =	vst v10  }
0x238: {  	v14 =	vmul.f32 v11, v2;
	[tilespmem:s15+$0x20] =	vst v8;
	v10 =	vmul.f32 v13, v2;
	v8 =	vld [tilespmem:s15+$0xFFFFFFA0]  }
0x239: {  	v12 =	vmul.f32 v12, v3;
	[tilespmem:s15+$0x10] =	vst v18;
	v11 =	vmul.f32 v7, v3;
	v13 =	vld [tilespmem:s15+$0xFFFFFFB0]  }
0x23a: {  	s12 =	sadd.s32 $0x188, s12;
	s18 =	simm.s32 $0x5B30;
	s17 =	simm.s32 $0x3;
	v7 =	vmul.f32 v17, v3;
	v15 =	vmul.f32 v15, v3;
	[tilespmem:s15+$0x80] =	vst v19  }
.LBB2_17:
0x23b: {  	p1 =	sne.s32 s17, $0x31  }
0x23c: {  	v6 =	vmul.f32 v6, v3;
	[tilespmem:s15+$0x50] =	vst v16;
	v5 =	vmul.f32 v5, v3;
	s18 =	sadd.s32 $0x120, s18;
	s19 =	smov.u32 s17;
	s17 =	sadd.s32 $0x2, s17  }
0x23d: {  	v4 =	vmul.f32 v4, v3;
	v8 =	vmul.f32 v8, v3;
	[tilespmem:s15+$0x40] =	vst v9  }
0x23e: {  	v1 =	vmul.f32 v1, v2;
	v2 =	vmul.f32 v13, v3;
	[tilespmem:s15+$0x70] =	vst v14  }
0x23f: {  	[tilespmem:s15+$0x60] =	vst v10  }
0x240: {  	v17 =	vld [tilespmem:s18+$0xFFFFFFF0];
	[tilespmem:s15+$0xFFFFFF70] =	vst v12  }
0x241: {  	v10 =	vld [tilespmem:s18+$0x50];
	[tilespmem:s15+$0xFFFFFFF0] =	vst v11  }
0x242: {  	v9 =	vld [tilespmem:s18+$0x80];
	[tilespmem:s15+$0xFFFFFFE0] =	vst v15  }
0x243: {  	v11 =	vld [tilespmem:s18+$0x20];
	[tilespmem:s15+$0x30] =	vst v1  }
0x244: {  	s19 =	sadd.s32 s16, s19;
	v1 =	vld [tilespmem:s18+$0x30];
	[tilespmem:s15+$0xFFFFFF90] =	vst v7  }
0x245: {  	s20 =	sadd.s32 $0xFFFFFFFF, s19;
	v3 =	vmov s19;
	v7 =	vld [tilespmem:s18+$0x70];
	[tilespmem:s15+$0xFFFFFFC0] =	vst v4  }
0x246: {  	v4 =	vmov s20;
	v12 =	vld [tilespmem:s18+$0x40];
	[tilespmem:s15+$0xFFFFFFB0] =	vst v2  }
0x247: {  	v2 =	vand.u32 $0xFFFFFFFE, v4;
	v15 =	vld [tilespmem:s18+$0xFFFFFF70];
	[tilespmem:s15+$0xFFFFFFA0] =	vst v8  }
0x248: {  	v8 =	vbroadcast v2, $0x0;
	v14 =	vld [tilespmem:s18+$0x60];
	[tilespmem:s15+$0xFFFFFFD0] =	vst v5  }
0x249: {  	v5 =	vld [tilespmem:s18+$0x10];
	[tilespmem:s15+$0xFFFFFF80] =	vst v6;
	s15 =	smov.u32 s18  }
0x24a: {  	v2 =	vld.idx.msk [tilespmem:v3+s30+$0x0], $0xffff  }
0x24b: {  	v6 =	vld [tilespmem:s18+$0x0]  }
0x24c: {  	v18 =	vld [tilespmem:s18+$0xFFFFFFE0]  }
0x24d: {  	v4 =	vld [tilespmem:s18+$0xFFFFFFC0]  }
0x24e: {  	v3 =	vld.idx.msk [tilespmem:v8+s30+$0x0], $0xffff  }
0x24f: {  	v19 =	vld [tilespmem:s18+$0xFFFFFF90]  }
0x250: {  	v20 =	vmul.f32 v5, v2;
	v8 =	vmul.f32 v6, v2;
	v5 =	vld [tilespmem:s18+$0xFFFFFFD0]  }
.Ltmp7:
0x251: {  	v11 =	vmul.f32 v11, v2;
	v21 =	vmul.f32 v9, v2;
	v6 =	vld [tilespmem:s18+$0xFFFFFF80];
	(pc) =	sbr.rel @p1 .LBB2_17-.Ltmp7, $4  }
0x252: {  	v9 =	vmul.f32 v12, v2;
	v16 =	vmul.f32 v10, v2;
	[tilespmem:s18+$0x0] =	vst v8;
	v8 =	vld [tilespmem:s18+$0xFFFFFFA0]  }
0x253: {  	v10 =	vmul.f32 v14, v2;
	v14 =	vmul.f32 v7, v2;
	[tilespmem:s18+$0x20] =	vst v11;
	v13 =	vld [tilespmem:s18+$0xFFFFFFB0]  }
0x254: {  	v12 =	vmul.f32 v15, v3;
	v11 =	vmul.f32 v17, v3;
	[tilespmem:s18+$0x10] =	vst v20  }
0x255: {  	v15 =	vmul.f32 v18, v3;
	v7 =	vmul.f32 v19, v3;
	[tilespmem:s18+$0x80] =	vst v21  }
0x256: {  	[tilespmem:s15+$0x50] =	vst v16  }
0x257: {  	[tilespmem:s15+$0x40] =	vst v9  }
0x258: {  	[tilespmem:s15+$0x70] =	vst v14  }
0x259: {  	[tilespmem:s15+$0x60] =	vst v10  }
0x25a: {  	[tilespmem:s15+$0xFFFFFF70] =	vst v12  }
0x25b: {  	[tilespmem:s15+$0xFFFFFFF0] =	vst v11  }
0x25c: {  	v1 =	vmul.f32 v1, v2;
	[tilespmem:s15+$0xFFFFFFE0] =	vst v15  }
0x25d: {  	v2 =	vmul.f32 v4, v3;
	[tilespmem:s15+$0xFFFFFF90] =	vst v7  }
0x25e: {  	v4 =	vmul.f32 v8, v3;
	[tilespmem:s15+$0x30] =	vst v1  }
0x25f: {  	v1 =	vmul.f32 v13, v3;
	[tilespmem:s15+$0xFFFFFFC0] =	vst v2  }
0x260: {  	v2 =	vmul.f32 v5, v3;
	[tilespmem:s15+$0xFFFFFFA0] =	vst v4  }
0x261: {  	[tilespmem:s15+$0xFFFFFFB0] =	vst v1;
	v1 =	vmul.f32 v6, v3  }
0x262: {  	[tilespmem:s15+$0xFFFFFFD0] =	vst v2  }
0x263: {  	[tilespmem:s15+$0xFFFFFF80] =	vst v1  }
0x264: {  	[spmem:s2] =	stream.indirect.scatter.add.f32 [tilespmem:s29], [sflag:$0x3], $0x90, s14, s31, $0xb8;
	[tilespmem:$0x1F660] =	vst v63  }
0x265: {  	_ =	swait.ge [sflag:s3], $0x1C20  }
0x266: {  	[sflag:s3] =	ssyncset.done $0x0  }
0x267: {  	s14 =	simm.s32 @!p0 $0x3;
	[sflag:s3] =	ssyncadd.s32 $0xFFFFE3E0  }
0x268: {  	s13 =	sshra.s32 @!p0 s13, $0x2;
	_ =	swait.ge @!p0 [sflag:s14], $0x1C20  }
0x269: {  	s13 =	sadd.s32 @!p0 $0x2D80, s13;
	[sflag:s14] =	ssyncset.done @!p0 $0x0  }
0x26a: {  	s15 =	simm.s32 @!p0 $0x5AA0;
	[sflag:s14] =	ssyncadd.s32 @!p0 $0xFFFFE3E0;
	s14 =	simm.s32 @!p0 $0x32  }
0x26b: {  	[tilespmem:s15], [sflag:$0x1] =	stream.indirect.gather @!p0 [hbm4b:s4+s14], $0x90, s13, s14, $0xb8;
	[tilespmem:$0x1F660] =	vst v63  }
0x26c: {  	s13 =	simm.s32 $0x7750  }
0x26d: {  	v7 =	vld [tilespmem:s13+$0xFFFFFFF0]  }
0x26e: {  	s11 =	sadd.s32 $0x15E, s11;
	v6 =	vld [tilespmem:s13+$0x50]  }
0x26f: {  	s21 =	sadd.s32 $0x1, s11;
	v4 =	vld [tilespmem:s13+$0x80]  }
0x270: {  	v2 =	vmov s21;
	v8 =	vld [tilespmem:s13+$0x20]  }
0x271: {  	v1 =	vld [tilespmem:s13+$0x30]  }
0x272: {  	s14 =	sadd.s32 $0xFFFFFFFF, s21;
	v11 =	vld [tilespmem:s13+$0x70]  }
0x273: {  	v3 =	vmov s14;
	v9 =	vld [tilespmem:s13+$0x40]  }
0x274: {  	v5 =	vld [tilespmem:s13+$0x10];
	v3 =	vand.u32 $0xFFFFFFFE, v3  }
0x275: {  	v2 =	vld.idx.msk [tilespmem:v2+s30+$0x0], $0xffff;
	v3 =	vbroadcast v3, $0x0  }
0x276: {  	v10 =	vld [tilespmem:s13+$0x0]  }
0x277: {  	v12 =	vld [tilespmem:s13+$0xFFFFFF70]  }
0x278: {  	v13 =	vld [tilespmem:s13+$0x60]  }
0x279: {  	v14 =	vld [tilespmem:s13+$0xFFFFFFE0]  }
0x27a: {  	v17 =	vld [tilespmem:s13+$0xFFFFFF90]  }
0x27b: {  	v3 =	vld.idx.msk [tilespmem:v3+s30+$0x0], $0xffff  }
0x27c: {  	v10 =	vmul.f32 v10, v2;
	v18 =	vmul.f32 v5, v2;
	v5 =	vld [tilespmem:s13+$0xFFFFFFD0]  }
0x27d: {  	v8 =	vmul.f32 v8, v2;
	v19 =	vmul.f32 v4, v2;
	v4 =	vld [tilespmem:s13+$0xFFFFFFC0]  }
0x27e: {  	v9 =	vmul.f32 v9, v2;
	v16 =	vmul.f32 v6, v2;
	v6 =	vld [tilespmem:s13+$0xFFFFFF80];
	[tilespmem:s13+$0x0] =	vst v10  }
0x27f: {  	v15 =	vmul.f32 v11, v2;
	[tilespmem:s13+$0x20] =	vst v8;
	v10 =	vmul.f32 v13, v2;
	v8 =	vld [tilespmem:s13+$0xFFFFFFA0]  }
0x280: {  	[tilespmem:s13+$0x10] =	vst v18;
	v13 =	vmul.f32 v12, v3;
	v11 =	vmul.f32 v7, v3;
	v12 =	vld [tilespmem:s13+$0xFFFFFFB0]  }
0x281: {  	s15 =	simm.s32 $0x7750;
	s14 =	simm.s32 $0x3;
	[tilespmem:s13+$0x80] =	vst v19;
	v7 =	vmul.f32 v17, v3;
	v14 =	vmul.f32 v14, v3  }
.LBB2_19:
0x282: {  	p1 =	sne.s32 s14, $0x31  }
0x283: {  	v6 =	vmul.f32 v6, v3;
	[tilespmem:s13+$0x50] =	vst v16;
	v5 =	vmul.f32 v5, v3;
	s15 =	sadd.s32 $0x120, s15;
	s16 =	smov.u32 s14;
	s14 =	sadd.s32 $0x2, s14  }
0x284: {  	v4 =	vmul.f32 v4, v3;
	v8 =	vmul.f32 v8, v3;
	[tilespmem:s13+$0x40] =	vst v9  }
0x285: {  	v1 =	vmul.f32 v1, v2;
	v2 =	vmul.f32 v12, v3;
	[tilespmem:s13+$0x70] =	vst v15  }
0x286: {  	[tilespmem:s13+$0x60] =	vst v10  }
0x287: {  	v17 =	vld [tilespmem:s15+$0xFFFFFFF0];
	[tilespmem:s13+$0xFFFFFF70] =	vst v13  }
0x288: {  	v10 =	vld [tilespmem:s15+$0x50];
	[tilespmem:s13+$0xFFFFFFF0] =	vst v11  }
0x289: {  	v9 =	vld [tilespmem:s15+$0x80];
	[tilespmem:s13+$0xFFFFFFE0] =	vst v14  }
0x28a: {  	v11 =	vld [tilespmem:s15+$0x20];
	[tilespmem:s13+$0x30] =	vst v1  }
0x28b: {  	s16 =	sadd.s32 s11, s16;
	v1 =	vld [tilespmem:s15+$0x30];
	[tilespmem:s13+$0xFFFFFF90] =	vst v7  }
0x28c: {  	s17 =	sadd.s32 $0xFFFFFFFF, s16;
	v3 =	vmov s16;
	v7 =	vld [tilespmem:s15+$0x70];
	[tilespmem:s13+$0xFFFFFFC0] =	vst v4  }
0x28d: {  	v4 =	vmov s17;
	v12 =	vld [tilespmem:s15+$0x40];
	[tilespmem:s13+$0xFFFFFFB0] =	vst v2  }
0x28e: {  	v2 =	vand.u32 $0xFFFFFFFE, v4;
	v13 =	vld [tilespmem:s15+$0xFFFFFF70];
	[tilespmem:s13+$0xFFFFFFA0] =	vst v8  }
0x28f: {  	v8 =	vbroadcast v2, $0x0;
	v14 =	vld [tilespmem:s15+$0x60];
	[tilespmem:s13+$0xFFFFFFD0] =	vst v5  }
0x290: {  	v5 =	vld [tilespmem:s15+$0x10];
	[tilespmem:s13+$0xFFFFFF80] =	vst v6;
	s13 =	smov.u32 s15  }
0x291: {  	v2 =	vld.idx.msk [tilespmem:v3+s30+$0x0], $0xffff  }
0x292: {  	v6 =	vld [tilespmem:s15+$0x0]  }
0x293: {  	v18 =	vld [tilespmem:s15+$0xFFFFFFE0]  }
0x294: {  	v4 =	vld [tilespmem:s15+$0xFFFFFFC0]  }
0x295: {  	v3 =	vld.idx.msk [tilespmem:v8+s30+$0x0], $0xffff  }
0x296: {  	v19 =	vld [tilespmem:s15+$0xFFFFFF90]  }
0x297: {  	v20 =	vmul.f32 v5, v2;
	v8 =	vmul.f32 v6, v2;
	v5 =	vld [tilespmem:s15+$0xFFFFFFD0]  }
.Ltmp8:
0x298: {  	v11 =	vmul.f32 v11, v2;
	v21 =	vmul.f32 v9, v2;
	v6 =	vld [tilespmem:s15+$0xFFFFFF80];
	(pc) =	sbr.rel @p1 .LBB2_19-.Ltmp8, $4  }
0x299: {  	v9 =	vmul.f32 v12, v2;
	v16 =	vmul.f32 v10, v2;
	[tilespmem:s15+$0x0] =	vst v8;
	v8 =	vld [tilespmem:s15+$0xFFFFFFA0]  }
0x29a: {  	v10 =	vmul.f32 v14, v2;
	v15 =	vmul.f32 v7, v2;
	[tilespmem:s15+$0x20] =	vst v11;
	v12 =	vld [tilespmem:s15+$0xFFFFFFB0]  }
0x29b: {  	v13 =	vmul.f32 v13, v3;
	v11 =	vmul.f32 v17, v3;
	[tilespmem:s15+$0x10] =	vst v20  }
0x29c: {  	v14 =	vmul.f32 v18, v3;
	v7 =	vmul.f32 v19, v3;
	[tilespmem:s15+$0x80] =	vst v21  }
0x29d: {  	[tilespmem:s13+$0x50] =	vst v16  }
0x29e: {  	[tilespmem:s13+$0x40] =	vst v9  }
0x29f: {  	[tilespmem:s13+$0x70] =	vst v15  }
0x2a0: {  	[tilespmem:s13+$0x60] =	vst v10  }
0x2a1: {  	[tilespmem:s13+$0xFFFFFF70] =	vst v13  }
0x2a2: {  	[tilespmem:s13+$0xFFFFFFF0] =	vst v11  }
0x2a3: {  	v1 =	vmul.f32 v1, v2;
	[tilespmem:s13+$0xFFFFFFE0] =	vst v14  }
0x2a4: {  	v2 =	vmul.f32 v4, v3;
	[tilespmem:s13+$0xFFFFFF90] =	vst v7  }
0x2a5: {  	v63 =	vmul.f32 v8, v3;
	[tilespmem:s13+$0x30] =	vst v1  }
0x2a6: {  	v1 =	vmul.f32 v12, v3;
	[tilespmem:s13+$0xFFFFFFC0] =	vst v2  }
0x2a7: {  	v2 =	vmul.f32 v5, v3;
	[tilespmem:s13+$0xFFFFFFA0] =	vst v63  }
0x2a8: {  	p1 =	sne.s32 @!p0 s10, $0x19;
	[tilespmem:s13+$0xFFFFFFB0] =	vst v1;
	v1 =	vmul.f32 v6, v3  }
0x2a9: {  	p1 =	por p0, !p1;
	[tilespmem:s13+$0xFFFFFFD0] =	vst v2  }
.Ltmp9:
0x2aa: {  	s11 =	simm.s32 @!p0 $0x5;
	[tilespmem:s13+$0xFFFFFF80] =	vst v1;
	(pc) =	sbr.rel @!p1 .LBB2_4-.Ltmp9, $4  }
0x2ab: {  	[spmem:s2] =	stream.indirect.scatter.add.f32 [tilespmem:s0], [sflag:$0x4], $0x90, s12, s31, $0xb8;
	[tilespmem:$0x1F660] =	vst v63  }
0x2ac: {  	_ =	swait.ge @!p0 [sflag:s11], $0x190  }
0x2ad: {  	[sflag:s11] =	ssyncset.done @!p0 $0x0  }
0x2ae: {  	s13 =	smov.u32 s10;
	[sflag:s11] =	ssyncadd.s32 @!p0 $0xFFFFFE70  }
0x2af: {  	_ =	swait.ge [sflag:s7], $0x1C20  }
0x2b0: {  	[sflag:s7] =	ssyncset.done $0x0  }
0x2b1: {  	[sflag:s7] =	ssyncadd.s32 $0xFFFFE3E0  }
0x2b2: {  	_ =	swait.ge [sflag:s8], $0x1C20  }
0x2b3: {  	s10 =	stileid.u32;
	[sflag:s8] =	ssyncset.done $0x0  }
0x2b4: {  	s11 =	sshrl.u32 s9, $0x3;
	s28 =	sadd.s32 $0x1, s28;
	[sflag:s8] =	ssyncadd.s32 $0xFFFFE3E0  }
0x2b5: {  	s10 =	sshll.u32 s10, $0x6;
	p0 =	sne.s32 s28, s25;
	[bflag:$0x0] =	sbarrier.arrive $0xFFFF  }
.Ltmp10:
0x2b6: {  	s10 =	sor.u32 $0x1C06, s10;
	s12 =	rddreg [dreg:$0x11];
	(pc) =	sbr.rel @p0 .LBB2_1-.Ltmp10, $4  }
0x2b7: {  	[hbm:s12], [sflag:s10] =	dma.local [spmem:s11], $0x2C70  }
0x2b8: {  	_ =	swait.ge [sflag:s26], $0x2C70  }
0x2b9: {  	[sflag:s26] =	ssyncset.done $0x0  }
0x2ba: {  	s12 =	simm.s32 $0x2BC0;
	[sflag:s26] =	ssyncadd.s32 $0xFFFFD390  }
0x2bb: {  	_ =	sfence.sel $0x180000  }
0x2bc: {  	[bflag:$0x0] =	sbarrier.arrive $0xFFFF  }
0x2bd: {  	_ =	strace $0x9000004A  }
0x2be: {  	s0 =	stileid.u32;
	[bflag:$0x2] =	sbarrier.arrive $0xFFFF  }
0x2bf: {  	p0 =	sne.s32 s0, $0x0;
	s0 =	rddreg [dreg:$0x3]  }
0x2c0: {  	s0 =	sadd.s32 @!p0 $0x100000, s0  }
0x2c1: {  	[sflag:s0] =	ssyncadd.tile.s32 @!p0 $0x1;
	_ =	shalt  }
.Lfunc_end2:
_tile_overlayer_lowered:
.L_overlay_start_2:
0x2c2: {  	(tag) =	ssettag $0x2  }
0x2c3: {  	s0 =	rddreg [dreg:$0x0];
	s2 =	stileid.u32  }
0x2c4: {  	s1 =	rddreg [dreg:$0x1];
	p0 =	sne.s32 s2, $0x0  }
0x2c5: {  	s3 =	rddreg [dreg:$0x2];
	[bflag:$0x3] =	sbarrier.arrive $0xFFFF;
	s2 =	simm.s32 @!p0 $0x1C06  }
0x2c6: {  	[timem:s3], [sflag:s2] =	dma.local @!p0 [hbm:s0], s1  }
0x2c7: {  	s0 =	simm.s32 @!p0 $0x6  }
0x2c8: {  	_ =	swait.ge @!p0 [sflag:s0], s1  }
0x2c9: {  	s1 =	ssub.s32 @!p0 $0x0, s1;
	[sflag:s0] =	ssyncset.done @!p0 $0x0  }
0x2ca: {  	[sflag:s0] =	ssyncadd.s32 @!p0 s1  }
0x2cb: {  	[bflag:$0x3] =	sbarrier.arrive $0xFFFF  }
0x2cc: {  	_ =	shalt  }

// kernel: kernel.7.cloned.1.call-start
scs
__scs_entry_jumppad:
0x0: {  	(pc) =	sbr.rel $0x88, $3  }
0x1: {  	(tag) =	ssettag $0x0;
	lr =	simm.s32 $0x1  }
0x2: {  	[smem:$0x3F9D] =	sst lr;
	_ =	strace $0xD0000000  }
0x3: {  	_ = 	snop  }
0x4: {  	_ = 	snop  }
0x5: {  	_ = 	snop  }
0x6: {  	_ = 	snop  }
0x7: {  	_ = 	snop  }
__scs_overlays_trampoline_lowered:
0x8: {  	[smem:$0x3FAC] =	sst s0  }
0x9: {  	[smem:$0x3FAD] =	sst s1  }
0xa: {  	[smem:$0x3FAE] =	sst s2  }
0xb: {  	[smem:$0x3FAF] =	sst s3  }
0xc: {  	[smem:$0x3FB0] =	sst s4  }
0xd: {  	[smem:$0x3FB1] =	sst s5  }
0xe: {  	[smem:$0x3FB2] =	sst s6  }
0xf: {  	[smem:$0x3FB3] =	sst s7  }
0x10: {  	[smem:$0x3FB4] =	sst s8  }
0x11: {  	[smem:$0x3FB5] =	sst s9;
	s0 =	simm.s32 @!p0 $0x0  }
0x12: {  	s1 =	sld [smem:$0x3F9B];
	s0 =	simm.s32 @p0 $0x1  }
0x13: {  	[smem:$0x3FB6] =	sst s0;
	s0 =	simm.s32 @!p1 $0x0  }
0x14: {  	s2 =	sld [smem:$0x3F9A];
	s0 =	simm.s32 @p1 $0x1  }
0x15: {  	[smem:$0x3FB7] =	sst s0;
	s0 =	simm.s32 @!p2 $0x0  }
0x16: {  	s3 =	sld [smem:$0x3FDB];
	s0 =	simm.s32 @p2 $0x1  }
0x17: {  	s4 =	simm.s32 $0x1BF5;
	[smem:$0x3FB9] =	sst s0  }
0x18: {  	s0 =	sld [smem:$0x3F9C];
	_ =	swait.ge [sflag:s4], $0x0  }
0x19: {  	s7 =	sld [smem:$0x3F9D]  }
0x1a: {  	s8 =	sadd.s32 $0xFFFFE003, lr  }
0x1b: {  	s9 =	sadd.s32 $0xFFFFFEF7, lr;
	s5 =	simm.s32 $0xFFFFFFFF;
	p2 =	slt.u32 s8, $0xFFFFF086  }
0x1c: {  	p1 =	slt.u32 s9, $0xF7A;
	s5 =	simm.s32 @!p2 $0x0  }
0x1d: {  	s5 =	simm.s32 @p1 $0x1;
	p0 =	seq.s32 s7, s2  }
0x1e: {  	s7 =	smul.u32 @!p0 $0xF7A, s2;
	p2 =	seq.s32 @!p0 s5, $0x0  }
0x1f: {  	s9 =	smul.u32 $0xF7A, s1;
	s8 =	simm.s32 @!p0 $0x1BF5;
	p2 =	por !p2, p0  }
0x20: {  	[sflag:s8] =	ssyncset.s32 @!p0 $0xFFFFF086;
	s6 =	sadd.s32 @!p0 s3, s7;
	s7 =	simm.s32 @!p0 $0x108  }
0x21: {  	s3 =	sadd.s32 s3, s9;
	s6 =	sadd.s32 @!p0 $0x88, s6;
	s7 =	simm.s32 @p2 $0x1082  }
0x22: {  	[simem:s7], [sflag:s8] =	dma.local @!p0 [hbm:s6], $0xF7A  }
0x23: {  	s9 =	sor.u32 $0xD0000000, s2;
	s6 =	simm.s32 $0x108;
	_ =	swait.ge @!p0 [sflag:s8], $0x0  }
0x24: {  	s3 =	sadd.s32 $0x88, s3;
	s6 =	simm.s32 @!p1 $0x1082;
	[sflag:s4] =	ssyncset.s32 $0xFFFFF086  }
0x25: {  	[simem:s6], [sflag:s4] =	dma.local [hbm:s3], $0xF7A  }
0x26: {  	[smem:$0x3F9D] =	sst s1;
	(tag) =	ssettag s2;
	_ =	strace s9  }
0x27: {  	s1 =	sld [smem:$0x3FAD]  }
0x28: {  	s2 =	sld [smem:$0x3FAE]  }
0x29: {  	s4 =	sld [smem:$0x3FB0]  }
0x2a: {  	p0 =	seq.s32 s5, $0x0;
	s5 =	sld [smem:$0x3FB1]  }
0x2b: {  	s6 =	sld [smem:$0x3FB2]  }
0x2c: {  	s7 =	sld [smem:$0x3FB3]  }
0x2d: {  	s3 =	simm.s32 $0x108;
	s8 =	sld [smem:$0x3FB4]  }
0x2e: {  	s3 =	simm.s32 @!p0 $0x1082;
	s9 =	sld [smem:$0x3FB5]  }
0x2f: {  	lr =	sadd.s32 s0, s3;
	s0 =	sld [smem:$0x3FAC]  }
0x30: {  	s3 =	sld [smem:$0x3FAF]  }
0x31: {  	[smem:$0x3FB8] =	sst s10  }
0x32: {  	s10 =	sld [smem:$0x3FB6];
	_ =	sdelay $0x3  }
0x33: {  	p0 =	seq.s32 s10, $0x1;
	s10 =	sld [smem:$0x3FB8];
	_ =	sdelay $0x3  }
0x34: {  	[smem:$0x3FB8] =	sst s10  }
0x35: {  	s10 =	sld [smem:$0x3FB7];
	_ =	sdelay $0x3  }
0x36: {  	p1 =	seq.s32 s10, $0x1;
	s10 =	sld [smem:$0x3FB8];
	_ =	sdelay $0x3  }
0x37: {  	[smem:$0x3FB8] =	sst s10  }
0x38: {  	s10 =	sld [smem:$0x3FB9]  }
0x39: {  	_ = 	snop;
	(pc) =	sbr.ind lr, $3  }
0x3a: {  	_ = 	snop  }
0x3b: {  	_ = 	snop  }
0x3c: {  	p2 =	seq.s32 s10, $0x1;
	s10 =	sld [smem:$0x3FB8]  }
0x3d: {  	_ =	shalt  }
0x3e: {  	_ =	shalt  }
0x3f: {  	_ =	shalt  }
0x40: {  	_ =	shalt  }
0x41: {  	_ =	shalt  }
0x42: {  	_ =	shalt  }
0x43: {  	_ =	shalt  }
0x44: {  	_ =	shalt  }
0x45: {  	_ =	shalt  }
0x46: {  	_ =	shalt  }
0x47: {  	_ =	shalt  }
0x48: {  	_ =	shalt  }
0x49: {  	_ =	shalt  }
0x4a: {  	_ =	shalt  }
0x4b: {  	_ =	shalt  }
0x4c: {  	_ =	shalt  }
0x4d: {  	_ =	shalt  }
0x4e: {  	_ =	shalt  }
0x4f: {  	_ =	shalt  }
0x50: {  	_ =	shalt  }
0x51: {  	_ =	shalt  }
0x52: {  	_ =	shalt  }
0x53: {  	_ =	shalt  }
0x54: {  	_ =	shalt  }
0x55: {  	_ =	shalt  }
0x56: {  	_ =	shalt  }
0x57: {  	_ =	shalt  }
0x58: {  	_ =	shalt  }
0x59: {  	_ =	shalt  }
0x5a: {  	_ =	shalt  }
0x5b: {  	_ =	shalt  }
0x5c: {  	_ =	shalt  }
0x5d: {  	_ =	shalt  }
0x5e: {  	_ =	shalt  }
0x5f: {  	_ =	shalt  }
0x60: {  	_ =	shalt  }
0x61: {  	_ =	shalt  }
0x62: {  	_ =	shalt  }
0x63: {  	_ =	shalt  }
0x64: {  	_ =	shalt  }
0x65: {  	_ =	shalt  }
0x66: {  	_ =	shalt  }
0x67: {  	_ =	shalt  }
0x68: {  	_ =	shalt  }
0x69: {  	_ =	shalt  }
0x6a: {  	_ =	shalt  }
0x6b: {  	_ =	shalt  }
0x6c: {  	_ =	shalt  }
0x6d: {  	_ =	shalt  }
0x6e: {  	_ =	shalt  }
0x6f: {  	_ =	shalt  }
0x70: {  	_ =	shalt  }
0x71: {  	_ =	shalt  }
0x72: {  	_ =	shalt  }
0x73: {  	_ =	shalt  }
0x74: {  	_ =	shalt  }
0x75: {  	_ =	shalt  }
0x76: {  	_ =	shalt  }
0x77: {  	_ =	shalt  }
0x78: {  	_ =	shalt  }
0x79: {  	_ =	shalt  }
0x7a: {  	_ =	shalt  }
0x7b: {  	_ =	shalt  }
0x7c: {  	_ =	shalt  }
0x7d: {  	_ =	shalt  }
0x7e: {  	_ =	shalt  }
0x7f: {  	_ =	shalt  }
0x80: {  	_ =	shalt  }
0x81: {  	_ =	shalt  }
0x82: {  	_ =	shalt  }
0x83: {  	_ =	shalt  }
0x84: {  	_ =	shalt  }
0x85: {  	_ =	shalt  }
0x86: {  	_ =	shalt  }
0x87: {  	_ =	shalt  }
.Lfunc_end0:
.L_simem_size_0:
called_computation_lowered:
.L_overlay_start_0:
0x88: {  	s2 =	sld [smem:$0x3FD9]  }
0x89: {  	s3 =	sld [smem:$0x3FFE];
	_ =	sdelay $0x1  }
0x8a: {  	s1 =	srdreg.scid  }
0x8b: {  	s0 =	sand.u32 $0x1, s1  }
0x8c: {  	s16 =	sshll.u32 s0, $0xA;
	s2 =	sadd.s32 s3, s2  }
0x8d: {  	s2 =	sadd.s32 s2, s16  }
0x8e: {  	[smem:$0x3FC4] =	sst s2  }
0x8f: {  	_ = 	snop  }
0x90: {  	(tm) =	ssettm $0x1  }
0x91: {  	s17 =	sld [smem:$0x3FFB];
	_ =	sdelay $0x3  }
0x92: {  	_ =	strace s17  }
0x93: {  	s2 =	sld [smem:$0x3FFC];
	_ =	sdelay $0x3  }
0x94: {  	_ =	strace s2  }
0x95: {  	s2 =	sld [smem:$0x3FFD];
	_ =	sdelay $0x3  }
0x96: {  	_ =	strace s2  }
0x97: {  	_ =	strace $0x8FFFFFFF  }
0x98: {  	s18 =	sld [smem:$0x3FDB];
	_ =	sdelay $0x1  }
0x99: {  	s19 =	simm.s32 $_scs_section_size  }
0x9a: {  	s4 =	simm.s32 $_size__tile_overlayer_lowered;
	s5 =	simm.s32 $_tile_overlayer_lowered  }
0x9b: {  	s22 =	simm.s32 $0x1BFF;
	s21 =	sshll.u32 s5, $0x1;
	s2 =	sadd.s32 s19, s18  }
0x9c: {  	s6 =	simm.s32 $0x0;
	s20 =	sshll.u32 s4, $0x1;
	s4 =	sadd.s32 s21, s2  }
0x9d: {  	[timem:s6], [sflag:s22] =	dma.local [hbm:s4], s20  }
0x9e: {  	_ =	swait.ge [sflag:s22], s20  }
0x9f: {  	s3 =	ssub.s32 $0x0, s20;
	[sflag:s22] =	ssyncset.done $0x0  }
0xa0: {  	[sflag:s22] =	ssyncadd.s32 s3;
	_ =	sdelay $0x1  }
0xa1: {  	s23 =	simm.s32 $0x1B8B  }
0xa2: {  	_ =	swait.ge [sflag:s23], $0x1  }
0xa3: {  	[sflag:s23] =	ssyncset.done $0x0  }
0xa4: {  	s25 =	simm.s32 $0x1B8E;
	s24 =	sld [smem:$0x3FFE];
	[sflag:s23] =	ssyncadd.s32 $0xFFFFFFFF  }
0xa5: {  	s26 =	simm.s32 $execute0_lowered;
	[smem:$0x3FD2] =	sst s25  }
0xa6: {  	s4 =	sshll.u32 s26, $0x1;
	_ =	strace $0x80000046;
	[dreg:$0x1] =	wrdreg $0xFFFFFFFF  }
0xa7: {  	s28 =	simm.s32 $_size_execute0_lowered;
	s2 =	sadd.s32 s2, s4;
	[dreg:$0x0] =	wrdreg $0x0  }
0xa8: {  	s4 =	sshll.u32 s28, $0x1;
	[dreg:$0x2] =	wrdreg s2  }
0xa9: {  	[dreg:$0x3] =	wrdreg s4  }
0xaa: {  	[dreg:$0x4] =	wrdreg $0xC0  }
0xab: {  	_ =	task [dreg:s6], $0x5FFFF  }
0xac: {  	[dreg:$0x1] =	wrdreg $0xFFFFFFFF  }
0xad: {  	[dreg:$0x0] =	wrdreg $0x60  }
0xae: {  	[dreg:$0x2] =	wrdreg s24  }
0xaf: {  	[dreg:$0x3] =	wrdreg $0x9  }
0xb0: {  	_ =	task.clear_ibuf [dreg:s6], $0x4FFFF;
	_ =	strace $0x90000046  }
0xb1: {  	s29 =	simm.s32 $0x9;
	_ =	strace $0x80000048  }
0xb2: {  	_ =	swait.ge [sflag:s29], $0x1  }
0xb3: {  	[sflag:s29] =	ssyncadd.s32 $0xFFFFFFFF  }
0xb4: {  	_ =	strace $0x90000048  }
0xb5: {  	_ =	sfence  }
0xb6: {  	s30 =	sld [smem:$0x0];
	_ =	sdelay $0x2  }
0xb7: {  	s31 =	sshll.u32 s1, $0xD;
	s1 =	sshrl.u32 s1, $0x2  }
0xb8: {  	s3 =	sand.u32 $0x4000, s31;
	s1 =	sadd.s32 s1, s30  }
0xb9: {  	s0 =	sor.u32 s3, s0;
	s1 =	sshll.u32 s1, $0x11  }
0xba: {  	s0 =	sor.u32 s1, s0  }
0xbb: {  	s0 =	sadd.s32 $0x8F2B, s0  }
0xbc: {  	[sflag:s0] =	ssyncadd.remote.s32 $0x1  }
0xbd: {  	_ =	sfence.sel $0xFFFF  }
0xbe: {  	[dreg:$0x0] =	wrdreg $0xFFFFFFFF;
	(pc) =	sbr.abs _section_cstart, $3  }
0xbf: {  	[dreg:$0x1] =	wrdreg $0xFFFFFFFF  }
0xc0: {  	_ =	task.clear_ibuf [dreg:s6], $0x2FFFF;
	_ =	strace $0x9FFFFFFF  }
0xc1: {  	(tm) =	ssettm $0x7FFFFFFF  }
tec
execute0_lowered:
.L_overlay_start_1:
0x0: {  	(tag) =	ssettag $0x1  }
0x1: {  	s1 =	srdreg.scid  }
0x2: {  	s0 =	stileid.u32;
	s4 =	rddreg [dreg:$0x0]  }
0x3: {  	s2 =	simm.s32 $0x0;
	s9 =	simm.s32 $0x1;
	s10 =	simm.s32 $0x2710  }
0x4: {  	s11 =	simm.s32 $0x4E20;
	s12 =	simm.s32 $0x7530;
	s13 =	simm.s32 $0x9C40  }
0x5: {  	s14 =	simm.s32 $0x0;
	s3 =	sand.u32 $0x1, s1;
	s5 =	sshll.u32 s0, $0x1  }
0x6: {  	s1 =	rddreg [dreg:$0x1];
	s5 =	sor.u32 s3, s5;
	s6 =	ssub.s32 $0x2, s3  }
0x7: {  	[smem:$0x7FF] =	sst s2;
	s5 =	smul.u32 $0x4E2, s5;
	s31 =	sshrl.u32 s6, $0x1  }
0x8: {  	_ =	strace $0x80000047;
	s3 =	sadd.s32 $0x1000, s4;
	s8 =	ssub.s32 s6, s31  }
0x9: {  	s7 =	sadd.s32 s5, s4;
	s4 =	sadd.s32 $0xA00, s4;
	s8 =	smax.u32 s8, $0x1  }
0xa: {  	s5 =	sadd.s32 $0xB400, s7;
	s6 =	sadd.s32 $0x1600, s7;
	s7 =	sadd.s32 $0x15200, s7  }
.LBB2_1:
0xb: {  	[tilespmem:s2], [sflag:$0x1] =	stream.linear.gather [hbm4b:s5+s2], $0x2710, $0x38;
	[tilespmem:$0xC350] =	vst v63  }
0xc: {  	_ =	swait.ge [sflag:s9], $0x2710  }
0xd: {  	[sflag:s9] =	ssyncset.done $0x0  }
0xe: {  	[sflag:s9] =	ssyncadd.s32 $0xFFFFD8F0  }
0xf: {  	[tilespmem:s10], [sflag:$0x1] =	stream.linear.gather [hbm4b:s6+s2], $0x2710, $0x38;
	[tilespmem:$0xC350] =	vst v63  }
0x10: {  	_ =	swait.ge [sflag:s9], $0x2710  }
0x11: {  	[sflag:s9] =	ssyncset.done $0x0  }
0x12: {  	[sflag:s9] =	ssyncadd.s32 $0xFFFFD8F0  }
0x13: {  	[tilespmem:s11], [sflag:$0x1] =	stream.linear.gather [hbm4b:s3+s2], $0x2710, $0x38;
	[tilespmem:$0xC350] =	vst v63  }
0x14: {  	_ =	swait.ge [sflag:s9], $0x2710  }
0x15: {  	[sflag:s9] =	ssyncset.done $0x0  }
0x16: {  	[sflag:s9] =	ssyncadd.s32 $0xFFFFD8F0  }
0x17: {  	[tilespmem:s12], [sflag:$0x1] =	stream.linear.gather [hbm4b:s4+s2], $0x2710, $0x38;
	[tilespmem:$0xC350] =	vst v63  }
0x18: {  	_ =	swait.ge [sflag:s9], $0x2710  }
0x19: {  	[sflag:s9] =	ssyncset.done $0x0  }
0x1a: {  	s15 =	simm.s32 $0x0;
	[sflag:s9] =	ssyncadd.s32 $0xFFFFD8F0  }
0x1b: {  	v0 =	vld [tilespmem:s15+$0x2710]  }
0x1c: {  	v1 =	vld [tilespmem:s15+$0x0];
	_ =	sdelay $0x6  }
0x1d: {  	v0 =	vld.idx.msk [tilespmem:v0+s12+$0x0], $0xffff  }
0x1e: {  	v1 =	vld.idx.msk [tilespmem:v1+s11+$0x0], $0xffff;
	_ =	sdelay $0x4  }
0x1f: {  	v0 =	vadd.f32 v0, v1;
	_ =	sdelay $0x1  }
0x20: {  	v1 =	vmul.f32 $2.000000030e-01, v0;
	_ =	sdelay $0x1  }
0x21: {  	v0 =	vmax.f32 v0, v1  }
0x22: {  	v0 =	vmax.f32 v0, $-2.000000000e+00  }
0x23: {  	v0 =	vmin.f32 v0, $2.000000000e+00  }
0x24: {  	v0 =	vmul.f32 $1.442695020e+00, v0;
	_ =	sdelay $0x1  }
0x25: {  	(erf) = vpow2.f32 v0;
	_ =	sdelay $0x1  }
0x26: {  	s17 =	simm.s32 $0x10  }
0x27: {  	s16 =	simm.s32 $0x80;
	v0 =	vld [tilespmem:s17+$0x2710]  }
.LBB2_2:
0x28: {  	p0 =	sne.s32 s16, $0x9C00;
	v1 =	vld [tilespmem:s17+$0x0];
	_ =	sdelay $0x4  }
0x29: {  	v2 =	vpop (erf)  }
0x2a: {  	[tilespmem:s15+$0x9C40] =	vst v2;
	s15 =	smov.u32 s17  }
0x2b: {  	v0 =	vld.idx.msk [tilespmem:v0+s12+$0x0], $0xffff  }
0x2c: {  	v1 =	vld.idx.msk [tilespmem:v1+s11+$0x0], $0xffff;
	_ =	sdelay $0x5  }
0x2d: {  	v0 =	vadd.f32 v0, v1;
	_ =	sdelay $0x1  }
0x2e: {  	v1 =	vmul.f32 $2.000000030e-01, v0;
	_ =	sdelay $0x1  }
0x2f: {  	v0 =	vmax.f32 v0, v1  }
0x30: {  	v0 =	vmax.f32 v0, $-2.000000000e+00  }
0x31: {  	v0 =	vmin.f32 v0, $2.000000000e+00  }
0x32: {  	v0 =	vmul.f32 $1.442695020e+00, v0  }
.Ltmp0:
0x33: {  	(pc) =	sbr.rel @p0 .LBB2_2-.Ltmp0, $3  }
0x34: {  	(erf) = vpow2.f32 v0;
	_ =	sdelay $0x1  }
0x35: {  	s17 =	sshra.s32 s16, $0x2  }
0x36: {  	s16 =	sadd.s32 $0x40, s16;
	v0 =	vld [tilespmem:s17+$0x2710]  }
0x37: {  	_ = 	snop  }
0x38: {  	v1 =	vld [tilespmem:s17+$0x0];
	_ =	sdelay $0x4  }
0x39: {  	v2 =	vpop (erf)  }
0x3a: {  	[tilespmem:s15+$0x9C40] =	vst v2  }
0x3b: {  	v0 =	vld.idx.msk [tilespmem:v0+s12+$0x0], $0xffff  }
0x3c: {  	v1 =	vld.idx.msk [tilespmem:v1+s11+$0x0], $0xffff;
	_ =	sdelay $0x4  }
0x3d: {  	v0 =	vadd.f32 v0, v1;
	_ =	sdelay $0x1  }
0x3e: {  	v1 =	vmul.f32 $2.000000030e-01, v0;
	_ =	sdelay $0x1  }
0x3f: {  	v0 =	vmax.f32 v0, v1  }
0x40: {  	v0 =	vmax.f32 v0, $-2.000000000e+00  }
0x41: {  	v0 =	vmin.f32 v0, $2.000000000e+00  }
0x42: {  	v0 =	vmul.f32 $1.442695020e+00, v0;
	_ =	sdelay $0x1  }
0x43: {  	(erf) = vpow2.f32 v0;
	_ =	sdelay $0x7  }
0x44: {  	s14 =	sadd.s32 $0x1, s14  }
0x45: {  	p0 =	sne.s32 s14, s8;
	v0 =	vpop (erf)  }
.Ltmp1:
0x46: {  	[tilespmem:s17+$0x9C40] =	vst v0;
	(pc) =	sbr.rel @p0 .LBB2_1-.Ltmp1, $4  }
0x47: {  	[hbm4b:s7+s2] =	stream.linear.scatter [tilespmem:s13], [sflag:$0x1], $0x2710, $0x38;
	[tilespmem:$0xC350] =	vst v63  }
0x48: {  	_ =	swait.ge [sflag:s9], $0x2710  }
0x49: {  	[sflag:s9] =	ssyncset.done $0x0  }
0x4a: {  	[sflag:s9] =	ssyncadd.s32 $0xFFFFD8F0  }
0x4b: {  	_ =	sfence.sel $0x180000  }
0x4c: {  	[bflag:$0x0] =	sbarrier.arrive $0xFFFF  }
0x4d: {  	p0 =	sne.s32 s0, $0x0;
	_ =	strace $0x90000047  }
0x4e: {  	s0 =	sadd.s32 @!p0 $0x100000, s1;
	[bflag:$0x2] =	sbarrier.arrive $0xFFFF  }
0x4f: {  	[sflag:s0] =	ssyncadd.tile.s32 @!p0 $0x1;
	_ =	shalt  }
.Lfunc_end2:
_tile_overlayer_lowered:
.L_overlay_start_2:
0x50: {  	(tag) =	ssettag $0x2  }
0x51: {  	s0 =	rddreg [dreg:$0x0];
	s2 =	stileid.u32  }
0x52: {  	s1 =	rddreg [dreg:$0x1];
	p0 =	sne.s32 s2, $0x0  }
0x53: {  	s3 =	rddreg [dreg:$0x2];
	[bflag:$0x3] =	sbarrier.arrive $0xFFFF;
	s2 =	simm.s32 @!p0 $0x1C01  }
0x54: {  	[timem:s3], [sflag:s2] =	dma.local @!p0 [hbm:s0], s1  }
0x55: {  	s0 =	simm.s32 @!p0 $0x1  }
0x56: {  	_ =	swait.ge @!p0 [sflag:s0], s1  }
0x57: {  	s1 =	ssub.s32 @!p0 $0x0, s1;
	[sflag:s0] =	ssyncset.done @!p0 $0x0  }
0x58: {  	[sflag:s0] =	ssyncadd.s32 @!p0 s1  }
0x59: {  	[bflag:$0x3] =	sbarrier.arrive $0xFFFF  }
0x5a: {  	_ =	shalt  }

</sc_bundles>
